<compile_context>
chip_gen: v7x
topology: tpu7x:2x2x1
jax: 0.10.2.dev20260603
libtpu: 0.0.44.dev20260713+nightly
codegen_flags: <defaults>
</compile_context>

<pallas_src>
import functools

import jax
import jax.numpy as jnp
from jax import lax
from jax.experimental import pallas as pl
from jax.experimental.pallas import tpu as pltpu
from jax.experimental.pallas import tpu_sc as plsc

VOCAB = 1048576
EMBED_DIM = 32
BATCH = 16384
N_FIELDS = 26
NC = 2
NS = 16
NW = NC * NS
G = VOCAB // 4
SCRATCH_ROWS = G + 72
GROUP_V = 256
GROUPS_PER_W = VOCAB // NW // GROUP_V
B_PER_W = BATCH // NW
N_BLK = B_PER_W // 128
N_CHUNKS = N_FIELDS * N_BLK
MAGIC = 12345678.0


def _make_fused():
    mesh = plsc.VectorSubcoreMesh(core_axis_name="c", subcore_axis_name="s")

    @functools.partial(
        pl.kernel,
        mesh=mesh,
        out_type=(
            jax.ShapeDtypeStruct((N_FIELDS, EMBED_DIM, BATCH), jnp.float32),
            jax.ShapeDtypeStruct((SCRATCH_ROWS, 128), jnp.float32),
        ),
        scratch_types=[
            [pltpu.VMEM((EMBED_DIM, GROUP_V + 1), jnp.float32)] * 2,
            [pltpu.VMEM((GROUP_V // 4, 128), jnp.float32)] * 2,
            pltpu.VMEM((N_FIELDS * 512,), jnp.int32),
            [pltpu.VMEM((128,), jnp.int32)] * 2,
            [pltpu.VMEM((128,), jnp.int32)] * 2,
            [pltpu.VMEM((128, 128), jnp.float32)] * 2,
            [pltpu.VMEM((EMBED_DIM, 128), jnp.float32)] * 2,
            pltpu.VMEM((128,), jnp.float32),
            pltpu.VMEM((128,), jnp.float32),
            [pltpu.SemaphoreType.DMA] * 2,
            [pltpu.SemaphoreType.DMA] * 2,
            [pltpu.SemaphoreType.DMA] * 2,
            [pltpu.SemaphoreType.DMA] * 2,
        ],
        compiler_params=pltpu.CompilerParams(
            needs_layout_passes=False, disable_bounds_checks=True),
    )
    def fused_kernel(ids_t, table_t, out, scratch,
                     stage, ostage, idsb, gidx, p32, rows, oblk,
                     flagw, flagr, si, so, sg, sw):
        c = lax.axis_index("c")
        s = lax.axis_index("s")
        w = s * NC + c
        lane = lax.iota(jnp.int32, 16)
        g0 = w * GROUPS_PER_W

        def in_slice(grp):
            return table_t.at[:, pl.ds((g0 + grp) * GROUP_V, GROUP_V)]

        def out_slice(grp):
            return scratch.at[pl.ds((g0 + grp) * (GROUP_V // 4),
                                    GROUP_V // 4), :]

        def stage_dst(k):
            return stage[k].at[:, pl.ds(0, GROUP_V)]

        def fire_in(grp, k):
            pltpu.async_copy(in_slice(grp), stage_dst(k), si[k])

        def shuffle(k):
            st, ot = stage[k], ostage[k]

            lo = lane + 16

            @plsc.parallel_loop(0, GROUP_V // 4, unroll=8)
            def _(g):
                for half in range(4):
                    col = jnp.zeros((16,), jnp.int32) + (4 * g + half)
                    ot[g, pl.ds(32 * half, 16)] = plsc.load_gather(
                        st, [lane, col])
                    ot[g, pl.ds(32 * half + 16, 16)] = plsc.load_gather(
                        st, [lo, col])

        dump = scratch.at[pl.ds(G + 8, GROUP_V // 4), :]
        dump_blk = scratch.at[pl.ds(G + 8, EMBED_DIM), :]

        fire_in(0, 0)
        pltpu.async_copy(ostage[0], dump, so[0])
        pltpu.async_copy(ostage[1], dump, so[1])

        def relayout_pair(q, carry):
            ga = 2 * q
            gb = 2 * q + 1
            ga_next = jnp.minimum(2 * q + 2, GROUPS_PER_W - 1)
            for k, grp, nxt in ((0, ga, gb), (1, gb, ga_next)):
                pltpu.async_copy(in_slice(nxt), stage_dst(1 - k), si[1 - k])
                pltpu.make_async_copy(in_slice(grp), stage_dst(k),
                                      si[k]).wait()
                pltpu.make_async_copy(ostage[k], dump, so[k]).wait()
                shuffle(k)
                pltpu.async_copy(ostage[k], out_slice(grp), so[k])
            return carry

        lax.fori_loop(0, GROUPS_PER_W // 2, relayout_pair, 0)
        pltpu.make_async_copy(ostage[0], dump, so[0]).wait()
        pltpu.make_async_copy(ostage[1], dump, so[1]).wait()
        pltpu.make_async_copy(in_slice(0), stage_dst(0), si[0]).wait()
        plsc.subcore_barrier()

        @pl.when(s == 0)
        def _():
            for m in range(8):
                flagw[pl.ds(16 * m, 16)] = jnp.full((16,), MAGIC, jnp.float32)
            pltpu.sync_copy(flagw, scratch.at[G + c])

        peer = 1 - c

        def poll_cond(ok):
            return jnp.logical_not(ok)

        def poll_body(ok):
            del ok
            pltpu.sync_copy(scratch.at[G + peer], flagr)
            return jnp.all(flagr[pl.ds(0, 16)] == MAGIC)

        lax.while_loop(poll_cond, poll_body, False)
        plsc.subcore_barrier()

        @pl.when(s == 0)
        def _():
            for m in range(8):
                flagw[pl.ds(16 * m, 16)] = jnp.zeros((16,), jnp.float32)
            pltpu.sync_copy(flagw, scratch.at[G + peer])

        b0w = w * B_PER_W
        for f in range(N_FIELDS):
            pltpu.sync_copy(ids_t.at[f, pl.ds(b0w, B_PER_W)],
                            idsb.at[pl.ds(f * 512, 512)])

        def build(ci, k):
            f = ci // N_BLK
            blk = lax.rem(ci, N_BLK)
            base = f * 512 + blk * 128
            for m in range(8):
                v = idsb[pl.ds(base + 16 * m, 16)]
                gidx[k][pl.ds(16 * m, 16)] = lax.shift_right_logical(v, 2)
                p32[k][pl.ds(16 * m, 16)] = lax.bitwise_and(v, 3) * 32

        def fire_gather(k):
            pltpu.async_copy(scratch.at[gidx[k]], rows[k], sg[k])

        def extract(k):
            rw, ob, pc = rows[k], oblk[k], p32[k]

            @plsc.parallel_loop(0, 8, unroll=4)
            def _(m):
                pcol = pc[pl.ds(16 * m, 16)]
                rvec = lane + 16 * m
                for e in range(EMBED_DIM):
                    ob[e, pl.ds(16 * m, 16)] = plsc.load_gather(
                        rw, [rvec, pcol + e])

        def wr_slice(ci):
            f = ci // N_BLK
            blk = lax.rem(ci, N_BLK)
            return out.at[f, :, pl.ds(b0w + blk * 128, 128)]

        build(0, 0)
        fire_gather(0)
        pltpu.async_copy(oblk[0], dump_blk, sw[0])
        pltpu.async_copy(oblk[1], dump_blk, sw[1])

        def gather_pair(q, carry):
            ca = 2 * q
            cb = 2 * q + 1
            ca_next = jnp.minimum(2 * q + 2, N_CHUNKS - 1)
            for k, ci, nxt in ((0, ca, cb), (1, cb, ca_next)):
                build(nxt, 1 - k)
                fire_gather(1 - k)
                pltpu.make_async_copy(scratch.at[gidx[k]], rows[k],
                                      sg[k]).wait()
                pltpu.make_async_copy(oblk[k], dump_blk, sw[k]).wait()
                extract(k)
                pltpu.async_copy(oblk[k], wr_slice(ci), sw[k])
            return carry

        lax.fori_loop(0, N_CHUNKS // 2, gather_pair, 0)
        pltpu.make_async_copy(oblk[0], dump_blk, sw[0]).wait()
        pltpu.make_async_copy(oblk[1], dump_blk, sw[1]).wait()
        pltpu.make_async_copy(scratch.at[gidx[0]], rows[0], sg[0]).wait()

    return fused_kernel


_fused = _make_fused()


@jax.jit
def kernel(ids, table):
    out_t, _ = _fused(ids.T, table.T)
    return out_t.transpose(2, 0, 1)

# --- scband reference (transcript-rebuilt; emitter-appended) ---
"""Pipeline reference for scband-distributed-dynamic-embedding-28355374088880 (READ-ONLY COPY).

The authoritative reference and input builder live on the scoring server;
editing this copy changes nothing except your own understanding.
"""

import jax, jax.numpy as jnp
import numpy as np

VOCAB = 1048576
EMBED_DIM = 32
BATCH = 16384
N_FIELDS = 26

def setup_inputs(seed: int = 0) -> dict:
    key = jax.random.key(seed)
    k_ids, k_tab = jax.random.split(key)
    ids = jax.random.randint(k_ids, (BATCH, N_FIELDS), 0, VOCAB, dtype=jnp.int64) if jax.config.jax_enable_x64 else jax.random.randint(k_ids, (BATCH, N_FIELDS), 0, VOCAB, dtype=jnp.int32)
    table = jax.random.normal(k_tab, (VOCAB, EMBED_DIM), dtype=jnp.float32) * 0.05
    return {"ids": ids, "table": table}

def reference(ids, table):
    # DistributedDynamicEmbedding.call -> self.emb(ids): dynamic hashtable lookup.
    # Faithful dense-table equivalent: gather rows of the embedding table by id.
    out = jnp.take(table, ids, axis=0)  # [BATCH, N_FIELDS, EMBED_DIM]
    return out

if __name__ == "__main__":
    import jax
    _d = setup_inputs()
    print(jax.jit(kernel)(*tuple(_d.values())))

</pallas_src>

<mosaic_0001>
#map = affine_map<(d0, d1) -> (0, 0)>
#map1 = affine_map<(d0, d1) -> (0, 0, 0)>
module attributes {stable_mosaic.version = 14 : i64} {
  func.func @fused_kernel(%arg0: i32, %arg1: i32, %arg2: memref<26x16384xi32, #tpu.memory_space<hbm>>, %arg3: memref<32x1048576xf32, #tpu.memory_space<hbm>>, %arg4: memref<26x32x16384xf32, #tpu.memory_space<hbm>>, %arg5: memref<262216x128xf32, #tpu.memory_space<hbm>>, %arg6: memref<32x257xf32, #tpu.memory_space<vmem>>, %arg7: memref<32x257xf32, #tpu.memory_space<vmem>>, %arg8: memref<64x128xf32, #tpu.memory_space<vmem>>, %arg9: memref<64x128xf32, #tpu.memory_space<vmem>>, %arg10: memref<13312xi32, #tpu.memory_space<vmem>>, %arg11: memref<128xi32, #tpu.memory_space<vmem>>, %arg12: memref<128xi32, #tpu.memory_space<vmem>>, %arg13: memref<128xi32, #tpu.memory_space<vmem>>, %arg14: memref<128xi32, #tpu.memory_space<vmem>>, %arg15: memref<128x128xf32, #tpu.memory_space<vmem>>, %arg16: memref<128x128xf32, #tpu.memory_space<vmem>>, %arg17: memref<32x128xf32, #tpu.memory_space<vmem>>, %arg18: memref<32x128xf32, #tpu.memory_space<vmem>>, %arg19: memref<128xf32, #tpu.memory_space<vmem>>, %arg20: memref<128xf32, #tpu.memory_space<vmem>>, %arg21: memref<!tpu.dma_semaphore, #tpu.memory_space<semaphore_mem>>, %arg22: memref<!tpu.dma_semaphore, #tpu.memory_space<semaphore_mem>>, %arg23: memref<!tpu.dma_semaphore, #tpu.memory_space<semaphore_mem>>, %arg24: memref<!tpu.dma_semaphore, #tpu.memory_space<semaphore_mem>>, %arg25: memref<!tpu.dma_semaphore, #tpu.memory_space<semaphore_mem>>, %arg26: memref<!tpu.dma_semaphore, #tpu.memory_space<semaphore_mem>>, %arg27: memref<!tpu.dma_semaphore, #tpu.memory_space<semaphore_mem>>, %arg28: memref<!tpu.dma_semaphore, #tpu.memory_space<semaphore_mem>>) attributes {dimension_semantics = [#tpu.dimension_semantics<core_parallel>, #tpu.dimension_semantics<subcore_parallel>], iteration_bounds = array<i64: 2, 16>, scalar_prefetch = 0 : i64, scratch_operands = 23 : i64, tpu.core_type = #tpu.core_type<sc_vector_subcore>, window_params = [{transform_indices = #map}, {transform_indices = #map}, {transform_indices = #map1}, {transform_indices = #map}]} {
    %mul3A = arith.constant 2 : i32
    %mul3A_0 = arith.muli %arg1, %mul3A : i32
    %add3A = arith.addi %mul3A_0, %arg0 : i32
    %iota3A = tpu.iota {dimensions = array<i32: 0>} : vector<16xi32>
    %mul3A_1 = arith.constant 128 : i32
    %mul3A_2 = arith.muli %add3A, %mul3A_1 : i32
    %add3A_3 = arith.constant 0 : i32
    %add3A_4 = arith.addi %mul3A_2, %add3A_3 : i32
    %mul3A_5 = arith.constant 256 : i32
    %mul3A_6 = arith.muli %add3A_4, %mul3A_5 : i32
    %dma_start3A = arith.constant 0 : i32
    %dma_start3A_7 = arith.constant 0 : i32
    %dma_start3A_8 = tpu.memref_slice %arg6[%dma_start3A, %dma_start3A_7] : memref<32x257xf32, #tpu.memory_space<vmem>> -> memref<32x256xf32, #tpu.memory_space<vmem>>
    %dma_start3A_9 = arith.constant 0 : i32
    %dma_start3A_10 = tpu.memref_slice %arg3[%dma_start3A_9, %mul3A_6] : memref<32x1048576xf32, #tpu.memory_space<hbm>> -> memref<32x256xf32, #tpu.memory_space<hbm>>
    %dma_start3A_11 = arith.constant 0 : i32
    %dma_start3A_12 = arith.constant 0 : i32
    %dma_start3A_13 = tpu.memref_slice %arg6[%dma_start3A_11, %dma_start3A_12] : memref<32x257xf32, #tpu.memory_space<vmem>> -> memref<32x256xf32, #tpu.memory_space<vmem>>
    %dma_start3A_14 = arith.constant 0 : i32
    %dma_start3A_15 = tpu.memref_slice %arg3[%dma_start3A_14, %mul3A_6] : memref<32x1048576xf32, #tpu.memory_space<hbm>> -> memref<32x256xf32, #tpu.memory_space<hbm>>
    tpu.enqueue_dma source(%dma_start3A_15 : memref<32x256xf32, #tpu.memory_space<hbm>>) target(%dma_start3A_13 : memref<32x256xf32, #tpu.memory_space<vmem>>) target_semaphore(%arg21 : memref<!tpu.dma_semaphore, #tpu.memory_space<semaphore_mem>>)
    %dma_start3A_16 = arith.constant 262152 : i32
    %dma_start3A_17 = arith.constant 0 : i32
    %dma_start3A_18 = tpu.memref_slice %arg5[%dma_start3A_16, %dma_start3A_17] : memref<262216x128xf32, #tpu.memory_space<hbm>> -> memref<64x128xf32, #tpu.memory_space<hbm>>
    %dma_start3A_19 = arith.constant 262152 : i32
    %dma_start3A_20 = arith.constant 0 : i32
    %dma_start3A_21 = tpu.memref_slice %arg5[%dma_start3A_19, %dma_start3A_20] : memref<262216x128xf32, #tpu.memory_space<hbm>> -> memref<64x128xf32, #tpu.memory_space<hbm>>
    tpu.enqueue_dma source(%arg8 : memref<64x128xf32, #tpu.memory_space<vmem>>) target(%dma_start3A_21 : memref<64x128xf32, #tpu.memory_space<hbm>>) target_semaphore(%arg23 : memref<!tpu.dma_semaphore, #tpu.memory_space<semaphore_mem>>)
    %dma_start3A_22 = arith.constant 262152 : i32
    %dma_start3A_23 = arith.constant 0 : i32
    %dma_start3A_24 = tpu.memref_slice %arg5[%dma_start3A_22, %dma_start3A_23] : memref<262216x128xf32, #tpu.memory_space<hbm>> -> memref<64x128xf32, #tpu.memory_space<hbm>>
    %dma_start3A_25 = arith.constant 262152 : i32
    %dma_start3A_26 = arith.constant 0 : i32
    %dma_start3A_27 = tpu.memref_slice %arg5[%dma_start3A_25, %dma_start3A_26] : memref<262216x128xf32, #tpu.memory_space<hbm>> -> memref<64x128xf32, #tpu.memory_space<hbm>>
    tpu.enqueue_dma source(%arg9 : memref<64x128xf32, #tpu.memory_space<vmem>>) target(%dma_start3A_27 : memref<64x128xf32, #tpu.memory_space<hbm>>) target_semaphore(%arg24 : memref<!tpu.dma_semaphore, #tpu.memory_space<semaphore_mem>>)
    %scan3A = arith.constant 0 : i32
    %scan3A_28 = arith.constant 0 : i32
    %scan3A_29 = arith.constant 64 : i32
    %scan3A_30 = arith.addi %scan3A_28, %scan3A_29 : i32
    %scan3A_31 = arith.constant 1 : i32
    scf.for %scan3A_269 = %scan3A_28 to %scan3A_30 step %scan3A_31  : i32 {
      %mul3A_270 = arith.constant 2 : i32
      %mul3A_271 = arith.muli %mul3A_270, %scan3A_269 : i32
      %mul3A_272 = arith.constant 2 : i32
      %mul3A_273 = arith.muli %mul3A_272, %scan3A_269 : i32
      %add3A_274 = arith.constant 1 : i32
      %add3A_275 = arith.addi %mul3A_273, %add3A_274 : i32
      %mul3A_276 = arith.constant 2 : i32
      %mul3A_277 = arith.muli %mul3A_276, %scan3A_269 : i32
      %add3A_278 = arith.constant 2 : i32
      %add3A_279 = arith.addi %mul3A_277, %add3A_278 : i32
      %min3A = arith.constant 127 : i32
      %min3A_280 = arith.minsi %add3A_279, %min3A : i32
      %add3A_281 = arith.addi %mul3A_2, %add3A_275 : i32
      %mul3A_282 = arith.constant 256 : i32
      %mul3A_283 = arith.muli %add3A_281, %mul3A_282 : i32
      %dma_start3A_284 = arith.constant 0 : i32
      %dma_start3A_285 = arith.constant 0 : i32
      %dma_start3A_286 = tpu.memref_slice %arg7[%dma_start3A_284, %dma_start3A_285] : memref<32x257xf32, #tpu.memory_space<vmem>> -> memref<32x256xf32, #tpu.memory_space<vmem>>
      %dma_start3A_287 = arith.constant 0 : i32
      %dma_start3A_288 = tpu.memref_slice %arg3[%dma_start3A_287, %mul3A_283] : memref<32x1048576xf32, #tpu.memory_space<hbm>> -> memref<32x256xf32, #tpu.memory_space<hbm>>
      %dma_start3A_289 = arith.constant 0 : i32
      %dma_start3A_290 = arith.constant 0 : i32
      %dma_start3A_291 = tpu.memref_slice %arg7[%dma_start3A_289, %dma_start3A_290] : memref<32x257xf32, #tpu.memory_space<vmem>> -> memref<32x256xf32, #tpu.memory_space<vmem>>
      %dma_start3A_292 = arith.constant 0 : i32
      %dma_start3A_293 = tpu.memref_slice %arg3[%dma_start3A_292, %mul3A_283] : memref<32x1048576xf32, #tpu.memory_space<hbm>> -> memref<32x256xf32, #tpu.memory_space<hbm>>
      tpu.enqueue_dma source(%dma_start3A_293 : memref<32x256xf32, #tpu.memory_space<hbm>>) target(%dma_start3A_291 : memref<32x256xf32, #tpu.memory_space<vmem>>) target_semaphore(%arg22 : memref<!tpu.dma_semaphore, #tpu.memory_space<semaphore_mem>>)
      %add3A_294 = arith.addi %mul3A_2, %mul3A_271 : i32
      %mul3A_295 = arith.constant 256 : i32
      %mul3A_296 = arith.muli %add3A_294, %mul3A_295 : i32
      %dma_wait3A_297 = arith.constant 0 : i32
      %dma_wait3A_298 = arith.constant 0 : i32
      %dma_wait3A_299 = tpu.memref_slice %arg6[%dma_wait3A_297, %dma_wait3A_298] : memref<32x257xf32, #tpu.memory_space<vmem>> -> memref<32x256xf32, #tpu.memory_space<vmem>>
      %dma_wait3A_300 = arith.constant 0 : i32
      %dma_wait3A_301 = tpu.memref_slice %arg3[%dma_wait3A_300, %mul3A_296] : memref<32x1048576xf32, #tpu.memory_space<hbm>> -> memref<32x256xf32, #tpu.memory_space<hbm>>
      %dma_wait3A_302 = arith.constant 0 : i32
      %dma_wait3A_303 = arith.constant 0 : i32
      %dma_wait3A_304 = tpu.memref_slice %arg6[%dma_wait3A_302, %dma_wait3A_303] : memref<32x257xf32, #tpu.memory_space<vmem>> -> memref<32x256xf32, #tpu.memory_space<vmem>>
      %dma_wait3A_305 = arith.constant 0 : i32
      %dma_wait3A_306 = tpu.memref_slice %arg3[%dma_wait3A_305, %mul3A_296] : memref<32x1048576xf32, #tpu.memory_space<hbm>> -> memref<32x256xf32, #tpu.memory_space<hbm>>
      tpu.wait_dma2 semaphore(%arg21 : memref<!tpu.dma_semaphore, #tpu.memory_space<semaphore_mem>>) src(%dma_wait3A_306 : memref<32x256xf32, #tpu.memory_space<hbm>>) dst(%dma_wait3A_304 : memref<32x256xf32, #tpu.memory_space<vmem>>)
      %dma_wait3A_307 = arith.constant 262152 : i32
      %dma_wait3A_308 = arith.constant 0 : i32
      %dma_wait3A_309 = tpu.memref_slice %arg5[%dma_wait3A_307, %dma_wait3A_308] : memref<262216x128xf32, #tpu.memory_space<hbm>> -> memref<64x128xf32, #tpu.memory_space<hbm>>
      %dma_wait3A_310 = arith.constant 262152 : i32
      %dma_wait3A_311 = arith.constant 0 : i32
      %dma_wait3A_312 = tpu.memref_slice %arg5[%dma_wait3A_310, %dma_wait3A_311] : memref<262216x128xf32, #tpu.memory_space<hbm>> -> memref<64x128xf32, #tpu.memory_space<hbm>>
      tpu.wait_dma2 semaphore(%arg23 : memref<!tpu.dma_semaphore, #tpu.memory_space<semaphore_mem>>) src(%arg8 : memref<64x128xf32, #tpu.memory_space<vmem>>) dst(%dma_wait3A_312 : memref<64x128xf32, #tpu.memory_space<hbm>>)
      %add3A_313 = arith.constant 16 : i32
      %add3A_314 = vector.broadcast %add3A_313 : i32 to vector<16xi32>
      %add3A_315 = arith.addi %iota3A, %add3A_314 : vector<16xi32>
      %parallel_loop3A = arith.constant 0 : i32
      %parallel_loop3A_316 = arith.constant 64 : i32
      %parallel_loop3A_317 = arith.constant 1 : i32
      scf.for %parallel_loop3A_370 = %parallel_loop3A to %parallel_loop3A_316 step %parallel_loop3A_317  : i32 {
        %parallel_loop3A_371 = arith.constant 0 : i32
        %parallel_loop3A_372 = vector.broadcast %parallel_loop3A_371 : i32 to vector<16xi32>
        %parallel_loop3A_373 = arith.constant 4 : i32
        %parallel_loop3A_374 = arith.muli %parallel_loop3A_373, %parallel_loop3A_370 : i32
        %parallel_loop3A_375 = arith.constant 0 : i32
        %parallel_loop3A_376 = arith.addi %parallel_loop3A_374, %parallel_loop3A_375 : i32
        %parallel_loop3A_377 = vector.broadcast %parallel_loop3A_376 : i32 to vector<16xi32>
        %parallel_loop3A_378 = arith.addi %parallel_loop3A_372, %parallel_loop3A_377 : vector<16xi32>
        %parallel_loop3A_379 = tpu.vector_load_idx %arg6[%iota3A, %parallel_loop3A_378] : memref<32x257xf32, #tpu.memory_space<vmem>>[vector<16xi32>, vector<16xi32>], vector<16xf32>,
        %parallel_loop3A_380 = arith.index_cast %parallel_loop3A_370 : i32 to index
        %parallel_loop3A_381 = arith.constant 0 : index
        %parallel_loop3A_382 = tpu.vector_load %arg8[%parallel_loop3A_380, %parallel_loop3A_381] {strides = array<i32>} : memref<64x128xf32, #tpu.memory_space<vmem>>, vector<16xf32>,
        tpu.vector_store %arg8[%parallel_loop3A_380, %parallel_loop3A_381], %parallel_loop3A_379 {strides = array<i32>} : memref<64x128xf32, #tpu.memory_space<vmem>>, vector<16xf32>,
        %parallel_loop3A_383 = tpu.vector_load_idx %arg6[%add3A_315, %parallel_loop3A_378] : memref<32x257xf32, #tpu.memory_space<vmem>>[vector<16xi32>, vector<16xi32>], vector<16xf32>,
        %parallel_loop3A_384 = arith.index_cast %parallel_loop3A_370 : i32 to index
        %parallel_loop3A_385 = arith.constant 16 : index
        %parallel_loop3A_386 = tpu.vector_load %arg8[%parallel_loop3A_384, %parallel_loop3A_385] {strides = array<i32>} : memref<64x128xf32, #tpu.memory_space<vmem>>, vector<16xf32>,
        tpu.vector_store %arg8[%parallel_loop3A_384, %parallel_loop3A_385], %parallel_loop3A_383 {strides = array<i32>} : memref<64x128xf32, #tpu.memory_space<vmem>>, vector<16xf32>,
        %parallel_loop3A_387 = arith.constant 0 : i32
        %parallel_loop3A_388 = vector.broadcast %parallel_loop3A_387 : i32 to vector<16xi32>
        %parallel_loop3A_389 = arith.constant 4 : i32
        %parallel_loop3A_390 = arith.muli %parallel_loop3A_389, %parallel_loop3A_370 : i32
        %parallel_loop3A_391 = arith.constant 1 : i32
        %parallel_loop3A_392 = arith.addi %parallel_loop3A_390, %parallel_loop3A_391 : i32
        %parallel_loop3A_393 = vector.broadcast %parallel_loop3A_392 : i32 to vector<16xi32>
        %parallel_loop3A_394 = arith.addi %parallel_loop3A_388, %parallel_loop3A_393 : vector<16xi32>
        %parallel_loop3A_395 = tpu.vector_load_idx %arg6[%iota3A, %parallel_loop3A_394] : memref<32x257xf32, #tpu.memory_space<vmem>>[vector<16xi32>, vector<16xi32>], vector<16xf32>,
        %parallel_loop3A_396 = arith.index_cast %parallel_loop3A_370 : i32 to index
        %parallel_loop3A_397 = arith.constant 32 : index
        %parallel_loop3A_398 = tpu.vector_load %arg8[%parallel_loop3A_396, %parallel_loop3A_397] {strides = array<i32>} : memref<64x128xf32, #tpu.memory_space<vmem>>, vector<16xf32>,
        tpu.vector_store %arg8[%parallel_loop3A_396, %parallel_loop3A_397], %parallel_loop3A_395 {strides = array<i32>} : memref<64x128xf32, #tpu.memory_space<vmem>>, vector<16xf32>,
        %parallel_loop3A_399 = tpu.vector_load_idx %arg6[%add3A_315, %parallel_loop3A_394] : memref<32x257xf32, #tpu.memory_space<vmem>>[vector<16xi32>, vector<16xi32>], vector<16xf32>,
        %parallel_loop3A_400 = arith.index_cast %parallel_loop3A_370 : i32 to index
        %parallel_loop3A_401 = arith.constant 48 : index
        %parallel_loop3A_402 = tpu.vector_load %arg8[%parallel_loop3A_400, %parallel_loop3A_401] {strides = array<i32>} : memref<64x128xf32, #tpu.memory_space<vmem>>, vector<16xf32>,
        tpu.vector_store %arg8[%parallel_loop3A_400, %parallel_loop3A_401], %parallel_loop3A_399 {strides = array<i32>} : memref<64x128xf32, #tpu.memory_space<vmem>>, vector<16xf32>,
        %parallel_loop3A_403 = arith.constant 0 : i32
        %parallel_loop3A_404 = vector.broadcast %parallel_loop3A_403 : i32 to vector<16xi32>
        %parallel_loop3A_405 = arith.constant 4 : i32
        %parallel_loop3A_406 = arith.muli %parallel_loop3A_405, %parallel_loop3A_370 : i32
        %parallel_loop3A_407 = arith.constant 2 : i32
        %parallel_loop3A_408 = arith.addi %parallel_loop3A_406, %parallel_loop3A_407 : i32
        %parallel_loop3A_409 = vector.broadcast %parallel_loop3A_408 : i32 to vector<16xi32>
        %parallel_loop3A_410 = arith.addi %parallel_loop3A_404, %parallel_loop3A_409 : vector<16xi32>
        %parallel_loop3A_411 = tpu.vector_load_idx %arg6[%iota3A, %parallel_loop3A_410] : memref<32x257xf32, #tpu.memory_space<vmem>>[vector<16xi32>, vector<16xi32>], vector<16xf32>,
        %parallel_loop3A_412 = arith.index_cast %parallel_loop3A_370 : i32 to index
        %parallel_loop3A_413 = arith.constant 64 : index
        %parallel_loop3A_414 = tpu.vector_load %arg8[%parallel_loop3A_412, %parallel_loop3A_413] {strides = array<i32>} : memref<64x128xf32, #tpu.memory_space<vmem>>, vector<16xf32>,
        tpu.vector_store %arg8[%parallel_loop3A_412, %parallel_loop3A_413], %parallel_loop3A_411 {strides = array<i32>} : memref<64x128xf32, #tpu.memory_space<vmem>>, vector<16xf32>,
        %parallel_loop3A_415 = tpu.vector_load_idx %arg6[%add3A_315, %parallel_loop3A_410] : memref<32x257xf32, #tpu.memory_space<vmem>>[vector<16xi32>, vector<16xi32>], vector<16xf32>,
        %parallel_loop3A_416 = arith.index_cast %parallel_loop3A_370 : i32 to index
        %parallel_loop3A_417 = arith.constant 80 : index
        %parallel_loop3A_418 = tpu.vector_load %arg8[%parallel_loop3A_416, %parallel_loop3A_417] {strides = array<i32>} : memref<64x128xf32, #tpu.memory_space<vmem>>, vector<16xf32>,
        tpu.vector_store %arg8[%parallel_loop3A_416, %parallel_loop3A_417], %parallel_loop3A_415 {strides = array<i32>} : memref<64x128xf32, #tpu.memory_space<vmem>>, vector<16xf32>,
        %parallel_loop3A_419 = arith.constant 0 : i32
        %parallel_loop3A_420 = vector.broadcast %parallel_loop3A_419 : i32 to vector<16xi32>
        %parallel_loop3A_421 = arith.constant 4 : i32
        %parallel_loop3A_422 = arith.muli %parallel_loop3A_421, %parallel_loop3A_370 : i32
        %parallel_loop3A_423 = arith.constant 3 : i32
        %parallel_loop3A_424 = arith.addi %parallel_loop3A_422, %parallel_loop3A_423 : i32
        %parallel_loop3A_425 = vector.broadcast %parallel_loop3A_424 : i32 to vector<16xi32>
        %parallel_loop3A_426 = arith.addi %parallel_loop3A_420, %parallel_loop3A_425 : vector<16xi32>
        %parallel_loop3A_427 = tpu.vector_load_idx %arg6[%iota3A, %parallel_loop3A_426] : memref<32x257xf32, #tpu.memory_space<vmem>>[vector<16xi32>, vector<16xi32>], vector<16xf32>,
        %parallel_loop3A_428 = arith.index_cast %parallel_loop3A_370 : i32 to index
        %parallel_loop3A_429 = arith.constant 96 : index
        %parallel_loop3A_430 = tpu.vector_load %arg8[%parallel_loop3A_428, %parallel_loop3A_429] {strides = array<i32>} : memref<64x128xf32, #tpu.memory_space<vmem>>, vector<16xf32>,
        tpu.vector_store %arg8[%parallel_loop3A_428, %parallel_loop3A_429], %parallel_loop3A_427 {strides = array<i32>} : memref<64x128xf32, #tpu.memory_space<vmem>>, vector<16xf32>,
        %parallel_loop3A_431 = tpu.vector_load_idx %arg6[%add3A_315, %parallel_loop3A_426] : memref<32x257xf32, #tpu.memory_space<vmem>>[vector<16xi32>, vector<16xi32>], vector<16xf32>,
        %parallel_loop3A_432 = arith.index_cast %parallel_loop3A_370 : i32 to index
        %parallel_loop3A_433 = arith.constant 112 : index
        %parallel_loop3A_434 = tpu.vector_load %arg8[%parallel_loop3A_432, %parallel_loop3A_433] {strides = array<i32>} : memref<64x128xf32, #tpu.memory_space<vmem>>, vector<16xf32>,
        tpu.vector_store %arg8[%parallel_loop3A_432, %parallel_loop3A_433], %parallel_loop3A_431 {strides = array<i32>} : memref<64x128xf32, #tpu.memory_space<vmem>>, vector<16xf32>,
      } {sc.loop_unroll_factor = 8 : i64, sc.parallel_access}
      %add3A_318 = arith.addi %mul3A_2, %mul3A_271 : i32
      %mul3A_319 = arith.constant 64 : i32
      %mul3A_320 = arith.muli %add3A_318, %mul3A_319 : i32
      %dma_start3A_321 = arith.constant 0 : i32
      %dma_start3A_322 = tpu.memref_slice %arg5[%mul3A_320, %dma_start3A_321] : memref<262216x128xf32, #tpu.memory_space<hbm>> -> memref<64x128xf32, #tpu.memory_space<hbm>>
      %dma_start3A_323 = arith.constant 0 : i32
      %dma_start3A_324 = tpu.memref_slice %arg5[%mul3A_320, %dma_start3A_323] : memref<262216x128xf32, #tpu.memory_space<hbm>> -> memref<64x128xf32, #tpu.memory_space<hbm>>
      tpu.enqueue_dma source(%arg8 : memref<64x128xf32, #tpu.memory_space<vmem>>) target(%dma_start3A_324 : memref<64x128xf32, #tpu.memory_space<hbm>>) target_semaphore(%arg23 : memref<!tpu.dma_semaphore, #tpu.memory_space<semaphore_mem>>)
      %add3A_325 = arith.addi %mul3A_2, %min3A_280 : i32
      %mul3A_326 = arith.constant 256 : i32
      %mul3A_327 = arith.muli %add3A_325, %mul3A_326 : i32
      %dma_start3A_328 = arith.constant 0 : i32
      %dma_start3A_329 = arith.constant 0 : i32
      %dma_start3A_330 = tpu.memref_slice %arg6[%dma_start3A_328, %dma_start3A_329] : memref<32x257xf32, #tpu.memory_space<vmem>> -> memref<32x256xf32, #tpu.memory_space<vmem>>
      %dma_start3A_331 = arith.constant 0 : i32
      %dma_start3A_332 = tpu.memref_slice %arg3[%dma_start3A_331, %mul3A_327] : memref<32x1048576xf32, #tpu.memory_space<hbm>> -> memref<32x256xf32, #tpu.memory_space<hbm>>
      %dma_start3A_333 = arith.constant 0 : i32
      %dma_start3A_334 = arith.constant 0 : i32
      %dma_start3A_335 = tpu.memref_slice %arg6[%dma_start3A_333, %dma_start3A_334] : memref<32x257xf32, #tpu.memory_space<vmem>> -> memref<32x256xf32, #tpu.memory_space<vmem>>
      %dma_start3A_336 = arith.constant 0 : i32
      %dma_start3A_337 = tpu.memref_slice %arg3[%dma_start3A_336, %mul3A_327] : memref<32x1048576xf32, #tpu.memory_space<hbm>> -> memref<32x256xf32, #tpu.memory_space<hbm>>
      tpu.enqueue_dma source(%dma_start3A_337 : memref<32x256xf32, #tpu.memory_space<hbm>>) target(%dma_start3A_335 : memref<32x256xf32, #tpu.memory_space<vmem>>) target_semaphore(%arg21 : memref<!tpu.dma_semaphore, #tpu.memory_space<semaphore_mem>>)
      %add3A_338 = arith.addi %mul3A_2, %add3A_275 : i32
      %mul3A_339 = arith.constant 256 : i32
      %mul3A_340 = arith.muli %add3A_338, %mul3A_339 : i32
      %dma_wait3A_341 = arith.constant 0 : i32
      %dma_wait3A_342 = arith.constant 0 : i32
      %dma_wait3A_343 = tpu.memref_slice %arg7[%dma_wait3A_341, %dma_wait3A_342] : memref<32x257xf32, #tpu.memory_space<vmem>> -> memref<32x256xf32, #tpu.memory_space<vmem>>
      %dma_wait3A_344 = arith.constant 0 : i32
      %dma_wait3A_345 = tpu.memref_slice %arg3[%dma_wait3A_344, %mul3A_340] : memref<32x1048576xf32, #tpu.memory_space<hbm>> -> memref<32x256xf32, #tpu.memory_space<hbm>>
      %dma_wait3A_346 = arith.constant 0 : i32
      %dma_wait3A_347 = arith.constant 0 : i32
      %dma_wait3A_348 = tpu.memref_slice %arg7[%dma_wait3A_346, %dma_wait3A_347] : memref<32x257xf32, #tpu.memory_space<vmem>> -> memref<32x256xf32, #tpu.memory_space<vmem>>
      %dma_wait3A_349 = arith.constant 0 : i32
      %dma_wait3A_350 = tpu.memref_slice %arg3[%dma_wait3A_349, %mul3A_340] : memref<32x1048576xf32, #tpu.memory_space<hbm>> -> memref<32x256xf32, #tpu.memory_space<hbm>>
      tpu.wait_dma2 semaphore(%arg22 : memref<!tpu.dma_semaphore, #tpu.memory_space<semaphore_mem>>) src(%dma_wait3A_350 : memref<32x256xf32, #tpu.memory_space<hbm>>) dst(%dma_wait3A_348 : memref<32x256xf32, #tpu.memory_space<vmem>>)
      %dma_wait3A_351 = arith.constant 262152 : i32
      %dma_wait3A_352 = arith.constant 0 : i32
      %dma_wait3A_353 = tpu.memref_slice %arg5[%dma_wait3A_351, %dma_wait3A_352] : memref<262216x128xf32, #tpu.memory_space<hbm>> -> memref<64x128xf32, #tpu.memory_space<hbm>>
      %dma_wait3A_354 = arith.constant 262152 : i32
      %dma_wait3A_355 = arith.constant 0 : i32
      %dma_wait3A_356 = tpu.memref_slice %arg5[%dma_wait3A_354, %dma_wait3A_355] : memref<262216x128xf32, #tpu.memory_space<hbm>> -> memref<64x128xf32, #tpu.memory_space<hbm>>
      tpu.wait_dma2 semaphore(%arg24 : memref<!tpu.dma_semaphore, #tpu.memory_space<semaphore_mem>>) src(%arg9 : memref<64x128xf32, #tpu.memory_space<vmem>>) dst(%dma_wait3A_356 : memref<64x128xf32, #tpu.memory_space<hbm>>)
      %add3A_357 = arith.constant 16 : i32
      %add3A_358 = vector.broadcast %add3A_357 : i32 to vector<16xi32>
      %add3A_359 = arith.addi %iota3A, %add3A_358 : vector<16xi32>
      %parallel_loop3A_360 = arith.constant 0 : i32
      %parallel_loop3A_361 = arith.constant 64 : i32
      %parallel_loop3A_362 = arith.constant 1 : i32
      scf.for %parallel_loop3A_370 = %parallel_loop3A_360 to %parallel_loop3A_361 step %parallel_loop3A_362  : i32 {
        %parallel_loop3A_371 = arith.constant 0 : i32
        %parallel_loop3A_372 = vector.broadcast %parallel_loop3A_371 : i32 to vector<16xi32>
        %parallel_loop3A_373 = arith.constant 4 : i32
        %parallel_loop3A_374 = arith.muli %parallel_loop3A_373, %parallel_loop3A_370 : i32
        %parallel_loop3A_375 = arith.constant 0 : i32
        %parallel_loop3A_376 = arith.addi %parallel_loop3A_374, %parallel_loop3A_375 : i32
        %parallel_loop3A_377 = vector.broadcast %parallel_loop3A_376 : i32 to vector<16xi32>
        %parallel_loop3A_378 = arith.addi %parallel_loop3A_372, %parallel_loop3A_377 : vector<16xi32>
        %parallel_loop3A_379 = tpu.vector_load_idx %arg7[%iota3A, %parallel_loop3A_378] : memref<32x257xf32, #tpu.memory_space<vmem>>[vector<16xi32>, vector<16xi32>], vector<16xf32>,
        %parallel_loop3A_380 = arith.index_cast %parallel_loop3A_370 : i32 to index
        %parallel_loop3A_381 = arith.constant 0 : index
        %parallel_loop3A_382 = tpu.vector_load %arg9[%parallel_loop3A_380, %parallel_loop3A_381] {strides = array<i32>} : memref<64x128xf32, #tpu.memory_space<vmem>>, vector<16xf32>,
        tpu.vector_store %arg9[%parallel_loop3A_380, %parallel_loop3A_381], %parallel_loop3A_379 {strides = array<i32>} : memref<64x128xf32, #tpu.memory_space<vmem>>, vector<16xf32>,
        %parallel_loop3A_383 = tpu.vector_load_idx %arg7[%add3A_359, %parallel_loop3A_378] : memref<32x257xf32, #tpu.memory_space<vmem>>[vector<16xi32>, vector<16xi32>], vector<16xf32>,
        %parallel_loop3A_384 = arith.index_cast %parallel_loop3A_370 : i32 to index
        %parallel_loop3A_385 = arith.constant 16 : index
        %parallel_loop3A_386 = tpu.vector_load %arg9[%parallel_loop3A_384, %parallel_loop3A_385] {strides = array<i32>} : memref<64x128xf32, #tpu.memory_space<vmem>>, vector<16xf32>,
        tpu.vector_store %arg9[%parallel_loop3A_384, %parallel_loop3A_385], %parallel_loop3A_383 {strides = array<i32>} : memref<64x128xf32, #tpu.memory_space<vmem>>, vector<16xf32>,
        %parallel_loop3A_387 = arith.constant 0 : i32
        %parallel_loop3A_388 = vector.broadcast %parallel_loop3A_387 : i32 to vector<16xi32>
        %parallel_loop3A_389 = arith.constant 4 : i32
        %parallel_loop3A_390 = arith.muli %parallel_loop3A_389, %parallel_loop3A_370 : i32
        %parallel_loop3A_391 = arith.constant 1 : i32
        %parallel_loop3A_392 = arith.addi %parallel_loop3A_390, %parallel_loop3A_391 : i32
        %parallel_loop3A_393 = vector.broadcast %parallel_loop3A_392 : i32 to vector<16xi32>
        %parallel_loop3A_394 = arith.addi %parallel_loop3A_388, %parallel_loop3A_393 : vector<16xi32>
        %parallel_loop3A_395 = tpu.vector_load_idx %arg7[%iota3A, %parallel_loop3A_394] : memref<32x257xf32, #tpu.memory_space<vmem>>[vector<16xi32>, vector<16xi32>], vector<16xf32>,
        %parallel_loop3A_396 = arith.index_cast %parallel_loop3A_370 : i32 to index
        %parallel_loop3A_397 = arith.constant 32 : index
        %parallel_loop3A_398 = tpu.vector_load %arg9[%parallel_loop3A_396, %parallel_loop3A_397] {strides = array<i32>} : memref<64x128xf32, #tpu.memory_space<vmem>>, vector<16xf32>,
        tpu.vector_store %arg9[%parallel_loop3A_396, %parallel_loop3A_397], %parallel_loop3A_395 {strides = array<i32>} : memref<64x128xf32, #tpu.memory_space<vmem>>, vector<16xf32>,
        %parallel_loop3A_399 = tpu.vector_load_idx %arg7[%add3A_359, %parallel_loop3A_394] : memref<32x257xf32, #tpu.memory_space<vmem>>[vector<16xi32>, vector<16xi32>], vector<16xf32>,
        %parallel_loop3A_400 = arith.index_cast %parallel_loop3A_370 : i32 to index
        %parallel_loop3A_401 = arith.constant 48 : index
        %parallel_loop3A_402 = tpu.vector_load %arg9[%parallel_loop3A_400, %parallel_loop3A_401] {strides = array<i32>} : memref<64x128xf32, #tpu.memory_space<vmem>>, vector<16xf32>,
        tpu.vector_store %arg9[%parallel_loop3A_400, %parallel_loop3A_401], %parallel_loop3A_399 {strides = array<i32>} : memref<64x128xf32, #tpu.memory_space<vmem>>, vector<16xf32>,
        %parallel_loop3A_403 = arith.constant 0 : i32
        %parallel_loop3A_404 = vector.broadcast %parallel_loop3A_403 : i32 to vector<16xi32>
        %parallel_loop3A_405 = arith.constant 4 : i32
        %parallel_loop3A_406 = arith.muli %parallel_loop3A_405, %parallel_loop3A_370 : i32
        %parallel_loop3A_407 = arith.constant 2 : i32
        %parallel_loop3A_408 = arith.addi %parallel_loop3A_406, %parallel_loop3A_407 : i32
        %parallel_loop3A_409 = vector.broadcast %parallel_loop3A_408 : i32 to vector<16xi32>
        %parallel_loop3A_410 = arith.addi %parallel_loop3A_404, %parallel_loop3A_409 : vector<16xi32>
        %parallel_loop3A_411 = tpu.vector_load_idx %arg7[%iota3A, %parallel_loop3A_410] : memref<32x257xf32, #tpu.memory_space<vmem>>[vector<16xi32>, vector<16xi32>], vector<16xf32>,
        %parallel_loop3A_412 = arith.index_cast %parallel_loop3A_370 : i32 to index
        %parallel_loop3A_413 = arith.constant 64 : index
        %parallel_loop3A_414 = tpu.vector_load %arg9[%parallel_loop3A_412, %parallel_loop3A_413] {strides = array<i32>} : memref<64x128xf32, #tpu.memory_space<vmem>>, vector<16xf32>,
        tpu.vector_store %arg9[%parallel_loop3A_412, %parallel_loop3A_413], %parallel_loop3A_411 {strides = array<i32>} : memref<64x128xf32, #tpu.memory_space<vmem>>, vector<16xf32>,
        %parallel_loop3A_415 = tpu.vector_load_idx %arg7[%add3A_359, %parallel_loop3A_410] : memref<32x257xf32, #tpu.memory_space<vmem>>[vector<16xi32>, vector<16xi32>], vector<16xf32>,
        %parallel_loop3A_416 = arith.index_cast %parallel_loop3A_370 : i32 to index
        %parallel_loop3A_417 = arith.constant 80 : index
        %parallel_loop3A_418 = tpu.vector_load %arg9[%parallel_loop3A_416, %parallel_loop3A_417] {strides = array<i32>} : memref<64x128xf32, #tpu.memory_space<vmem>>, vector<16xf32>,
        tpu.vector_store %arg9[%parallel_loop3A_416, %parallel_loop3A_417], %parallel_loop3A_415 {strides = array<i32>} : memref<64x128xf32, #tpu.memory_space<vmem>>, vector<16xf32>,
        %parallel_loop3A_419 = arith.constant 0 : i32
        %parallel_loop3A_420 = vector.broadcast %parallel_loop3A_419 : i32 to vector<16xi32>
        %parallel_loop3A_421 = arith.constant 4 : i32
        %parallel_loop3A_422 = arith.muli %parallel_loop3A_421, %parallel_loop3A_370 : i32
        %parallel_loop3A_423 = arith.constant 3 : i32
        %parallel_loop3A_424 = arith.addi %parallel_loop3A_422, %parallel_loop3A_423 : i32
        %parallel_loop3A_425 = vector.broadcast %parallel_loop3A_424 : i32 to vector<16xi32>
        %parallel_loop3A_426 = arith.addi %parallel_loop3A_420, %parallel_loop3A_425 : vector<16xi32>
        %parallel_loop3A_427 = tpu.vector_load_idx %arg7[%iota3A, %parallel_loop3A_426] : memref<32x257xf32, #tpu.memory_space<vmem>>[vector<16xi32>, vector<16xi32>], vector<16xf32>,
        %parallel_loop3A_428 = arith.index_cast %parallel_loop3A_370 : i32 to index
        %parallel_loop3A_429 = arith.constant 96 : index
        %parallel_loop3A_430 = tpu.vector_load %arg9[%parallel_loop3A_428, %parallel_loop3A_429] {strides = array<i32>} : memref<64x128xf32, #tpu.memory_space<vmem>>, vector<16xf32>,
        tpu.vector_store %arg9[%parallel_loop3A_428, %parallel_loop3A_429], %parallel_loop3A_427 {strides = array<i32>} : memref<64x128xf32, #tpu.memory_space<vmem>>, vector<16xf32>,
        %parallel_loop3A_431 = tpu.vector_load_idx %arg7[%add3A_359, %parallel_loop3A_426] : memref<32x257xf32, #tpu.memory_space<vmem>>[vector<16xi32>, vector<16xi32>], vector<16xf32>,
        %parallel_loop3A_432 = arith.index_cast %parallel_loop3A_370 : i32 to index
        %parallel_loop3A_433 = arith.constant 112 : index
        %parallel_loop3A_434 = tpu.vector_load %arg9[%parallel_loop3A_432, %parallel_loop3A_433] {strides = array<i32>} : memref<64x128xf32, #tpu.memory_space<vmem>>, vector<16xf32>,
        tpu.vector_store %arg9[%parallel_loop3A_432, %parallel_loop3A_433], %parallel_loop3A_431 {strides = array<i32>} : memref<64x128xf32, #tpu.memory_space<vmem>>, vector<16xf32>,
      } {sc.loop_unroll_factor = 8 : i64, sc.parallel_access}
      %add3A_363 = arith.addi %mul3A_2, %add3A_275 : i32
      %mul3A_364 = arith.constant 64 : i32
      %mul3A_365 = arith.muli %add3A_363, %mul3A_364 : i32
      %dma_start3A_366 = arith.constant 0 : i32
      %dma_start3A_367 = tpu.memref_slice %arg5[%mul3A_365, %dma_start3A_366] : memref<262216x128xf32, #tpu.memory_space<hbm>> -> memref<64x128xf32, #tpu.memory_space<hbm>>
      %dma_start3A_368 = arith.constant 0 : i32
      %dma_start3A_369 = tpu.memref_slice %arg5[%mul3A_365, %dma_start3A_368] : memref<262216x128xf32, #tpu.memory_space<hbm>> -> memref<64x128xf32, #tpu.memory_space<hbm>>
      tpu.enqueue_dma source(%arg9 : memref<64x128xf32, #tpu.memory_space<vmem>>) target(%dma_start3A_369 : memref<64x128xf32, #tpu.memory_space<hbm>>) target_semaphore(%arg24 : memref<!tpu.dma_semaphore, #tpu.memory_space<semaphore_mem>>)
    }
    %scan3A_32 = arith.constant 64 : i32
    %dma_wait3A = arith.constant 262152 : i32
    %dma_wait3A_33 = arith.constant 0 : i32
    %dma_wait3A_34 = tpu.memref_slice %arg5[%dma_wait3A, %dma_wait3A_33] : memref<262216x128xf32, #tpu.memory_space<hbm>> -> memref<64x128xf32, #tpu.memory_space<hbm>>
    %dma_wait3A_35 = arith.constant 262152 : i32
    %dma_wait3A_36 = arith.constant 0 : i32
    %dma_wait3A_37 = tpu.memref_slice %arg5[%dma_wait3A_35, %dma_wait3A_36] : memref<262216x128xf32, #tpu.memory_space<hbm>> -> memref<64x128xf32, #tpu.memory_space<hbm>>
    tpu.wait_dma2 semaphore(%arg23 : memref<!tpu.dma_semaphore, #tpu.memory_space<semaphore_mem>>) src(%arg8 : memref<64x128xf32, #tpu.memory_space<vmem>>) dst(%dma_wait3A_37 : memref<64x128xf32, #tpu.memory_space<hbm>>)
    %dma_wait3A_38 = arith.constant 262152 : i32
    %dma_wait3A_39 = arith.constant 0 : i32
    %dma_wait3A_40 = tpu.memref_slice %arg5[%dma_wait3A_38, %dma_wait3A_39] : memref<262216x128xf32, #tpu.memory_space<hbm>> -> memref<64x128xf32, #tpu.memory_space<hbm>>
    %dma_wait3A_41 = arith.constant 262152 : i32
    %dma_wait3A_42 = arith.constant 0 : i32
    %dma_wait3A_43 = tpu.memref_slice %arg5[%dma_wait3A_41, %dma_wait3A_42] : memref<262216x128xf32, #tpu.memory_space<hbm>> -> memref<64x128xf32, #tpu.memory_space<hbm>>
    tpu.wait_dma2 semaphore(%arg24 : memref<!tpu.dma_semaphore, #tpu.memory_space<semaphore_mem>>) src(%arg9 : memref<64x128xf32, #tpu.memory_space<vmem>>) dst(%dma_wait3A_43 : memref<64x128xf32, #tpu.memory_space<hbm>>)
    %add3A_44 = arith.constant 0 : i32
    %add3A_45 = arith.addi %mul3A_2, %add3A_44 : i32
    %mul3A_46 = arith.constant 256 : i32
    %mul3A_47 = arith.muli %add3A_45, %mul3A_46 : i32
    %dma_wait3A_48 = arith.constant 0 : i32
    %dma_wait3A_49 = arith.constant 0 : i32
    %dma_wait3A_50 = tpu.memref_slice %arg6[%dma_wait3A_48, %dma_wait3A_49] : memref<32x257xf32, #tpu.memory_space<vmem>> -> memref<32x256xf32, #tpu.memory_space<vmem>>
    %dma_wait3A_51 = arith.constant 0 : i32
    %dma_wait3A_52 = tpu.memref_slice %arg3[%dma_wait3A_51, %mul3A_47] : memref<32x1048576xf32, #tpu.memory_space<hbm>> -> memref<32x256xf32, #tpu.memory_space<hbm>>
    %dma_wait3A_53 = arith.constant 0 : i32
    %dma_wait3A_54 = arith.constant 0 : i32
    %dma_wait3A_55 = tpu.memref_slice %arg6[%dma_wait3A_53, %dma_wait3A_54] : memref<32x257xf32, #tpu.memory_space<vmem>> -> memref<32x256xf32, #tpu.memory_space<vmem>>
    %dma_wait3A_56 = arith.constant 0 : i32
    %dma_wait3A_57 = tpu.memref_slice %arg3[%dma_wait3A_56, %mul3A_47] : memref<32x1048576xf32, #tpu.memory_space<hbm>> -> memref<32x256xf32, #tpu.memory_space<hbm>>
    tpu.wait_dma2 semaphore(%arg21 : memref<!tpu.dma_semaphore, #tpu.memory_space<semaphore_mem>>) src(%dma_wait3A_57 : memref<32x256xf32, #tpu.memory_space<hbm>>) dst(%dma_wait3A_55 : memref<32x256xf32, #tpu.memory_space<vmem>>)
    %barrier3A = arith.constant 0 : index
    tpu.barrier barrier_id(%barrier3A)
    %eq3A = arith.constant 0 : i32
    %eq3A_58 = arith.cmpi eq, %arg1, %eq3A : i32
    %convert_element_type3A = arith.extui %eq3A_58 : i1 to i32
    %cond3A = arith.constant 0 : i32
    %cond3A_59 = arith.cmpi ne, %convert_element_type3A, %cond3A : i32
    scf.if %cond3A_59 {
      %broadcast_in_dim3A = arith.constant 0x4B3C614E : f32
      %broadcast_in_dim3A_269 = vector.broadcast %broadcast_in_dim3A : f32 to vector<16xf32>
      %swap3A_270 = arith.constant 0 : index
      %swap3A_271 = tpu.vector_load %arg19[%swap3A_270] {strides = array<i32>} : memref<128xf32, #tpu.memory_space<vmem>>, vector<16xf32>,
      tpu.vector_store %arg19[%swap3A_270], %broadcast_in_dim3A_269 {strides = array<i32>} : memref<128xf32, #tpu.memory_space<vmem>>, vector<16xf32>,
      %broadcast_in_dim3A_272 = arith.constant 0x4B3C614E : f32
      %broadcast_in_dim3A_273 = vector.broadcast %broadcast_in_dim3A_272 : f32 to vector<16xf32>
      %swap3A_274 = arith.constant 16 : index
      %swap3A_275 = tpu.vector_load %arg19[%swap3A_274] {strides = array<i32>} : memref<128xf32, #tpu.memory_space<vmem>>, vector<16xf32>,
      tpu.vector_store %arg19[%swap3A_274], %broadcast_in_dim3A_273 {strides = array<i32>} : memref<128xf32, #tpu.memory_space<vmem>>, vector<16xf32>,
      %broadcast_in_dim3A_276 = arith.constant 0x4B3C614E : f32
      %broadcast_in_dim3A_277 = vector.broadcast %broadcast_in_dim3A_276 : f32 to vector<16xf32>
      %swap3A_278 = arith.constant 32 : index
      %swap3A_279 = tpu.vector_load %arg19[%swap3A_278] {strides = array<i32>} : memref<128xf32, #tpu.memory_space<vmem>>, vector<16xf32>,
      tpu.vector_store %arg19[%swap3A_278], %broadcast_in_dim3A_277 {strides = array<i32>} : memref<128xf32, #tpu.memory_space<vmem>>, vector<16xf32>,
      %broadcast_in_dim3A_280 = arith.constant 0x4B3C614E : f32
      %broadcast_in_dim3A_281 = vector.broadcast %broadcast_in_dim3A_280 : f32 to vector<16xf32>
      %swap3A_282 = arith.constant 48 : index
      %swap3A_283 = tpu.vector_load %arg19[%swap3A_282] {strides = array<i32>} : memref<128xf32, #tpu.memory_space<vmem>>, vector<16xf32>,
      tpu.vector_store %arg19[%swap3A_282], %broadcast_in_dim3A_281 {strides = array<i32>} : memref<128xf32, #tpu.memory_space<vmem>>, vector<16xf32>,
      %broadcast_in_dim3A_284 = arith.constant 0x4B3C614E : f32
      %broadcast_in_dim3A_285 = vector.broadcast %broadcast_in_dim3A_284 : f32 to vector<16xf32>
      %swap3A_286 = arith.constant 64 : index
      %swap3A_287 = tpu.vector_load %arg19[%swap3A_286] {strides = array<i32>} : memref<128xf32, #tpu.memory_space<vmem>>, vector<16xf32>,
      tpu.vector_store %arg19[%swap3A_286], %broadcast_in_dim3A_285 {strides = array<i32>} : memref<128xf32, #tpu.memory_space<vmem>>, vector<16xf32>,
      %broadcast_in_dim3A_288 = arith.constant 0x4B3C614E : f32
      %broadcast_in_dim3A_289 = vector.broadcast %broadcast_in_dim3A_288 : f32 to vector<16xf32>
      %swap3A_290 = arith.constant 80 : index
      %swap3A_291 = tpu.vector_load %arg19[%swap3A_290] {strides = array<i32>} : memref<128xf32, #tpu.memory_space<vmem>>, vector<16xf32>,
      tpu.vector_store %arg19[%swap3A_290], %broadcast_in_dim3A_289 {strides = array<i32>} : memref<128xf32, #tpu.memory_space<vmem>>, vector<16xf32>,
      %broadcast_in_dim3A_292 = arith.constant 0x4B3C614E : f32
      %broadcast_in_dim3A_293 = vector.broadcast %broadcast_in_dim3A_292 : f32 to vector<16xf32>
      %swap3A_294 = arith.constant 96 : index
      %swap3A_295 = tpu.vector_load %arg19[%swap3A_294] {strides = array<i32>} : memref<128xf32, #tpu.memory_space<vmem>>, vector<16xf32>,
      tpu.vector_store %arg19[%swap3A_294], %broadcast_in_dim3A_293 {strides = array<i32>} : memref<128xf32, #tpu.memory_space<vmem>>, vector<16xf32>,
      %broadcast_in_dim3A_296 = arith.constant 0x4B3C614E : f32
      %broadcast_in_dim3A_297 = vector.broadcast %broadcast_in_dim3A_296 : f32 to vector<16xf32>
      %swap3A_298 = arith.constant 112 : index
      %swap3A_299 = tpu.vector_load %arg19[%swap3A_298] {strides = array<i32>} : memref<128xf32, #tpu.memory_space<vmem>>, vector<16xf32>,
      tpu.vector_store %arg19[%swap3A_298], %broadcast_in_dim3A_297 {strides = array<i32>} : memref<128xf32, #tpu.memory_space<vmem>>, vector<16xf32>,
      %add3A_300 = arith.constant 262144 : i32
      %add3A_301 = arith.addi %add3A_300, %arg0 : i32
      "tpu.region"() ({
        %run_scoped3A_302 = tpu.sem_alloc : memref<!tpu.dma_semaphore, #tpu.memory_space<semaphore_mem>>
        %dma_start3A_303 = arith.constant 0 : i32
        %dma_start3A_304 = tpu.memref_slice %arg5[%add3A_301, %dma_start3A_303] : memref<262216x128xf32, #tpu.memory_space<hbm>> -> memref<1x128xf32, #tpu.memory_space<hbm>>
        %dma_start3A_305 = tpu.memref_squeeze %dma_start3A_304 : memref<1x128xf32, #tpu.memory_space<hbm>> -> memref<128xf32, #tpu.memory_space<hbm>>
        %dma_start3A_306 = arith.constant 0 : i32
        %dma_start3A_307 = tpu.memref_slice %arg5[%add3A_301, %dma_start3A_306] : memref<262216x128xf32, #tpu.memory_space<hbm>> -> memref<1x128xf32, #tpu.memory_space<hbm>>
        %dma_start3A_308 = tpu.memref_squeeze %dma_start3A_307 : memref<1x128xf32, #tpu.memory_space<hbm>> -> memref<128xf32, #tpu.memory_space<hbm>>
        tpu.enqueue_dma source(%arg19 : memref<128xf32, #tpu.memory_space<vmem>>) target(%dma_start3A_308 : memref<128xf32, #tpu.memory_space<hbm>>) target_semaphore(%run_scoped3A_302 : memref<!tpu.dma_semaphore, #tpu.memory_space<semaphore_mem>>)
        %dma_wait3A_309 = arith.constant 0 : i32
        %dma_wait3A_310 = tpu.memref_slice %arg5[%add3A_301, %dma_wait3A_309] : memref<262216x128xf32, #tpu.memory_space<hbm>> -> memref<1x128xf32, #tpu.memory_space<hbm>>
        %dma_wait3A_311 = tpu.memref_squeeze %dma_wait3A_310 : memref<1x128xf32, #tpu.memory_space<hbm>> -> memref<128xf32, #tpu.memory_space<hbm>>
        %dma_wait3A_312 = arith.constant 0 : i32
        %dma_wait3A_313 = tpu.memref_slice %arg5[%add3A_301, %dma_wait3A_312] : memref<262216x128xf32, #tpu.memory_space<hbm>> -> memref<1x128xf32, #tpu.memory_space<hbm>>
        %dma_wait3A_314 = tpu.memref_squeeze %dma_wait3A_313 : memref<1x128xf32, #tpu.memory_space<hbm>> -> memref<128xf32, #tpu.memory_space<hbm>>
        tpu.wait_dma2 semaphore(%run_scoped3A_302 : memref<!tpu.dma_semaphore, #tpu.memory_space<semaphore_mem>>) src(%arg19 : memref<128xf32, #tpu.memory_space<vmem>>) dst(%dma_wait3A_314 : memref<128xf32, #tpu.memory_space<hbm>>)
        tpu.yield
      }) : () -> ()
    } else {
    }
    %sub3A = arith.constant 1 : i32
    %sub3A_60 = arith.subi %sub3A, %arg0 : i32
    %while3A = arith.constant false
    %while3A_61 = scf.while (%while3A_269 = %while3A) : (i1) -> i1 {
      %not3A = arith.constant true
      %not3A_270 = arith.xori %while3A_269, %not3A : i1
      scf.condition(%not3A_270) %while3A_269 : i1
    } do {
    ^bb0(%while3A_269: i1):
      %add3A_270 = arith.constant 262144 : i32
      %add3A_271 = arith.addi %add3A_270, %sub3A_60 : i32
      "tpu.region"() ({
        %run_scoped3A_287 = tpu.sem_alloc : memref<!tpu.dma_semaphore, #tpu.memory_space<semaphore_mem>>
        %dma_start3A_288 = arith.constant 0 : i32
        %dma_start3A_289 = tpu.memref_slice %arg5[%add3A_271, %dma_start3A_288] : memref<262216x128xf32, #tpu.memory_space<hbm>> -> memref<1x128xf32, #tpu.memory_space<hbm>>
        %dma_start3A_290 = tpu.memref_squeeze %dma_start3A_289 : memref<1x128xf32, #tpu.memory_space<hbm>> -> memref<128xf32, #tpu.memory_space<hbm>>
        %dma_start3A_291 = arith.constant 0 : i32
        %dma_start3A_292 = tpu.memref_slice %arg5[%add3A_271, %dma_start3A_291] : memref<262216x128xf32, #tpu.memory_space<hbm>> -> memref<1x128xf32, #tpu.memory_space<hbm>>
        %dma_start3A_293 = tpu.memref_squeeze %dma_start3A_292 : memref<1x128xf32, #tpu.memory_space<hbm>> -> memref<128xf32, #tpu.memory_space<hbm>>
        tpu.enqueue_dma source(%dma_start3A_293 : memref<128xf32, #tpu.memory_space<hbm>>) target(%arg20 : memref<128xf32, #tpu.memory_space<vmem>>) target_semaphore(%run_scoped3A_287 : memref<!tpu.dma_semaphore, #tpu.memory_space<semaphore_mem>>)
        %dma_wait3A_294 = arith.constant 0 : i32
        %dma_wait3A_295 = tpu.memref_slice %arg5[%add3A_271, %dma_wait3A_294] : memref<262216x128xf32, #tpu.memory_space<hbm>> -> memref<1x128xf32, #tpu.memory_space<hbm>>
        %dma_wait3A_296 = tpu.memref_squeeze %dma_wait3A_295 : memref<1x128xf32, #tpu.memory_space<hbm>> -> memref<128xf32, #tpu.memory_space<hbm>>
        %dma_wait3A_297 = arith.constant 0 : i32
        %dma_wait3A_298 = tpu.memref_slice %arg5[%add3A_271, %dma_wait3A_297] : memref<262216x128xf32, #tpu.memory_space<hbm>> -> memref<1x128xf32, #tpu.memory_space<hbm>>
        %dma_wait3A_299 = tpu.memref_squeeze %dma_wait3A_298 : memref<1x128xf32, #tpu.memory_space<hbm>> -> memref<128xf32, #tpu.memory_space<hbm>>
        tpu.wait_dma2 semaphore(%run_scoped3A_287 : memref<!tpu.dma_semaphore, #tpu.memory_space<semaphore_mem>>) src(%dma_wait3A_299 : memref<128xf32, #tpu.memory_space<hbm>>) dst(%arg20 : memref<128xf32, #tpu.memory_space<vmem>>)
        tpu.yield
      }) : () -> ()
      %get3A_272 = arith.constant 0 : index
      %get3A_273 = tpu.vector_load %arg20[%get3A_272] {strides = array<i32>} : memref<128xf32, #tpu.memory_space<vmem>>, vector<16xf32>,
      %eq3A_274 = arith.constant 0x4B3C614E : f32
      %eq3A_275 = vector.broadcast %eq3A_274 : f32 to vector<16xf32>
      %eq3A_276 = arith.cmpf oeq, %get3A_273, %eq3A_275 : vector<16xf32>
      %reduce_and3A = arith.constant 1.000000e+00 : f32
      %reduce_and3A_277 = arith.constant 0.000000e+00 : f32
      %reduce_and3A_278 = vector.broadcast %reduce_and3A : f32 to vector<16xf32>
      %reduce_and3A_279 = vector.broadcast %reduce_and3A_277 : f32 to vector<16xf32>
      %reduce_and3A_280 = arith.select %eq3A_276, %reduce_and3A_278, %reduce_and3A_279 : vector<16xi1>, vector<16xf32>
      %reduce_and3A_281 = arith.constant true
      %reduce_and3A_282 = vector.broadcast %reduce_and3A_281 : i1 to vector<16xi1>
      %reduce_and3A_283 = tpu.scan <min>, %reduce_and3A_280 masked %reduce_and3A_282 : vector<16xf32>, vector<16xi1> -> vector<16xf32>
      %reduce_and3A_284 = vector.extract %reduce_and3A_283[15] : f32 from vector<16xf32>
      %reduce_and3A_285 = arith.constant 0.000000e+00 : f32
      %reduce_and3A_286 = arith.cmpf ogt, %reduce_and3A_284, %reduce_and3A_285 : f32
      scf.yield %reduce_and3A_286 : i1
    }
    %barrier3A_62 = arith.constant 0 : index
    tpu.barrier barrier_id(%barrier3A_62)
    %eq3A_63 = arith.constant 0 : i32
    %eq3A_64 = arith.cmpi eq, %arg1, %eq3A_63 : i32
    %convert_element_type3A_65 = arith.extui %eq3A_64 : i1 to i32
    %cond3A_66 = arith.constant 0 : i32
    %cond3A_67 = arith.cmpi ne, %convert_element_type3A_65, %cond3A_66 : i32
    scf.if %cond3A_67 {
      %broadcast_in_dim3A = arith.constant 0.000000e+00 : f32
      %broadcast_in_dim3A_269 = vector.broadcast %broadcast_in_dim3A : f32 to vector<16xf32>
      %swap3A_270 = arith.constant 0 : index
      %swap3A_271 = tpu.vector_load %arg19[%swap3A_270] {strides = array<i32>} : memref<128xf32, #tpu.memory_space<vmem>>, vector<16xf32>,
      tpu.vector_store %arg19[%swap3A_270], %broadcast_in_dim3A_269 {strides = array<i32>} : memref<128xf32, #tpu.memory_space<vmem>>, vector<16xf32>,
      %broadcast_in_dim3A_272 = arith.constant 0.000000e+00 : f32
      %broadcast_in_dim3A_273 = vector.broadcast %broadcast_in_dim3A_272 : f32 to vector<16xf32>
      %swap3A_274 = arith.constant 16 : index
      %swap3A_275 = tpu.vector_load %arg19[%swap3A_274] {strides = array<i32>} : memref<128xf32, #tpu.memory_space<vmem>>, vector<16xf32>,
      tpu.vector_store %arg19[%swap3A_274], %broadcast_in_dim3A_273 {strides = array<i32>} : memref<128xf32, #tpu.memory_space<vmem>>, vector<16xf32>,
      %broadcast_in_dim3A_276 = arith.constant 0.000000e+00 : f32
      %broadcast_in_dim3A_277 = vector.broadcast %broadcast_in_dim3A_276 : f32 to vector<16xf32>
      %swap3A_278 = arith.constant 32 : index
      %swap3A_279 = tpu.vector_load %arg19[%swap3A_278] {strides = array<i32>} : memref<128xf32, #tpu.memory_space<vmem>>, vector<16xf32>,
      tpu.vector_store %arg19[%swap3A_278], %broadcast_in_dim3A_277 {strides = array<i32>} : memref<128xf32, #tpu.memory_space<vmem>>, vector<16xf32>,
      %broadcast_in_dim3A_280 = arith.constant 0.000000e+00 : f32
      %broadcast_in_dim3A_281 = vector.broadcast %broadcast_in_dim3A_280 : f32 to vector<16xf32>
      %swap3A_282 = arith.constant 48 : index
      %swap3A_283 = tpu.vector_load %arg19[%swap3A_282] {strides = array<i32>} : memref<128xf32, #tpu.memory_space<vmem>>, vector<16xf32>,
      tpu.vector_store %arg19[%swap3A_282], %broadcast_in_dim3A_281 {strides = array<i32>} : memref<128xf32, #tpu.memory_space<vmem>>, vector<16xf32>,
      %broadcast_in_dim3A_284 = arith.constant 0.000000e+00 : f32
      %broadcast_in_dim3A_285 = vector.broadcast %broadcast_in_dim3A_284 : f32 to vector<16xf32>
      %swap3A_286 = arith.constant 64 : index
      %swap3A_287 = tpu.vector_load %arg19[%swap3A_286] {strides = array<i32>} : memref<128xf32, #tpu.memory_space<vmem>>, vector<16xf32>,
      tpu.vector_store %arg19[%swap3A_286], %broadcast_in_dim3A_285 {strides = array<i32>} : memref<128xf32, #tpu.memory_space<vmem>>, vector<16xf32>,
      %broadcast_in_dim3A_288 = arith.constant 0.000000e+00 : f32
      %broadcast_in_dim3A_289 = vector.broadcast %broadcast_in_dim3A_288 : f32 to vector<16xf32>
      %swap3A_290 = arith.constant 80 : index
      %swap3A_291 = tpu.vector_load %arg19[%swap3A_290] {strides = array<i32>} : memref<128xf32, #tpu.memory_space<vmem>>, vector<16xf32>,
      tpu.vector_store %arg19[%swap3A_290], %broadcast_in_dim3A_289 {strides = array<i32>} : memref<128xf32, #tpu.memory_space<vmem>>, vector<16xf32>,
      %broadcast_in_dim3A_292 = arith.constant 0.000000e+00 : f32
      %broadcast_in_dim3A_293 = vector.broadcast %broadcast_in_dim3A_292 : f32 to vector<16xf32>
      %swap3A_294 = arith.constant 96 : index
      %swap3A_295 = tpu.vector_load %arg19[%swap3A_294] {strides = array<i32>} : memref<128xf32, #tpu.memory_space<vmem>>, vector<16xf32>,
      tpu.vector_store %arg19[%swap3A_294], %broadcast_in_dim3A_293 {strides = array<i32>} : memref<128xf32, #tpu.memory_space<vmem>>, vector<16xf32>,
      %broadcast_in_dim3A_296 = arith.constant 0.000000e+00 : f32
      %broadcast_in_dim3A_297 = vector.broadcast %broadcast_in_dim3A_296 : f32 to vector<16xf32>
      %swap3A_298 = arith.constant 112 : index
      %swap3A_299 = tpu.vector_load %arg19[%swap3A_298] {strides = array<i32>} : memref<128xf32, #tpu.memory_space<vmem>>, vector<16xf32>,
      tpu.vector_store %arg19[%swap3A_298], %broadcast_in_dim3A_297 {strides = array<i32>} : memref<128xf32, #tpu.memory_space<vmem>>, vector<16xf32>,
      %add3A_300 = arith.constant 262144 : i32
      %add3A_301 = arith.addi %add3A_300, %sub3A_60 : i32
      "tpu.region"() ({
        %run_scoped3A_302 = tpu.sem_alloc : memref<!tpu.dma_semaphore, #tpu.memory_space<semaphore_mem>>
        %dma_start3A_303 = arith.constant 0 : i32
        %dma_start3A_304 = tpu.memref_slice %arg5[%add3A_301, %dma_start3A_303] : memref<262216x128xf32, #tpu.memory_space<hbm>> -> memref<1x128xf32, #tpu.memory_space<hbm>>
        %dma_start3A_305 = tpu.memref_squeeze %dma_start3A_304 : memref<1x128xf32, #tpu.memory_space<hbm>> -> memref<128xf32, #tpu.memory_space<hbm>>
        %dma_start3A_306 = arith.constant 0 : i32
        %dma_start3A_307 = tpu.memref_slice %arg5[%add3A_301, %dma_start3A_306] : memref<262216x128xf32, #tpu.memory_space<hbm>> -> memref<1x128xf32, #tpu.memory_space<hbm>>
        %dma_start3A_308 = tpu.memref_squeeze %dma_start3A_307 : memref<1x128xf32, #tpu.memory_space<hbm>> -> memref<128xf32, #tpu.memory_space<hbm>>
        tpu.enqueue_dma source(%arg19 : memref<128xf32, #tpu.memory_space<vmem>>) target(%dma_start3A_308 : memref<128xf32, #tpu.memory_space<hbm>>) target_semaphore(%run_scoped3A_302 : memref<!tpu.dma_semaphore, #tpu.memory_space<semaphore_mem>>)
        %dma_wait3A_309 = arith.constant 0 : i32
        %dma_wait3A_310 = tpu.memref_slice %arg5[%add3A_301, %dma_wait3A_309] : memref<262216x128xf32, #tpu.memory_space<hbm>> -> memref<1x128xf32, #tpu.memory_space<hbm>>
        %dma_wait3A_311 = tpu.memref_squeeze %dma_wait3A_310 : memref<1x128xf32, #tpu.memory_space<hbm>> -> memref<128xf32, #tpu.memory_space<hbm>>
        %dma_wait3A_312 = arith.constant 0 : i32
        %dma_wait3A_313 = tpu.memref_slice %arg5[%add3A_301, %dma_wait3A_312] : memref<262216x128xf32, #tpu.memory_space<hbm>> -> memref<1x128xf32, #tpu.memory_space<hbm>>
        %dma_wait3A_314 = tpu.memref_squeeze %dma_wait3A_313 : memref<1x128xf32, #tpu.memory_space<hbm>> -> memref<128xf32, #tpu.memory_space<hbm>>
        tpu.wait_dma2 semaphore(%run_scoped3A_302 : memref<!tpu.dma_semaphore, #tpu.memory_space<semaphore_mem>>) src(%arg19 : memref<128xf32, #tpu.memory_space<vmem>>) dst(%dma_wait3A_314 : memref<128xf32, #tpu.memory_space<hbm>>)
        tpu.yield
      }) : () -> ()
    } else {
    }
    %mul3A_68 = arith.constant 512 : i32
    %mul3A_69 = arith.muli %add3A, %mul3A_68 : i32
    %run_scoped3A = arith.constant 0 : i32
    "tpu.region"() ({
      %run_scoped3A_269 = tpu.sem_alloc : memref<!tpu.dma_semaphore, #tpu.memory_space<semaphore_mem>>
      %dma_start3A_270 = arith.constant 0 : i32
      %dma_start3A_271 = tpu.memref_slice %arg10[%dma_start3A_270] : memref<13312xi32, #tpu.memory_space<vmem>> -> memref<512xi32, #tpu.memory_space<vmem>>
      %dma_start3A_272 = tpu.memref_slice %arg2[%run_scoped3A, %mul3A_69] : memref<26x16384xi32, #tpu.memory_space<hbm>> -> memref<1x512xi32, #tpu.memory_space<hbm>>
      %dma_start3A_273 = tpu.memref_squeeze %dma_start3A_272 : memref<1x512xi32, #tpu.memory_space<hbm>> -> memref<512xi32, #tpu.memory_space<hbm>>
      %dma_start3A_274 = arith.constant 0 : i32
      %dma_start3A_275 = tpu.memref_slice %arg10[%dma_start3A_274] : memref<13312xi32, #tpu.memory_space<vmem>> -> memref<512xi32, #tpu.memory_space<vmem>>
      %dma_start3A_276 = tpu.memref_slice %arg2[%run_scoped3A, %mul3A_69] : memref<26x16384xi32, #tpu.memory_space<hbm>> -> memref<1x512xi32, #tpu.memory_space<hbm>>
      %dma_start3A_277 = tpu.memref_squeeze %dma_start3A_276 : memref<1x512xi32, #tpu.memory_space<hbm>> -> memref<512xi32, #tpu.memory_space<hbm>>
      tpu.enqueue_dma source(%dma_start3A_277 : memref<512xi32, #tpu.memory_space<hbm>>) target(%dma_start3A_275 : memref<512xi32, #tpu.memory_space<vmem>>) target_semaphore(%run_scoped3A_269 : memref<!tpu.dma_semaphore, #tpu.memory_space<semaphore_mem>>)
      %dma_wait3A_278 = arith.constant 0 : i32
      %dma_wait3A_279 = tpu.memref_slice %arg10[%dma_wait3A_278] : memref<13312xi32, #tpu.memory_space<vmem>> -> memref<512xi32, #tpu.memory_space<vmem>>
      %dma_wait3A_280 = tpu.memref_slice %arg2[%run_scoped3A, %mul3A_69] : memref<26x16384xi32, #tpu.memory_space<hbm>> -> memref<1x512xi32, #tpu.memory_space<hbm>>
      %dma_wait3A_281 = tpu.memref_squeeze %dma_wait3A_280 : memref<1x512xi32, #tpu.memory_space<hbm>> -> memref<512xi32, #tpu.memory_space<hbm>>
      %dma_wait3A_282 = arith.constant 0 : i32
      %dma_wait3A_283 = tpu.memref_slice %arg10[%dma_wait3A_282] : memref<13312xi32, #tpu.memory_space<vmem>> -> memref<512xi32, #tpu.memory_space<vmem>>
      %dma_wait3A_284 = tpu.memref_slice %arg2[%run_scoped3A, %mul3A_69] : memref<26x16384xi32, #tpu.memory_space<hbm>> -> memref<1x512xi32, #tpu.memory_space<hbm>>
      %dma_wait3A_285 = tpu.memref_squeeze %dma_wait3A_284 : memref<1x512xi32, #tpu.memory_space<hbm>> -> memref<512xi32, #tpu.memory_space<hbm>>
      tpu.wait_dma2 semaphore(%run_scoped3A_269 : memref<!tpu.dma_semaphore, #tpu.memory_space<semaphore_mem>>) src(%dma_wait3A_285 : memref<512xi32, #tpu.memory_space<hbm>>) dst(%dma_wait3A_283 : memref<512xi32, #tpu.memory_space<vmem>>)
      tpu.yield
    }) : () -> ()
    %run_scoped3A_70 = arith.constant 1 : i32
    "tpu.region"() ({
      %run_scoped3A_269 = tpu.sem_alloc : memref<!tpu.dma_semaphore, #tpu.memory_space<semaphore_mem>>
      %dma_start3A_270 = arith.constant 512 : i32
      %dma_start3A_271 = tpu.memref_slice %arg10[%dma_start3A_270] : memref<13312xi32, #tpu.memory_space<vmem>> -> memref<512xi32, #tpu.memory_space<vmem>>
      %dma_start3A_272 = tpu.memref_slice %arg2[%run_scoped3A_70, %mul3A_69] : memref<26x16384xi32, #tpu.memory_space<hbm>> -> memref<1x512xi32, #tpu.memory_space<hbm>>
      %dma_start3A_273 = tpu.memref_squeeze %dma_start3A_272 : memref<1x512xi32, #tpu.memory_space<hbm>> -> memref<512xi32, #tpu.memory_space<hbm>>
      %dma_start3A_274 = arith.constant 512 : i32
      %dma_start3A_275 = tpu.memref_slice %arg10[%dma_start3A_274] : memref<13312xi32, #tpu.memory_space<vmem>> -> memref<512xi32, #tpu.memory_space<vmem>>
      %dma_start3A_276 = tpu.memref_slice %arg2[%run_scoped3A_70, %mul3A_69] : memref<26x16384xi32, #tpu.memory_space<hbm>> -> memref<1x512xi32, #tpu.memory_space<hbm>>
      %dma_start3A_277 = tpu.memref_squeeze %dma_start3A_276 : memref<1x512xi32, #tpu.memory_space<hbm>> -> memref<512xi32, #tpu.memory_space<hbm>>
      tpu.enqueue_dma source(%dma_start3A_277 : memref<512xi32, #tpu.memory_space<hbm>>) target(%dma_start3A_275 : memref<512xi32, #tpu.memory_space<vmem>>) target_semaphore(%run_scoped3A_269 : memref<!tpu.dma_semaphore, #tpu.memory_space<semaphore_mem>>)
      %dma_wait3A_278 = arith.constant 512 : i32
      %dma_wait3A_279 = tpu.memref_slice %arg10[%dma_wait3A_278] : memref<13312xi32, #tpu.memory_space<vmem>> -> memref<512xi32, #tpu.memory_space<vmem>>
      %dma_wait3A_280 = tpu.memref_slice %arg2[%run_scoped3A_70, %mul3A_69] : memref<26x16384xi32, #tpu.memory_space<hbm>> -> memref<1x512xi32, #tpu.memory_space<hbm>>
      %dma_wait3A_281 = tpu.memref_squeeze %dma_wait3A_280 : memref<1x512xi32, #tpu.memory_space<hbm>> -> memref<512xi32, #tpu.memory_space<hbm>>
      %dma_wait3A_282 = arith.constant 512 : i32
      %dma_wait3A_283 = tpu.memref_slice %arg10[%dma_wait3A_282] : memref<13312xi32, #tpu.memory_space<vmem>> -> memref<512xi32, #tpu.memory_space<vmem>>
      %dma_wait3A_284 = tpu.memref_slice %arg2[%run_scoped3A_70, %mul3A_69] : memref<26x16384xi32, #tpu.memory_space<hbm>> -> memref<1x512xi32, #tpu.memory_space<hbm>>
      %dma_wait3A_285 = tpu.memref_squeeze %dma_wait3A_284 : memref<1x512xi32, #tpu.memory_space<hbm>> -> memref<512xi32, #tpu.memory_space<hbm>>
      tpu.wait_dma2 semaphore(%run_scoped3A_269 : memref<!tpu.dma_semaphore, #tpu.memory_space<semaphore_mem>>) src(%dma_wait3A_285 : memref<512xi32, #tpu.memory_space<hbm>>) dst(%dma_wait3A_283 : memref<512xi32, #tpu.memory_space<vmem>>)
      tpu.yield
    }) : () -> ()
    %run_scoped3A_71 = arith.constant 2 : i32
    "tpu.region"() ({
      %run_scoped3A_269 = tpu.sem_alloc : memref<!tpu.dma_semaphore, #tpu.memory_space<semaphore_mem>>
      %dma_start3A_270 = arith.constant 1024 : i32
      %dma_start3A_271 = tpu.memref_slice %arg10[%dma_start3A_270] : memref<13312xi32, #tpu.memory_space<vmem>> -> memref<512xi32, #tpu.memory_space<vmem>>
      %dma_start3A_272 = tpu.memref_slice %arg2[%run_scoped3A_71, %mul3A_69] : memref<26x16384xi32, #tpu.memory_space<hbm>> -> memref<1x512xi32, #tpu.memory_space<hbm>>
      %dma_start3A_273 = tpu.memref_squeeze %dma_start3A_272 : memref<1x512xi32, #tpu.memory_space<hbm>> -> memref<512xi32, #tpu.memory_space<hbm>>
      %dma_start3A_274 = arith.constant 1024 : i32
      %dma_start3A_275 = tpu.memref_slice %arg10[%dma_start3A_274] : memref<13312xi32, #tpu.memory_space<vmem>> -> memref<512xi32, #tpu.memory_space<vmem>>
      %dma_start3A_276 = tpu.memref_slice %arg2[%run_scoped3A_71, %mul3A_69] : memref<26x16384xi32, #tpu.memory_space<hbm>> -> memref<1x512xi32, #tpu.memory_space<hbm>>
      %dma_start3A_277 = tpu.memref_squeeze %dma_start3A_276 : memref<1x512xi32, #tpu.memory_space<hbm>> -> memref<512xi32, #tpu.memory_space<hbm>>
      tpu.enqueue_dma source(%dma_start3A_277 : memref<512xi32, #tpu.memory_space<hbm>>) target(%dma_start3A_275 : memref<512xi32, #tpu.memory_space<vmem>>) target_semaphore(%run_scoped3A_269 : memref<!tpu.dma_semaphore, #tpu.memory_space<semaphore_mem>>)
      %dma_wait3A_278 = arith.constant 1024 : i32
      %dma_wait3A_279 = tpu.memref_slice %arg10[%dma_wait3A_278] : memref<13312xi32, #tpu.memory_space<vmem>> -> memref<512xi32, #tpu.memory_space<vmem>>
      %dma_wait3A_280 = tpu.memref_slice %arg2[%run_scoped3A_71, %mul3A_69] : memref<26x16384xi32, #tpu.memory_space<hbm>> -> memref<1x512xi32, #tpu.memory_space<hbm>>
      %dma_wait3A_281 = tpu.memref_squeeze %dma_wait3A_280 : memref<1x512xi32, #tpu.memory_space<hbm>> -> memref<512xi32, #tpu.memory_space<hbm>>
      %dma_wait3A_282 = arith.constant 1024 : i32
      %dma_wait3A_283 = tpu.memref_slice %arg10[%dma_wait3A_282] : memref<13312xi32, #tpu.memory_space<vmem>> -> memref<512xi32, #tpu.memory_space<vmem>>
      %dma_wait3A_284 = tpu.memref_slice %arg2[%run_scoped3A_71, %mul3A_69] : memref<26x16384xi32, #tpu.memory_space<hbm>> -> memref<1x512xi32, #tpu.memory_space<hbm>>
      %dma_wait3A_285 = tpu.memref_squeeze %dma_wait3A_284 : memref<1x512xi32, #tpu.memory_space<hbm>> -> memref<512xi32, #tpu.memory_space<hbm>>
      tpu.wait_dma2 semaphore(%run_scoped3A_269 : memref<!tpu.dma_semaphore, #tpu.memory_space<semaphore_mem>>) src(%dma_wait3A_285 : memref<512xi32, #tpu.memory_space<hbm>>) dst(%dma_wait3A_283 : memref<512xi32, #tpu.memory_space<vmem>>)
      tpu.yield
    }) : () -> ()
    %run_scoped3A_72 = arith.constant 3 : i32
    "tpu.region"() ({
      %run_scoped3A_269 = tpu.sem_alloc : memref<!tpu.dma_semaphore, #tpu.memory_space<semaphore_mem>>
      %dma_start3A_270 = arith.constant 1536 : i32
      %dma_start3A_271 = tpu.memref_slice %arg10[%dma_start3A_270] : memref<13312xi32, #tpu.memory_space<vmem>> -> memref<512xi32, #tpu.memory_space<vmem>>
      %dma_start3A_272 = tpu.memref_slice %arg2[%run_scoped3A_72, %mul3A_69] : memref<26x16384xi32, #tpu.memory_space<hbm>> -> memref<1x512xi32, #tpu.memory_space<hbm>>
      %dma_start3A_273 = tpu.memref_squeeze %dma_start3A_272 : memref<1x512xi32, #tpu.memory_space<hbm>> -> memref<512xi32, #tpu.memory_space<hbm>>
      %dma_start3A_274 = arith.constant 1536 : i32
      %dma_start3A_275 = tpu.memref_slice %arg10[%dma_start3A_274] : memref<13312xi32, #tpu.memory_space<vmem>> -> memref<512xi32, #tpu.memory_space<vmem>>
      %dma_start3A_276 = tpu.memref_slice %arg2[%run_scoped3A_72, %mul3A_69] : memref<26x16384xi32, #tpu.memory_space<hbm>> -> memref<1x512xi32, #tpu.memory_space<hbm>>
      %dma_start3A_277 = tpu.memref_squeeze %dma_start3A_276 : memref<1x512xi32, #tpu.memory_space<hbm>> -> memref<512xi32, #tpu.memory_space<hbm>>
      tpu.enqueue_dma source(%dma_start3A_277 : memref<512xi32, #tpu.memory_space<hbm>>) target(%dma_start3A_275 : memref<512xi32, #tpu.memory_space<vmem>>) target_semaphore(%run_scoped3A_269 : memref<!tpu.dma_semaphore, #tpu.memory_space<semaphore_mem>>)
      %dma_wait3A_278 = arith.constant 1536 : i32
      %dma_wait3A_279 = tpu.memref_slice %arg10[%dma_wait3A_278] : memref<13312xi32, #tpu.memory_space<vmem>> -> memref<512xi32, #tpu.memory_space<vmem>>
      %dma_wait3A_280 = tpu.memref_slice %arg2[%run_scoped3A_72, %mul3A_69] : memref<26x16384xi32, #tpu.memory_space<hbm>> -> memref<1x512xi32, #tpu.memory_space<hbm>>
      %dma_wait3A_281 = tpu.memref_squeeze %dma_wait3A_280 : memref<1x512xi32, #tpu.memory_space<hbm>> -> memref<512xi32, #tpu.memory_space<hbm>>
      %dma_wait3A_282 = arith.constant 1536 : i32
      %dma_wait3A_283 = tpu.memref_slice %arg10[%dma_wait3A_282] : memref<13312xi32, #tpu.memory_space<vmem>> -> memref<512xi32, #tpu.memory_space<vmem>>
      %dma_wait3A_284 = tpu.memref_slice %arg2[%run_scoped3A_72, %mul3A_69] : memref<26x16384xi32, #tpu.memory_space<hbm>> -> memref<1x512xi32, #tpu.memory_space<hbm>>
      %dma_wait3A_285 = tpu.memref_squeeze %dma_wait3A_284 : memref<1x512xi32, #tpu.memory_space<hbm>> -> memref<512xi32, #tpu.memory_space<hbm>>
      tpu.wait_dma2 semaphore(%run_scoped3A_269 : memref<!tpu.dma_semaphore, #tpu.memory_space<semaphore_mem>>) src(%dma_wait3A_285 : memref<512xi32, #tpu.memory_space<hbm>>) dst(%dma_wait3A_283 : memref<512xi32, #tpu.memory_space<vmem>>)
      tpu.yield
    }) : () -> ()
    %run_scoped3A_73 = arith.constant 4 : i32
    "tpu.region"() ({
      %run_scoped3A_269 = tpu.sem_alloc : memref<!tpu.dma_semaphore, #tpu.memory_space<semaphore_mem>>
      %dma_start3A_270 = arith.constant 2048 : i32
      %dma_start3A_271 = tpu.memref_slice %arg10[%dma_start3A_270] : memref<13312xi32, #tpu.memory_space<vmem>> -> memref<512xi32, #tpu.memory_space<vmem>>
      %dma_start3A_272 = tpu.memref_slice %arg2[%run_scoped3A_73, %mul3A_69] : memref<26x16384xi32, #tpu.memory_space<hbm>> -> memref<1x512xi32, #tpu.memory_space<hbm>>
      %dma_start3A_273 = tpu.memref_squeeze %dma_start3A_272 : memref<1x512xi32, #tpu.memory_space<hbm>> -> memref<512xi32, #tpu.memory_space<hbm>>
      %dma_start3A_274 = arith.constant 2048 : i32
      %dma_start3A_275 = tpu.memref_slice %arg10[%dma_start3A_274] : memref<13312xi32, #tpu.memory_space<vmem>> -> memref<512xi32, #tpu.memory_space<vmem>>
      %dma_start3A_276 = tpu.memref_slice %arg2[%run_scoped3A_73, %mul3A_69] : memref<26x16384xi32, #tpu.memory_space<hbm>> -> memref<1x512xi32, #tpu.memory_space<hbm>>
      %dma_start3A_277 = tpu.memref_squeeze %dma_start3A_276 : memref<1x512xi32, #tpu.memory_space<hbm>> -> memref<512xi32, #tpu.memory_space<hbm>>
      tpu.enqueue_dma source(%dma_start3A_277 : memref<512xi32, #tpu.memory_space<hbm>>) target(%dma_start3A_275 : memref<512xi32, #tpu.memory_space<vmem>>) target_semaphore(%run_scoped3A_269 : memref<!tpu.dma_semaphore, #tpu.memory_space<semaphore_mem>>)
      %dma_wait3A_278 = arith.constant 2048 : i32
      %dma_wait3A_279 = tpu.memref_slice %arg10[%dma_wait3A_278] : memref<13312xi32, #tpu.memory_space<vmem>> -> memref<512xi32, #tpu.memory_space<vmem>>
      %dma_wait3A_280 = tpu.memref_slice %arg2[%run_scoped3A_73, %mul3A_69] : memref<26x16384xi32, #tpu.memory_space<hbm>> -> memref<1x512xi32, #tpu.memory_space<hbm>>
      %dma_wait3A_281 = tpu.memref_squeeze %dma_wait3A_280 : memref<1x512xi32, #tpu.memory_space<hbm>> -> memref<512xi32, #tpu.memory_space<hbm>>
      %dma_wait3A_282 = arith.constant 2048 : i32
      %dma_wait3A_283 = tpu.memref_slice %arg10[%dma_wait3A_282] : memref<13312xi32, #tpu.memory_space<vmem>> -> memref<512xi32, #tpu.memory_space<vmem>>
      %dma_wait3A_284 = tpu.memref_slice %arg2[%run_scoped3A_73, %mul3A_69] : memref<26x16384xi32, #tpu.memory_space<hbm>> -> memref<1x512xi32, #tpu.memory_space<hbm>>
      %dma_wait3A_285 = tpu.memref_squeeze %dma_wait3A_284 : memref<1x512xi32, #tpu.memory_space<hbm>> -> memref<512xi32, #tpu.memory_space<hbm>>
      tpu.wait_dma2 semaphore(%run_scoped3A_269 : memref<!tpu.dma_semaphore, #tpu.memory_space<semaphore_mem>>) src(%dma_wait3A_285 : memref<512xi32, #tpu.memory_space<hbm>>) dst(%dma_wait3A_283 : memref<512xi32, #tpu.memory_space<vmem>>)
      tpu.yield
    }) : () -> ()
    %run_scoped3A_74 = arith.constant 5 : i32
    "tpu.region"() ({
      %run_scoped3A_269 = tpu.sem_alloc : memref<!tpu.dma_semaphore, #tpu.memory_space<semaphore_mem>>
      %dma_start3A_270 = arith.constant 2560 : i32
      %dma_start3A_271 = tpu.memref_slice %arg10[%dma_start3A_270] : memref<13312xi32, #tpu.memory_space<vmem>> -> memref<512xi32, #tpu.memory_space<vmem>>
      %dma_start3A_272 = tpu.memref_slice %arg2[%run_scoped3A_74, %mul3A_69] : memref<26x16384xi32, #tpu.memory_space<hbm>> -> memref<1x512xi32, #tpu.memory_space<hbm>>
      %dma_start3A_273 = tpu.memref_squeeze %dma_start3A_272 : memref<1x512xi32, #tpu.memory_space<hbm>> -> memref<512xi32, #tpu.memory_space<hbm>>
      %dma_start3A_274 = arith.constant 2560 : i32
      %dma_start3A_275 = tpu.memref_slice %arg10[%dma_start3A_274] : memref<13312xi32, #tpu.memory_space<vmem>> -> memref<512xi32, #tpu.memory_space<vmem>>
      %dma_start3A_276 = tpu.memref_slice %arg2[%run_scoped3A_74, %mul3A_69] : memref<26x16384xi32, #tpu.memory_space<hbm>> -> memref<1x512xi32, #tpu.memory_space<hbm>>
      %dma_start3A_277 = tpu.memref_squeeze %dma_start3A_276 : memref<1x512xi32, #tpu.memory_space<hbm>> -> memref<512xi32, #tpu.memory_space<hbm>>
      tpu.enqueue_dma source(%dma_start3A_277 : memref<512xi32, #tpu.memory_space<hbm>>) target(%dma_start3A_275 : memref<512xi32, #tpu.memory_space<vmem>>) target_semaphore(%run_scoped3A_269 : memref<!tpu.dma_semaphore, #tpu.memory_space<semaphore_mem>>)
      %dma_wait3A_278 = arith.constant 2560 : i32
      %dma_wait3A_279 = tpu.memref_slice %arg10[%dma_wait3A_278] : memref<13312xi32, #tpu.memory_space<vmem>> -> memref<512xi32, #tpu.memory_space<vmem>>
      %dma_wait3A_280 = tpu.memref_slice %arg2[%run_scoped3A_74, %mul3A_69] : memref<26x16384xi32, #tpu.memory_space<hbm>> -> memref<1x512xi32, #tpu.memory_space<hbm>>
      %dma_wait3A_281 = tpu.memref_squeeze %dma_wait3A_280 : memref<1x512xi32, #tpu.memory_space<hbm>> -> memref<512xi32, #tpu.memory_space<hbm>>
      %dma_wait3A_282 = arith.constant 2560 : i32
      %dma_wait3A_283 = tpu.memref_slice %arg10[%dma_wait3A_282] : memref<13312xi32, #tpu.memory_space<vmem>> -> memref<512xi32, #tpu.memory_space<vmem>>
      %dma_wait3A_284 = tpu.memref_slice %arg2[%run_scoped3A_74, %mul3A_69] : memref<26x16384xi32, #tpu.memory_space<hbm>> -> memref<1x512xi32, #tpu.memory_space<hbm>>
      %dma_wait3A_285 = tpu.memref_squeeze %dma_wait3A_284 : memref<1x512xi32, #tpu.memory_space<hbm>> -> memref<512xi32, #tpu.memory_space<hbm>>
      tpu.wait_dma2 semaphore(%run_scoped3A_269 : memref<!tpu.dma_semaphore, #tpu.memory_space<semaphore_mem>>) src(%dma_wait3A_285 : memref<512xi32, #tpu.memory_space<hbm>>) dst(%dma_wait3A_283 : memref<512xi32, #tpu.memory_space<vmem>>)
      tpu.yield
    }) : () -> ()
    %run_scoped3A_75 = arith.constant 6 : i32
    "tpu.region"() ({
      %run_scoped3A_269 = tpu.sem_alloc : memref<!tpu.dma_semaphore, #tpu.memory_space<semaphore_mem>>
      %dma_start3A_270 = arith.constant 3072 : i32
      %dma_start3A_271 = tpu.memref_slice %arg10[%dma_start3A_270] : memref<13312xi32, #tpu.memory_space<vmem>> -> memref<512xi32, #tpu.memory_space<vmem>>
      %dma_start3A_272 = tpu.memref_slice %arg2[%run_scoped3A_75, %mul3A_69] : memref<26x16384xi32, #tpu.memory_space<hbm>> -> memref<1x512xi32, #tpu.memory_space<hbm>>
      %dma_start3A_273 = tpu.memref_squeeze %dma_start3A_272 : memref<1x512xi32, #tpu.memory_space<hbm>> -> memref<512xi32, #tpu.memory_space<hbm>>
      %dma_start3A_274 = arith.constant 3072 : i32
      %dma_start3A_275 = tpu.memref_slice %arg10[%dma_start3A_274] : memref<13312xi32, #tpu.memory_space<vmem>> -> memref<512xi32, #tpu.memory_space<vmem>>
      %dma_start3A_276 = tpu.memref_slice %arg2[%run_scoped3A_75, %mul3A_69] : memref<26x16384xi32, #tpu.memory_space<hbm>> -> memref<1x512xi32, #tpu.memory_space<hbm>>
      %dma_start3A_277 = tpu.memref_squeeze %dma_start3A_276 : memref<1x512xi32, #tpu.memory_space<hbm>> -> memref<512xi32, #tpu.memory_space<hbm>>
      tpu.enqueue_dma source(%dma_start3A_277 : memref<512xi32, #tpu.memory_space<hbm>>) target(%dma_start3A_275 : memref<512xi32, #tpu.memory_space<vmem>>) target_semaphore(%run_scoped3A_269 : memref<!tpu.dma_semaphore, #tpu.memory_space<semaphore_mem>>)
      %dma_wait3A_278 = arith.constant 3072 : i32
      %dma_wait3A_279 = tpu.memref_slice %arg10[%dma_wait3A_278] : memref<13312xi32, #tpu.memory_space<vmem>> -> memref<512xi32, #tpu.memory_space<vmem>>
      %dma_wait3A_280 = tpu.memref_slice %arg2[%run_scoped3A_75, %mul3A_69] : memref<26x16384xi32, #tpu.memory_space<hbm>> -> memref<1x512xi32, #tpu.memory_space<hbm>>
      %dma_wait3A_281 = tpu.memref_squeeze %dma_wait3A_280 : memref<1x512xi32, #tpu.memory_space<hbm>> -> memref<512xi32, #tpu.memory_space<hbm>>
      %dma_wait3A_282 = arith.constant 3072 : i32
      %dma_wait3A_283 = tpu.memref_slice %arg10[%dma_wait3A_282] : memref<13312xi32, #tpu.memory_space<vmem>> -> memref<512xi32, #tpu.memory_space<vmem>>
      %dma_wait3A_284 = tpu.memref_slice %arg2[%run_scoped3A_75, %mul3A_69] : memref<26x16384xi32, #tpu.memory_space<hbm>> -> memref<1x512xi32, #tpu.memory_space<hbm>>
      %dma_wait3A_285 = tpu.memref_squeeze %dma_wait3A_284 : memref<1x512xi32, #tpu.memory_space<hbm>> -> memref<512xi32, #tpu.memory_space<hbm>>
      tpu.wait_dma2 semaphore(%run_scoped3A_269 : memref<!tpu.dma_semaphore, #tpu.memory_space<semaphore_mem>>) src(%dma_wait3A_285 : memref<512xi32, #tpu.memory_space<hbm>>) dst(%dma_wait3A_283 : memref<512xi32, #tpu.memory_space<vmem>>)
      tpu.yield
    }) : () -> ()
    %run_scoped3A_76 = arith.constant 7 : i32
    "tpu.region"() ({
      %run_scoped3A_269 = tpu.sem_alloc : memref<!tpu.dma_semaphore, #tpu.memory_space<semaphore_mem>>
      %dma_start3A_270 = arith.constant 3584 : i32
      %dma_start3A_271 = tpu.memref_slice %arg10[%dma_start3A_270] : memref<13312xi32, #tpu.memory_space<vmem>> -> memref<512xi32, #tpu.memory_space<vmem>>
      %dma_start3A_272 = tpu.memref_slice %arg2[%run_scoped3A_76, %mul3A_69] : memref<26x16384xi32, #tpu.memory_space<hbm>> -> memref<1x512xi32, #tpu.memory_space<hbm>>
      %dma_start3A_273 = tpu.memref_squeeze %dma_start3A_272 : memref<1x512xi32, #tpu.memory_space<hbm>> -> memref<512xi32, #tpu.memory_space<hbm>>
      %dma_start3A_274 = arith.constant 3584 : i32
      %dma_start3A_275 = tpu.memref_slice %arg10[%dma_start3A_274] : memref<13312xi32, #tpu.memory_space<vmem>> -> memref<512xi32, #tpu.memory_space<vmem>>
      %dma_start3A_276 = tpu.memref_slice %arg2[%run_scoped3A_76, %mul3A_69] : memref<26x16384xi32, #tpu.memory_space<hbm>> -> memref<1x512xi32, #tpu.memory_space<hbm>>
      %dma_start3A_277 = tpu.memref_squeeze %dma_start3A_276 : memref<1x512xi32, #tpu.memory_space<hbm>> -> memref<512xi32, #tpu.memory_space<hbm>>
      tpu.enqueue_dma source(%dma_start3A_277 : memref<512xi32, #tpu.memory_space<hbm>>) target(%dma_start3A_275 : memref<512xi32, #tpu.memory_space<vmem>>) target_semaphore(%run_scoped3A_269 : memref<!tpu.dma_semaphore, #tpu.memory_space<semaphore_mem>>)
      %dma_wait3A_278 = arith.constant 3584 : i32
      %dma_wait3A_279 = tpu.memref_slice %arg10[%dma_wait3A_278] : memref<13312xi32, #tpu.memory_space<vmem>> -> memref<512xi32, #tpu.memory_space<vmem>>
      %dma_wait3A_280 = tpu.memref_slice %arg2[%run_scoped3A_76, %mul3A_69] : memref<26x16384xi32, #tpu.memory_space<hbm>> -> memref<1x512xi32, #tpu.memory_space<hbm>>
      %dma_wait3A_281 = tpu.memref_squeeze %dma_wait3A_280 : memref<1x512xi32, #tpu.memory_space<hbm>> -> memref<512xi32, #tpu.memory_space<hbm>>
      %dma_wait3A_282 = arith.constant 3584 : i32
      %dma_wait3A_283 = tpu.memref_slice %arg10[%dma_wait3A_282] : memref<13312xi32, #tpu.memory_space<vmem>> -> memref<512xi32, #tpu.memory_space<vmem>>
      %dma_wait3A_284 = tpu.memref_slice %arg2[%run_scoped3A_76, %mul3A_69] : memref<26x16384xi32, #tpu.memory_space<hbm>> -> memref<1x512xi32, #tpu.memory_space<hbm>>
      %dma_wait3A_285 = tpu.memref_squeeze %dma_wait3A_284 : memref<1x512xi32, #tpu.memory_space<hbm>> -> memref<512xi32, #tpu.memory_space<hbm>>
      tpu.wait_dma2 semaphore(%run_scoped3A_269 : memref<!tpu.dma_semaphore, #tpu.memory_space<semaphore_mem>>) src(%dma_wait3A_285 : memref<512xi32, #tpu.memory_space<hbm>>) dst(%dma_wait3A_283 : memref<512xi32, #tpu.memory_space<vmem>>)
      tpu.yield
    }) : () -> ()
    %run_scoped3A_77 = arith.constant 8 : i32
    "tpu.region"() ({
      %run_scoped3A_269 = tpu.sem_alloc : memref<!tpu.dma_semaphore, #tpu.memory_space<semaphore_mem>>
      %dma_start3A_270 = arith.constant 4096 : i32
      %dma_start3A_271 = tpu.memref_slice %arg10[%dma_start3A_270] : memref<13312xi32, #tpu.memory_space<vmem>> -> memref<512xi32, #tpu.memory_space<vmem>>
      %dma_start3A_272 = tpu.memref_slice %arg2[%run_scoped3A_77, %mul3A_69] : memref<26x16384xi32, #tpu.memory_space<hbm>> -> memref<1x512xi32, #tpu.memory_space<hbm>>
      %dma_start3A_273 = tpu.memref_squeeze %dma_start3A_272 : memref<1x512xi32, #tpu.memory_space<hbm>> -> memref<512xi32, #tpu.memory_space<hbm>>
      %dma_start3A_274 = arith.constant 4096 : i32
      %dma_start3A_275 = tpu.memref_slice %arg10[%dma_start3A_274] : memref<13312xi32, #tpu.memory_space<vmem>> -> memref<512xi32, #tpu.memory_space<vmem>>
      %dma_start3A_276 = tpu.memref_slice %arg2[%run_scoped3A_77, %mul3A_69] : memref<26x16384xi32, #tpu.memory_space<hbm>> -> memref<1x512xi32, #tpu.memory_space<hbm>>
      %dma_start3A_277 = tpu.memref_squeeze %dma_start3A_276 : memref<1x512xi32, #tpu.memory_space<hbm>> -> memref<512xi32, #tpu.memory_space<hbm>>
      tpu.enqueue_dma source(%dma_start3A_277 : memref<512xi32, #tpu.memory_space<hbm>>) target(%dma_start3A_275 : memref<512xi32, #tpu.memory_space<vmem>>) target_semaphore(%run_scoped3A_269 : memref<!tpu.dma_semaphore, #tpu.memory_space<semaphore_mem>>)
      %dma_wait3A_278 = arith.constant 4096 : i32
      %dma_wait3A_279 = tpu.memref_slice %arg10[%dma_wait3A_278] : memref<13312xi32, #tpu.memory_space<vmem>> -> memref<512xi32, #tpu.memory_space<vmem>>
      %dma_wait3A_280 = tpu.memref_slice %arg2[%run_scoped3A_77, %mul3A_69] : memref<26x16384xi32, #tpu.memory_space<hbm>> -> memref<1x512xi32, #tpu.memory_space<hbm>>
      %dma_wait3A_281 = tpu.memref_squeeze %dma_wait3A_280 : memref<1x512xi32, #tpu.memory_space<hbm>> -> memref<512xi32, #tpu.memory_space<hbm>>
      %dma_wait3A_282 = arith.constant 4096 : i32
      %dma_wait3A_283 = tpu.memref_slice %arg10[%dma_wait3A_282] : memref<13312xi32, #tpu.memory_space<vmem>> -> memref<512xi32, #tpu.memory_space<vmem>>
      %dma_wait3A_284 = tpu.memref_slice %arg2[%run_scoped3A_77, %mul3A_69] : memref<26x16384xi32, #tpu.memory_space<hbm>> -> memref<1x512xi32, #tpu.memory_space<hbm>>
      %dma_wait3A_285 = tpu.memref_squeeze %dma_wait3A_284 : memref<1x512xi32, #tpu.memory_space<hbm>> -> memref<512xi32, #tpu.memory_space<hbm>>
      tpu.wait_dma2 semaphore(%run_scoped3A_269 : memref<!tpu.dma_semaphore, #tpu.memory_space<semaphore_mem>>) src(%dma_wait3A_285 : memref<512xi32, #tpu.memory_space<hbm>>) dst(%dma_wait3A_283 : memref<512xi32, #tpu.memory_space<vmem>>)
      tpu.yield
    }) : () -> ()
    %run_scoped3A_78 = arith.constant 9 : i32
    "tpu.region"() ({
      %run_scoped3A_269 = tpu.sem_alloc : memref<!tpu.dma_semaphore, #tpu.memory_space<semaphore_mem>>
      %dma_start3A_270 = arith.constant 4608 : i32
      %dma_start3A_271 = tpu.memref_slice %arg10[%dma_start3A_270] : memref<13312xi32, #tpu.memory_space<vmem>> -> memref<512xi32, #tpu.memory_space<vmem>>
      %dma_start3A_272 = tpu.memref_slice %arg2[%run_scoped3A_78, %mul3A_69] : memref<26x16384xi32, #tpu.memory_space<hbm>> -> memref<1x512xi32, #tpu.memory_space<hbm>>
      %dma_start3A_273 = tpu.memref_squeeze %dma_start3A_272 : memref<1x512xi32, #tpu.memory_space<hbm>> -> memref<512xi32, #tpu.memory_space<hbm>>
      %dma_start3A_274 = arith.constant 4608 : i32
      %dma_start3A_275 = tpu.memref_slice %arg10[%dma_start3A_274] : memref<13312xi32, #tpu.memory_space<vmem>> -> memref<512xi32, #tpu.memory_space<vmem>>
      %dma_start3A_276 = tpu.memref_slice %arg2[%run_scoped3A_78, %mul3A_69] : memref<26x16384xi32, #tpu.memory_space<hbm>> -> memref<1x512xi32, #tpu.memory_space<hbm>>
      %dma_start3A_277 = tpu.memref_squeeze %dma_start3A_276 : memref<1x512xi32, #tpu.memory_space<hbm>> -> memref<512xi32, #tpu.memory_space<hbm>>
      tpu.enqueue_dma source(%dma_start3A_277 : memref<512xi32, #tpu.memory_space<hbm>>) target(%dma_start3A_275 : memref<512xi32, #tpu.memory_space<vmem>>) target_semaphore(%run_scoped3A_269 : memref<!tpu.dma_semaphore, #tpu.memory_space<semaphore_mem>>)
      %dma_wait3A_278 = arith.constant 4608 : i32
      %dma_wait3A_279 = tpu.memref_slice %arg10[%dma_wait3A_278] : memref<13312xi32, #tpu.memory_space<vmem>> -> memref<512xi32, #tpu.memory_space<vmem>>
      %dma_wait3A_280 = tpu.memref_slice %arg2[%run_scoped3A_78, %mul3A_69] : memref<26x16384xi32, #tpu.memory_space<hbm>> -> memref<1x512xi32, #tpu.memory_space<hbm>>
      %dma_wait3A_281 = tpu.memref_squeeze %dma_wait3A_280 : memref<1x512xi32, #tpu.memory_space<hbm>> -> memref<512xi32, #tpu.memory_space<hbm>>
      %dma_wait3A_282 = arith.constant 4608 : i32
      %dma_wait3A_283 = tpu.memref_slice %arg10[%dma_wait3A_282] : memref<13312xi32, #tpu.memory_space<vmem>> -> memref<512xi32, #tpu.memory_space<vmem>>
      %dma_wait3A_284 = tpu.memref_slice %arg2[%run_scoped3A_78, %mul3A_69] : memref<26x16384xi32, #tpu.memory_space<hbm>> -> memref<1x512xi32, #tpu.memory_space<hbm>>
      %dma_wait3A_285 = tpu.memref_squeeze %dma_wait3A_284 : memref<1x512xi32, #tpu.memory_space<hbm>> -> memref<512xi32, #tpu.memory_space<hbm>>
      tpu.wait_dma2 semaphore(%run_scoped3A_269 : memref<!tpu.dma_semaphore, #tpu.memory_space<semaphore_mem>>) src(%dma_wait3A_285 : memref<512xi32, #tpu.memory_space<hbm>>) dst(%dma_wait3A_283 : memref<512xi32, #tpu.memory_space<vmem>>)
      tpu.yield
    }) : () -> ()
    %run_scoped3A_79 = arith.constant 10 : i32
    "tpu.region"() ({
      %run_scoped3A_269 = tpu.sem_alloc : memref<!tpu.dma_semaphore, #tpu.memory_space<semaphore_mem>>
      %dma_start3A_270 = arith.constant 5120 : i32
      %dma_start3A_271 = tpu.memref_slice %arg10[%dma_start3A_270] : memref<13312xi32, #tpu.memory_space<vmem>> -> memref<512xi32, #tpu.memory_space<vmem>>
      %dma_start3A_272 = tpu.memref_slice %arg2[%run_scoped3A_79, %mul3A_69] : memref<26x16384xi32, #tpu.memory_space<hbm>> -> memref<1x512xi32, #tpu.memory_space<hbm>>
      %dma_start3A_273 = tpu.memref_squeeze %dma_start3A_272 : memref<1x512xi32, #tpu.memory_space<hbm>> -> memref<512xi32, #tpu.memory_space<hbm>>
      %dma_start3A_274 = arith.constant 5120 : i32
      %dma_start3A_275 = tpu.memref_slice %arg10[%dma_start3A_274] : memref<13312xi32, #tpu.memory_space<vmem>> -> memref<512xi32, #tpu.memory_space<vmem>>
      %dma_start3A_276 = tpu.memref_slice %arg2[%run_scoped3A_79, %mul3A_69] : memref<26x16384xi32, #tpu.memory_space<hbm>> -> memref<1x512xi32, #tpu.memory_space<hbm>>
      %dma_start3A_277 = tpu.memref_squeeze %dma_start3A_276 : memref<1x512xi32, #tpu.memory_space<hbm>> -> memref<512xi32, #tpu.memory_space<hbm>>
      tpu.enqueue_dma source(%dma_start3A_277 : memref<512xi32, #tpu.memory_space<hbm>>) target(%dma_start3A_275 : memref<512xi32, #tpu.memory_space<vmem>>) target_semaphore(%run_scoped3A_269 : memref<!tpu.dma_semaphore, #tpu.memory_space<semaphore_mem>>)
      %dma_wait3A_278 = arith.constant 5120 : i32
      %dma_wait3A_279 = tpu.memref_slice %arg10[%dma_wait3A_278] : memref<13312xi32, #tpu.memory_space<vmem>> -> memref<512xi32, #tpu.memory_space<vmem>>
      %dma_wait3A_280 = tpu.memref_slice %arg2[%run_scoped3A_79, %mul3A_69] : memref<26x16384xi32, #tpu.memory_space<hbm>> -> memref<1x512xi32, #tpu.memory_space<hbm>>
      %dma_wait3A_281 = tpu.memref_squeeze %dma_wait3A_280 : memref<1x512xi32, #tpu.memory_space<hbm>> -> memref<512xi32, #tpu.memory_space<hbm>>
      %dma_wait3A_282 = arith.constant 5120 : i32
      %dma_wait3A_283 = tpu.memref_slice %arg10[%dma_wait3A_282] : memref<13312xi32, #tpu.memory_space<vmem>> -> memref<512xi32, #tpu.memory_space<vmem>>
      %dma_wait3A_284 = tpu.memref_slice %arg2[%run_scoped3A_79, %mul3A_69] : memref<26x16384xi32, #tpu.memory_space<hbm>> -> memref<1x512xi32, #tpu.memory_space<hbm>>
      %dma_wait3A_285 = tpu.memref_squeeze %dma_wait3A_284 : memref<1x512xi32, #tpu.memory_space<hbm>> -> memref<512xi32, #tpu.memory_space<hbm>>
      tpu.wait_dma2 semaphore(%run_scoped3A_269 : memref<!tpu.dma_semaphore, #tpu.memory_space<semaphore_mem>>) src(%dma_wait3A_285 : memref<512xi32, #tpu.memory_space<hbm>>) dst(%dma_wait3A_283 : memref<512xi32, #tpu.memory_space<vmem>>)
      tpu.yield
    }) : () -> ()
    %run_scoped3A_80 = arith.constant 11 : i32
    "tpu.region"() ({
      %run_scoped3A_269 = tpu.sem_alloc : memref<!tpu.dma_semaphore, #tpu.memory_space<semaphore_mem>>
      %dma_start3A_270 = arith.constant 5632 : i32
      %dma_start3A_271 = tpu.memref_slice %arg10[%dma_start3A_270] : memref<13312xi32, #tpu.memory_space<vmem>> -> memref<512xi32, #tpu.memory_space<vmem>>
      %dma_start3A_272 = tpu.memref_slice %arg2[%run_scoped3A_80, %mul3A_69] : memref<26x16384xi32, #tpu.memory_space<hbm>> -> memref<1x512xi32, #tpu.memory_space<hbm>>
      %dma_start3A_273 = tpu.memref_squeeze %dma_start3A_272 : memref<1x512xi32, #tpu.memory_space<hbm>> -> memref<512xi32, #tpu.memory_space<hbm>>
      %dma_start3A_274 = arith.constant 5632 : i32
      %dma_start3A_275 = tpu.memref_slice %arg10[%dma_start3A_274] : memref<13312xi32, #tpu.memory_space<vmem>> -> memref<512xi32, #tpu.memory_space<vmem>>
      %dma_start3A_276 = tpu.memref_slice %arg2[%run_scoped3A_80, %mul3A_69] : memref<26x16384xi32, #tpu.memory_space<hbm>> -> memref<1x512xi32, #tpu.memory_space<hbm>>
      %dma_start3A_277 = tpu.memref_squeeze %dma_start3A_276 : memref<1x512xi32, #tpu.memory_space<hbm>> -> memref<512xi32, #tpu.memory_space<hbm>>
      tpu.enqueue_dma source(%dma_start3A_277 : memref<512xi32, #tpu.memory_space<hbm>>) target(%dma_start3A_275 : memref<512xi32, #tpu.memory_space<vmem>>) target_semaphore(%run_scoped3A_269 : memref<!tpu.dma_semaphore, #tpu.memory_space<semaphore_mem>>)
      %dma_wait3A_278 = arith.constant 5632 : i32
      %dma_wait3A_279 = tpu.memref_slice %arg10[%dma_wait3A_278] : memref<13312xi32, #tpu.memory_space<vmem>> -> memref<512xi32, #tpu.memory_space<vmem>>
      %dma_wait3A_280 = tpu.memref_slice %arg2[%run_scoped3A_80, %mul3A_69] : memref<26x16384xi32, #tpu.memory_space<hbm>> -> memref<1x512xi32, #tpu.memory_space<hbm>>
      %dma_wait3A_281 = tpu.memref_squeeze %dma_wait3A_280 : memref<1x512xi32, #tpu.memory_space<hbm>> -> memref<512xi32, #tpu.memory_space<hbm>>
      %dma_wait3A_282 = arith.constant 5632 : i32
      %dma_wait3A_283 = tpu.memref_slice %arg10[%dma_wait3A_282] : memref<13312xi32, #tpu.memory_space<vmem>> -> memref<512xi32, #tpu.memory_space<vmem>>
      %dma_wait3A_284 = tpu.memref_slice %arg2[%run_scoped3A_80, %mul3A_69] : memref<26x16384xi32, #tpu.memory_space<hbm>> -> memref<1x512xi32, #tpu.memory_space<hbm>>
      %dma_wait3A_285 = tpu.memref_squeeze %dma_wait3A_284 : memref<1x512xi32, #tpu.memory_space<hbm>> -> memref<512xi32, #tpu.memory_space<hbm>>
      tpu.wait_dma2 semaphore(%run_scoped3A_269 : memref<!tpu.dma_semaphore, #tpu.memory_space<semaphore_mem>>) src(%dma_wait3A_285 : memref<512xi32, #tpu.memory_space<hbm>>) dst(%dma_wait3A_283 : memref<512xi32, #tpu.memory_space<vmem>>)
      tpu.yield
    }) : () -> ()
    %run_scoped3A_81 = arith.constant 12 : i32
    "tpu.region"() ({
      %run_scoped3A_269 = tpu.sem_alloc : memref<!tpu.dma_semaphore, #tpu.memory_space<semaphore_mem>>
      %dma_start3A_270 = arith.constant 6144 : i32
      %dma_start3A_271 = tpu.memref_slice %arg10[%dma_start3A_270] : memref<13312xi32, #tpu.memory_space<vmem>> -> memref<512xi32, #tpu.memory_space<vmem>>
      %dma_start3A_272 = tpu.memref_slice %arg2[%run_scoped3A_81, %mul3A_69] : memref<26x16384xi32, #tpu.memory_space<hbm>> -> memref<1x512xi32, #tpu.memory_space<hbm>>
      %dma_start3A_273 = tpu.memref_squeeze %dma_start3A_272 : memref<1x512xi32, #tpu.memory_space<hbm>> -> memref<512xi32, #tpu.memory_space<hbm>>
      %dma_start3A_274 = arith.constant 6144 : i32
      %dma_start3A_275 = tpu.memref_slice %arg10[%dma_start3A_274] : memref<13312xi32, #tpu.memory_space<vmem>> -> memref<512xi32, #tpu.memory_space<vmem>>
      %dma_start3A_276 = tpu.memref_slice %arg2[%run_scoped3A_81, %mul3A_69] : memref<26x16384xi32, #tpu.memory_space<hbm>> -> memref<1x512xi32, #tpu.memory_space<hbm>>
      %dma_start3A_277 = tpu.memref_squeeze %dma_start3A_276 : memref<1x512xi32, #tpu.memory_space<hbm>> -> memref<512xi32, #tpu.memory_space<hbm>>
      tpu.enqueue_dma source(%dma_start3A_277 : memref<512xi32, #tpu.memory_space<hbm>>) target(%dma_start3A_275 : memref<512xi32, #tpu.memory_space<vmem>>) target_semaphore(%run_scoped3A_269 : memref<!tpu.dma_semaphore, #tpu.memory_space<semaphore_mem>>)
      %dma_wait3A_278 = arith.constant 6144 : i32
      %dma_wait3A_279 = tpu.memref_slice %arg10[%dma_wait3A_278] : memref<13312xi32, #tpu.memory_space<vmem>> -> memref<512xi32, #tpu.memory_space<vmem>>
      %dma_wait3A_280 = tpu.memref_slice %arg2[%run_scoped3A_81, %mul3A_69] : memref<26x16384xi32, #tpu.memory_space<hbm>> -> memref<1x512xi32, #tpu.memory_space<hbm>>
      %dma_wait3A_281 = tpu.memref_squeeze %dma_wait3A_280 : memref<1x512xi32, #tpu.memory_space<hbm>> -> memref<512xi32, #tpu.memory_space<hbm>>
      %dma_wait3A_282 = arith.constant 6144 : i32
      %dma_wait3A_283 = tpu.memref_slice %arg10[%dma_wait3A_282] : memref<13312xi32, #tpu.memory_space<vmem>> -> memref<512xi32, #tpu.memory_space<vmem>>
      %dma_wait3A_284 = tpu.memref_slice %arg2[%run_scoped3A_81, %mul3A_69] : memref<26x16384xi32, #tpu.memory_space<hbm>> -> memref<1x512xi32, #tpu.memory_space<hbm>>
      %dma_wait3A_285 = tpu.memref_squeeze %dma_wait3A_284 : memref<1x512xi32, #tpu.memory_space<hbm>> -> memref<512xi32, #tpu.memory_space<hbm>>
      tpu.wait_dma2 semaphore(%run_scoped3A_269 : memref<!tpu.dma_semaphore, #tpu.memory_space<semaphore_mem>>) src(%dma_wait3A_285 : memref<512xi32, #tpu.memory_space<hbm>>) dst(%dma_wait3A_283 : memref<512xi32, #tpu.memory_space<vmem>>)
      tpu.yield
    }) : () -> ()
    %run_scoped3A_82 = arith.constant 13 : i32
    "tpu.region"() ({
      %run_scoped3A_269 = tpu.sem_alloc : memref<!tpu.dma_semaphore, #tpu.memory_space<semaphore_mem>>
      %dma_start3A_270 = arith.constant 6656 : i32
      %dma_start3A_271 = tpu.memref_slice %arg10[%dma_start3A_270] : memref<13312xi32, #tpu.memory_space<vmem>> -> memref<512xi32, #tpu.memory_space<vmem>>
      %dma_start3A_272 = tpu.memref_slice %arg2[%run_scoped3A_82, %mul3A_69] : memref<26x16384xi32, #tpu.memory_space<hbm>> -> memref<1x512xi32, #tpu.memory_space<hbm>>
      %dma_start3A_273 = tpu.memref_squeeze %dma_start3A_272 : memref<1x512xi32, #tpu.memory_space<hbm>> -> memref<512xi32, #tpu.memory_space<hbm>>
      %dma_start3A_274 = arith.constant 6656 : i32
      %dma_start3A_275 = tpu.memref_slice %arg10[%dma_start3A_274] : memref<13312xi32, #tpu.memory_space<vmem>> -> memref<512xi32, #tpu.memory_space<vmem>>
      %dma_start3A_276 = tpu.memref_slice %arg2[%run_scoped3A_82, %mul3A_69] : memref<26x16384xi32, #tpu.memory_space<hbm>> -> memref<1x512xi32, #tpu.memory_space<hbm>>
      %dma_start3A_277 = tpu.memref_squeeze %dma_start3A_276 : memref<1x512xi32, #tpu.memory_space<hbm>> -> memref<512xi32, #tpu.memory_space<hbm>>
      tpu.enqueue_dma source(%dma_start3A_277 : memref<512xi32, #tpu.memory_space<hbm>>) target(%dma_start3A_275 : memref<512xi32, #tpu.memory_space<vmem>>) target_semaphore(%run_scoped3A_269 : memref<!tpu.dma_semaphore, #tpu.memory_space<semaphore_mem>>)
      %dma_wait3A_278 = arith.constant 6656 : i32
      %dma_wait3A_279 = tpu.memref_slice %arg10[%dma_wait3A_278] : memref<13312xi32, #tpu.memory_space<vmem>> -> memref<512xi32, #tpu.memory_space<vmem>>
      %dma_wait3A_280 = tpu.memref_slice %arg2[%run_scoped3A_82, %mul3A_69] : memref<26x16384xi32, #tpu.memory_space<hbm>> -> memref<1x512xi32, #tpu.memory_space<hbm>>
      %dma_wait3A_281 = tpu.memref_squeeze %dma_wait3A_280 : memref<1x512xi32, #tpu.memory_space<hbm>> -> memref<512xi32, #tpu.memory_space<hbm>>
      %dma_wait3A_282 = arith.constant 6656 : i32
      %dma_wait3A_283 = tpu.memref_slice %arg10[%dma_wait3A_282] : memref<13312xi32, #tpu.memory_space<vmem>> -> memref<512xi32, #tpu.memory_space<vmem>>
      %dma_wait3A_284 = tpu.memref_slice %arg2[%run_scoped3A_82, %mul3A_69] : memref<26x16384xi32, #tpu.memory_space<hbm>> -> memref<1x512xi32, #tpu.memory_space<hbm>>
      %dma_wait3A_285 = tpu.memref_squeeze %dma_wait3A_284 : memref<1x512xi32, #tpu.memory_space<hbm>> -> memref<512xi32, #tpu.memory_space<hbm>>
      tpu.wait_dma2 semaphore(%run_scoped3A_269 : memref<!tpu.dma_semaphore, #tpu.memory_space<semaphore_mem>>) src(%dma_wait3A_285 : memref<512xi32, #tpu.memory_space<hbm>>) dst(%dma_wait3A_283 : memref<512xi32, #tpu.memory_space<vmem>>)
      tpu.yield
    }) : () -> ()
    %run_scoped3A_83 = arith.constant 14 : i32
    "tpu.region"() ({
      %run_scoped3A_269 = tpu.sem_alloc : memref<!tpu.dma_semaphore, #tpu.memory_space<semaphore_mem>>
      %dma_start3A_270 = arith.constant 7168 : i32
      %dma_start3A_271 = tpu.memref_slice %arg10[%dma_start3A_270] : memref<13312xi32, #tpu.memory_space<vmem>> -> memref<512xi32, #tpu.memory_space<vmem>>
      %dma_start3A_272 = tpu.memref_slice %arg2[%run_scoped3A_83, %mul3A_69] : memref<26x16384xi32, #tpu.memory_space<hbm>> -> memref<1x512xi32, #tpu.memory_space<hbm>>
      %dma_start3A_273 = tpu.memref_squeeze %dma_start3A_272 : memref<1x512xi32, #tpu.memory_space<hbm>> -> memref<512xi32, #tpu.memory_space<hbm>>
      %dma_start3A_274 = arith.constant 7168 : i32
      %dma_start3A_275 = tpu.memref_slice %arg10[%dma_start3A_274] : memref<13312xi32, #tpu.memory_space<vmem>> -> memref<512xi32, #tpu.memory_space<vmem>>
      %dma_start3A_276 = tpu.memref_slice %arg2[%run_scoped3A_83, %mul3A_69] : memref<26x16384xi32, #tpu.memory_space<hbm>> -> memref<1x512xi32, #tpu.memory_space<hbm>>
      %dma_start3A_277 = tpu.memref_squeeze %dma_start3A_276 : memref<1x512xi32, #tpu.memory_space<hbm>> -> memref<512xi32, #tpu.memory_space<hbm>>
      tpu.enqueue_dma source(%dma_start3A_277 : memref<512xi32, #tpu.memory_space<hbm>>) target(%dma_start3A_275 : memref<512xi32, #tpu.memory_space<vmem>>) target_semaphore(%run_scoped3A_269 : memref<!tpu.dma_semaphore, #tpu.memory_space<semaphore_mem>>)
      %dma_wait3A_278 = arith.constant 7168 : i32
      %dma_wait3A_279 = tpu.memref_slice %arg10[%dma_wait3A_278] : memref<13312xi32, #tpu.memory_space<vmem>> -> memref<512xi32, #tpu.memory_space<vmem>>
      %dma_wait3A_280 = tpu.memref_slice %arg2[%run_scoped3A_83, %mul3A_69] : memref<26x16384xi32, #tpu.memory_space<hbm>> -> memref<1x512xi32, #tpu.memory_space<hbm>>
      %dma_wait3A_281 = tpu.memref_squeeze %dma_wait3A_280 : memref<1x512xi32, #tpu.memory_space<hbm>> -> memref<512xi32, #tpu.memory_space<hbm>>
      %dma_wait3A_282 = arith.constant 7168 : i32
      %dma_wait3A_283 = tpu.memref_slice %arg10[%dma_wait3A_282] : memref<13312xi32, #tpu.memory_space<vmem>> -> memref<512xi32, #tpu.memory_space<vmem>>
      %dma_wait3A_284 = tpu.memref_slice %arg2[%run_scoped3A_83, %mul3A_69] : memref<26x16384xi32, #tpu.memory_space<hbm>> -> memref<1x512xi32, #tpu.memory_space<hbm>>
      %dma_wait3A_285 = tpu.memref_squeeze %dma_wait3A_284 : memref<1x512xi32, #tpu.memory_space<hbm>> -> memref<512xi32, #tpu.memory_space<hbm>>
      tpu.wait_dma2 semaphore(%run_scoped3A_269 : memref<!tpu.dma_semaphore, #tpu.memory_space<semaphore_mem>>) src(%dma_wait3A_285 : memref<512xi32, #tpu.memory_space<hbm>>) dst(%dma_wait3A_283 : memref<512xi32, #tpu.memory_space<vmem>>)
      tpu.yield
    }) : () -> ()
    %run_scoped3A_84 = arith.constant 15 : i32
    "tpu.region"() ({
      %run_scoped3A_269 = tpu.sem_alloc : memref<!tpu.dma_semaphore, #tpu.memory_space<semaphore_mem>>
      %dma_start3A_270 = arith.constant 7680 : i32
      %dma_start3A_271 = tpu.memref_slice %arg10[%dma_start3A_270] : memref<13312xi32, #tpu.memory_space<vmem>> -> memref<512xi32, #tpu.memory_space<vmem>>
      %dma_start3A_272 = tpu.memref_slice %arg2[%run_scoped3A_84, %mul3A_69] : memref<26x16384xi32, #tpu.memory_space<hbm>> -> memref<1x512xi32, #tpu.memory_space<hbm>>
      %dma_start3A_273 = tpu.memref_squeeze %dma_start3A_272 : memref<1x512xi32, #tpu.memory_space<hbm>> -> memref<512xi32, #tpu.memory_space<hbm>>
      %dma_start3A_274 = arith.constant 7680 : i32
      %dma_start3A_275 = tpu.memref_slice %arg10[%dma_start3A_274] : memref<13312xi32, #tpu.memory_space<vmem>> -> memref<512xi32, #tpu.memory_space<vmem>>
      %dma_start3A_276 = tpu.memref_slice %arg2[%run_scoped3A_84, %mul3A_69] : memref<26x16384xi32, #tpu.memory_space<hbm>> -> memref<1x512xi32, #tpu.memory_space<hbm>>
      %dma_start3A_277 = tpu.memref_squeeze %dma_start3A_276 : memref<1x512xi32, #tpu.memory_space<hbm>> -> memref<512xi32, #tpu.memory_space<hbm>>
      tpu.enqueue_dma source(%dma_start3A_277 : memref<512xi32, #tpu.memory_space<hbm>>) target(%dma_start3A_275 : memref<512xi32, #tpu.memory_space<vmem>>) target_semaphore(%run_scoped3A_269 : memref<!tpu.dma_semaphore, #tpu.memory_space<semaphore_mem>>)
      %dma_wait3A_278 = arith.constant 7680 : i32
      %dma_wait3A_279 = tpu.memref_slice %arg10[%dma_wait3A_278] : memref<13312xi32, #tpu.memory_space<vmem>> -> memref<512xi32, #tpu.memory_space<vmem>>
      %dma_wait3A_280 = tpu.memref_slice %arg2[%run_scoped3A_84, %mul3A_69] : memref<26x16384xi32, #tpu.memory_space<hbm>> -> memref<1x512xi32, #tpu.memory_space<hbm>>
      %dma_wait3A_281 = tpu.memref_squeeze %dma_wait3A_280 : memref<1x512xi32, #tpu.memory_space<hbm>> -> memref<512xi32, #tpu.memory_space<hbm>>
      %dma_wait3A_282 = arith.constant 7680 : i32
      %dma_wait3A_283 = tpu.memref_slice %arg10[%dma_wait3A_282] : memref<13312xi32, #tpu.memory_space<vmem>> -> memref<512xi32, #tpu.memory_space<vmem>>
      %dma_wait3A_284 = tpu.memref_slice %arg2[%run_scoped3A_84, %mul3A_69] : memref<26x16384xi32, #tpu.memory_space<hbm>> -> memref<1x512xi32, #tpu.memory_space<hbm>>
      %dma_wait3A_285 = tpu.memref_squeeze %dma_wait3A_284 : memref<1x512xi32, #tpu.memory_space<hbm>> -> memref<512xi32, #tpu.memory_space<hbm>>
      tpu.wait_dma2 semaphore(%run_scoped3A_269 : memref<!tpu.dma_semaphore, #tpu.memory_space<semaphore_mem>>) src(%dma_wait3A_285 : memref<512xi32, #tpu.memory_space<hbm>>) dst(%dma_wait3A_283 : memref<512xi32, #tpu.memory_space<vmem>>)
      tpu.yield
    }) : () -> ()
    %run_scoped3A_85 = arith.constant 16 : i32
    "tpu.region"() ({
      %run_scoped3A_269 = tpu.sem_alloc : memref<!tpu.dma_semaphore, #tpu.memory_space<semaphore_mem>>
      %dma_start3A_270 = arith.constant 8192 : i32
      %dma_start3A_271 = tpu.memref_slice %arg10[%dma_start3A_270] : memref<13312xi32, #tpu.memory_space<vmem>> -> memref<512xi32, #tpu.memory_space<vmem>>
      %dma_start3A_272 = tpu.memref_slice %arg2[%run_scoped3A_85, %mul3A_69] : memref<26x16384xi32, #tpu.memory_space<hbm>> -> memref<1x512xi32, #tpu.memory_space<hbm>>
      %dma_start3A_273 = tpu.memref_squeeze %dma_start3A_272 : memref<1x512xi32, #tpu.memory_space<hbm>> -> memref<512xi32, #tpu.memory_space<hbm>>
      %dma_start3A_274 = arith.constant 8192 : i32
      %dma_start3A_275 = tpu.memref_slice %arg10[%dma_start3A_274] : memref<13312xi32, #tpu.memory_space<vmem>> -> memref<512xi32, #tpu.memory_space<vmem>>
      %dma_start3A_276 = tpu.memref_slice %arg2[%run_scoped3A_85, %mul3A_69] : memref<26x16384xi32, #tpu.memory_space<hbm>> -> memref<1x512xi32, #tpu.memory_space<hbm>>
      %dma_start3A_277 = tpu.memref_squeeze %dma_start3A_276 : memref<1x512xi32, #tpu.memory_space<hbm>> -> memref<512xi32, #tpu.memory_space<hbm>>
      tpu.enqueue_dma source(%dma_start3A_277 : memref<512xi32, #tpu.memory_space<hbm>>) target(%dma_start3A_275 : memref<512xi32, #tpu.memory_space<vmem>>) target_semaphore(%run_scoped3A_269 : memref<!tpu.dma_semaphore, #tpu.memory_space<semaphore_mem>>)
      %dma_wait3A_278 = arith.constant 8192 : i32
      %dma_wait3A_279 = tpu.memref_slice %arg10[%dma_wait3A_278] : memref<13312xi32, #tpu.memory_space<vmem>> -> memref<512xi32, #tpu.memory_space<vmem>>
      %dma_wait3A_280 = tpu.memref_slice %arg2[%run_scoped3A_85, %mul3A_69] : memref<26x16384xi32, #tpu.memory_space<hbm>> -> memref<1x512xi32, #tpu.memory_space<hbm>>
      %dma_wait3A_281 = tpu.memref_squeeze %dma_wait3A_280 : memref<1x512xi32, #tpu.memory_space<hbm>> -> memref<512xi32, #tpu.memory_space<hbm>>
      %dma_wait3A_282 = arith.constant 8192 : i32
      %dma_wait3A_283 = tpu.memref_slice %arg10[%dma_wait3A_282] : memref<13312xi32, #tpu.memory_space<vmem>> -> memref<512xi32, #tpu.memory_space<vmem>>
      %dma_wait3A_284 = tpu.memref_slice %arg2[%run_scoped3A_85, %mul3A_69] : memref<26x16384xi32, #tpu.memory_space<hbm>> -> memref<1x512xi32, #tpu.memory_space<hbm>>
      %dma_wait3A_285 = tpu.memref_squeeze %dma_wait3A_284 : memref<1x512xi32, #tpu.memory_space<hbm>> -> memref<512xi32, #tpu.memory_space<hbm>>
      tpu.wait_dma2 semaphore(%run_scoped3A_269 : memref<!tpu.dma_semaphore, #tpu.memory_space<semaphore_mem>>) src(%dma_wait3A_285 : memref<512xi32, #tpu.memory_space<hbm>>) dst(%dma_wait3A_283 : memref<512xi32, #tpu.memory_space<vmem>>)
      tpu.yield
    }) : () -> ()
    %run_scoped3A_86 = arith.constant 17 : i32
    "tpu.region"() ({
      %run_scoped3A_269 = tpu.sem_alloc : memref<!tpu.dma_semaphore, #tpu.memory_space<semaphore_mem>>
      %dma_start3A_270 = arith.constant 8704 : i32
      %dma_start3A_271 = tpu.memref_slice %arg10[%dma_start3A_270] : memref<13312xi32, #tpu.memory_space<vmem>> -> memref<512xi32, #tpu.memory_space<vmem>>
      %dma_start3A_272 = tpu.memref_slice %arg2[%run_scoped3A_86, %mul3A_69] : memref<26x16384xi32, #tpu.memory_space<hbm>> -> memref<1x512xi32, #tpu.memory_space<hbm>>
      %dma_start3A_273 = tpu.memref_squeeze %dma_start3A_272 : memref<1x512xi32, #tpu.memory_space<hbm>> -> memref<512xi32, #tpu.memory_space<hbm>>
      %dma_start3A_274 = arith.constant 8704 : i32
      %dma_start3A_275 = tpu.memref_slice %arg10[%dma_start3A_274] : memref<13312xi32, #tpu.memory_space<vmem>> -> memref<512xi32, #tpu.memory_space<vmem>>
      %dma_start3A_276 = tpu.memref_slice %arg2[%run_scoped3A_86, %mul3A_69] : memref<26x16384xi32, #tpu.memory_space<hbm>> -> memref<1x512xi32, #tpu.memory_space<hbm>>
      %dma_start3A_277 = tpu.memref_squeeze %dma_start3A_276 : memref<1x512xi32, #tpu.memory_space<hbm>> -> memref<512xi32, #tpu.memory_space<hbm>>
      tpu.enqueue_dma source(%dma_start3A_277 : memref<512xi32, #tpu.memory_space<hbm>>) target(%dma_start3A_275 : memref<512xi32, #tpu.memory_space<vmem>>) target_semaphore(%run_scoped3A_269 : memref<!tpu.dma_semaphore, #tpu.memory_space<semaphore_mem>>)
      %dma_wait3A_278 = arith.constant 8704 : i32
      %dma_wait3A_279 = tpu.memref_slice %arg10[%dma_wait3A_278] : memref<13312xi32, #tpu.memory_space<vmem>> -> memref<512xi32, #tpu.memory_space<vmem>>
      %dma_wait3A_280 = tpu.memref_slice %arg2[%run_scoped3A_86, %mul3A_69] : memref<26x16384xi32, #tpu.memory_space<hbm>> -> memref<1x512xi32, #tpu.memory_space<hbm>>
      %dma_wait3A_281 = tpu.memref_squeeze %dma_wait3A_280 : memref<1x512xi32, #tpu.memory_space<hbm>> -> memref<512xi32, #tpu.memory_space<hbm>>
      %dma_wait3A_282 = arith.constant 8704 : i32
      %dma_wait3A_283 = tpu.memref_slice %arg10[%dma_wait3A_282] : memref<13312xi32, #tpu.memory_space<vmem>> -> memref<512xi32, #tpu.memory_space<vmem>>
      %dma_wait3A_284 = tpu.memref_slice %arg2[%run_scoped3A_86, %mul3A_69] : memref<26x16384xi32, #tpu.memory_space<hbm>> -> memref<1x512xi32, #tpu.memory_space<hbm>>
      %dma_wait3A_285 = tpu.memref_squeeze %dma_wait3A_284 : memref<1x512xi32, #tpu.memory_space<hbm>> -> memref<512xi32, #tpu.memory_space<hbm>>
      tpu.wait_dma2 semaphore(%run_scoped3A_269 : memref<!tpu.dma_semaphore, #tpu.memory_space<semaphore_mem>>) src(%dma_wait3A_285 : memref<512xi32, #tpu.memory_space<hbm>>) dst(%dma_wait3A_283 : memref<512xi32, #tpu.memory_space<vmem>>)
      tpu.yield
    }) : () -> ()
    %run_scoped3A_87 = arith.constant 18 : i32
    "tpu.region"() ({
      %run_scoped3A_269 = tpu.sem_alloc : memref<!tpu.dma_semaphore, #tpu.memory_space<semaphore_mem>>
      %dma_start3A_270 = arith.constant 9216 : i32
      %dma_start3A_271 = tpu.memref_slice %arg10[%dma_start3A_270] : memref<13312xi32, #tpu.memory_space<vmem>> -> memref<512xi32, #tpu.memory_space<vmem>>
      %dma_start3A_272 = tpu.memref_slice %arg2[%run_scoped3A_87, %mul3A_69] : memref<26x16384xi32, #tpu.memory_space<hbm>> -> memref<1x512xi32, #tpu.memory_space<hbm>>
      %dma_start3A_273 = tpu.memref_squeeze %dma_start3A_272 : memref<1x512xi32, #tpu.memory_space<hbm>> -> memref<512xi32, #tpu.memory_space<hbm>>
      %dma_start3A_274 = arith.constant 9216 : i32
      %dma_start3A_275 = tpu.memref_slice %arg10[%dma_start3A_274] : memref<13312xi32, #tpu.memory_space<vmem>> -> memref<512xi32, #tpu.memory_space<vmem>>
      %dma_start3A_276 = tpu.memref_slice %arg2[%run_scoped3A_87, %mul3A_69] : memref<26x16384xi32, #tpu.memory_space<hbm>> -> memref<1x512xi32, #tpu.memory_space<hbm>>
      %dma_start3A_277 = tpu.memref_squeeze %dma_start3A_276 : memref<1x512xi32, #tpu.memory_space<hbm>> -> memref<512xi32, #tpu.memory_space<hbm>>
      tpu.enqueue_dma source(%dma_start3A_277 : memref<512xi32, #tpu.memory_space<hbm>>) target(%dma_start3A_275 : memref<512xi32, #tpu.memory_space<vmem>>) target_semaphore(%run_scoped3A_269 : memref<!tpu.dma_semaphore, #tpu.memory_space<semaphore_mem>>)
      %dma_wait3A_278 = arith.constant 9216 : i32
      %dma_wait3A_279 = tpu.memref_slice %arg10[%dma_wait3A_278] : memref<13312xi32, #tpu.memory_space<vmem>> -> memref<512xi32, #tpu.memory_space<vmem>>
      %dma_wait3A_280 = tpu.memref_slice %arg2[%run_scoped3A_87, %mul3A_69] : memref<26x16384xi32, #tpu.memory_space<hbm>> -> memref<1x512xi32, #tpu.memory_space<hbm>>
      %dma_wait3A_281 = tpu.memref_squeeze %dma_wait3A_280 : memref<1x512xi32, #tpu.memory_space<hbm>> -> memref<512xi32, #tpu.memory_space<hbm>>
      %dma_wait3A_282 = arith.constant 9216 : i32
      %dma_wait3A_283 = tpu.memref_slice %arg10[%dma_wait3A_282] : memref<13312xi32, #tpu.memory_space<vmem>> -> memref<512xi32, #tpu.memory_space<vmem>>
      %dma_wait3A_284 = tpu.memref_slice %arg2[%run_scoped3A_87, %mul3A_69] : memref<26x16384xi32, #tpu.memory_space<hbm>> -> memref<1x512xi32, #tpu.memory_space<hbm>>
      %dma_wait3A_285 = tpu.memref_squeeze %dma_wait3A_284 : memref<1x512xi32, #tpu.memory_space<hbm>> -> memref<512xi32, #tpu.memory_space<hbm>>
      tpu.wait_dma2 semaphore(%run_scoped3A_269 : memref<!tpu.dma_semaphore, #tpu.memory_space<semaphore_mem>>) src(%dma_wait3A_285 : memref<512xi32, #tpu.memory_space<hbm>>) dst(%dma_wait3A_283 : memref<512xi32, #tpu.memory_space<vmem>>)
      tpu.yield
    }) : () -> ()
    %run_scoped3A_88 = arith.constant 19 : i32
    "tpu.region"() ({
      %run_scoped3A_269 = tpu.sem_alloc : memref<!tpu.dma_semaphore, #tpu.memory_space<semaphore_mem>>
      %dma_start3A_270 = arith.constant 9728 : i32
      %dma_start3A_271 = tpu.memref_slice %arg10[%dma_start3A_270] : memref<13312xi32, #tpu.memory_space<vmem>> -> memref<512xi32, #tpu.memory_space<vmem>>
      %dma_start3A_272 = tpu.memref_slice %arg2[%run_scoped3A_88, %mul3A_69] : memref<26x16384xi32, #tpu.memory_space<hbm>> -> memref<1x512xi32, #tpu.memory_space<hbm>>
      %dma_start3A_273 = tpu.memref_squeeze %dma_start3A_272 : memref<1x512xi32, #tpu.memory_space<hbm>> -> memref<512xi32, #tpu.memory_space<hbm>>
      %dma_start3A_274 = arith.constant 9728 : i32
      %dma_start3A_275 = tpu.memref_slice %arg10[%dma_start3A_274] : memref<13312xi32, #tpu.memory_space<vmem>> -> memref<512xi32, #tpu.memory_space<vmem>>
      %dma_start3A_276 = tpu.memref_slice %arg2[%run_scoped3A_88, %mul3A_69] : memref<26x16384xi32, #tpu.memory_space<hbm>> -> memref<1x512xi32, #tpu.memory_space<hbm>>
      %dma_start3A_277 = tpu.memref_squeeze %dma_start3A_276 : memref<1x512xi32, #tpu.memory_space<hbm>> -> memref<512xi32, #tpu.memory_space<hbm>>
      tpu.enqueue_dma source(%dma_start3A_277 : memref<512xi32, #tpu.memory_space<hbm>>) target(%dma_start3A_275 : memref<512xi32, #tpu.memory_space<vmem>>) target_semaphore(%run_scoped3A_269 : memref<!tpu.dma_semaphore, #tpu.memory_space<semaphore_mem>>)
      %dma_wait3A_278 = arith.constant 9728 : i32
      %dma_wait3A_279 = tpu.memref_slice %arg10[%dma_wait3A_278] : memref<13312xi32, #tpu.memory_space<vmem>> -> memref<512xi32, #tpu.memory_space<vmem>>
      %dma_wait3A_280 = tpu.memref_slice %arg2[%run_scoped3A_88, %mul3A_69] : memref<26x16384xi32, #tpu.memory_space<hbm>> -> memref<1x512xi32, #tpu.memory_space<hbm>>
      %dma_wait3A_281 = tpu.memref_squeeze %dma_wait3A_280 : memref<1x512xi32, #tpu.memory_space<hbm>> -> memref<512xi32, #tpu.memory_space<hbm>>
      %dma_wait3A_282 = arith.constant 9728 : i32
      %dma_wait3A_283 = tpu.memref_slice %arg10[%dma_wait3A_282] : memref<13312xi32, #tpu.memory_space<vmem>> -> memref<512xi32, #tpu.memory_space<vmem>>
      %dma_wait3A_284 = tpu.memref_slice %arg2[%run_scoped3A_88, %mul3A_69] : memref<26x16384xi32, #tpu.memory_space<hbm>> -> memref<1x512xi32, #tpu.memory_space<hbm>>
      %dma_wait3A_285 = tpu.memref_squeeze %dma_wait3A_284 : memref<1x512xi32, #tpu.memory_space<hbm>> -> memref<512xi32, #tpu.memory_space<hbm>>
      tpu.wait_dma2 semaphore(%run_scoped3A_269 : memref<!tpu.dma_semaphore, #tpu.memory_space<semaphore_mem>>) src(%dma_wait3A_285 : memref<512xi32, #tpu.memory_space<hbm>>) dst(%dma_wait3A_283 : memref<512xi32, #tpu.memory_space<vmem>>)
      tpu.yield
    }) : () -> ()
    %run_scoped3A_89 = arith.constant 20 : i32
    "tpu.region"() ({
      %run_scoped3A_269 = tpu.sem_alloc : memref<!tpu.dma_semaphore, #tpu.memory_space<semaphore_mem>>
      %dma_start3A_270 = arith.constant 10240 : i32
      %dma_start3A_271 = tpu.memref_slice %arg10[%dma_start3A_270] : memref<13312xi32, #tpu.memory_space<vmem>> -> memref<512xi32, #tpu.memory_space<vmem>>
      %dma_start3A_272 = tpu.memref_slice %arg2[%run_scoped3A_89, %mul3A_69] : memref<26x16384xi32, #tpu.memory_space<hbm>> -> memref<1x512xi32, #tpu.memory_space<hbm>>
      %dma_start3A_273 = tpu.memref_squeeze %dma_start3A_272 : memref<1x512xi32, #tpu.memory_space<hbm>> -> memref<512xi32, #tpu.memory_space<hbm>>
      %dma_start3A_274 = arith.constant 10240 : i32
      %dma_start3A_275 = tpu.memref_slice %arg10[%dma_start3A_274] : memref<13312xi32, #tpu.memory_space<vmem>> -> memref<512xi32, #tpu.memory_space<vmem>>
      %dma_start3A_276 = tpu.memref_slice %arg2[%run_scoped3A_89, %mul3A_69] : memref<26x16384xi32, #tpu.memory_space<hbm>> -> memref<1x512xi32, #tpu.memory_space<hbm>>
      %dma_start3A_277 = tpu.memref_squeeze %dma_start3A_276 : memref<1x512xi32, #tpu.memory_space<hbm>> -> memref<512xi32, #tpu.memory_space<hbm>>
      tpu.enqueue_dma source(%dma_start3A_277 : memref<512xi32, #tpu.memory_space<hbm>>) target(%dma_start3A_275 : memref<512xi32, #tpu.memory_space<vmem>>) target_semaphore(%run_scoped3A_269 : memref<!tpu.dma_semaphore, #tpu.memory_space<semaphore_mem>>)
      %dma_wait3A_278 = arith.constant 10240 : i32
      %dma_wait3A_279 = tpu.memref_slice %arg10[%dma_wait3A_278] : memref<13312xi32, #tpu.memory_space<vmem>> -> memref<512xi32, #tpu.memory_space<vmem>>
      %dma_wait3A_280 = tpu.memref_slice %arg2[%run_scoped3A_89, %mul3A_69] : memref<26x16384xi32, #tpu.memory_space<hbm>> -> memref<1x512xi32, #tpu.memory_space<hbm>>
      %dma_wait3A_281 = tpu.memref_squeeze %dma_wait3A_280 : memref<1x512xi32, #tpu.memory_space<hbm>> -> memref<512xi32, #tpu.memory_space<hbm>>
      %dma_wait3A_282 = arith.constant 10240 : i32
      %dma_wait3A_283 = tpu.memref_slice %arg10[%dma_wait3A_282] : memref<13312xi32, #tpu.memory_space<vmem>> -> memref<512xi32, #tpu.memory_space<vmem>>
      %dma_wait3A_284 = tpu.memref_slice %arg2[%run_scoped3A_89, %mul3A_69] : memref<26x16384xi32, #tpu.memory_space<hbm>> -> memref<1x512xi32, #tpu.memory_space<hbm>>
      %dma_wait3A_285 = tpu.memref_squeeze %dma_wait3A_284 : memref<1x512xi32, #tpu.memory_space<hbm>> -> memref<512xi32, #tpu.memory_space<hbm>>
      tpu.wait_dma2 semaphore(%run_scoped3A_269 : memref<!tpu.dma_semaphore, #tpu.memory_space<semaphore_mem>>) src(%dma_wait3A_285 : memref<512xi32, #tpu.memory_space<hbm>>) dst(%dma_wait3A_283 : memref<512xi32, #tpu.memory_space<vmem>>)
      tpu.yield
    }) : () -> ()
    %run_scoped3A_90 = arith.constant 21 : i32
    "tpu.region"() ({
      %run_scoped3A_269 = tpu.sem_alloc : memref<!tpu.dma_semaphore, #tpu.memory_space<semaphore_mem>>
      %dma_start3A_270 = arith.constant 10752 : i32
      %dma_start3A_271 = tpu.memref_slice %arg10[%dma_start3A_270] : memref<13312xi32, #tpu.memory_space<vmem>> -> memref<512xi32, #tpu.memory_space<vmem>>
      %dma_start3A_272 = tpu.memref_slice %arg2[%run_scoped3A_90, %mul3A_69] : memref<26x16384xi32, #tpu.memory_space<hbm>> -> memref<1x512xi32, #tpu.memory_space<hbm>>
      %dma_start3A_273 = tpu.memref_squeeze %dma_start3A_272 : memref<1x512xi32, #tpu.memory_space<hbm>> -> memref<512xi32, #tpu.memory_space<hbm>>
      %dma_start3A_274 = arith.constant 10752 : i32
      %dma_start3A_275 = tpu.memref_slice %arg10[%dma_start3A_274] : memref<13312xi32, #tpu.memory_space<vmem>> -> memref<512xi32, #tpu.memory_space<vmem>>
      %dma_start3A_276 = tpu.memref_slice %arg2[%run_scoped3A_90, %mul3A_69] : memref<26x16384xi32, #tpu.memory_space<hbm>> -> memref<1x512xi32, #tpu.memory_space<hbm>>
      %dma_start3A_277 = tpu.memref_squeeze %dma_start3A_276 : memref<1x512xi32, #tpu.memory_space<hbm>> -> memref<512xi32, #tpu.memory_space<hbm>>
      tpu.enqueue_dma source(%dma_start3A_277 : memref<512xi32, #tpu.memory_space<hbm>>) target(%dma_start3A_275 : memref<512xi32, #tpu.memory_space<vmem>>) target_semaphore(%run_scoped3A_269 : memref<!tpu.dma_semaphore, #tpu.memory_space<semaphore_mem>>)
      %dma_wait3A_278 = arith.constant 10752 : i32
      %dma_wait3A_279 = tpu.memref_slice %arg10[%dma_wait3A_278] : memref<13312xi32, #tpu.memory_space<vmem>> -> memref<512xi32, #tpu.memory_space<vmem>>
      %dma_wait3A_280 = tpu.memref_slice %arg2[%run_scoped3A_90, %mul3A_69] : memref<26x16384xi32, #tpu.memory_space<hbm>> -> memref<1x512xi32, #tpu.memory_space<hbm>>
      %dma_wait3A_281 = tpu.memref_squeeze %dma_wait3A_280 : memref<1x512xi32, #tpu.memory_space<hbm>> -> memref<512xi32, #tpu.memory_space<hbm>>
      %dma_wait3A_282 = arith.constant 10752 : i32
      %dma_wait3A_283 = tpu.memref_slice %arg10[%dma_wait3A_282] : memref<13312xi32, #tpu.memory_space<vmem>> -> memref<512xi32, #tpu.memory_space<vmem>>
      %dma_wait3A_284 = tpu.memref_slice %arg2[%run_scoped3A_90, %mul3A_69] : memref<26x16384xi32, #tpu.memory_space<hbm>> -> memref<1x512xi32, #tpu.memory_space<hbm>>
      %dma_wait3A_285 = tpu.memref_squeeze %dma_wait3A_284 : memref<1x512xi32, #tpu.memory_space<hbm>> -> memref<512xi32, #tpu.memory_space<hbm>>
      tpu.wait_dma2 semaphore(%run_scoped3A_269 : memref<!tpu.dma_semaphore, #tpu.memory_space<semaphore_mem>>) src(%dma_wait3A_285 : memref<512xi32, #tpu.memory_space<hbm>>) dst(%dma_wait3A_283 : memref<512xi32, #tpu.memory_space<vmem>>)
      tpu.yield
    }) : () -> ()
    %run_scoped3A_91 = arith.constant 22 : i32
    "tpu.region"() ({
      %run_scoped3A_269 = tpu.sem_alloc : memref<!tpu.dma_semaphore, #tpu.memory_space<semaphore_mem>>
      %dma_start3A_270 = arith.constant 11264 : i32
      %dma_start3A_271 = tpu.memref_slice %arg10[%dma_start3A_270] : memref<13312xi32, #tpu.memory_space<vmem>> -> memref<512xi32, #tpu.memory_space<vmem>>
      %dma_start3A_272 = tpu.memref_slice %arg2[%run_scoped3A_91, %mul3A_69] : memref<26x16384xi32, #tpu.memory_space<hbm>> -> memref<1x512xi32, #tpu.memory_space<hbm>>
      %dma_start3A_273 = tpu.memref_squeeze %dma_start3A_272 : memref<1x512xi32, #tpu.memory_space<hbm>> -> memref<512xi32, #tpu.memory_space<hbm>>
      %dma_start3A_274 = arith.constant 11264 : i32
      %dma_start3A_275 = tpu.memref_slice %arg10[%dma_start3A_274] : memref<13312xi32, #tpu.memory_space<vmem>> -> memref<512xi32, #tpu.memory_space<vmem>>
      %dma_start3A_276 = tpu.memref_slice %arg2[%run_scoped3A_91, %mul3A_69] : memref<26x16384xi32, #tpu.memory_space<hbm>> -> memref<1x512xi32, #tpu.memory_space<hbm>>
      %dma_start3A_277 = tpu.memref_squeeze %dma_start3A_276 : memref<1x512xi32, #tpu.memory_space<hbm>> -> memref<512xi32, #tpu.memory_space<hbm>>
      tpu.enqueue_dma source(%dma_start3A_277 : memref<512xi32, #tpu.memory_space<hbm>>) target(%dma_start3A_275 : memref<512xi32, #tpu.memory_space<vmem>>) target_semaphore(%run_scoped3A_269 : memref<!tpu.dma_semaphore, #tpu.memory_space<semaphore_mem>>)
      %dma_wait3A_278 = arith.constant 11264 : i32
      %dma_wait3A_279 = tpu.memref_slice %arg10[%dma_wait3A_278] : memref<13312xi32, #tpu.memory_space<vmem>> -> memref<512xi32, #tpu.memory_space<vmem>>
      %dma_wait3A_280 = tpu.memref_slice %arg2[%run_scoped3A_91, %mul3A_69] : memref<26x16384xi32, #tpu.memory_space<hbm>> -> memref<1x512xi32, #tpu.memory_space<hbm>>
      %dma_wait3A_281 = tpu.memref_squeeze %dma_wait3A_280 : memref<1x512xi32, #tpu.memory_space<hbm>> -> memref<512xi32, #tpu.memory_space<hbm>>
      %dma_wait3A_282 = arith.constant 11264 : i32
      %dma_wait3A_283 = tpu.memref_slice %arg10[%dma_wait3A_282] : memref<13312xi32, #tpu.memory_space<vmem>> -> memref<512xi32, #tpu.memory_space<vmem>>
      %dma_wait3A_284 = tpu.memref_slice %arg2[%run_scoped3A_91, %mul3A_69] : memref<26x16384xi32, #tpu.memory_space<hbm>> -> memref<1x512xi32, #tpu.memory_space<hbm>>
      %dma_wait3A_285 = tpu.memref_squeeze %dma_wait3A_284 : memref<1x512xi32, #tpu.memory_space<hbm>> -> memref<512xi32, #tpu.memory_space<hbm>>
      tpu.wait_dma2 semaphore(%run_scoped3A_269 : memref<!tpu.dma_semaphore, #tpu.memory_space<semaphore_mem>>) src(%dma_wait3A_285 : memref<512xi32, #tpu.memory_space<hbm>>) dst(%dma_wait3A_283 : memref<512xi32, #tpu.memory_space<vmem>>)
      tpu.yield
    }) : () -> ()
    %run_scoped3A_92 = arith.constant 23 : i32
    "tpu.region"() ({
      %run_scoped3A_269 = tpu.sem_alloc : memref<!tpu.dma_semaphore, #tpu.memory_space<semaphore_mem>>
      %dma_start3A_270 = arith.constant 11776 : i32
      %dma_start3A_271 = tpu.memref_slice %arg10[%dma_start3A_270] : memref<13312xi32, #tpu.memory_space<vmem>> -> memref<512xi32, #tpu.memory_space<vmem>>
      %dma_start3A_272 = tpu.memref_slice %arg2[%run_scoped3A_92, %mul3A_69] : memref<26x16384xi32, #tpu.memory_space<hbm>> -> memref<1x512xi32, #tpu.memory_space<hbm>>
      %dma_start3A_273 = tpu.memref_squeeze %dma_start3A_272 : memref<1x512xi32, #tpu.memory_space<hbm>> -> memref<512xi32, #tpu.memory_space<hbm>>
      %dma_start3A_274 = arith.constant 11776 : i32
      %dma_start3A_275 = tpu.memref_slice %arg10[%dma_start3A_274] : memref<13312xi32, #tpu.memory_space<vmem>> -> memref<512xi32, #tpu.memory_space<vmem>>
      %dma_start3A_276 = tpu.memref_slice %arg2[%run_scoped3A_92, %mul3A_69] : memref<26x16384xi32, #tpu.memory_space<hbm>> -> memref<1x512xi32, #tpu.memory_space<hbm>>
      %dma_start3A_277 = tpu.memref_squeeze %dma_start3A_276 : memref<1x512xi32, #tpu.memory_space<hbm>> -> memref<512xi32, #tpu.memory_space<hbm>>
      tpu.enqueue_dma source(%dma_start3A_277 : memref<512xi32, #tpu.memory_space<hbm>>) target(%dma_start3A_275 : memref<512xi32, #tpu.memory_space<vmem>>) target_semaphore(%run_scoped3A_269 : memref<!tpu.dma_semaphore, #tpu.memory_space<semaphore_mem>>)
      %dma_wait3A_278 = arith.constant 11776 : i32
      %dma_wait3A_279 = tpu.memref_slice %arg10[%dma_wait3A_278] : memref<13312xi32, #tpu.memory_space<vmem>> -> memref<512xi32, #tpu.memory_space<vmem>>
      %dma_wait3A_280 = tpu.memref_slice %arg2[%run_scoped3A_92, %mul3A_69] : memref<26x16384xi32, #tpu.memory_space<hbm>> -> memref<1x512xi32, #tpu.memory_space<hbm>>
      %dma_wait3A_281 = tpu.memref_squeeze %dma_wait3A_280 : memref<1x512xi32, #tpu.memory_space<hbm>> -> memref<512xi32, #tpu.memory_space<hbm>>
      %dma_wait3A_282 = arith.constant 11776 : i32
      %dma_wait3A_283 = tpu.memref_slice %arg10[%dma_wait3A_282] : memref<13312xi32, #tpu.memory_space<vmem>> -> memref<512xi32, #tpu.memory_space<vmem>>
      %dma_wait3A_284 = tpu.memref_slice %arg2[%run_scoped3A_92, %mul3A_69] : memref<26x16384xi32, #tpu.memory_space<hbm>> -> memref<1x512xi32, #tpu.memory_space<hbm>>
      %dma_wait3A_285 = tpu.memref_squeeze %dma_wait3A_284 : memref<1x512xi32, #tpu.memory_space<hbm>> -> memref<512xi32, #tpu.memory_space<hbm>>
      tpu.wait_dma2 semaphore(%run_scoped3A_269 : memref<!tpu.dma_semaphore, #tpu.memory_space<semaphore_mem>>) src(%dma_wait3A_285 : memref<512xi32, #tpu.memory_space<hbm>>) dst(%dma_wait3A_283 : memref<512xi32, #tpu.memory_space<vmem>>)
      tpu.yield
    }) : () -> ()
    %run_scoped3A_93 = arith.constant 24 : i32
    "tpu.region"() ({
      %run_scoped3A_269 = tpu.sem_alloc : memref<!tpu.dma_semaphore, #tpu.memory_space<semaphore_mem>>
      %dma_start3A_270 = arith.constant 12288 : i32
      %dma_start3A_271 = tpu.memref_slice %arg10[%dma_start3A_270] : memref<13312xi32, #tpu.memory_space<vmem>> -> memref<512xi32, #tpu.memory_space<vmem>>
      %dma_start3A_272 = tpu.memref_slice %arg2[%run_scoped3A_93, %mul3A_69] : memref<26x16384xi32, #tpu.memory_space<hbm>> -> memref<1x512xi32, #tpu.memory_space<hbm>>
      %dma_start3A_273 = tpu.memref_squeeze %dma_start3A_272 : memref<1x512xi32, #tpu.memory_space<hbm>> -> memref<512xi32, #tpu.memory_space<hbm>>
      %dma_start3A_274 = arith.constant 12288 : i32
      %dma_start3A_275 = tpu.memref_slice %arg10[%dma_start3A_274] : memref<13312xi32, #tpu.memory_space<vmem>> -> memref<512xi32, #tpu.memory_space<vmem>>
      %dma_start3A_276 = tpu.memref_slice %arg2[%run_scoped3A_93, %mul3A_69] : memref<26x16384xi32, #tpu.memory_space<hbm>> -> memref<1x512xi32, #tpu.memory_space<hbm>>
      %dma_start3A_277 = tpu.memref_squeeze %dma_start3A_276 : memref<1x512xi32, #tpu.memory_space<hbm>> -> memref<512xi32, #tpu.memory_space<hbm>>
      tpu.enqueue_dma source(%dma_start3A_277 : memref<512xi32, #tpu.memory_space<hbm>>) target(%dma_start3A_275 : memref<512xi32, #tpu.memory_space<vmem>>) target_semaphore(%run_scoped3A_269 : memref<!tpu.dma_semaphore, #tpu.memory_space<semaphore_mem>>)
      %dma_wait3A_278 = arith.constant 12288 : i32
      %dma_wait3A_279 = tpu.memref_slice %arg10[%dma_wait3A_278] : memref<13312xi32, #tpu.memory_space<vmem>> -> memref<512xi32, #tpu.memory_space<vmem>>
      %dma_wait3A_280 = tpu.memref_slice %arg2[%run_scoped3A_93, %mul3A_69] : memref<26x16384xi32, #tpu.memory_space<hbm>> -> memref<1x512xi32, #tpu.memory_space<hbm>>
      %dma_wait3A_281 = tpu.memref_squeeze %dma_wait3A_280 : memref<1x512xi32, #tpu.memory_space<hbm>> -> memref<512xi32, #tpu.memory_space<hbm>>
      %dma_wait3A_282 = arith.constant 12288 : i32
      %dma_wait3A_283 = tpu.memref_slice %arg10[%dma_wait3A_282] : memref<13312xi32, #tpu.memory_space<vmem>> -> memref<512xi32, #tpu.memory_space<vmem>>
      %dma_wait3A_284 = tpu.memref_slice %arg2[%run_scoped3A_93, %mul3A_69] : memref<26x16384xi32, #tpu.memory_space<hbm>> -> memref<1x512xi32, #tpu.memory_space<hbm>>
      %dma_wait3A_285 = tpu.memref_squeeze %dma_wait3A_284 : memref<1x512xi32, #tpu.memory_space<hbm>> -> memref<512xi32, #tpu.memory_space<hbm>>
      tpu.wait_dma2 semaphore(%run_scoped3A_269 : memref<!tpu.dma_semaphore, #tpu.memory_space<semaphore_mem>>) src(%dma_wait3A_285 : memref<512xi32, #tpu.memory_space<hbm>>) dst(%dma_wait3A_283 : memref<512xi32, #tpu.memory_space<vmem>>)
      tpu.yield
    }) : () -> ()
    %run_scoped3A_94 = arith.constant 25 : i32
    "tpu.region"() ({
      %run_scoped3A_269 = tpu.sem_alloc : memref<!tpu.dma_semaphore, #tpu.memory_space<semaphore_mem>>
      %dma_start3A_270 = arith.constant 12800 : i32
      %dma_start3A_271 = tpu.memref_slice %arg10[%dma_start3A_270] : memref<13312xi32, #tpu.memory_space<vmem>> -> memref<512xi32, #tpu.memory_space<vmem>>
      %dma_start3A_272 = tpu.memref_slice %arg2[%run_scoped3A_94, %mul3A_69] : memref<26x16384xi32, #tpu.memory_space<hbm>> -> memref<1x512xi32, #tpu.memory_space<hbm>>
      %dma_start3A_273 = tpu.memref_squeeze %dma_start3A_272 : memref<1x512xi32, #tpu.memory_space<hbm>> -> memref<512xi32, #tpu.memory_space<hbm>>
      %dma_start3A_274 = arith.constant 12800 : i32
      %dma_start3A_275 = tpu.memref_slice %arg10[%dma_start3A_274] : memref<13312xi32, #tpu.memory_space<vmem>> -> memref<512xi32, #tpu.memory_space<vmem>>
      %dma_start3A_276 = tpu.memref_slice %arg2[%run_scoped3A_94, %mul3A_69] : memref<26x16384xi32, #tpu.memory_space<hbm>> -> memref<1x512xi32, #tpu.memory_space<hbm>>
      %dma_start3A_277 = tpu.memref_squeeze %dma_start3A_276 : memref<1x512xi32, #tpu.memory_space<hbm>> -> memref<512xi32, #tpu.memory_space<hbm>>
      tpu.enqueue_dma source(%dma_start3A_277 : memref<512xi32, #tpu.memory_space<hbm>>) target(%dma_start3A_275 : memref<512xi32, #tpu.memory_space<vmem>>) target_semaphore(%run_scoped3A_269 : memref<!tpu.dma_semaphore, #tpu.memory_space<semaphore_mem>>)
      %dma_wait3A_278 = arith.constant 12800 : i32
      %dma_wait3A_279 = tpu.memref_slice %arg10[%dma_wait3A_278] : memref<13312xi32, #tpu.memory_space<vmem>> -> memref<512xi32, #tpu.memory_space<vmem>>
      %dma_wait3A_280 = tpu.memref_slice %arg2[%run_scoped3A_94, %mul3A_69] : memref<26x16384xi32, #tpu.memory_space<hbm>> -> memref<1x512xi32, #tpu.memory_space<hbm>>
      %dma_wait3A_281 = tpu.memref_squeeze %dma_wait3A_280 : memref<1x512xi32, #tpu.memory_space<hbm>> -> memref<512xi32, #tpu.memory_space<hbm>>
      %dma_wait3A_282 = arith.constant 12800 : i32
      %dma_wait3A_283 = tpu.memref_slice %arg10[%dma_wait3A_282] : memref<13312xi32, #tpu.memory_space<vmem>> -> memref<512xi32, #tpu.memory_space<vmem>>
      %dma_wait3A_284 = tpu.memref_slice %arg2[%run_scoped3A_94, %mul3A_69] : memref<26x16384xi32, #tpu.memory_space<hbm>> -> memref<1x512xi32, #tpu.memory_space<hbm>>
      %dma_wait3A_285 = tpu.memref_squeeze %dma_wait3A_284 : memref<1x512xi32, #tpu.memory_space<hbm>> -> memref<512xi32, #tpu.memory_space<hbm>>
      tpu.wait_dma2 semaphore(%run_scoped3A_269 : memref<!tpu.dma_semaphore, #tpu.memory_space<semaphore_mem>>) src(%dma_wait3A_285 : memref<512xi32, #tpu.memory_space<hbm>>) dst(%dma_wait3A_283 : memref<512xi32, #tpu.memory_space<vmem>>)
      tpu.yield
    }) : () -> ()
    %rem3A = arith.constant 0 : i32
    %rem3A_95 = arith.constant 4 : i32
    %rem3A_96 = arith.remsi %rem3A, %rem3A_95 : i32
    %mul3A_97 = arith.constant 128 : i32
    %mul3A_98 = arith.muli %rem3A_96, %mul3A_97 : i32
    %add3A_99 = arith.constant 0 : i32
    %add3A_100 = arith.addi %add3A_99, %mul3A_98 : i32
    %add3A_101 = arith.constant 0 : i32
    %add3A_102 = arith.addi %add3A_100, %add3A_101 : i32
    %get3A = arith.index_cast %add3A_102 : i32 to index
    %get3A_103 = tpu.vector_load %arg10[%get3A] {strides = array<i32>} : memref<13312xi32, #tpu.memory_space<vmem>>, vector<16xi32>,
    %shift_right_logical3A = arith.constant 2 : i32
    %shift_right_logical3A_104 = vector.broadcast %shift_right_logical3A : i32 to vector<16xi32>
    %shift_right_logical3A_105 = arith.shrui %get3A_103, %shift_right_logical3A_104 : vector<16xi32>
    %swap3A = arith.constant 0 : index
    %swap3A_106 = tpu.vector_load %arg11[%swap3A] {strides = array<i32>} : memref<128xi32, #tpu.memory_space<vmem>>, vector<16xi32>,
    tpu.vector_store %arg11[%swap3A], %shift_right_logical3A_105 {strides = array<i32>} : memref<128xi32, #tpu.memory_space<vmem>>, vector<16xi32>,
    %and3A = arith.constant 3 : i32
    %and3A_107 = vector.broadcast %and3A : i32 to vector<16xi32>
    %and3A_108 = arith.andi %get3A_103, %and3A_107 : vector<16xi32>
    %mul3A_109 = arith.constant 32 : i32
    %mul3A_110 = vector.broadcast %mul3A_109 : i32 to vector<16xi32>
    %mul3A_111 = arith.muli %and3A_108, %mul3A_110 : vector<16xi32>
    %swap3A_112 = arith.constant 0 : index
    %swap3A_113 = tpu.vector_load %arg13[%swap3A_112] {strides = array<i32>} : memref<128xi32, #tpu.memory_space<vmem>>, vector<16xi32>,
    tpu.vector_store %arg13[%swap3A_112], %mul3A_111 {strides = array<i32>} : memref<128xi32, #tpu.memory_space<vmem>>, vector<16xi32>,
    %add3A_114 = arith.constant 16 : i32
    %add3A_115 = arith.addi %add3A_100, %add3A_114 : i32
    %get3A_116 = arith.index_cast %add3A_115 : i32 to index
    %get3A_117 = tpu.vector_load %arg10[%get3A_116] {strides = array<i32>} : memref<13312xi32, #tpu.memory_space<vmem>>, vector<16xi32>,
    %shift_right_logical3A_118 = arith.constant 2 : i32
    %shift_right_logical3A_119 = vector.broadcast %shift_right_logical3A_118 : i32 to vector<16xi32>
    %shift_right_logical3A_120 = arith.shrui %get3A_117, %shift_right_logical3A_119 : vector<16xi32>
    %swap3A_121 = arith.constant 16 : index
    %swap3A_122 = tpu.vector_load %arg11[%swap3A_121] {strides = array<i32>} : memref<128xi32, #tpu.memory_space<vmem>>, vector<16xi32>,
    tpu.vector_store %arg11[%swap3A_121], %shift_right_logical3A_120 {strides = array<i32>} : memref<128xi32, #tpu.memory_space<vmem>>, vector<16xi32>,
    %and3A_123 = arith.constant 3 : i32
    %and3A_124 = vector.broadcast %and3A_123 : i32 to vector<16xi32>
    %and3A_125 = arith.andi %get3A_117, %and3A_124 : vector<16xi32>
    %mul3A_126 = arith.constant 32 : i32
    %mul3A_127 = vector.broadcast %mul3A_126 : i32 to vector<16xi32>
    %mul3A_128 = arith.muli %and3A_125, %mul3A_127 : vector<16xi32>
    %swap3A_129 = arith.constant 16 : index
    %swap3A_130 = tpu.vector_load %arg13[%swap3A_129] {strides = array<i32>} : memref<128xi32, #tpu.memory_space<vmem>>, vector<16xi32>,
    tpu.vector_store %arg13[%swap3A_129], %mul3A_128 {strides = array<i32>} : memref<128xi32, #tpu.memory_space<vmem>>, vector<16xi32>,
    %add3A_131 = arith.constant 32 : i32
    %add3A_132 = arith.addi %add3A_100, %add3A_131 : i32
    %get3A_133 = arith.index_cast %add3A_132 : i32 to index
    %get3A_134 = tpu.vector_load %arg10[%get3A_133] {strides = array<i32>} : memref<13312xi32, #tpu.memory_space<vmem>>, vector<16xi32>,
    %shift_right_logical3A_135 = arith.constant 2 : i32
    %shift_right_logical3A_136 = vector.broadcast %shift_right_logical3A_135 : i32 to vector<16xi32>
    %shift_right_logical3A_137 = arith.shrui %get3A_134, %shift_right_logical3A_136 : vector<16xi32>
    %swap3A_138 = arith.constant 32 : index
    %swap3A_139 = tpu.vector_load %arg11[%swap3A_138] {strides = array<i32>} : memref<128xi32, #tpu.memory_space<vmem>>, vector<16xi32>,
    tpu.vector_store %arg11[%swap3A_138], %shift_right_logical3A_137 {strides = array<i32>} : memref<128xi32, #tpu.memory_space<vmem>>, vector<16xi32>,
    %and3A_140 = arith.constant 3 : i32
    %and3A_141 = vector.broadcast %and3A_140 : i32 to vector<16xi32>
    %and3A_142 = arith.andi %get3A_134, %and3A_141 : vector<16xi32>
    %mul3A_143 = arith.constant 32 : i32
    %mul3A_144 = vector.broadcast %mul3A_143 : i32 to vector<16xi32>
    %mul3A_145 = arith.muli %and3A_142, %mul3A_144 : vector<16xi32>
    %swap3A_146 = arith.constant 32 : index
    %swap3A_147 = tpu.vector_load %arg13[%swap3A_146] {strides = array<i32>} : memref<128xi32, #tpu.memory_space<vmem>>, vector<16xi32>,
    tpu.vector_store %arg13[%swap3A_146], %mul3A_145 {strides = array<i32>} : memref<128xi32, #tpu.memory_space<vmem>>, vector<16xi32>,
    %add3A_148 = arith.constant 48 : i32
    %add3A_149 = arith.addi %add3A_100, %add3A_148 : i32
    %get3A_150 = arith.index_cast %add3A_149 : i32 to index
    %get3A_151 = tpu.vector_load %arg10[%get3A_150] {strides = array<i32>} : memref<13312xi32, #tpu.memory_space<vmem>>, vector<16xi32>,
    %shift_right_logical3A_152 = arith.constant 2 : i32
    %shift_right_logical3A_153 = vector.broadcast %shift_right_logical3A_152 : i32 to vector<16xi32>
    %shift_right_logical3A_154 = arith.shrui %get3A_151, %shift_right_logical3A_153 : vector<16xi32>
    %swap3A_155 = arith.constant 48 : index
    %swap3A_156 = tpu.vector_load %arg11[%swap3A_155] {strides = array<i32>} : memref<128xi32, #tpu.memory_space<vmem>>, vector<16xi32>,
    tpu.vector_store %arg11[%swap3A_155], %shift_right_logical3A_154 {strides = array<i32>} : memref<128xi32, #tpu.memory_space<vmem>>, vector<16xi32>,
    %and3A_157 = arith.constant 3 : i32
    %and3A_158 = vector.broadcast %and3A_157 : i32 to vector<16xi32>
    %and3A_159 = arith.andi %get3A_151, %and3A_158 : vector<16xi32>
    %mul3A_160 = arith.constant 32 : i32
    %mul3A_161 = vector.broadcast %mul3A_160 : i32 to vector<16xi32>
    %mul3A_162 = arith.muli %and3A_159, %mul3A_161 : vector<16xi32>
    %swap3A_163 = arith.constant 48 : index
    %swap3A_164 = tpu.vector_load %arg13[%swap3A_163] {strides = array<i32>} : memref<128xi32, #tpu.memory_space<vmem>>, vector<16xi32>,
    tpu.vector_store %arg13[%swap3A_163], %mul3A_162 {strides = array<i32>} : memref<128xi32, #tpu.memory_space<vmem>>, vector<16xi32>,
    %add3A_165 = arith.constant 64 : i32
    %add3A_166 = arith.addi %add3A_100, %add3A_165 : i32
    %get3A_167 = arith.index_cast %add3A_166 : i32 to index
    %get3A_168 = tpu.vector_load %arg10[%get3A_167] {strides = array<i32>} : memref<13312xi32, #tpu.memory_space<vmem>>, vector<16xi32>,
    %shift_right_logical3A_169 = arith.constant 2 : i32
    %shift_right_logical3A_170 = vector.broadcast %shift_right_logical3A_169 : i32 to vector<16xi32>
    %shift_right_logical3A_171 = arith.shrui %get3A_168, %shift_right_logical3A_170 : vector<16xi32>
    %swap3A_172 = arith.constant 64 : index
    %swap3A_173 = tpu.vector_load %arg11[%swap3A_172] {strides = array<i32>} : memref<128xi32, #tpu.memory_space<vmem>>, vector<16xi32>,
    tpu.vector_store %arg11[%swap3A_172], %shift_right_logical3A_171 {strides = array<i32>} : memref<128xi32, #tpu.memory_space<vmem>>, vector<16xi32>,
    %and3A_174 = arith.constant 3 : i32
    %and3A_175 = vector.broadcast %and3A_174 : i32 to vector<16xi32>
    %and3A_176 = arith.andi %get3A_168, %and3A_175 : vector<16xi32>
    %mul3A_177 = arith.constant 32 : i32
    %mul3A_178 = vector.broadcast %mul3A_177 : i32 to vector<16xi32>
    %mul3A_179 = arith.muli %and3A_176, %mul3A_178 : vector<16xi32>
    %swap3A_180 = arith.constant 64 : index
    %swap3A_181 = tpu.vector_load %arg13[%swap3A_180] {strides = array<i32>} : memref<128xi32, #tpu.memory_space<vmem>>, vector<16xi32>,
    tpu.vector_store %arg13[%swap3A_180], %mul3A_179 {strides = array<i32>} : memref<128xi32, #tpu.memory_space<vmem>>, vector<16xi32>,
    %add3A_182 = arith.constant 80 : i32
    %add3A_183 = arith.addi %add3A_100, %add3A_182 : i32
    %get3A_184 = arith.index_cast %add3A_183 : i32 to index
    %get3A_185 = tpu.vector_load %arg10[%get3A_184] {strides = array<i32>} : memref<13312xi32, #tpu.memory_space<vmem>>, vector<16xi32>,
    %shift_right_logical3A_186 = arith.constant 2 : i32
    %shift_right_logical3A_187 = vector.broadcast %shift_right_logical3A_186 : i32 to vector<16xi32>
    %shift_right_logical3A_188 = arith.shrui %get3A_185, %shift_right_logical3A_187 : vector<16xi32>
    %swap3A_189 = arith.constant 80 : index
    %swap3A_190 = tpu.vector_load %arg11[%swap3A_189] {strides = array<i32>} : memref<128xi32, #tpu.memory_space<vmem>>, vector<16xi32>,
    tpu.vector_store %arg11[%swap3A_189], %shift_right_logical3A_188 {strides = array<i32>} : memref<128xi32, #tpu.memory_space<vmem>>, vector<16xi32>,
    %and3A_191 = arith.constant 3 : i32
    %and3A_192 = vector.broadcast %and3A_191 : i32 to vector<16xi32>
    %and3A_193 = arith.andi %get3A_185, %and3A_192 : vector<16xi32>
    %mul3A_194 = arith.constant 32 : i32
    %mul3A_195 = vector.broadcast %mul3A_194 : i32 to vector<16xi32>
    %mul3A_196 = arith.muli %and3A_193, %mul3A_195 : vector<16xi32>
    %swap3A_197 = arith.constant 80 : index
    %swap3A_198 = tpu.vector_load %arg13[%swap3A_197] {strides = array<i32>} : memref<128xi32, #tpu.memory_space<vmem>>, vector<16xi32>,
    tpu.vector_store %arg13[%swap3A_197], %mul3A_196 {strides = array<i32>} : memref<128xi32, #tpu.memory_space<vmem>>, vector<16xi32>,
    %add3A_199 = arith.constant 96 : i32
    %add3A_200 = arith.addi %add3A_100, %add3A_199 : i32
    %get3A_201 = arith.index_cast %add3A_200 : i32 to index
    %get3A_202 = tpu.vector_load %arg10[%get3A_201] {strides = array<i32>} : memref<13312xi32, #tpu.memory_space<vmem>>, vector<16xi32>,
    %shift_right_logical3A_203 = arith.constant 2 : i32
    %shift_right_logical3A_204 = vector.broadcast %shift_right_logical3A_203 : i32 to vector<16xi32>
    %shift_right_logical3A_205 = arith.shrui %get3A_202, %shift_right_logical3A_204 : vector<16xi32>
    %swap3A_206 = arith.constant 96 : index
    %swap3A_207 = tpu.vector_load %arg11[%swap3A_206] {strides = array<i32>} : memref<128xi32, #tpu.memory_space<vmem>>, vector<16xi32>,
    tpu.vector_store %arg11[%swap3A_206], %shift_right_logical3A_205 {strides = array<i32>} : memref<128xi32, #tpu.memory_space<vmem>>, vector<16xi32>,
    %and3A_208 = arith.constant 3 : i32
    %and3A_209 = vector.broadcast %and3A_208 : i32 to vector<16xi32>
    %and3A_210 = arith.andi %get3A_202, %and3A_209 : vector<16xi32>
    %mul3A_211 = arith.constant 32 : i32
    %mul3A_212 = vector.broadcast %mul3A_211 : i32 to vector<16xi32>
    %mul3A_213 = arith.muli %and3A_210, %mul3A_212 : vector<16xi32>
    %swap3A_214 = arith.constant 96 : index
    %swap3A_215 = tpu.vector_load %arg13[%swap3A_214] {strides = array<i32>} : memref<128xi32, #tpu.memory_space<vmem>>, vector<16xi32>,
    tpu.vector_store %arg13[%swap3A_214], %mul3A_213 {strides = array<i32>} : memref<128xi32, #tpu.memory_space<vmem>>, vector<16xi32>,
    %add3A_216 = arith.constant 112 : i32
    %add3A_217 = arith.addi %add3A_100, %add3A_216 : i32
    %get3A_218 = arith.index_cast %add3A_217 : i32 to index
    %get3A_219 = tpu.vector_load %arg10[%get3A_218] {strides = array<i32>} : memref<13312xi32, #tpu.memory_space<vmem>>, vector<16xi32>,
    %shift_right_logical3A_220 = arith.constant 2 : i32
    %shift_right_logical3A_221 = vector.broadcast %shift_right_logical3A_220 : i32 to vector<16xi32>
    %shift_right_logical3A_222 = arith.shrui %get3A_219, %shift_right_logical3A_221 : vector<16xi32>
    %swap3A_223 = arith.constant 112 : index
    %swap3A_224 = tpu.vector_load %arg11[%swap3A_223] {strides = array<i32>} : memref<128xi32, #tpu.memory_space<vmem>>, vector<16xi32>,
    tpu.vector_store %arg11[%swap3A_223], %shift_right_logical3A_222 {strides = array<i32>} : memref<128xi32, #tpu.memory_space<vmem>>, vector<16xi32>,
    %and3A_225 = arith.constant 3 : i32
    %and3A_226 = vector.broadcast %and3A_225 : i32 to vector<16xi32>
    %and3A_227 = arith.andi %get3A_219, %and3A_226 : vector<16xi32>
    %mul3A_228 = arith.constant 32 : i32
    %mul3A_229 = vector.broadcast %mul3A_228 : i32 to vector<16xi32>
    %mul3A_230 = arith.muli %and3A_227, %mul3A_229 : vector<16xi32>
    %swap3A_231 = arith.constant 112 : index
    %swap3A_232 = tpu.vector_load %arg13[%swap3A_231] {strides = array<i32>} : memref<128xi32, #tpu.memory_space<vmem>>, vector<16xi32>,
    tpu.vector_store %arg13[%swap3A_231], %mul3A_230 {strides = array<i32>} : memref<128xi32, #tpu.memory_space<vmem>>, vector<16xi32>,
    %dma_start3A_233 = arith.constant 0 : i32
    %dma_start3A_234 = arith.constant 0 : i32
    %dma_start3A_235 = tpu.memref_slice %arg5[%dma_start3A_233, %dma_start3A_234] : memref<262216x128xf32, #tpu.memory_space<hbm>> -> memref<262216x128xf32, #tpu.memory_space<hbm>>
    tpu.enqueue_indirect_dma source(%dma_start3A_235 : memref<262216x128xf32, #tpu.memory_space<hbm>>) target(%arg15 : memref<128x128xf32, #tpu.memory_space<vmem>>) offsets(%arg11 : memref<128xi32, #tpu.memory_space<vmem>>) semaphore(%arg25 : memref<!tpu.dma_semaphore, #tpu.memory_space<semaphore_mem>>)
    %dma_start3A_236 = arith.constant 262152 : i32
    %dma_start3A_237 = arith.constant 0 : i32
    %dma_start3A_238 = tpu.memref_slice %arg5[%dma_start3A_236, %dma_start3A_237] : memref<262216x128xf32, #tpu.memory_space<hbm>> -> memref<32x128xf32, #tpu.memory_space<hbm>>
    %dma_start3A_239 = arith.constant 262152 : i32
    %dma_start3A_240 = arith.constant 0 : i32
    %dma_start3A_241 = tpu.memref_slice %arg5[%dma_start3A_239, %dma_start3A_240] : memref<262216x128xf32, #tpu.memory_space<hbm>> -> memref<32x128xf32, #tpu.memory_space<hbm>>
    tpu.enqueue_dma source(%arg17 : memref<32x128xf32, #tpu.memory_space<vmem>>) target(%dma_start3A_241 : memref<32x128xf32, #tpu.memory_space<hbm>>) target_semaphore(%arg27 : memref<!tpu.dma_semaphore, #tpu.memory_space<semaphore_mem>>)
    %dma_start3A_242 = arith.constant 262152 : i32
    %dma_start3A_243 = arith.constant 0 : i32
    %dma_start3A_244 = tpu.memref_slice %arg5[%dma_start3A_242, %dma_start3A_243] : memref<262216x128xf32, #tpu.memory_space<hbm>> -> memref<32x128xf32, #tpu.memory_space<hbm>>
    %dma_start3A_245 = arith.constant 262152 : i32
    %dma_start3A_246 = arith.constant 0 : i32
    %dma_start3A_247 = tpu.memref_slice %arg5[%dma_start3A_245, %dma_start3A_246] : memref<262216x128xf32, #tpu.memory_space<hbm>> -> memref<32x128xf32, #tpu.memory_space<hbm>>
    tpu.enqueue_dma source(%arg18 : memref<32x128xf32, #tpu.memory_space<vmem>>) target(%dma_start3A_247 : memref<32x128xf32, #tpu.memory_space<hbm>>) target_semaphore(%arg28 : memref<!tpu.dma_semaphore, #tpu.memory_space<semaphore_mem>>)
    %scan3A_248 = arith.constant 0 : i32
    %scan3A_249 = arith.constant 0 : i32
    %scan3A_250 = arith.constant 52 : i32
    %scan3A_251 = arith.addi %scan3A_249, %scan3A_250 : i32
    %scan3A_252 = arith.constant 1 : i32
    scf.for %scan3A_269 = %scan3A_249 to %scan3A_251 step %scan3A_252  : i32 {
      %mul3A_270 = arith.constant 2 : i32
      %mul3A_271 = arith.muli %mul3A_270, %scan3A_269 : i32
      %mul3A_272 = arith.constant 2 : i32
      %mul3A_273 = arith.muli %mul3A_272, %scan3A_269 : i32
      %add3A_274 = arith.constant 1 : i32
      %add3A_275 = arith.addi %mul3A_273, %add3A_274 : i32
      %mul3A_276 = arith.constant 2 : i32
      %mul3A_277 = arith.muli %mul3A_276, %scan3A_269 : i32
      %add3A_278 = arith.constant 2 : i32
      %add3A_279 = arith.addi %mul3A_277, %add3A_278 : i32
      %min3A = arith.constant 103 : i32
      %min3A_280 = arith.minsi %add3A_279, %min3A : i32
      %jit3A = arith.constant 4 : i32
      %div3A = arith.divsi %add3A_275, %jit3A : i32
      %sign3A = arith.constant 0 : i32
      %sign3A_281 = arith.cmpi sgt, %add3A_275, %sign3A : i32
      %sign3A_282 = arith.extui %sign3A_281 : i1 to i32
      %sign3A_283 = arith.constant 0 : i32
      %sign3A_284 = arith.cmpi slt, %add3A_275, %sign3A_283 : i32
      %sign3A_285 = arith.extui %sign3A_284 : i1 to i32
      %sign3A_286 = arith.subi %sign3A_282, %sign3A_285 : i32
      %sign3A_287 = arith.constant 0 : i32
      %sign3A_288 = arith.cmpi sgt, %jit3A, %sign3A_287 : i32
      %sign3A_289 = arith.extui %sign3A_288 : i1 to i32
      %sign3A_290 = arith.constant 0 : i32
      %sign3A_291 = arith.cmpi slt, %jit3A, %sign3A_290 : i32
      %sign3A_292 = arith.extui %sign3A_291 : i1 to i32
      %sign3A_293 = arith.subi %sign3A_289, %sign3A_292 : i32
      %ne3A = arith.cmpi ne, %sign3A_286, %sign3A_293 : i32
      %rem3A_294 = arith.remsi %add3A_275, %jit3A : i32
      %ne3A_295 = arith.constant 0 : i32
      %ne3A_296 = arith.cmpi ne, %rem3A_294, %ne3A_295 : i32
      %and3A_297 = arith.andi %ne3A, %ne3A_296 : i1
      %sub3A_298 = arith.constant 1 : i32
      %sub3A_299 = arith.subi %div3A, %sub3A_298 : i32
      %select_n3A = arith.select %and3A_297, %sub3A_299, %div3A : i32
      %rem3A_300 = arith.constant 4 : i32
      %rem3A_301 = arith.remsi %add3A_275, %rem3A_300 : i32
      %mul3A_302 = arith.constant 512 : i32
      %mul3A_303 = arith.muli %select_n3A, %mul3A_302 : i32
      %mul3A_304 = arith.constant 128 : i32
      %mul3A_305 = arith.muli %rem3A_301, %mul3A_304 : i32
      %add3A_306 = arith.addi %mul3A_303, %mul3A_305 : i32
      %add3A_307 = arith.constant 0 : i32
      %add3A_308 = arith.addi %add3A_306, %add3A_307 : i32
      %get3A_309 = arith.index_cast %add3A_308 : i32 to index
      %get3A_310 = tpu.vector_load %arg10[%get3A_309] {strides = array<i32>} : memref<13312xi32, #tpu.memory_space<vmem>>, vector<16xi32>,
      %shift_right_logical3A_311 = arith.constant 2 : i32
      %shift_right_logical3A_312 = vector.broadcast %shift_right_logical3A_311 : i32 to vector<16xi32>
      %shift_right_logical3A_313 = arith.shrui %get3A_310, %shift_right_logical3A_312 : vector<16xi32>
      %swap3A_314 = arith.constant 0 : index
      %swap3A_315 = tpu.vector_load %arg12[%swap3A_314] {strides = array<i32>} : memref<128xi32, #tpu.memory_space<vmem>>, vector<16xi32>,
      tpu.vector_store %arg12[%swap3A_314], %shift_right_logical3A_313 {strides = array<i32>} : memref<128xi32, #tpu.memory_space<vmem>>, vector<16xi32>,
      %and3A_316 = arith.constant 3 : i32
      %and3A_317 = vector.broadcast %and3A_316 : i32 to vector<16xi32>
      %and3A_318 = arith.andi %get3A_310, %and3A_317 : vector<16xi32>
      %mul3A_319 = arith.constant 32 : i32
      %mul3A_320 = vector.broadcast %mul3A_319 : i32 to vector<16xi32>
      %mul3A_321 = arith.muli %and3A_318, %mul3A_320 : vector<16xi32>
      %swap3A_322 = arith.constant 0 : index
      %swap3A_323 = tpu.vector_load %arg14[%swap3A_322] {strides = array<i32>} : memref<128xi32, #tpu.memory_space<vmem>>, vector<16xi32>,
      tpu.vector_store %arg14[%swap3A_322], %mul3A_321 {strides = array<i32>} : memref<128xi32, #tpu.memory_space<vmem>>, vector<16xi32>,
      %add3A_324 = arith.constant 16 : i32
      %add3A_325 = arith.addi %add3A_306, %add3A_324 : i32
      %get3A_326 = arith.index_cast %add3A_325 : i32 to index
      %get3A_327 = tpu.vector_load %arg10[%get3A_326] {strides = array<i32>} : memref<13312xi32, #tpu.memory_space<vmem>>, vector<16xi32>,
      %shift_right_logical3A_328 = arith.constant 2 : i32
      %shift_right_logical3A_329 = vector.broadcast %shift_right_logical3A_328 : i32 to vector<16xi32>
      %shift_right_logical3A_330 = arith.shrui %get3A_327, %shift_right_logical3A_329 : vector<16xi32>
      %swap3A_331 = arith.constant 16 : index
      %swap3A_332 = tpu.vector_load %arg12[%swap3A_331] {strides = array<i32>} : memref<128xi32, #tpu.memory_space<vmem>>, vector<16xi32>,
      tpu.vector_store %arg12[%swap3A_331], %shift_right_logical3A_330 {strides = array<i32>} : memref<128xi32, #tpu.memory_space<vmem>>, vector<16xi32>,
      %and3A_333 = arith.constant 3 : i32
      %and3A_334 = vector.broadcast %and3A_333 : i32 to vector<16xi32>
      %and3A_335 = arith.andi %get3A_327, %and3A_334 : vector<16xi32>
      %mul3A_336 = arith.constant 32 : i32
      %mul3A_337 = vector.broadcast %mul3A_336 : i32 to vector<16xi32>
      %mul3A_338 = arith.muli %and3A_335, %mul3A_337 : vector<16xi32>
      %swap3A_339 = arith.constant 16 : index
      %swap3A_340 = tpu.vector_load %arg14[%swap3A_339] {strides = array<i32>} : memref<128xi32, #tpu.memory_space<vmem>>, vector<16xi32>,
      tpu.vector_store %arg14[%swap3A_339], %mul3A_338 {strides = array<i32>} : memref<128xi32, #tpu.memory_space<vmem>>, vector<16xi32>,
      %add3A_341 = arith.constant 32 : i32
      %add3A_342 = arith.addi %add3A_306, %add3A_341 : i32
      %get3A_343 = arith.index_cast %add3A_342 : i32 to index
      %get3A_344 = tpu.vector_load %arg10[%get3A_343] {strides = array<i32>} : memref<13312xi32, #tpu.memory_space<vmem>>, vector<16xi32>,
      %shift_right_logical3A_345 = arith.constant 2 : i32
      %shift_right_logical3A_346 = vector.broadcast %shift_right_logical3A_345 : i32 to vector<16xi32>
      %shift_right_logical3A_347 = arith.shrui %get3A_344, %shift_right_logical3A_346 : vector<16xi32>
      %swap3A_348 = arith.constant 32 : index
      %swap3A_349 = tpu.vector_load %arg12[%swap3A_348] {strides = array<i32>} : memref<128xi32, #tpu.memory_space<vmem>>, vector<16xi32>,
      tpu.vector_store %arg12[%swap3A_348], %shift_right_logical3A_347 {strides = array<i32>} : memref<128xi32, #tpu.memory_space<vmem>>, vector<16xi32>,
      %and3A_350 = arith.constant 3 : i32
      %and3A_351 = vector.broadcast %and3A_350 : i32 to vector<16xi32>
      %and3A_352 = arith.andi %get3A_344, %and3A_351 : vector<16xi32>
      %mul3A_353 = arith.constant 32 : i32
      %mul3A_354 = vector.broadcast %mul3A_353 : i32 to vector<16xi32>
      %mul3A_355 = arith.muli %and3A_352, %mul3A_354 : vector<16xi32>
      %swap3A_356 = arith.constant 32 : index
      %swap3A_357 = tpu.vector_load %arg14[%swap3A_356] {strides = array<i32>} : memref<128xi32, #tpu.memory_space<vmem>>, vector<16xi32>,
      tpu.vector_store %arg14[%swap3A_356], %mul3A_355 {strides = array<i32>} : memref<128xi32, #tpu.memory_space<vmem>>, vector<16xi32>,
      %add3A_358 = arith.constant 48 : i32
      %add3A_359 = arith.addi %add3A_306, %add3A_358 : i32
      %get3A_360 = arith.index_cast %add3A_359 : i32 to index
      %get3A_361 = tpu.vector_load %arg10[%get3A_360] {strides = array<i32>} : memref<13312xi32, #tpu.memory_space<vmem>>, vector<16xi32>,
      %shift_right_logical3A_362 = arith.constant 2 : i32
      %shift_right_logical3A_363 = vector.broadcast %shift_right_logical3A_362 : i32 to vector<16xi32>
      %shift_right_logical3A_364 = arith.shrui %get3A_361, %shift_right_logical3A_363 : vector<16xi32>
      %swap3A_365 = arith.constant 48 : index
      %swap3A_366 = tpu.vector_load %arg12[%swap3A_365] {strides = array<i32>} : memref<128xi32, #tpu.memory_space<vmem>>, vector<16xi32>,
      tpu.vector_store %arg12[%swap3A_365], %shift_right_logical3A_364 {strides = array<i32>} : memref<128xi32, #tpu.memory_space<vmem>>, vector<16xi32>,
      %and3A_367 = arith.constant 3 : i32
      %and3A_368 = vector.broadcast %and3A_367 : i32 to vector<16xi32>
      %and3A_369 = arith.andi %get3A_361, %and3A_368 : vector<16xi32>
      %mul3A_370 = arith.constant 32 : i32
      %mul3A_371 = vector.broadcast %mul3A_370 : i32 to vector<16xi32>
      %mul3A_372 = arith.muli %and3A_369, %mul3A_371 : vector<16xi32>
      %swap3A_373 = arith.constant 48 : index
      %swap3A_374 = tpu.vector_load %arg14[%swap3A_373] {strides = array<i32>} : memref<128xi32, #tpu.memory_space<vmem>>, vector<16xi32>,
      tpu.vector_store %arg14[%swap3A_373], %mul3A_372 {strides = array<i32>} : memref<128xi32, #tpu.memory_space<vmem>>, vector<16xi32>,
      %add3A_375 = arith.constant 64 : i32
      %add3A_376 = arith.addi %add3A_306, %add3A_375 : i32
      %get3A_377 = arith.index_cast %add3A_376 : i32 to index
      %get3A_378 = tpu.vector_load %arg10[%get3A_377] {strides = array<i32>} : memref<13312xi32, #tpu.memory_space<vmem>>, vector<16xi32>,
      %shift_right_logical3A_379 = arith.constant 2 : i32
      %shift_right_logical3A_380 = vector.broadcast %shift_right_logical3A_379 : i32 to vector<16xi32>
      %shift_right_logical3A_381 = arith.shrui %get3A_378, %shift_right_logical3A_380 : vector<16xi32>
      %swap3A_382 = arith.constant 64 : index
      %swap3A_383 = tpu.vector_load %arg12[%swap3A_382] {strides = array<i32>} : memref<128xi32, #tpu.memory_space<vmem>>, vector<16xi32>,
      tpu.vector_store %arg12[%swap3A_382], %shift_right_logical3A_381 {strides = array<i32>} : memref<128xi32, #tpu.memory_space<vmem>>, vector<16xi32>,
      %and3A_384 = arith.constant 3 : i32
      %and3A_385 = vector.broadcast %and3A_384 : i32 to vector<16xi32>
      %and3A_386 = arith.andi %get3A_378, %and3A_385 : vector<16xi32>
      %mul3A_387 = arith.constant 32 : i32
      %mul3A_388 = vector.broadcast %mul3A_387 : i32 to vector<16xi32>
      %mul3A_389 = arith.muli %and3A_386, %mul3A_388 : vector<16xi32>
      %swap3A_390 = arith.constant 64 : index
      %swap3A_391 = tpu.vector_load %arg14[%swap3A_390] {strides = array<i32>} : memref<128xi32, #tpu.memory_space<vmem>>, vector<16xi32>,
      tpu.vector_store %arg14[%swap3A_390], %mul3A_389 {strides = array<i32>} : memref<128xi32, #tpu.memory_space<vmem>>, vector<16xi32>,
      %add3A_392 = arith.constant 80 : i32
      %add3A_393 = arith.addi %add3A_306, %add3A_392 : i32
      %get3A_394 = arith.index_cast %add3A_393 : i32 to index
      %get3A_395 = tpu.vector_load %arg10[%get3A_394] {strides = array<i32>} : memref<13312xi32, #tpu.memory_space<vmem>>, vector<16xi32>,
      %shift_right_logical3A_396 = arith.constant 2 : i32
      %shift_right_logical3A_397 = vector.broadcast %shift_right_logical3A_396 : i32 to vector<16xi32>
      %shift_right_logical3A_398 = arith.shrui %get3A_395, %shift_right_logical3A_397 : vector<16xi32>
      %swap3A_399 = arith.constant 80 : index
      %swap3A_400 = tpu.vector_load %arg12[%swap3A_399] {strides = array<i32>} : memref<128xi32, #tpu.memory_space<vmem>>, vector<16xi32>,
      tpu.vector_store %arg12[%swap3A_399], %shift_right_logical3A_398 {strides = array<i32>} : memref<128xi32, #tpu.memory_space<vmem>>, vector<16xi32>,
      %and3A_401 = arith.constant 3 : i32
      %and3A_402 = vector.broadcast %and3A_401 : i32 to vector<16xi32>
      %and3A_403 = arith.andi %get3A_395, %and3A_402 : vector<16xi32>
      %mul3A_404 = arith.constant 32 : i32
      %mul3A_405 = vector.broadcast %mul3A_404 : i32 to vector<16xi32>
      %mul3A_406 = arith.muli %and3A_403, %mul3A_405 : vector<16xi32>
      %swap3A_407 = arith.constant 80 : index
      %swap3A_408 = tpu.vector_load %arg14[%swap3A_407] {strides = array<i32>} : memref<128xi32, #tpu.memory_space<vmem>>, vector<16xi32>,
      tpu.vector_store %arg14[%swap3A_407], %mul3A_406 {strides = array<i32>} : memref<128xi32, #tpu.memory_space<vmem>>, vector<16xi32>,
      %add3A_409 = arith.constant 96 : i32
      %add3A_410 = arith.addi %add3A_306, %add3A_409 : i32
      %get3A_411 = arith.index_cast %add3A_410 : i32 to index
      %get3A_412 = tpu.vector_load %arg10[%get3A_411] {strides = array<i32>} : memref<13312xi32, #tpu.memory_space<vmem>>, vector<16xi32>,
      %shift_right_logical3A_413 = arith.constant 2 : i32
      %shift_right_logical3A_414 = vector.broadcast %shift_right_logical3A_413 : i32 to vector<16xi32>
      %shift_right_logical3A_415 = arith.shrui %get3A_412, %shift_right_logical3A_414 : vector<16xi32>
      %swap3A_416 = arith.constant 96 : index
      %swap3A_417 = tpu.vector_load %arg12[%swap3A_416] {strides = array<i32>} : memref<128xi32, #tpu.memory_space<vmem>>, vector<16xi32>,
      tpu.vector_store %arg12[%swap3A_416], %shift_right_logical3A_415 {strides = array<i32>} : memref<128xi32, #tpu.memory_space<vmem>>, vector<16xi32>,
      %and3A_418 = arith.constant 3 : i32
      %and3A_419 = vector.broadcast %and3A_418 : i32 to vector<16xi32>
      %and3A_420 = arith.andi %get3A_412, %and3A_419 : vector<16xi32>
      %mul3A_421 = arith.constant 32 : i32
      %mul3A_422 = vector.broadcast %mul3A_421 : i32 to vector<16xi32>
      %mul3A_423 = arith.muli %and3A_420, %mul3A_422 : vector<16xi32>
      %swap3A_424 = arith.constant 96 : index
      %swap3A_425 = tpu.vector_load %arg14[%swap3A_424] {strides = array<i32>} : memref<128xi32, #tpu.memory_space<vmem>>, vector<16xi32>,
      tpu.vector_store %arg14[%swap3A_424], %mul3A_423 {strides = array<i32>} : memref<128xi32, #tpu.memory_space<vmem>>, vector<16xi32>,
      %add3A_426 = arith.constant 112 : i32
      %add3A_427 = arith.addi %add3A_306, %add3A_426 : i32
      %get3A_428 = arith.index_cast %add3A_427 : i32 to index
      %get3A_429 = tpu.vector_load %arg10[%get3A_428] {strides = array<i32>} : memref<13312xi32, #tpu.memory_space<vmem>>, vector<16xi32>,
      %shift_right_logical3A_430 = arith.constant 2 : i32
      %shift_right_logical3A_431 = vector.broadcast %shift_right_logical3A_430 : i32 to vector<16xi32>
      %shift_right_logical3A_432 = arith.shrui %get3A_429, %shift_right_logical3A_431 : vector<16xi32>
      %swap3A_433 = arith.constant 112 : index
      %swap3A_434 = tpu.vector_load %arg12[%swap3A_433] {strides = array<i32>} : memref<128xi32, #tpu.memory_space<vmem>>, vector<16xi32>,
      tpu.vector_store %arg12[%swap3A_433], %shift_right_logical3A_432 {strides = array<i32>} : memref<128xi32, #tpu.memory_space<vmem>>, vector<16xi32>,
      %and3A_435 = arith.constant 3 : i32
      %and3A_436 = vector.broadcast %and3A_435 : i32 to vector<16xi32>
      %and3A_437 = arith.andi %get3A_429, %and3A_436 : vector<16xi32>
      %mul3A_438 = arith.constant 32 : i32
      %mul3A_439 = vector.broadcast %mul3A_438 : i32 to vector<16xi32>
      %mul3A_440 = arith.muli %and3A_437, %mul3A_439 : vector<16xi32>
      %swap3A_441 = arith.constant 112 : index
      %swap3A_442 = tpu.vector_load %arg14[%swap3A_441] {strides = array<i32>} : memref<128xi32, #tpu.memory_space<vmem>>, vector<16xi32>,
      tpu.vector_store %arg14[%swap3A_441], %mul3A_440 {strides = array<i32>} : memref<128xi32, #tpu.memory_space<vmem>>, vector<16xi32>,
      %dma_start3A_443 = arith.constant 0 : i32
      %dma_start3A_444 = arith.constant 0 : i32
      %dma_start3A_445 = tpu.memref_slice %arg5[%dma_start3A_443, %dma_start3A_444] : memref<262216x128xf32, #tpu.memory_space<hbm>> -> memref<262216x128xf32, #tpu.memory_space<hbm>>
      tpu.enqueue_indirect_dma source(%dma_start3A_445 : memref<262216x128xf32, #tpu.memory_space<hbm>>) target(%arg16 : memref<128x128xf32, #tpu.memory_space<vmem>>) offsets(%arg12 : memref<128xi32, #tpu.memory_space<vmem>>) semaphore(%arg26 : memref<!tpu.dma_semaphore, #tpu.memory_space<semaphore_mem>>)
      %dma_wait3A_446 = arith.constant 0 : i32
      %dma_wait3A_447 = arith.constant 0 : i32
      %dma_wait3A_448 = tpu.memref_slice %arg5[%dma_wait3A_446, %dma_wait3A_447] : memref<262216x128xf32, #tpu.memory_space<hbm>> -> memref<262216x128xf32, #tpu.memory_space<hbm>>
      tpu.wait_indirect_dma semaphore(%arg25 : memref<!tpu.dma_semaphore, #tpu.memory_space<semaphore_mem>>) src(%dma_wait3A_448 : memref<262216x128xf32, #tpu.memory_space<hbm>>) dst(%arg15 : memref<128x128xf32, #tpu.memory_space<vmem>>)
      %dma_wait3A_449 = arith.constant 262152 : i32
      %dma_wait3A_450 = arith.constant 0 : i32
      %dma_wait3A_451 = tpu.memref_slice %arg5[%dma_wait3A_449, %dma_wait3A_450] : memref<262216x128xf32, #tpu.memory_space<hbm>> -> memref<32x128xf32, #tpu.memory_space<hbm>>
      %dma_wait3A_452 = arith.constant 262152 : i32
      %dma_wait3A_453 = arith.constant 0 : i32
      %dma_wait3A_454 = tpu.memref_slice %arg5[%dma_wait3A_452, %dma_wait3A_453] : memref<262216x128xf32, #tpu.memory_space<hbm>> -> memref<32x128xf32, #tpu.memory_space<hbm>>
      tpu.wait_dma2 semaphore(%arg27 : memref<!tpu.dma_semaphore, #tpu.memory_space<semaphore_mem>>) src(%arg17 : memref<32x128xf32, #tpu.memory_space<vmem>>) dst(%dma_wait3A_454 : memref<32x128xf32, #tpu.memory_space<hbm>>)
      %parallel_loop3A = arith.constant 0 : i32
      %parallel_loop3A_455 = arith.constant 8 : i32
      %parallel_loop3A_456 = arith.constant 1 : i32
      scf.for %parallel_loop3A_709 = %parallel_loop3A to %parallel_loop3A_455 step %parallel_loop3A_456  : i32 {
        %parallel_loop3A_710 = arith.constant 16 : i32
        %parallel_loop3A_711 = arith.muli %parallel_loop3A_710, %parallel_loop3A_709 : i32
        %parallel_loop3A_712 = arith.index_cast %parallel_loop3A_711 : i32 to index
        %parallel_loop3A_713 = tpu.vector_load %arg13[%parallel_loop3A_712] {strides = array<i32>} : memref<128xi32, #tpu.memory_space<vmem>>, vector<16xi32>,
        %parallel_loop3A_714 = arith.constant 16 : i32
        %parallel_loop3A_715 = arith.muli %parallel_loop3A_714, %parallel_loop3A_709 : i32
        %parallel_loop3A_716 = vector.broadcast %parallel_loop3A_715 : i32 to vector<16xi32>
        %parallel_loop3A_717 = arith.addi %iota3A, %parallel_loop3A_716 : vector<16xi32>
        %parallel_loop3A_718 = arith.constant 0 : i32
        %parallel_loop3A_719 = vector.broadcast %parallel_loop3A_718 : i32 to vector<16xi32>
        %parallel_loop3A_720 = arith.addi %parallel_loop3A_713, %parallel_loop3A_719 : vector<16xi32>
        %parallel_loop3A_721 = tpu.vector_load_idx %arg15[%parallel_loop3A_717, %parallel_loop3A_720] : memref<128x128xf32, #tpu.memory_space<vmem>>[vector<16xi32>, vector<16xi32>], vector<16xf32>,
        %parallel_loop3A_722 = arith.constant 16 : i32
        %parallel_loop3A_723 = arith.muli %parallel_loop3A_722, %parallel_loop3A_709 : i32
        %parallel_loop3A_724 = arith.constant 0 : i32
        %parallel_loop3A_725 = arith.index_cast %parallel_loop3A_724 : i32 to index
        %parallel_loop3A_726 = arith.index_cast %parallel_loop3A_723 : i32 to index
        %parallel_loop3A_727 = tpu.vector_load %arg17[%parallel_loop3A_725, %parallel_loop3A_726] {strides = array<i32>} : memref<32x128xf32, #tpu.memory_space<vmem>>, vector<16xf32>,
        tpu.vector_store %arg17[%parallel_loop3A_725, %parallel_loop3A_726], %parallel_loop3A_721 {strides = array<i32>} : memref<32x128xf32, #tpu.memory_space<vmem>>, vector<16xf32>,
        %parallel_loop3A_728 = arith.constant 1 : i32
        %parallel_loop3A_729 = vector.broadcast %parallel_loop3A_728 : i32 to vector<16xi32>
        %parallel_loop3A_730 = arith.addi %parallel_loop3A_713, %parallel_loop3A_729 : vector<16xi32>
        %parallel_loop3A_731 = tpu.vector_load_idx %arg15[%parallel_loop3A_717, %parallel_loop3A_730] : memref<128x128xf32, #tpu.memory_space<vmem>>[vector<16xi32>, vector<16xi32>], vector<16xf32>,
        %parallel_loop3A_732 = arith.constant 16 : i32
        %parallel_loop3A_733 = arith.muli %parallel_loop3A_732, %parallel_loop3A_709 : i32
        %parallel_loop3A_734 = arith.constant 1 : i32
        %parallel_loop3A_735 = arith.index_cast %parallel_loop3A_734 : i32 to index
        %parallel_loop3A_736 = arith.index_cast %parallel_loop3A_733 : i32 to index
        %parallel_loop3A_737 = tpu.vector_load %arg17[%parallel_loop3A_735, %parallel_loop3A_736] {strides = array<i32>} : memref<32x128xf32, #tpu.memory_space<vmem>>, vector<16xf32>,
        tpu.vector_store %arg17[%parallel_loop3A_735, %parallel_loop3A_736], %parallel_loop3A_731 {strides = array<i32>} : memref<32x128xf32, #tpu.memory_space<vmem>>, vector<16xf32>,
        %parallel_loop3A_738 = arith.constant 2 : i32
        %parallel_loop3A_739 = vector.broadcast %parallel_loop3A_738 : i32 to vector<16xi32>
        %parallel_loop3A_740 = arith.addi %parallel_loop3A_713, %parallel_loop3A_739 : vector<16xi32>
        %parallel_loop3A_741 = tpu.vector_load_idx %arg15[%parallel_loop3A_717, %parallel_loop3A_740] : memref<128x128xf32, #tpu.memory_space<vmem>>[vector<16xi32>, vector<16xi32>], vector<16xf32>,
        %parallel_loop3A_742 = arith.constant 16 : i32
        %parallel_loop3A_743 = arith.muli %parallel_loop3A_742, %parallel_loop3A_709 : i32
        %parallel_loop3A_744 = arith.constant 2 : i32
        %parallel_loop3A_745 = arith.index_cast %parallel_loop3A_744 : i32 to index
        %parallel_loop3A_746 = arith.index_cast %parallel_loop3A_743 : i32 to index
        %parallel_loop3A_747 = tpu.vector_load %arg17[%parallel_loop3A_745, %parallel_loop3A_746] {strides = array<i32>} : memref<32x128xf32, #tpu.memory_space<vmem>>, vector<16xf32>,
        tpu.vector_store %arg17[%parallel_loop3A_745, %parallel_loop3A_746], %parallel_loop3A_741 {strides = array<i32>} : memref<32x128xf32, #tpu.memory_space<vmem>>, vector<16xf32>,
        %parallel_loop3A_748 = arith.constant 3 : i32
        %parallel_loop3A_749 = vector.broadcast %parallel_loop3A_748 : i32 to vector<16xi32>
        %parallel_loop3A_750 = arith.addi %parallel_loop3A_713, %parallel_loop3A_749 : vector<16xi32>
        %parallel_loop3A_751 = tpu.vector_load_idx %arg15[%parallel_loop3A_717, %parallel_loop3A_750] : memref<128x128xf32, #tpu.memory_space<vmem>>[vector<16xi32>, vector<16xi32>], vector<16xf32>,
        %parallel_loop3A_752 = arith.constant 16 : i32
        %parallel_loop3A_753 = arith.muli %parallel_loop3A_752, %parallel_loop3A_709 : i32
        %parallel_loop3A_754 = arith.constant 3 : i32
        %parallel_loop3A_755 = arith.index_cast %parallel_loop3A_754 : i32 to index
        %parallel_loop3A_756 = arith.index_cast %parallel_loop3A_753 : i32 to index
        %parallel_loop3A_757 = tpu.vector_load %arg17[%parallel_loop3A_755, %parallel_loop3A_756] {strides = array<i32>} : memref<32x128xf32, #tpu.memory_space<vmem>>, vector<16xf32>,
        tpu.vector_store %arg17[%parallel_loop3A_755, %parallel_loop3A_756], %parallel_loop3A_751 {strides = array<i32>} : memref<32x128xf32, #tpu.memory_space<vmem>>, vector<16xf32>,
        %parallel_loop3A_758 = arith.constant 4 : i32
        %parallel_loop3A_759 = vector.broadcast %parallel_loop3A_758 : i32 to vector<16xi32>
        %parallel_loop3A_760 = arith.addi %parallel_loop3A_713, %parallel_loop3A_759 : vector<16xi32>
        %parallel_loop3A_761 = tpu.vector_load_idx %arg15[%parallel_loop3A_717, %parallel_loop3A_760] : memref<128x128xf32, #tpu.memory_space<vmem>>[vector<16xi32>, vector<16xi32>], vector<16xf32>,
        %parallel_loop3A_762 = arith.constant 16 : i32
        %parallel_loop3A_763 = arith.muli %parallel_loop3A_762, %parallel_loop3A_709 : i32
        %parallel_loop3A_764 = arith.constant 4 : i32
        %parallel_loop3A_765 = arith.index_cast %parallel_loop3A_764 : i32 to index
        %parallel_loop3A_766 = arith.index_cast %parallel_loop3A_763 : i32 to index
        %parallel_loop3A_767 = tpu.vector_load %arg17[%parallel_loop3A_765, %parallel_loop3A_766] {strides = array<i32>} : memref<32x128xf32, #tpu.memory_space<vmem>>, vector<16xf32>,
        tpu.vector_store %arg17[%parallel_loop3A_765, %parallel_loop3A_766], %parallel_loop3A_761 {strides = array<i32>} : memref<32x128xf32, #tpu.memory_space<vmem>>, vector<16xf32>,
        %parallel_loop3A_768 = arith.constant 5 : i32
        %parallel_loop3A_769 = vector.broadcast %parallel_loop3A_768 : i32 to vector<16xi32>
        %parallel_loop3A_770 = arith.addi %parallel_loop3A_713, %parallel_loop3A_769 : vector<16xi32>
        %parallel_loop3A_771 = tpu.vector_load_idx %arg15[%parallel_loop3A_717, %parallel_loop3A_770] : memref<128x128xf32, #tpu.memory_space<vmem>>[vector<16xi32>, vector<16xi32>], vector<16xf32>,
        %parallel_loop3A_772 = arith.constant 16 : i32
        %parallel_loop3A_773 = arith.muli %parallel_loop3A_772, %parallel_loop3A_709 : i32
        %parallel_loop3A_774 = arith.constant 5 : i32
        %parallel_loop3A_775 = arith.index_cast %parallel_loop3A_774 : i32 to index
        %parallel_loop3A_776 = arith.index_cast %parallel_loop3A_773 : i32 to index
        %parallel_loop3A_777 = tpu.vector_load %arg17[%parallel_loop3A_775, %parallel_loop3A_776] {strides = array<i32>} : memref<32x128xf32, #tpu.memory_space<vmem>>, vector<16xf32>,
        tpu.vector_store %arg17[%parallel_loop3A_775, %parallel_loop3A_776], %parallel_loop3A_771 {strides = array<i32>} : memref<32x128xf32, #tpu.memory_space<vmem>>, vector<16xf32>,
        %parallel_loop3A_778 = arith.constant 6 : i32
        %parallel_loop3A_779 = vector.broadcast %parallel_loop3A_778 : i32 to vector<16xi32>
        %parallel_loop3A_780 = arith.addi %parallel_loop3A_713, %parallel_loop3A_779 : vector<16xi32>
        %parallel_loop3A_781 = tpu.vector_load_idx %arg15[%parallel_loop3A_717, %parallel_loop3A_780] : memref<128x128xf32, #tpu.memory_space<vmem>>[vector<16xi32>, vector<16xi32>], vector<16xf32>,
        %parallel_loop3A_782 = arith.constant 16 : i32
        %parallel_loop3A_783 = arith.muli %parallel_loop3A_782, %parallel_loop3A_709 : i32
        %parallel_loop3A_784 = arith.constant 6 : i32
        %parallel_loop3A_785 = arith.index_cast %parallel_loop3A_784 : i32 to index
        %parallel_loop3A_786 = arith.index_cast %parallel_loop3A_783 : i32 to index
        %parallel_loop3A_787 = tpu.vector_load %arg17[%parallel_loop3A_785, %parallel_loop3A_786] {strides = array<i32>} : memref<32x128xf32, #tpu.memory_space<vmem>>, vector<16xf32>,
        tpu.vector_store %arg17[%parallel_loop3A_785, %parallel_loop3A_786], %parallel_loop3A_781 {strides = array<i32>} : memref<32x128xf32, #tpu.memory_space<vmem>>, vector<16xf32>,
        %parallel_loop3A_788 = arith.constant 7 : i32
        %parallel_loop3A_789 = vector.broadcast %parallel_loop3A_788 : i32 to vector<16xi32>
        %parallel_loop3A_790 = arith.addi %parallel_loop3A_713, %parallel_loop3A_789 : vector<16xi32>
        %parallel_loop3A_791 = tpu.vector_load_idx %arg15[%parallel_loop3A_717, %parallel_loop3A_790] : memref<128x128xf32, #tpu.memory_space<vmem>>[vector<16xi32>, vector<16xi32>], vector<16xf32>,
        %parallel_loop3A_792 = arith.constant 16 : i32
        %parallel_loop3A_793 = arith.muli %parallel_loop3A_792, %parallel_loop3A_709 : i32
        %parallel_loop3A_794 = arith.constant 7 : i32
        %parallel_loop3A_795 = arith.index_cast %parallel_loop3A_794 : i32 to index
        %parallel_loop3A_796 = arith.index_cast %parallel_loop3A_793 : i32 to index
        %parallel_loop3A_797 = tpu.vector_load %arg17[%parallel_loop3A_795, %parallel_loop3A_796] {strides = array<i32>} : memref<32x128xf32, #tpu.memory_space<vmem>>, vector<16xf32>,
        tpu.vector_store %arg17[%parallel_loop3A_795, %parallel_loop3A_796], %parallel_loop3A_791 {strides = array<i32>} : memref<32x128xf32, #tpu.memory_space<vmem>>, vector<16xf32>,
        %parallel_loop3A_798 = arith.constant 8 : i32
        %parallel_loop3A_799 = vector.broadcast %parallel_loop3A_798 : i32 to vector<16xi32>
        %parallel_loop3A_800 = arith.addi %parallel_loop3A_713, %parallel_loop3A_799 : vector<16xi32>
        %parallel_loop3A_801 = tpu.vector_load_idx %arg15[%parallel_loop3A_717, %parallel_loop3A_800] : memref<128x128xf32, #tpu.memory_space<vmem>>[vector<16xi32>, vector<16xi32>], vector<16xf32>,
        %parallel_loop3A_802 = arith.constant 16 : i32
        %parallel_loop3A_803 = arith.muli %parallel_loop3A_802, %parallel_loop3A_709 : i32
        %parallel_loop3A_804 = arith.constant 8 : i32
        %parallel_loop3A_805 = arith.index_cast %parallel_loop3A_804 : i32 to index
        %parallel_loop3A_806 = arith.index_cast %parallel_loop3A_803 : i32 to index
        %parallel_loop3A_807 = tpu.vector_load %arg17[%parallel_loop3A_805, %parallel_loop3A_806] {strides = array<i32>} : memref<32x128xf32, #tpu.memory_space<vmem>>, vector<16xf32>,
        tpu.vector_store %arg17[%parallel_loop3A_805, %parallel_loop3A_806], %parallel_loop3A_801 {strides = array<i32>} : memref<32x128xf32, #tpu.memory_space<vmem>>, vector<16xf32>,
        %parallel_loop3A_808 = arith.constant 9 : i32
        %parallel_loop3A_809 = vector.broadcast %parallel_loop3A_808 : i32 to vector<16xi32>
        %parallel_loop3A_810 = arith.addi %parallel_loop3A_713, %parallel_loop3A_809 : vector<16xi32>
        %parallel_loop3A_811 = tpu.vector_load_idx %arg15[%parallel_loop3A_717, %parallel_loop3A_810] : memref<128x128xf32, #tpu.memory_space<vmem>>[vector<16xi32>, vector<16xi32>], vector<16xf32>,
        %parallel_loop3A_812 = arith.constant 16 : i32
        %parallel_loop3A_813 = arith.muli %parallel_loop3A_812, %parallel_loop3A_709 : i32
        %parallel_loop3A_814 = arith.constant 9 : i32
        %parallel_loop3A_815 = arith.index_cast %parallel_loop3A_814 : i32 to index
        %parallel_loop3A_816 = arith.index_cast %parallel_loop3A_813 : i32 to index
        %parallel_loop3A_817 = tpu.vector_load %arg17[%parallel_loop3A_815, %parallel_loop3A_816] {strides = array<i32>} : memref<32x128xf32, #tpu.memory_space<vmem>>, vector<16xf32>,
        tpu.vector_store %arg17[%parallel_loop3A_815, %parallel_loop3A_816], %parallel_loop3A_811 {strides = array<i32>} : memref<32x128xf32, #tpu.memory_space<vmem>>, vector<16xf32>,
        %parallel_loop3A_818 = arith.constant 10 : i32
        %parallel_loop3A_819 = vector.broadcast %parallel_loop3A_818 : i32 to vector<16xi32>
        %parallel_loop3A_820 = arith.addi %parallel_loop3A_713, %parallel_loop3A_819 : vector<16xi32>
        %parallel_loop3A_821 = tpu.vector_load_idx %arg15[%parallel_loop3A_717, %parallel_loop3A_820] : memref<128x128xf32, #tpu.memory_space<vmem>>[vector<16xi32>, vector<16xi32>], vector<16xf32>,
        %parallel_loop3A_822 = arith.constant 16 : i32
        %parallel_loop3A_823 = arith.muli %parallel_loop3A_822, %parallel_loop3A_709 : i32
        %parallel_loop3A_824 = arith.constant 10 : i32
        %parallel_loop3A_825 = arith.index_cast %parallel_loop3A_824 : i32 to index
        %parallel_loop3A_826 = arith.index_cast %parallel_loop3A_823 : i32 to index
        %parallel_loop3A_827 = tpu.vector_load %arg17[%parallel_loop3A_825, %parallel_loop3A_826] {strides = array<i32>} : memref<32x128xf32, #tpu.memory_space<vmem>>, vector<16xf32>,
        tpu.vector_store %arg17[%parallel_loop3A_825, %parallel_loop3A_826], %parallel_loop3A_821 {strides = array<i32>} : memref<32x128xf32, #tpu.memory_space<vmem>>, vector<16xf32>,
        %parallel_loop3A_828 = arith.constant 11 : i32
        %parallel_loop3A_829 = vector.broadcast %parallel_loop3A_828 : i32 to vector<16xi32>
        %parallel_loop3A_830 = arith.addi %parallel_loop3A_713, %parallel_loop3A_829 : vector<16xi32>
        %parallel_loop3A_831 = tpu.vector_load_idx %arg15[%parallel_loop3A_717, %parallel_loop3A_830] : memref<128x128xf32, #tpu.memory_space<vmem>>[vector<16xi32>, vector<16xi32>], vector<16xf32>,
        %parallel_loop3A_832 = arith.constant 16 : i32
        %parallel_loop3A_833 = arith.muli %parallel_loop3A_832, %parallel_loop3A_709 : i32
        %parallel_loop3A_834 = arith.constant 11 : i32
        %parallel_loop3A_835 = arith.index_cast %parallel_loop3A_834 : i32 to index
        %parallel_loop3A_836 = arith.index_cast %parallel_loop3A_833 : i32 to index
        %parallel_loop3A_837 = tpu.vector_load %arg17[%parallel_loop3A_835, %parallel_loop3A_836] {strides = array<i32>} : memref<32x128xf32, #tpu.memory_space<vmem>>, vector<16xf32>,
        tpu.vector_store %arg17[%parallel_loop3A_835, %parallel_loop3A_836], %parallel_loop3A_831 {strides = array<i32>} : memref<32x128xf32, #tpu.memory_space<vmem>>, vector<16xf32>,
        %parallel_loop3A_838 = arith.constant 12 : i32
        %parallel_loop3A_839 = vector.broadcast %parallel_loop3A_838 : i32 to vector<16xi32>
        %parallel_loop3A_840 = arith.addi %parallel_loop3A_713, %parallel_loop3A_839 : vector<16xi32>
        %parallel_loop3A_841 = tpu.vector_load_idx %arg15[%parallel_loop3A_717, %parallel_loop3A_840] : memref<128x128xf32, #tpu.memory_space<vmem>>[vector<16xi32>, vector<16xi32>], vector<16xf32>,
        %parallel_loop3A_842 = arith.constant 16 : i32
        %parallel_loop3A_843 = arith.muli %parallel_loop3A_842, %parallel_loop3A_709 : i32
        %parallel_loop3A_844 = arith.constant 12 : i32
        %parallel_loop3A_845 = arith.index_cast %parallel_loop3A_844 : i32 to index
        %parallel_loop3A_846 = arith.index_cast %parallel_loop3A_843 : i32 to index
        %parallel_loop3A_847 = tpu.vector_load %arg17[%parallel_loop3A_845, %parallel_loop3A_846] {strides = array<i32>} : memref<32x128xf32, #tpu.memory_space<vmem>>, vector<16xf32>,
        tpu.vector_store %arg17[%parallel_loop3A_845, %parallel_loop3A_846], %parallel_loop3A_841 {strides = array<i32>} : memref<32x128xf32, #tpu.memory_space<vmem>>, vector<16xf32>,
        %parallel_loop3A_848 = arith.constant 13 : i32
        %parallel_loop3A_849 = vector.broadcast %parallel_loop3A_848 : i32 to vector<16xi32>
        %parallel_loop3A_850 = arith.addi %parallel_loop3A_713, %parallel_loop3A_849 : vector<16xi32>
        %parallel_loop3A_851 = tpu.vector_load_idx %arg15[%parallel_loop3A_717, %parallel_loop3A_850] : memref<128x128xf32, #tpu.memory_space<vmem>>[vector<16xi32>, vector<16xi32>], vector<16xf32>,
        %parallel_loop3A_852 = arith.constant 16 : i32
        %parallel_loop3A_853 = arith.muli %parallel_loop3A_852, %parallel_loop3A_709 : i32
        %parallel_loop3A_854 = arith.constant 13 : i32
        %parallel_loop3A_855 = arith.index_cast %parallel_loop3A_854 : i32 to index
        %parallel_loop3A_856 = arith.index_cast %parallel_loop3A_853 : i32 to index
        %parallel_loop3A_857 = tpu.vector_load %arg17[%parallel_loop3A_855, %parallel_loop3A_856] {strides = array<i32>} : memref<32x128xf32, #tpu.memory_space<vmem>>, vector<16xf32>,
        tpu.vector_store %arg17[%parallel_loop3A_855, %parallel_loop3A_856], %parallel_loop3A_851 {strides = array<i32>} : memref<32x128xf32, #tpu.memory_space<vmem>>, vector<16xf32>,
        %parallel_loop3A_858 = arith.constant 14 : i32
        %parallel_loop3A_859 = vector.broadcast %parallel_loop3A_858 : i32 to vector<16xi32>
        %parallel_loop3A_860 = arith.addi %parallel_loop3A_713, %parallel_loop3A_859 : vector<16xi32>
        %parallel_loop3A_861 = tpu.vector_load_idx %arg15[%parallel_loop3A_717, %parallel_loop3A_860] : memref<128x128xf32, #tpu.memory_space<vmem>>[vector<16xi32>, vector<16xi32>], vector<16xf32>,
        %parallel_loop3A_862 = arith.constant 16 : i32
        %parallel_loop3A_863 = arith.muli %parallel_loop3A_862, %parallel_loop3A_709 : i32
        %parallel_loop3A_864 = arith.constant 14 : i32
        %parallel_loop3A_865 = arith.index_cast %parallel_loop3A_864 : i32 to index
        %parallel_loop3A_866 = arith.index_cast %parallel_loop3A_863 : i32 to index
        %parallel_loop3A_867 = tpu.vector_load %arg17[%parallel_loop3A_865, %parallel_loop3A_866] {strides = array<i32>} : memref<32x128xf32, #tpu.memory_space<vmem>>, vector<16xf32>,
        tpu.vector_store %arg17[%parallel_loop3A_865, %parallel_loop3A_866], %parallel_loop3A_861 {strides = array<i32>} : memref<32x128xf32, #tpu.memory_space<vmem>>, vector<16xf32>,
        %parallel_loop3A_868 = arith.constant 15 : i32
        %parallel_loop3A_869 = vector.broadcast %parallel_loop3A_868 : i32 to vector<16xi32>
        %parallel_loop3A_870 = arith.addi %parallel_loop3A_713, %parallel_loop3A_869 : vector<16xi32>
        %parallel_loop3A_871 = tpu.vector_load_idx %arg15[%parallel_loop3A_717, %parallel_loop3A_870] : memref<128x128xf32, #tpu.memory_space<vmem>>[vector<16xi32>, vector<16xi32>], vector<16xf32>,
        %parallel_loop3A_872 = arith.constant 16 : i32
        %parallel_loop3A_873 = arith.muli %parallel_loop3A_872, %parallel_loop3A_709 : i32
        %parallel_loop3A_874 = arith.constant 15 : i32
        %parallel_loop3A_875 = arith.index_cast %parallel_loop3A_874 : i32 to index
        %parallel_loop3A_876 = arith.index_cast %parallel_loop3A_873 : i32 to index
        %parallel_loop3A_877 = tpu.vector_load %arg17[%parallel_loop3A_875, %parallel_loop3A_876] {strides = array<i32>} : memref<32x128xf32, #tpu.memory_space<vmem>>, vector<16xf32>,
        tpu.vector_store %arg17[%parallel_loop3A_875, %parallel_loop3A_876], %parallel_loop3A_871 {strides = array<i32>} : memref<32x128xf32, #tpu.memory_space<vmem>>, vector<16xf32>,
        %parallel_loop3A_878 = arith.constant 16 : i32
        %parallel_loop3A_879 = vector.broadcast %parallel_loop3A_878 : i32 to vector<16xi32>
        %parallel_loop3A_880 = arith.addi %parallel_loop3A_713, %parallel_loop3A_879 : vector<16xi32>
        %parallel_loop3A_881 = tpu.vector_load_idx %arg15[%parallel_loop3A_717, %parallel_loop3A_880] : memref<128x128xf32, #tpu.memory_space<vmem>>[vector<16xi32>, vector<16xi32>], vector<16xf32>,
        %parallel_loop3A_882 = arith.constant 16 : i32
        %parallel_loop3A_883 = arith.muli %parallel_loop3A_882, %parallel_loop3A_709 : i32
        %parallel_loop3A_884 = arith.constant 16 : i32
        %parallel_loop3A_885 = arith.index_cast %parallel_loop3A_884 : i32 to index
        %parallel_loop3A_886 = arith.index_cast %parallel_loop3A_883 : i32 to index
        %parallel_loop3A_887 = tpu.vector_load %arg17[%parallel_loop3A_885, %parallel_loop3A_886] {strides = array<i32>} : memref<32x128xf32, #tpu.memory_space<vmem>>, vector<16xf32>,
        tpu.vector_store %arg17[%parallel_loop3A_885, %parallel_loop3A_886], %parallel_loop3A_881 {strides = array<i32>} : memref<32x128xf32, #tpu.memory_space<vmem>>, vector<16xf32>,
        %parallel_loop3A_888 = arith.constant 17 : i32
        %parallel_loop3A_889 = vector.broadcast %parallel_loop3A_888 : i32 to vector<16xi32>
        %parallel_loop3A_890 = arith.addi %parallel_loop3A_713, %parallel_loop3A_889 : vector<16xi32>
        %parallel_loop3A_891 = tpu.vector_load_idx %arg15[%parallel_loop3A_717, %parallel_loop3A_890] : memref<128x128xf32, #tpu.memory_space<vmem>>[vector<16xi32>, vector<16xi32>], vector<16xf32>,
        %parallel_loop3A_892 = arith.constant 16 : i32
        %parallel_loop3A_893 = arith.muli %parallel_loop3A_892, %parallel_loop3A_709 : i32
        %parallel_loop3A_894 = arith.constant 17 : i32
        %parallel_loop3A_895 = arith.index_cast %parallel_loop3A_894 : i32 to index
        %parallel_loop3A_896 = arith.index_cast %parallel_loop3A_893 : i32 to index
        %parallel_loop3A_897 = tpu.vector_load %arg17[%parallel_loop3A_895, %parallel_loop3A_896] {strides = array<i32>} : memref<32x128xf32, #tpu.memory_space<vmem>>, vector<16xf32>,
        tpu.vector_store %arg17[%parallel_loop3A_895, %parallel_loop3A_896], %parallel_loop3A_891 {strides = array<i32>} : memref<32x128xf32, #tpu.memory_space<vmem>>, vector<16xf32>,
        %parallel_loop3A_898 = arith.constant 18 : i32
        %parallel_loop3A_899 = vector.broadcast %parallel_loop3A_898 : i32 to vector<16xi32>
        %parallel_loop3A_900 = arith.addi %parallel_loop3A_713, %parallel_loop3A_899 : vector<16xi32>
        %parallel_loop3A_901 = tpu.vector_load_idx %arg15[%parallel_loop3A_717, %parallel_loop3A_900] : memref<128x128xf32, #tpu.memory_space<vmem>>[vector<16xi32>, vector<16xi32>], vector<16xf32>,
        %parallel_loop3A_902 = arith.constant 16 : i32
        %parallel_loop3A_903 = arith.muli %parallel_loop3A_902, %parallel_loop3A_709 : i32
        %parallel_loop3A_904 = arith.constant 18 : i32
        %parallel_loop3A_905 = arith.index_cast %parallel_loop3A_904 : i32 to index
        %parallel_loop3A_906 = arith.index_cast %parallel_loop3A_903 : i32 to index
        %parallel_loop3A_907 = tpu.vector_load %arg17[%parallel_loop3A_905, %parallel_loop3A_906] {strides = array<i32>} : memref<32x128xf32, #tpu.memory_space<vmem>>, vector<16xf32>,
        tpu.vector_store %arg17[%parallel_loop3A_905, %parallel_loop3A_906], %parallel_loop3A_901 {strides = array<i32>} : memref<32x128xf32, #tpu.memory_space<vmem>>, vector<16xf32>,
        %parallel_loop3A_908 = arith.constant 19 : i32
        %parallel_loop3A_909 = vector.broadcast %parallel_loop3A_908 : i32 to vector<16xi32>
        %parallel_loop3A_910 = arith.addi %parallel_loop3A_713, %parallel_loop3A_909 : vector<16xi32>
        %parallel_loop3A_911 = tpu.vector_load_idx %arg15[%parallel_loop3A_717, %parallel_loop3A_910] : memref<128x128xf32, #tpu.memory_space<vmem>>[vector<16xi32>, vector<16xi32>], vector<16xf32>,
        %parallel_loop3A_912 = arith.constant 16 : i32
        %parallel_loop3A_913 = arith.muli %parallel_loop3A_912, %parallel_loop3A_709 : i32
        %parallel_loop3A_914 = arith.constant 19 : i32
        %parallel_loop3A_915 = arith.index_cast %parallel_loop3A_914 : i32 to index
        %parallel_loop3A_916 = arith.index_cast %parallel_loop3A_913 : i32 to index
        %parallel_loop3A_917 = tpu.vector_load %arg17[%parallel_loop3A_915, %parallel_loop3A_916] {strides = array<i32>} : memref<32x128xf32, #tpu.memory_space<vmem>>, vector<16xf32>,
        tpu.vector_store %arg17[%parallel_loop3A_915, %parallel_loop3A_916], %parallel_loop3A_911 {strides = array<i32>} : memref<32x128xf32, #tpu.memory_space<vmem>>, vector<16xf32>,
        %parallel_loop3A_918 = arith.constant 20 : i32
        %parallel_loop3A_919 = vector.broadcast %parallel_loop3A_918 : i32 to vector<16xi32>
        %parallel_loop3A_920 = arith.addi %parallel_loop3A_713, %parallel_loop3A_919 : vector<16xi32>
        %parallel_loop3A_921 = tpu.vector_load_idx %arg15[%parallel_loop3A_717, %parallel_loop3A_920] : memref<128x128xf32, #tpu.memory_space<vmem>>[vector<16xi32>, vector<16xi32>], vector<16xf32>,
        %parallel_loop3A_922 = arith.constant 16 : i32
        %parallel_loop3A_923 = arith.muli %parallel_loop3A_922, %parallel_loop3A_709 : i32
        %parallel_loop3A_924 = arith.constant 20 : i32
        %parallel_loop3A_925 = arith.index_cast %parallel_loop3A_924 : i32 to index
        %parallel_loop3A_926 = arith.index_cast %parallel_loop3A_923 : i32 to index
        %parallel_loop3A_927 = tpu.vector_load %arg17[%parallel_loop3A_925, %parallel_loop3A_926] {strides = array<i32>} : memref<32x128xf32, #tpu.memory_space<vmem>>, vector<16xf32>,
        tpu.vector_store %arg17[%parallel_loop3A_925, %parallel_loop3A_926], %parallel_loop3A_921 {strides = array<i32>} : memref<32x128xf32, #tpu.memory_space<vmem>>, vector<16xf32>,
        %parallel_loop3A_928 = arith.constant 21 : i32
        %parallel_loop3A_929 = vector.broadcast %parallel_loop3A_928 : i32 to vector<16xi32>
        %parallel_loop3A_930 = arith.addi %parallel_loop3A_713, %parallel_loop3A_929 : vector<16xi32>
        %parallel_loop3A_931 = tpu.vector_load_idx %arg15[%parallel_loop3A_717, %parallel_loop3A_930] : memref<128x128xf32, #tpu.memory_space<vmem>>[vector<16xi32>, vector<16xi32>], vector<16xf32>,
        %parallel_loop3A_932 = arith.constant 16 : i32
        %parallel_loop3A_933 = arith.muli %parallel_loop3A_932, %parallel_loop3A_709 : i32
        %parallel_loop3A_934 = arith.constant 21 : i32
        %parallel_loop3A_935 = arith.index_cast %parallel_loop3A_934 : i32 to index
        %parallel_loop3A_936 = arith.index_cast %parallel_loop3A_933 : i32 to index
        %parallel_loop3A_937 = tpu.vector_load %arg17[%parallel_loop3A_935, %parallel_loop3A_936] {strides = array<i32>} : memref<32x128xf32, #tpu.memory_space<vmem>>, vector<16xf32>,
        tpu.vector_store %arg17[%parallel_loop3A_935, %parallel_loop3A_936], %parallel_loop3A_931 {strides = array<i32>} : memref<32x128xf32, #tpu.memory_space<vmem>>, vector<16xf32>,
        %parallel_loop3A_938 = arith.constant 22 : i32
        %parallel_loop3A_939 = vector.broadcast %parallel_loop3A_938 : i32 to vector<16xi32>
        %parallel_loop3A_940 = arith.addi %parallel_loop3A_713, %parallel_loop3A_939 : vector<16xi32>
        %parallel_loop3A_941 = tpu.vector_load_idx %arg15[%parallel_loop3A_717, %parallel_loop3A_940] : memref<128x128xf32, #tpu.memory_space<vmem>>[vector<16xi32>, vector<16xi32>], vector<16xf32>,
        %parallel_loop3A_942 = arith.constant 16 : i32
        %parallel_loop3A_943 = arith.muli %parallel_loop3A_942, %parallel_loop3A_709 : i32
        %parallel_loop3A_944 = arith.constant 22 : i32
        %parallel_loop3A_945 = arith.index_cast %parallel_loop3A_944 : i32 to index
        %parallel_loop3A_946 = arith.index_cast %parallel_loop3A_943 : i32 to index
        %parallel_loop3A_947 = tpu.vector_load %arg17[%parallel_loop3A_945, %parallel_loop3A_946] {strides = array<i32>} : memref<32x128xf32, #tpu.memory_space<vmem>>, vector<16xf32>,
        tpu.vector_store %arg17[%parallel_loop3A_945, %parallel_loop3A_946], %parallel_loop3A_941 {strides = array<i32>} : memref<32x128xf32, #tpu.memory_space<vmem>>, vector<16xf32>,
        %parallel_loop3A_948 = arith.constant 23 : i32
        %parallel_loop3A_949 = vector.broadcast %parallel_loop3A_948 : i32 to vector<16xi32>
        %parallel_loop3A_950 = arith.addi %parallel_loop3A_713, %parallel_loop3A_949 : vector<16xi32>
        %parallel_loop3A_951 = tpu.vector_load_idx %arg15[%parallel_loop3A_717, %parallel_loop3A_950] : memref<128x128xf32, #tpu.memory_space<vmem>>[vector<16xi32>, vector<16xi32>], vector<16xf32>,
        %parallel_loop3A_952 = arith.constant 16 : i32
        %parallel_loop3A_953 = arith.muli %parallel_loop3A_952, %parallel_loop3A_709 : i32
        %parallel_loop3A_954 = arith.constant 23 : i32
        %parallel_loop3A_955 = arith.index_cast %parallel_loop3A_954 : i32 to index
        %parallel_loop3A_956 = arith.index_cast %parallel_loop3A_953 : i32 to index
        %parallel_loop3A_957 = tpu.vector_load %arg17[%parallel_loop3A_955, %parallel_loop3A_956] {strides = array<i32>} : memref<32x128xf32, #tpu.memory_space<vmem>>, vector<16xf32>,
        tpu.vector_store %arg17[%parallel_loop3A_955, %parallel_loop3A_956], %parallel_loop3A_951 {strides = array<i32>} : memref<32x128xf32, #tpu.memory_space<vmem>>, vector<16xf32>,
        %parallel_loop3A_958 = arith.constant 24 : i32
        %parallel_loop3A_959 = vector.broadcast %parallel_loop3A_958 : i32 to vector<16xi32>
        %parallel_loop3A_960 = arith.addi %parallel_loop3A_713, %parallel_loop3A_959 : vector<16xi32>
        %parallel_loop3A_961 = tpu.vector_load_idx %arg15[%parallel_loop3A_717, %parallel_loop3A_960] : memref<128x128xf32, #tpu.memory_space<vmem>>[vector<16xi32>, vector<16xi32>], vector<16xf32>,
        %parallel_loop3A_962 = arith.constant 16 : i32
        %parallel_loop3A_963 = arith.muli %parallel_loop3A_962, %parallel_loop3A_709 : i32
        %parallel_loop3A_964 = arith.constant 24 : i32
        %parallel_loop3A_965 = arith.index_cast %parallel_loop3A_964 : i32 to index
        %parallel_loop3A_966 = arith.index_cast %parallel_loop3A_963 : i32 to index
        %parallel_loop3A_967 = tpu.vector_load %arg17[%parallel_loop3A_965, %parallel_loop3A_966] {strides = array<i32>} : memref<32x128xf32, #tpu.memory_space<vmem>>, vector<16xf32>,
        tpu.vector_store %arg17[%parallel_loop3A_965, %parallel_loop3A_966], %parallel_loop3A_961 {strides = array<i32>} : memref<32x128xf32, #tpu.memory_space<vmem>>, vector<16xf32>,
        %parallel_loop3A_968 = arith.constant 25 : i32
        %parallel_loop3A_969 = vector.broadcast %parallel_loop3A_968 : i32 to vector<16xi32>
        %parallel_loop3A_970 = arith.addi %parallel_loop3A_713, %parallel_loop3A_969 : vector<16xi32>
        %parallel_loop3A_971 = tpu.vector_load_idx %arg15[%parallel_loop3A_717, %parallel_loop3A_970] : memref<128x128xf32, #tpu.memory_space<vmem>>[vector<16xi32>, vector<16xi32>], vector<16xf32>,
        %parallel_loop3A_972 = arith.constant 16 : i32
        %parallel_loop3A_973 = arith.muli %parallel_loop3A_972, %parallel_loop3A_709 : i32
        %parallel_loop3A_974 = arith.constant 25 : i32
        %parallel_loop3A_975 = arith.index_cast %parallel_loop3A_974 : i32 to index
        %parallel_loop3A_976 = arith.index_cast %parallel_loop3A_973 : i32 to index
        %parallel_loop3A_977 = tpu.vector_load %arg17[%parallel_loop3A_975, %parallel_loop3A_976] {strides = array<i32>} : memref<32x128xf32, #tpu.memory_space<vmem>>, vector<16xf32>,
        tpu.vector_store %arg17[%parallel_loop3A_975, %parallel_loop3A_976], %parallel_loop3A_971 {strides = array<i32>} : memref<32x128xf32, #tpu.memory_space<vmem>>, vector<16xf32>,
        %parallel_loop3A_978 = arith.constant 26 : i32
        %parallel_loop3A_979 = vector.broadcast %parallel_loop3A_978 : i32 to vector<16xi32>
        %parallel_loop3A_980 = arith.addi %parallel_loop3A_713, %parallel_loop3A_979 : vector<16xi32>
        %parallel_loop3A_981 = tpu.vector_load_idx %arg15[%parallel_loop3A_717, %parallel_loop3A_980] : memref<128x128xf32, #tpu.memory_space<vmem>>[vector<16xi32>, vector<16xi32>], vector<16xf32>,
        %parallel_loop3A_982 = arith.constant 16 : i32
        %parallel_loop3A_983 = arith.muli %parallel_loop3A_982, %parallel_loop3A_709 : i32
        %parallel_loop3A_984 = arith.constant 26 : i32
        %parallel_loop3A_985 = arith.index_cast %parallel_loop3A_984 : i32 to index
        %parallel_loop3A_986 = arith.index_cast %parallel_loop3A_983 : i32 to index
        %parallel_loop3A_987 = tpu.vector_load %arg17[%parallel_loop3A_985, %parallel_loop3A_986] {strides = array<i32>} : memref<32x128xf32, #tpu.memory_space<vmem>>, vector<16xf32>,
        tpu.vector_store %arg17[%parallel_loop3A_985, %parallel_loop3A_986], %parallel_loop3A_981 {strides = array<i32>} : memref<32x128xf32, #tpu.memory_space<vmem>>, vector<16xf32>,
        %parallel_loop3A_988 = arith.constant 27 : i32
        %parallel_loop3A_989 = vector.broadcast %parallel_loop3A_988 : i32 to vector<16xi32>
        %parallel_loop3A_990 = arith.addi %parallel_loop3A_713, %parallel_loop3A_989 : vector<16xi32>
        %parallel_loop3A_991 = tpu.vector_load_idx %arg15[%parallel_loop3A_717, %parallel_loop3A_990] : memref<128x128xf32, #tpu.memory_space<vmem>>[vector<16xi32>, vector<16xi32>], vector<16xf32>,
        %parallel_loop3A_992 = arith.constant 16 : i32
        %parallel_loop3A_993 = arith.muli %parallel_loop3A_992, %parallel_loop3A_709 : i32
        %parallel_loop3A_994 = arith.constant 27 : i32
        %parallel_loop3A_995 = arith.index_cast %parallel_loop3A_994 : i32 to index
        %parallel_loop3A_996 = arith.index_cast %parallel_loop3A_993 : i32 to index
        %parallel_loop3A_997 = tpu.vector_load %arg17[%parallel_loop3A_995, %parallel_loop3A_996] {strides = array<i32>} : memref<32x128xf32, #tpu.memory_space<vmem>>, vector<16xf32>,
        tpu.vector_store %arg17[%parallel_loop3A_995, %parallel_loop3A_996], %parallel_loop3A_991 {strides = array<i32>} : memref<32x128xf32, #tpu.memory_space<vmem>>, vector<16xf32>,
        %parallel_loop3A_998 = arith.constant 28 : i32
        %parallel_loop3A_999 = vector.broadcast %parallel_loop3A_998 : i32 to vector<16xi32>
        %parallel_loop3A_1000 = arith.addi %parallel_loop3A_713, %parallel_loop3A_999 : vector<16xi32>
        %parallel_loop3A_1001 = tpu.vector_load_idx %arg15[%parallel_loop3A_717, %parallel_loop3A_1000] : memref<128x128xf32, #tpu.memory_space<vmem>>[vector<16xi32>, vector<16xi32>], vector<16xf32>,
        %parallel_loop3A_1002 = arith.constant 16 : i32
        %parallel_loop3A_1003 = arith.muli %parallel_loop3A_1002, %parallel_loop3A_709 : i32
        %parallel_loop3A_1004 = arith.constant 28 : i32
        %parallel_loop3A_1005 = arith.index_cast %parallel_loop3A_1004 : i32 to index
        %parallel_loop3A_1006 = arith.index_cast %parallel_loop3A_1003 : i32 to index
        %parallel_loop3A_1007 = tpu.vector_load %arg17[%parallel_loop3A_1005, %parallel_loop3A_1006] {strides = array<i32>} : memref<32x128xf32, #tpu.memory_space<vmem>>, vector<16xf32>,
        tpu.vector_store %arg17[%parallel_loop3A_1005, %parallel_loop3A_1006], %parallel_loop3A_1001 {strides = array<i32>} : memref<32x128xf32, #tpu.memory_space<vmem>>, vector<16xf32>,
        %parallel_loop3A_1008 = arith.constant 29 : i32
        %parallel_loop3A_1009 = vector.broadcast %parallel_loop3A_1008 : i32 to vector<16xi32>
        %parallel_loop3A_1010 = arith.addi %parallel_loop3A_713, %parallel_loop3A_1009 : vector<16xi32>
        %parallel_loop3A_1011 = tpu.vector_load_idx %arg15[%parallel_loop3A_717, %parallel_loop3A_1010] : memref<128x128xf32, #tpu.memory_space<vmem>>[vector<16xi32>, vector<16xi32>], vector<16xf32>,
        %parallel_loop3A_1012 = arith.constant 16 : i32
        %parallel_loop3A_1013 = arith.muli %parallel_loop3A_1012, %parallel_loop3A_709 : i32
        %parallel_loop3A_1014 = arith.constant 29 : i32
        %parallel_loop3A_1015 = arith.index_cast %parallel_loop3A_1014 : i32 to index
        %parallel_loop3A_1016 = arith.index_cast %parallel_loop3A_1013 : i32 to index
        %parallel_loop3A_1017 = tpu.vector_load %arg17[%parallel_loop3A_1015, %parallel_loop3A_1016] {strides = array<i32>} : memref<32x128xf32, #tpu.memory_space<vmem>>, vector<16xf32>,
        tpu.vector_store %arg17[%parallel_loop3A_1015, %parallel_loop3A_1016], %parallel_loop3A_1011 {strides = array<i32>} : memref<32x128xf32, #tpu.memory_space<vmem>>, vector<16xf32>,
        %parallel_loop3A_1018 = arith.constant 30 : i32
        %parallel_loop3A_1019 = vector.broadcast %parallel_loop3A_1018 : i32 to vector<16xi32>
        %parallel_loop3A_1020 = arith.addi %parallel_loop3A_713, %parallel_loop3A_1019 : vector<16xi32>
        %parallel_loop3A_1021 = tpu.vector_load_idx %arg15[%parallel_loop3A_717, %parallel_loop3A_1020] : memref<128x128xf32, #tpu.memory_space<vmem>>[vector<16xi32>, vector<16xi32>], vector<16xf32>,
        %parallel_loop3A_1022 = arith.constant 16 : i32
        %parallel_loop3A_1023 = arith.muli %parallel_loop3A_1022, %parallel_loop3A_709 : i32
        %parallel_loop3A_1024 = arith.constant 30 : i32
        %parallel_loop3A_1025 = arith.index_cast %parallel_loop3A_1024 : i32 to index
        %parallel_loop3A_1026 = arith.index_cast %parallel_loop3A_1023 : i32 to index
        %parallel_loop3A_1027 = tpu.vector_load %arg17[%parallel_loop3A_1025, %parallel_loop3A_1026] {strides = array<i32>} : memref<32x128xf32, #tpu.memory_space<vmem>>, vector<16xf32>,
        tpu.vector_store %arg17[%parallel_loop3A_1025, %parallel_loop3A_1026], %parallel_loop3A_1021 {strides = array<i32>} : memref<32x128xf32, #tpu.memory_space<vmem>>, vector<16xf32>,
        %parallel_loop3A_1028 = arith.constant 31 : i32
        %parallel_loop3A_1029 = vector.broadcast %parallel_loop3A_1028 : i32 to vector<16xi32>
        %parallel_loop3A_1030 = arith.addi %parallel_loop3A_713, %parallel_loop3A_1029 : vector<16xi32>
        %parallel_loop3A_1031 = tpu.vector_load_idx %arg15[%parallel_loop3A_717, %parallel_loop3A_1030] : memref<128x128xf32, #tpu.memory_space<vmem>>[vector<16xi32>, vector<16xi32>], vector<16xf32>,
        %parallel_loop3A_1032 = arith.constant 16 : i32
        %parallel_loop3A_1033 = arith.muli %parallel_loop3A_1032, %parallel_loop3A_709 : i32
        %parallel_loop3A_1034 = arith.constant 31 : i32
        %parallel_loop3A_1035 = arith.index_cast %parallel_loop3A_1034 : i32 to index
        %parallel_loop3A_1036 = arith.index_cast %parallel_loop3A_1033 : i32 to index
        %parallel_loop3A_1037 = tpu.vector_load %arg17[%parallel_loop3A_1035, %parallel_loop3A_1036] {strides = array<i32>} : memref<32x128xf32, #tpu.memory_space<vmem>>, vector<16xf32>,
        tpu.vector_store %arg17[%parallel_loop3A_1035, %parallel_loop3A_1036], %parallel_loop3A_1031 {strides = array<i32>} : memref<32x128xf32, #tpu.memory_space<vmem>>, vector<16xf32>,
      } {sc.loop_unroll_factor = 4 : i64, sc.parallel_access}
      %jit3A_457 = arith.constant 4 : i32
      %div3A_458 = arith.divsi %mul3A_271, %jit3A_457 : i32
      %sign3A_459 = arith.constant 0 : i32
      %sign3A_460 = arith.cmpi sgt, %mul3A_271, %sign3A_459 : i32
      %sign3A_461 = arith.extui %sign3A_460 : i1 to i32
      %sign3A_462 = arith.constant 0 : i32
      %sign3A_463 = arith.cmpi slt, %mul3A_271, %sign3A_462 : i32
      %sign3A_464 = arith.extui %sign3A_463 : i1 to i32
      %sign3A_465 = arith.subi %sign3A_461, %sign3A_464 : i32
      %sign3A_466 = arith.constant 0 : i32
      %sign3A_467 = arith.cmpi sgt, %jit3A_457, %sign3A_466 : i32
      %sign3A_468 = arith.extui %sign3A_467 : i1 to i32
      %sign3A_469 = arith.constant 0 : i32
      %sign3A_470 = arith.cmpi slt, %jit3A_457, %sign3A_469 : i32
      %sign3A_471 = arith.extui %sign3A_470 : i1 to i32
      %sign3A_472 = arith.subi %sign3A_468, %sign3A_471 : i32
      %ne3A_473 = arith.cmpi ne, %sign3A_465, %sign3A_472 : i32
      %rem3A_474 = arith.remsi %mul3A_271, %jit3A_457 : i32
      %ne3A_475 = arith.constant 0 : i32
      %ne3A_476 = arith.cmpi ne, %rem3A_474, %ne3A_475 : i32
      %and3A_477 = arith.andi %ne3A_473, %ne3A_476 : i1
      %sub3A_478 = arith.constant 1 : i32
      %sub3A_479 = arith.subi %div3A_458, %sub3A_478 : i32
      %select_n3A_480 = arith.select %and3A_477, %sub3A_479, %div3A_458 : i32
      %rem3A_481 = arith.constant 4 : i32
      %rem3A_482 = arith.remsi %mul3A_271, %rem3A_481 : i32
      %mul3A_483 = arith.constant 128 : i32
      %mul3A_484 = arith.muli %rem3A_482, %mul3A_483 : i32
      %add3A_485 = arith.addi %mul3A_69, %mul3A_484 : i32
      %dma_start3A_486 = arith.constant 0 : i32
      %dma_start3A_487 = tpu.memref_slice %arg4[%select_n3A_480, %dma_start3A_486, %add3A_485] : memref<26x32x16384xf32, #tpu.memory_space<hbm>> -> memref<1x32x128xf32, #tpu.memory_space<hbm>>
      %dma_start3A_488 = tpu.memref_squeeze %dma_start3A_487 : memref<1x32x128xf32, #tpu.memory_space<hbm>> -> memref<32x128xf32, #tpu.memory_space<hbm>>
      %dma_start3A_489 = arith.constant 0 : i32
      %dma_start3A_490 = tpu.memref_slice %arg4[%select_n3A_480, %dma_start3A_489, %add3A_485] : memref<26x32x16384xf32, #tpu.memory_space<hbm>> -> memref<1x32x128xf32, #tpu.memory_space<hbm>>
      %dma_start3A_491 = tpu.memref_squeeze %dma_start3A_490 : memref<1x32x128xf32, #tpu.memory_space<hbm>> -> memref<32x128xf32, #tpu.memory_space<hbm>>
      tpu.enqueue_dma source(%arg17 : memref<32x128xf32, #tpu.memory_space<vmem>>) target(%dma_start3A_491 : memref<32x128xf32, #tpu.memory_space<hbm>>) target_semaphore(%arg27 : memref<!tpu.dma_semaphore, #tpu.memory_space<semaphore_mem>>)
      %jit3A_492 = arith.constant 4 : i32
      %div3A_493 = arith.divsi %min3A_280, %jit3A_492 : i32
      %sign3A_494 = arith.constant 0 : i32
      %sign3A_495 = arith.cmpi sgt, %min3A_280, %sign3A_494 : i32
      %sign3A_496 = arith.extui %sign3A_495 : i1 to i32
      %sign3A_497 = arith.constant 0 : i32
      %sign3A_498 = arith.cmpi slt, %min3A_280, %sign3A_497 : i32
      %sign3A_499 = arith.extui %sign3A_498 : i1 to i32
      %sign3A_500 = arith.subi %sign3A_496, %sign3A_499 : i32
      %sign3A_501 = arith.constant 0 : i32
      %sign3A_502 = arith.cmpi sgt, %jit3A_492, %sign3A_501 : i32
      %sign3A_503 = arith.extui %sign3A_502 : i1 to i32
      %sign3A_504 = arith.constant 0 : i32
      %sign3A_505 = arith.cmpi slt, %jit3A_492, %sign3A_504 : i32
      %sign3A_506 = arith.extui %sign3A_505 : i1 to i32
      %sign3A_507 = arith.subi %sign3A_503, %sign3A_506 : i32
      %ne3A_508 = arith.cmpi ne, %sign3A_500, %sign3A_507 : i32
      %rem3A_509 = arith.remsi %min3A_280, %jit3A_492 : i32
      %ne3A_510 = arith.constant 0 : i32
      %ne3A_511 = arith.cmpi ne, %rem3A_509, %ne3A_510 : i32
      %and3A_512 = arith.andi %ne3A_508, %ne3A_511 : i1
      %sub3A_513 = arith.constant 1 : i32
      %sub3A_514 = arith.subi %div3A_493, %sub3A_513 : i32
      %select_n3A_515 = arith.select %and3A_512, %sub3A_514, %div3A_493 : i32
      %rem3A_516 = arith.constant 4 : i32
      %rem3A_517 = arith.remsi %min3A_280, %rem3A_516 : i32
      %mul3A_518 = arith.constant 512 : i32
      %mul3A_519 = arith.muli %select_n3A_515, %mul3A_518 : i32
      %mul3A_520 = arith.constant 128 : i32
      %mul3A_521 = arith.muli %rem3A_517, %mul3A_520 : i32
      %add3A_522 = arith.addi %mul3A_519, %mul3A_521 : i32
      %add3A_523 = arith.constant 0 : i32
      %add3A_524 = arith.addi %add3A_522, %add3A_523 : i32
      %get3A_525 = arith.index_cast %add3A_524 : i32 to index
      %get3A_526 = tpu.vector_load %arg10[%get3A_525] {strides = array<i32>} : memref<13312xi32, #tpu.memory_space<vmem>>, vector<16xi32>,
      %shift_right_logical3A_527 = arith.constant 2 : i32
      %shift_right_logical3A_528 = vector.broadcast %shift_right_logical3A_527 : i32 to vector<16xi32>
      %shift_right_logical3A_529 = arith.shrui %get3A_526, %shift_right_logical3A_528 : vector<16xi32>
      %swap3A_530 = arith.constant 0 : index
      %swap3A_531 = tpu.vector_load %arg11[%swap3A_530] {strides = array<i32>} : memref<128xi32, #tpu.memory_space<vmem>>, vector<16xi32>,
      tpu.vector_store %arg11[%swap3A_530], %shift_right_logical3A_529 {strides = array<i32>} : memref<128xi32, #tpu.memory_space<vmem>>, vector<16xi32>,
      %and3A_532 = arith.constant 3 : i32
      %and3A_533 = vector.broadcast %and3A_532 : i32 to vector<16xi32>
      %and3A_534 = arith.andi %get3A_526, %and3A_533 : vector<16xi32>
      %mul3A_535 = arith.constant 32 : i32
      %mul3A_536 = vector.broadcast %mul3A_535 : i32 to vector<16xi32>
      %mul3A_537 = arith.muli %and3A_534, %mul3A_536 : vector<16xi32>
      %swap3A_538 = arith.constant 0 : index
      %swap3A_539 = tpu.vector_load %arg13[%swap3A_538] {strides = array<i32>} : memref<128xi32, #tpu.memory_space<vmem>>, vector<16xi32>,
      tpu.vector_store %arg13[%swap3A_538], %mul3A_537 {strides = array<i32>} : memref<128xi32, #tpu.memory_space<vmem>>, vector<16xi32>,
      %add3A_540 = arith.constant 16 : i32
      %add3A_541 = arith.addi %add3A_522, %add3A_540 : i32
      %get3A_542 = arith.index_cast %add3A_541 : i32 to index
      %get3A_543 = tpu.vector_load %arg10[%get3A_542] {strides = array<i32>} : memref<13312xi32, #tpu.memory_space<vmem>>, vector<16xi32>,
      %shift_right_logical3A_544 = arith.constant 2 : i32
      %shift_right_logical3A_545 = vector.broadcast %shift_right_logical3A_544 : i32 to vector<16xi32>
      %shift_right_logical3A_546 = arith.shrui %get3A_543, %shift_right_logical3A_545 : vector<16xi32>
      %swap3A_547 = arith.constant 16 : index
      %swap3A_548 = tpu.vector_load %arg11[%swap3A_547] {strides = array<i32>} : memref<128xi32, #tpu.memory_space<vmem>>, vector<16xi32>,
      tpu.vector_store %arg11[%swap3A_547], %shift_right_logical3A_546 {strides = array<i32>} : memref<128xi32, #tpu.memory_space<vmem>>, vector<16xi32>,
      %and3A_549 = arith.constant 3 : i32
      %and3A_550 = vector.broadcast %and3A_549 : i32 to vector<16xi32>
      %and3A_551 = arith.andi %get3A_543, %and3A_550 : vector<16xi32>
      %mul3A_552 = arith.constant 32 : i32
      %mul3A_553 = vector.broadcast %mul3A_552 : i32 to vector<16xi32>
      %mul3A_554 = arith.muli %and3A_551, %mul3A_553 : vector<16xi32>
      %swap3A_555 = arith.constant 16 : index
      %swap3A_556 = tpu.vector_load %arg13[%swap3A_555] {strides = array<i32>} : memref<128xi32, #tpu.memory_space<vmem>>, vector<16xi32>,
      tpu.vector_store %arg13[%swap3A_555], %mul3A_554 {strides = array<i32>} : memref<128xi32, #tpu.memory_space<vmem>>, vector<16xi32>,
      %add3A_557 = arith.constant 32 : i32
      %add3A_558 = arith.addi %add3A_522, %add3A_557 : i32
      %get3A_559 = arith.index_cast %add3A_558 : i32 to index
      %get3A_560 = tpu.vector_load %arg10[%get3A_559] {strides = array<i32>} : memref<13312xi32, #tpu.memory_space<vmem>>, vector<16xi32>,
      %shift_right_logical3A_561 = arith.constant 2 : i32
      %shift_right_logical3A_562 = vector.broadcast %shift_right_logical3A_561 : i32 to vector<16xi32>
      %shift_right_logical3A_563 = arith.shrui %get3A_560, %shift_right_logical3A_562 : vector<16xi32>
      %swap3A_564 = arith.constant 32 : index
      %swap3A_565 = tpu.vector_load %arg11[%swap3A_564] {strides = array<i32>} : memref<128xi32, #tpu.memory_space<vmem>>, vector<16xi32>,
      tpu.vector_store %arg11[%swap3A_564], %shift_right_logical3A_563 {strides = array<i32>} : memref<128xi32, #tpu.memory_space<vmem>>, vector<16xi32>,
      %and3A_566 = arith.constant 3 : i32
      %and3A_567 = vector.broadcast %and3A_566 : i32 to vector<16xi32>
      %and3A_568 = arith.andi %get3A_560, %and3A_567 : vector<16xi32>
      %mul3A_569 = arith.constant 32 : i32
      %mul3A_570 = vector.broadcast %mul3A_569 : i32 to vector<16xi32>
      %mul3A_571 = arith.muli %and3A_568, %mul3A_570 : vector<16xi32>
      %swap3A_572 = arith.constant 32 : index
      %swap3A_573 = tpu.vector_load %arg13[%swap3A_572] {strides = array<i32>} : memref<128xi32, #tpu.memory_space<vmem>>, vector<16xi32>,
      tpu.vector_store %arg13[%swap3A_572], %mul3A_571 {strides = array<i32>} : memref<128xi32, #tpu.memory_space<vmem>>, vector<16xi32>,
      %add3A_574 = arith.constant 48 : i32
      %add3A_575 = arith.addi %add3A_522, %add3A_574 : i32
      %get3A_576 = arith.index_cast %add3A_575 : i32 to index
      %get3A_577 = tpu.vector_load %arg10[%get3A_576] {strides = array<i32>} : memref<13312xi32, #tpu.memory_space<vmem>>, vector<16xi32>,
      %shift_right_logical3A_578 = arith.constant 2 : i32
      %shift_right_logical3A_579 = vector.broadcast %shift_right_logical3A_578 : i32 to vector<16xi32>
      %shift_right_logical3A_580 = arith.shrui %get3A_577, %shift_right_logical3A_579 : vector<16xi32>
      %swap3A_581 = arith.constant 48 : index
      %swap3A_582 = tpu.vector_load %arg11[%swap3A_581] {strides = array<i32>} : memref<128xi32, #tpu.memory_space<vmem>>, vector<16xi32>,
      tpu.vector_store %arg11[%swap3A_581], %shift_right_logical3A_580 {strides = array<i32>} : memref<128xi32, #tpu.memory_space<vmem>>, vector<16xi32>,
      %and3A_583 = arith.constant 3 : i32
      %and3A_584 = vector.broadcast %and3A_583 : i32 to vector<16xi32>
      %and3A_585 = arith.andi %get3A_577, %and3A_584 : vector<16xi32>
      %mul3A_586 = arith.constant 32 : i32
      %mul3A_587 = vector.broadcast %mul3A_586 : i32 to vector<16xi32>
      %mul3A_588 = arith.muli %and3A_585, %mul3A_587 : vector<16xi32>
      %swap3A_589 = arith.constant 48 : index
      %swap3A_590 = tpu.vector_load %arg13[%swap3A_589] {strides = array<i32>} : memref<128xi32, #tpu.memory_space<vmem>>, vector<16xi32>,
      tpu.vector_store %arg13[%swap3A_589], %mul3A_588 {strides = array<i32>} : memref<128xi32, #tpu.memory_space<vmem>>, vector<16xi32>,
      %add3A_591 = arith.constant 64 : i32
      %add3A_592 = arith.addi %add3A_522, %add3A_591 : i32
      %get3A_593 = arith.index_cast %add3A_592 : i32 to index
      %get3A_594 = tpu.vector_load %arg10[%get3A_593] {strides = array<i32>} : memref<13312xi32, #tpu.memory_space<vmem>>, vector<16xi32>,
      %shift_right_logical3A_595 = arith.constant 2 : i32
      %shift_right_logical3A_596 = vector.broadcast %shift_right_logical3A_595 : i32 to vector<16xi32>
      %shift_right_logical3A_597 = arith.shrui %get3A_594, %shift_right_logical3A_596 : vector<16xi32>
      %swap3A_598 = arith.constant 64 : index
      %swap3A_599 = tpu.vector_load %arg11[%swap3A_598] {strides = array<i32>} : memref<128xi32, #tpu.memory_space<vmem>>, vector<16xi32>,
      tpu.vector_store %arg11[%swap3A_598], %shift_right_logical3A_597 {strides = array<i32>} : memref<128xi32, #tpu.memory_space<vmem>>, vector<16xi32>,
      %and3A_600 = arith.constant 3 : i32
      %and3A_601 = vector.broadcast %and3A_600 : i32 to vector<16xi32>
      %and3A_602 = arith.andi %get3A_594, %and3A_601 : vector<16xi32>
      %mul3A_603 = arith.constant 32 : i32
      %mul3A_604 = vector.broadcast %mul3A_603 : i32 to vector<16xi32>
      %mul3A_605 = arith.muli %and3A_602, %mul3A_604 : vector<16xi32>
      %swap3A_606 = arith.constant 64 : index
      %swap3A_607 = tpu.vector_load %arg13[%swap3A_606] {strides = array<i32>} : memref<128xi32, #tpu.memory_space<vmem>>, vector<16xi32>,
      tpu.vector_store %arg13[%swap3A_606], %mul3A_605 {strides = array<i32>} : memref<128xi32, #tpu.memory_space<vmem>>, vector<16xi32>,
      %add3A_608 = arith.constant 80 : i32
      %add3A_609 = arith.addi %add3A_522, %add3A_608 : i32
      %get3A_610 = arith.index_cast %add3A_609 : i32 to index
      %get3A_611 = tpu.vector_load %arg10[%get3A_610] {strides = array<i32>} : memref<13312xi32, #tpu.memory_space<vmem>>, vector<16xi32>,
      %shift_right_logical3A_612 = arith.constant 2 : i32
      %shift_right_logical3A_613 = vector.broadcast %shift_right_logical3A_612 : i32 to vector<16xi32>
      %shift_right_logical3A_614 = arith.shrui %get3A_611, %shift_right_logical3A_613 : vector<16xi32>
      %swap3A_615 = arith.constant 80 : index
      %swap3A_616 = tpu.vector_load %arg11[%swap3A_615] {strides = array<i32>} : memref<128xi32, #tpu.memory_space<vmem>>, vector<16xi32>,
      tpu.vector_store %arg11[%swap3A_615], %shift_right_logical3A_614 {strides = array<i32>} : memref<128xi32, #tpu.memory_space<vmem>>, vector<16xi32>,
      %and3A_617 = arith.constant 3 : i32
      %and3A_618 = vector.broadcast %and3A_617 : i32 to vector<16xi32>
      %and3A_619 = arith.andi %get3A_611, %and3A_618 : vector<16xi32>
      %mul3A_620 = arith.constant 32 : i32
      %mul3A_621 = vector.broadcast %mul3A_620 : i32 to vector<16xi32>
      %mul3A_622 = arith.muli %and3A_619, %mul3A_621 : vector<16xi32>
      %swap3A_623 = arith.constant 80 : index
      %swap3A_624 = tpu.vector_load %arg13[%swap3A_623] {strides = array<i32>} : memref<128xi32, #tpu.memory_space<vmem>>, vector<16xi32>,
      tpu.vector_store %arg13[%swap3A_623], %mul3A_622 {strides = array<i32>} : memref<128xi32, #tpu.memory_space<vmem>>, vector<16xi32>,
      %add3A_625 = arith.constant 96 : i32
      %add3A_626 = arith.addi %add3A_522, %add3A_625 : i32
      %get3A_627 = arith.index_cast %add3A_626 : i32 to index
      %get3A_628 = tpu.vector_load %arg10[%get3A_627] {strides = array<i32>} : memref<13312xi32, #tpu.memory_space<vmem>>, vector<16xi32>,
      %shift_right_logical3A_629 = arith.constant 2 : i32
      %shift_right_logical3A_630 = vector.broadcast %shift_right_logical3A_629 : i32 to vector<16xi32>
      %shift_right_logical3A_631 = arith.shrui %get3A_628, %shift_right_logical3A_630 : vector<16xi32>
      %swap3A_632 = arith.constant 96 : index
      %swap3A_633 = tpu.vector_load %arg11[%swap3A_632] {strides = array<i32>} : memref<128xi32, #tpu.memory_space<vmem>>, vector<16xi32>,
      tpu.vector_store %arg11[%swap3A_632], %shift_right_logical3A_631 {strides = array<i32>} : memref<128xi32, #tpu.memory_space<vmem>>, vector<16xi32>,
      %and3A_634 = arith.constant 3 : i32
      %and3A_635 = vector.broadcast %and3A_634 : i32 to vector<16xi32>
      %and3A_636 = arith.andi %get3A_628, %and3A_635 : vector<16xi32>
      %mul3A_637 = arith.constant 32 : i32
      %mul3A_638 = vector.broadcast %mul3A_637 : i32 to vector<16xi32>
      %mul3A_639 = arith.muli %and3A_636, %mul3A_638 : vector<16xi32>
      %swap3A_640 = arith.constant 96 : index
      %swap3A_641 = tpu.vector_load %arg13[%swap3A_640] {strides = array<i32>} : memref<128xi32, #tpu.memory_space<vmem>>, vector<16xi32>,
      tpu.vector_store %arg13[%swap3A_640], %mul3A_639 {strides = array<i32>} : memref<128xi32, #tpu.memory_space<vmem>>, vector<16xi32>,
      %add3A_642 = arith.constant 112 : i32
      %add3A_643 = arith.addi %add3A_522, %add3A_642 : i32
      %get3A_644 = arith.index_cast %add3A_643 : i32 to index
      %get3A_645 = tpu.vector_load %arg10[%get3A_644] {strides = array<i32>} : memref<13312xi32, #tpu.memory_space<vmem>>, vector<16xi32>,
      %shift_right_logical3A_646 = arith.constant 2 : i32
      %shift_right_logical3A_647 = vector.broadcast %shift_right_logical3A_646 : i32 to vector<16xi32>
      %shift_right_logical3A_648 = arith.shrui %get3A_645, %shift_right_logical3A_647 : vector<16xi32>
      %swap3A_649 = arith.constant 112 : index
      %swap3A_650 = tpu.vector_load %arg11[%swap3A_649] {strides = array<i32>} : memref<128xi32, #tpu.memory_space<vmem>>, vector<16xi32>,
      tpu.vector_store %arg11[%swap3A_649], %shift_right_logical3A_648 {strides = array<i32>} : memref<128xi32, #tpu.memory_space<vmem>>, vector<16xi32>,
      %and3A_651 = arith.constant 3 : i32
      %and3A_652 = vector.broadcast %and3A_651 : i32 to vector<16xi32>
      %and3A_653 = arith.andi %get3A_645, %and3A_652 : vector<16xi32>
      %mul3A_654 = arith.constant 32 : i32
      %mul3A_655 = vector.broadcast %mul3A_654 : i32 to vector<16xi32>
      %mul3A_656 = arith.muli %and3A_653, %mul3A_655 : vector<16xi32>
      %swap3A_657 = arith.constant 112 : index
      %swap3A_658 = tpu.vector_load %arg13[%swap3A_657] {strides = array<i32>} : memref<128xi32, #tpu.memory_space<vmem>>, vector<16xi32>,
      tpu.vector_store %arg13[%swap3A_657], %mul3A_656 {strides = array<i32>} : memref<128xi32, #tpu.memory_space<vmem>>, vector<16xi32>,
      %dma_start3A_659 = arith.constant 0 : i32
      %dma_start3A_660 = arith.constant 0 : i32
      %dma_start3A_661 = tpu.memref_slice %arg5[%dma_start3A_659, %dma_start3A_660] : memref<262216x128xf32, #tpu.memory_space<hbm>> -> memref<262216x128xf32, #tpu.memory_space<hbm>>
      tpu.enqueue_indirect_dma source(%dma_start3A_661 : memref<262216x128xf32, #tpu.memory_space<hbm>>) target(%arg15 : memref<128x128xf32, #tpu.memory_space<vmem>>) offsets(%arg11 : memref<128xi32, #tpu.memory_space<vmem>>) semaphore(%arg25 : memref<!tpu.dma_semaphore, #tpu.memory_space<semaphore_mem>>)
      %dma_wait3A_662 = arith.constant 0 : i32
      %dma_wait3A_663 = arith.constant 0 : i32
      %dma_wait3A_664 = tpu.memref_slice %arg5[%dma_wait3A_662, %dma_wait3A_663] : memref<262216x128xf32, #tpu.memory_space<hbm>> -> memref<262216x128xf32, #tpu.memory_space<hbm>>
      tpu.wait_indirect_dma semaphore(%arg26 : memref<!tpu.dma_semaphore, #tpu.memory_space<semaphore_mem>>) src(%dma_wait3A_664 : memref<262216x128xf32, #tpu.memory_space<hbm>>) dst(%arg16 : memref<128x128xf32, #tpu.memory_space<vmem>>)
      %dma_wait3A_665 = arith.constant 262152 : i32
      %dma_wait3A_666 = arith.constant 0 : i32
      %dma_wait3A_667 = tpu.memref_slice %arg5[%dma_wait3A_665, %dma_wait3A_666] : memref<262216x128xf32, #tpu.memory_space<hbm>> -> memref<32x128xf32, #tpu.memory_space<hbm>>
      %dma_wait3A_668 = arith.constant 262152 : i32
      %dma_wait3A_669 = arith.constant 0 : i32
      %dma_wait3A_670 = tpu.memref_slice %arg5[%dma_wait3A_668, %dma_wait3A_669] : memref<262216x128xf32, #tpu.memory_space<hbm>> -> memref<32x128xf32, #tpu.memory_space<hbm>>
      tpu.wait_dma2 semaphore(%arg28 : memref<!tpu.dma_semaphore, #tpu.memory_space<semaphore_mem>>) src(%arg18 : memref<32x128xf32, #tpu.memory_space<vmem>>) dst(%dma_wait3A_670 : memref<32x128xf32, #tpu.memory_space<hbm>>)
      %parallel_loop3A_671 = arith.constant 0 : i32
      %parallel_loop3A_672 = arith.constant 8 : i32
      %parallel_loop3A_673 = arith.constant 1 : i32
      scf.for %parallel_loop3A_709 = %parallel_loop3A_671 to %parallel_loop3A_672 step %parallel_loop3A_673  : i32 {
        %parallel_loop3A_710 = arith.constant 16 : i32
        %parallel_loop3A_711 = arith.muli %parallel_loop3A_710, %parallel_loop3A_709 : i32
        %parallel_loop3A_712 = arith.index_cast %parallel_loop3A_711 : i32 to index
        %parallel_loop3A_713 = tpu.vector_load %arg14[%parallel_loop3A_712] {strides = array<i32>} : memref<128xi32, #tpu.memory_space<vmem>>, vector<16xi32>,
        %parallel_loop3A_714 = arith.constant 16 : i32
        %parallel_loop3A_715 = arith.muli %parallel_loop3A_714, %parallel_loop3A_709 : i32
        %parallel_loop3A_716 = vector.broadcast %parallel_loop3A_715 : i32 to vector<16xi32>
        %parallel_loop3A_717 = arith.addi %iota3A, %parallel_loop3A_716 : vector<16xi32>
        %parallel_loop3A_718 = arith.constant 0 : i32
        %parallel_loop3A_719 = vector.broadcast %parallel_loop3A_718 : i32 to vector<16xi32>
        %parallel_loop3A_720 = arith.addi %parallel_loop3A_713, %parallel_loop3A_719 : vector<16xi32>
        %parallel_loop3A_721 = tpu.vector_load_idx %arg16[%parallel_loop3A_717, %parallel_loop3A_720] : memref<128x128xf32, #tpu.memory_space<vmem>>[vector<16xi32>, vector<16xi32>], vector<16xf32>,
        %parallel_loop3A_722 = arith.constant 16 : i32
        %parallel_loop3A_723 = arith.muli %parallel_loop3A_722, %parallel_loop3A_709 : i32
        %parallel_loop3A_724 = arith.constant 0 : i32
        %parallel_loop3A_725 = arith.index_cast %parallel_loop3A_724 : i32 to index
        %parallel_loop3A_726 = arith.index_cast %parallel_loop3A_723 : i32 to index
        %parallel_loop3A_727 = tpu.vector_load %arg18[%parallel_loop3A_725, %parallel_loop3A_726] {strides = array<i32>} : memref<32x128xf32, #tpu.memory_space<vmem>>, vector<16xf32>,
        tpu.vector_store %arg18[%parallel_loop3A_725, %parallel_loop3A_726], %parallel_loop3A_721 {strides = array<i32>} : memref<32x128xf32, #tpu.memory_space<vmem>>, vector<16xf32>,
        %parallel_loop3A_728 = arith.constant 1 : i32
        %parallel_loop3A_729 = vector.broadcast %parallel_loop3A_728 : i32 to vector<16xi32>
        %parallel_loop3A_730 = arith.addi %parallel_loop3A_713, %parallel_loop3A_729 : vector<16xi32>
        %parallel_loop3A_731 = tpu.vector_load_idx %arg16[%parallel_loop3A_717, %parallel_loop3A_730] : memref<128x128xf32, #tpu.memory_space<vmem>>[vector<16xi32>, vector<16xi32>], vector<16xf32>,
        %parallel_loop3A_732 = arith.constant 16 : i32
        %parallel_loop3A_733 = arith.muli %parallel_loop3A_732, %parallel_loop3A_709 : i32
        %parallel_loop3A_734 = arith.constant 1 : i32
        %parallel_loop3A_735 = arith.index_cast %parallel_loop3A_734 : i32 to index
        %parallel_loop3A_736 = arith.index_cast %parallel_loop3A_733 : i32 to index
        %parallel_loop3A_737 = tpu.vector_load %arg18[%parallel_loop3A_735, %parallel_loop3A_736] {strides = array<i32>} : memref<32x128xf32, #tpu.memory_space<vmem>>, vector<16xf32>,
        tpu.vector_store %arg18[%parallel_loop3A_735, %parallel_loop3A_736], %parallel_loop3A_731 {strides = array<i32>} : memref<32x128xf32, #tpu.memory_space<vmem>>, vector<16xf32>,
        %parallel_loop3A_738 = arith.constant 2 : i32
        %parallel_loop3A_739 = vector.broadcast %parallel_loop3A_738 : i32 to vector<16xi32>
        %parallel_loop3A_740 = arith.addi %parallel_loop3A_713, %parallel_loop3A_739 : vector<16xi32>
        %parallel_loop3A_741 = tpu.vector_load_idx %arg16[%parallel_loop3A_717, %parallel_loop3A_740] : memref<128x128xf32, #tpu.memory_space<vmem>>[vector<16xi32>, vector<16xi32>], vector<16xf32>,
        %parallel_loop3A_742 = arith.constant 16 : i32
        %parallel_loop3A_743 = arith.muli %parallel_loop3A_742, %parallel_loop3A_709 : i32
        %parallel_loop3A_744 = arith.constant 2 : i32
        %parallel_loop3A_745 = arith.index_cast %parallel_loop3A_744 : i32 to index
        %parallel_loop3A_746 = arith.index_cast %parallel_loop3A_743 : i32 to index
        %parallel_loop3A_747 = tpu.vector_load %arg18[%parallel_loop3A_745, %parallel_loop3A_746] {strides = array<i32>} : memref<32x128xf32, #tpu.memory_space<vmem>>, vector<16xf32>,
        tpu.vector_store %arg18[%parallel_loop3A_745, %parallel_loop3A_746], %parallel_loop3A_741 {strides = array<i32>} : memref<32x128xf32, #tpu.memory_space<vmem>>, vector<16xf32>,
        %parallel_loop3A_748 = arith.constant 3 : i32
        %parallel_loop3A_749 = vector.broadcast %parallel_loop3A_748 : i32 to vector<16xi32>
        %parallel_loop3A_750 = arith.addi %parallel_loop3A_713, %parallel_loop3A_749 : vector<16xi32>
        %parallel_loop3A_751 = tpu.vector_load_idx %arg16[%parallel_loop3A_717, %parallel_loop3A_750] : memref<128x128xf32, #tpu.memory_space<vmem>>[vector<16xi32>, vector<16xi32>], vector<16xf32>,
        %parallel_loop3A_752 = arith.constant 16 : i32
        %parallel_loop3A_753 = arith.muli %parallel_loop3A_752, %parallel_loop3A_709 : i32
        %parallel_loop3A_754 = arith.constant 3 : i32
        %parallel_loop3A_755 = arith.index_cast %parallel_loop3A_754 : i32 to index
        %parallel_loop3A_756 = arith.index_cast %parallel_loop3A_753 : i32 to index
        %parallel_loop3A_757 = tpu.vector_load %arg18[%parallel_loop3A_755, %parallel_loop3A_756] {strides = array<i32>} : memref<32x128xf32, #tpu.memory_space<vmem>>, vector<16xf32>,
        tpu.vector_store %arg18[%parallel_loop3A_755, %parallel_loop3A_756], %parallel_loop3A_751 {strides = array<i32>} : memref<32x128xf32, #tpu.memory_space<vmem>>, vector<16xf32>,
        %parallel_loop3A_758 = arith.constant 4 : i32
        %parallel_loop3A_759 = vector.broadcast %parallel_loop3A_758 : i32 to vector<16xi32>
        %parallel_loop3A_760 = arith.addi %parallel_loop3A_713, %parallel_loop3A_759 : vector<16xi32>
        %parallel_loop3A_761 = tpu.vector_load_idx %arg16[%parallel_loop3A_717, %parallel_loop3A_760] : memref<128x128xf32, #tpu.memory_space<vmem>>[vector<16xi32>, vector<16xi32>], vector<16xf32>,
        %parallel_loop3A_762 = arith.constant 16 : i32
        %parallel_loop3A_763 = arith.muli %parallel_loop3A_762, %parallel_loop3A_709 : i32
        %parallel_loop3A_764 = arith.constant 4 : i32
        %parallel_loop3A_765 = arith.index_cast %parallel_loop3A_764 : i32 to index
        %parallel_loop3A_766 = arith.index_cast %parallel_loop3A_763 : i32 to index
        %parallel_loop3A_767 = tpu.vector_load %arg18[%parallel_loop3A_765, %parallel_loop3A_766] {strides = array<i32>} : memref<32x128xf32, #tpu.memory_space<vmem>>, vector<16xf32>,
        tpu.vector_store %arg18[%parallel_loop3A_765, %parallel_loop3A_766], %parallel_loop3A_761 {strides = array<i32>} : memref<32x128xf32, #tpu.memory_space<vmem>>, vector<16xf32>,
        %parallel_loop3A_768 = arith.constant 5 : i32
        %parallel_loop3A_769 = vector.broadcast %parallel_loop3A_768 : i32 to vector<16xi32>
        %parallel_loop3A_770 = arith.addi %parallel_loop3A_713, %parallel_loop3A_769 : vector<16xi32>
        %parallel_loop3A_771 = tpu.vector_load_idx %arg16[%parallel_loop3A_717, %parallel_loop3A_770] : memref<128x128xf32, #tpu.memory_space<vmem>>[vector<16xi32>, vector<16xi32>], vector<16xf32>,
        %parallel_loop3A_772 = arith.constant 16 : i32
        %parallel_loop3A_773 = arith.muli %parallel_loop3A_772, %parallel_loop3A_709 : i32
        %parallel_loop3A_774 = arith.constant 5 : i32
        %parallel_loop3A_775 = arith.index_cast %parallel_loop3A_774 : i32 to index
        %parallel_loop3A_776 = arith.index_cast %parallel_loop3A_773 : i32 to index
        %parallel_loop3A_777 = tpu.vector_load %arg18[%parallel_loop3A_775, %parallel_loop3A_776] {strides = array<i32>} : memref<32x128xf32, #tpu.memory_space<vmem>>, vector<16xf32>,
        tpu.vector_store %arg18[%parallel_loop3A_775, %parallel_loop3A_776], %parallel_loop3A_771 {strides = array<i32>} : memref<32x128xf32, #tpu.memory_space<vmem>>, vector<16xf32>,
        %parallel_loop3A_778 = arith.constant 6 : i32
        %parallel_loop3A_779 = vector.broadcast %parallel_loop3A_778 : i32 to vector<16xi32>
        %parallel_loop3A_780 = arith.addi %parallel_loop3A_713, %parallel_loop3A_779 : vector<16xi32>
        %parallel_loop3A_781 = tpu.vector_load_idx %arg16[%parallel_loop3A_717, %parallel_loop3A_780] : memref<128x128xf32, #tpu.memory_space<vmem>>[vector<16xi32>, vector<16xi32>], vector<16xf32>,
        %parallel_loop3A_782 = arith.constant 16 : i32
        %parallel_loop3A_783 = arith.muli %parallel_loop3A_782, %parallel_loop3A_709 : i32
        %parallel_loop3A_784 = arith.constant 6 : i32
        %parallel_loop3A_785 = arith.index_cast %parallel_loop3A_784 : i32 to index
        %parallel_loop3A_786 = arith.index_cast %parallel_loop3A_783 : i32 to index
        %parallel_loop3A_787 = tpu.vector_load %arg18[%parallel_loop3A_785, %parallel_loop3A_786] {strides = array<i32>} : memref<32x128xf32, #tpu.memory_space<vmem>>, vector<16xf32>,
        tpu.vector_store %arg18[%parallel_loop3A_785, %parallel_loop3A_786], %parallel_loop3A_781 {strides = array<i32>} : memref<32x128xf32, #tpu.memory_space<vmem>>, vector<16xf32>,
        %parallel_loop3A_788 = arith.constant 7 : i32
        %parallel_loop3A_789 = vector.broadcast %parallel_loop3A_788 : i32 to vector<16xi32>
        %parallel_loop3A_790 = arith.addi %parallel_loop3A_713, %parallel_loop3A_789 : vector<16xi32>
        %parallel_loop3A_791 = tpu.vector_load_idx %arg16[%parallel_loop3A_717, %parallel_loop3A_790] : memref<128x128xf32, #tpu.memory_space<vmem>>[vector<16xi32>, vector<16xi32>], vector<16xf32>,
        %parallel_loop3A_792 = arith.constant 16 : i32
        %parallel_loop3A_793 = arith.muli %parallel_loop3A_792, %parallel_loop3A_709 : i32
        %parallel_loop3A_794 = arith.constant 7 : i32
        %parallel_loop3A_795 = arith.index_cast %parallel_loop3A_794 : i32 to index
        %parallel_loop3A_796 = arith.index_cast %parallel_loop3A_793 : i32 to index
        %parallel_loop3A_797 = tpu.vector_load %arg18[%parallel_loop3A_795, %parallel_loop3A_796] {strides = array<i32>} : memref<32x128xf32, #tpu.memory_space<vmem>>, vector<16xf32>,
        tpu.vector_store %arg18[%parallel_loop3A_795, %parallel_loop3A_796], %parallel_loop3A_791 {strides = array<i32>} : memref<32x128xf32, #tpu.memory_space<vmem>>, vector<16xf32>,
        %parallel_loop3A_798 = arith.constant 8 : i32
        %parallel_loop3A_799 = vector.broadcast %parallel_loop3A_798 : i32 to vector<16xi32>
        %parallel_loop3A_800 = arith.addi %parallel_loop3A_713, %parallel_loop3A_799 : vector<16xi32>
        %parallel_loop3A_801 = tpu.vector_load_idx %arg16[%parallel_loop3A_717, %parallel_loop3A_800] : memref<128x128xf32, #tpu.memory_space<vmem>>[vector<16xi32>, vector<16xi32>], vector<16xf32>,
        %parallel_loop3A_802 = arith.constant 16 : i32
        %parallel_loop3A_803 = arith.muli %parallel_loop3A_802, %parallel_loop3A_709 : i32
        %parallel_loop3A_804 = arith.constant 8 : i32
        %parallel_loop3A_805 = arith.index_cast %parallel_loop3A_804 : i32 to index
        %parallel_loop3A_806 = arith.index_cast %parallel_loop3A_803 : i32 to index
        %parallel_loop3A_807 = tpu.vector_load %arg18[%parallel_loop3A_805, %parallel_loop3A_806] {strides = array<i32>} : memref<32x128xf32, #tpu.memory_space<vmem>>, vector<16xf32>,
        tpu.vector_store %arg18[%parallel_loop3A_805, %parallel_loop3A_806], %parallel_loop3A_801 {strides = array<i32>} : memref<32x128xf32, #tpu.memory_space<vmem>>, vector<16xf32>,
        %parallel_loop3A_808 = arith.constant 9 : i32
        %parallel_loop3A_809 = vector.broadcast %parallel_loop3A_808 : i32 to vector<16xi32>
        %parallel_loop3A_810 = arith.addi %parallel_loop3A_713, %parallel_loop3A_809 : vector<16xi32>
        %parallel_loop3A_811 = tpu.vector_load_idx %arg16[%parallel_loop3A_717, %parallel_loop3A_810] : memref<128x128xf32, #tpu.memory_space<vmem>>[vector<16xi32>, vector<16xi32>], vector<16xf32>,
        %parallel_loop3A_812 = arith.constant 16 : i32
        %parallel_loop3A_813 = arith.muli %parallel_loop3A_812, %parallel_loop3A_709 : i32
        %parallel_loop3A_814 = arith.constant 9 : i32
        %parallel_loop3A_815 = arith.index_cast %parallel_loop3A_814 : i32 to index
        %parallel_loop3A_816 = arith.index_cast %parallel_loop3A_813 : i32 to index
        %parallel_loop3A_817 = tpu.vector_load %arg18[%parallel_loop3A_815, %parallel_loop3A_816] {strides = array<i32>} : memref<32x128xf32, #tpu.memory_space<vmem>>, vector<16xf32>,
        tpu.vector_store %arg18[%parallel_loop3A_815, %parallel_loop3A_816], %parallel_loop3A_811 {strides = array<i32>} : memref<32x128xf32, #tpu.memory_space<vmem>>, vector<16xf32>,
        %parallel_loop3A_818 = arith.constant 10 : i32
        %parallel_loop3A_819 = vector.broadcast %parallel_loop3A_818 : i32 to vector<16xi32>
        %parallel_loop3A_820 = arith.addi %parallel_loop3A_713, %parallel_loop3A_819 : vector<16xi32>
        %parallel_loop3A_821 = tpu.vector_load_idx %arg16[%parallel_loop3A_717, %parallel_loop3A_820] : memref<128x128xf32, #tpu.memory_space<vmem>>[vector<16xi32>, vector<16xi32>], vector<16xf32>,
        %parallel_loop3A_822 = arith.constant 16 : i32
        %parallel_loop3A_823 = arith.muli %parallel_loop3A_822, %parallel_loop3A_709 : i32
        %parallel_loop3A_824 = arith.constant 10 : i32
        %parallel_loop3A_825 = arith.index_cast %parallel_loop3A_824 : i32 to index
        %parallel_loop3A_826 = arith.index_cast %parallel_loop3A_823 : i32 to index
        %parallel_loop3A_827 = tpu.vector_load %arg18[%parallel_loop3A_825, %parallel_loop3A_826] {strides = array<i32>} : memref<32x128xf32, #tpu.memory_space<vmem>>, vector<16xf32>,
        tpu.vector_store %arg18[%parallel_loop3A_825, %parallel_loop3A_826], %parallel_loop3A_821 {strides = array<i32>} : memref<32x128xf32, #tpu.memory_space<vmem>>, vector<16xf32>,
        %parallel_loop3A_828 = arith.constant 11 : i32
        %parallel_loop3A_829 = vector.broadcast %parallel_loop3A_828 : i32 to vector<16xi32>
        %parallel_loop3A_830 = arith.addi %parallel_loop3A_713, %parallel_loop3A_829 : vector<16xi32>
        %parallel_loop3A_831 = tpu.vector_load_idx %arg16[%parallel_loop3A_717, %parallel_loop3A_830] : memref<128x128xf32, #tpu.memory_space<vmem>>[vector<16xi32>, vector<16xi32>], vector<16xf32>,
        %parallel_loop3A_832 = arith.constant 16 : i32
        %parallel_loop3A_833 = arith.muli %parallel_loop3A_832, %parallel_loop3A_709 : i32
        %parallel_loop3A_834 = arith.constant 11 : i32
        %parallel_loop3A_835 = arith.index_cast %parallel_loop3A_834 : i32 to index
        %parallel_loop3A_836 = arith.index_cast %parallel_loop3A_833 : i32 to index
        %parallel_loop3A_837 = tpu.vector_load %arg18[%parallel_loop3A_835, %parallel_loop3A_836] {strides = array<i32>} : memref<32x128xf32, #tpu.memory_space<vmem>>, vector<16xf32>,
        tpu.vector_store %arg18[%parallel_loop3A_835, %parallel_loop3A_836], %parallel_loop3A_831 {strides = array<i32>} : memref<32x128xf32, #tpu.memory_space<vmem>>, vector<16xf32>,
        %parallel_loop3A_838 = arith.constant 12 : i32
        %parallel_loop3A_839 = vector.broadcast %parallel_loop3A_838 : i32 to vector<16xi32>
        %parallel_loop3A_840 = arith.addi %parallel_loop3A_713, %parallel_loop3A_839 : vector<16xi32>
        %parallel_loop3A_841 = tpu.vector_load_idx %arg16[%parallel_loop3A_717, %parallel_loop3A_840] : memref<128x128xf32, #tpu.memory_space<vmem>>[vector<16xi32>, vector<16xi32>], vector<16xf32>,
        %parallel_loop3A_842 = arith.constant 16 : i32
        %parallel_loop3A_843 = arith.muli %parallel_loop3A_842, %parallel_loop3A_709 : i32
        %parallel_loop3A_844 = arith.constant 12 : i32
        %parallel_loop3A_845 = arith.index_cast %parallel_loop3A_844 : i32 to index
        %parallel_loop3A_846 = arith.index_cast %parallel_loop3A_843 : i32 to index
        %parallel_loop3A_847 = tpu.vector_load %arg18[%parallel_loop3A_845, %parallel_loop3A_846] {strides = array<i32>} : memref<32x128xf32, #tpu.memory_space<vmem>>, vector<16xf32>,
        tpu.vector_store %arg18[%parallel_loop3A_845, %parallel_loop3A_846], %parallel_loop3A_841 {strides = array<i32>} : memref<32x128xf32, #tpu.memory_space<vmem>>, vector<16xf32>,
        %parallel_loop3A_848 = arith.constant 13 : i32
        %parallel_loop3A_849 = vector.broadcast %parallel_loop3A_848 : i32 to vector<16xi32>
        %parallel_loop3A_850 = arith.addi %parallel_loop3A_713, %parallel_loop3A_849 : vector<16xi32>
        %parallel_loop3A_851 = tpu.vector_load_idx %arg16[%parallel_loop3A_717, %parallel_loop3A_850] : memref<128x128xf32, #tpu.memory_space<vmem>>[vector<16xi32>, vector<16xi32>], vector<16xf32>,
        %parallel_loop3A_852 = arith.constant 16 : i32
        %parallel_loop3A_853 = arith.muli %parallel_loop3A_852, %parallel_loop3A_709 : i32
        %parallel_loop3A_854 = arith.constant 13 : i32
        %parallel_loop3A_855 = arith.index_cast %parallel_loop3A_854 : i32 to index
        %parallel_loop3A_856 = arith.index_cast %parallel_loop3A_853 : i32 to index
        %parallel_loop3A_857 = tpu.vector_load %arg18[%parallel_loop3A_855, %parallel_loop3A_856] {strides = array<i32>} : memref<32x128xf32, #tpu.memory_space<vmem>>, vector<16xf32>,
        tpu.vector_store %arg18[%parallel_loop3A_855, %parallel_loop3A_856], %parallel_loop3A_851 {strides = array<i32>} : memref<32x128xf32, #tpu.memory_space<vmem>>, vector<16xf32>,
        %parallel_loop3A_858 = arith.constant 14 : i32
        %parallel_loop3A_859 = vector.broadcast %parallel_loop3A_858 : i32 to vector<16xi32>
        %parallel_loop3A_860 = arith.addi %parallel_loop3A_713, %parallel_loop3A_859 : vector<16xi32>
        %parallel_loop3A_861 = tpu.vector_load_idx %arg16[%parallel_loop3A_717, %parallel_loop3A_860] : memref<128x128xf32, #tpu.memory_space<vmem>>[vector<16xi32>, vector<16xi32>], vector<16xf32>,
        %parallel_loop3A_862 = arith.constant 16 : i32
        %parallel_loop3A_863 = arith.muli %parallel_loop3A_862, %parallel_loop3A_709 : i32
        %parallel_loop3A_864 = arith.constant 14 : i32
        %parallel_loop3A_865 = arith.index_cast %parallel_loop3A_864 : i32 to index
        %parallel_loop3A_866 = arith.index_cast %parallel_loop3A_863 : i32 to index
        %parallel_loop3A_867 = tpu.vector_load %arg18[%parallel_loop3A_865, %parallel_loop3A_866] {strides = array<i32>} : memref<32x128xf32, #tpu.memory_space<vmem>>, vector<16xf32>,
        tpu.vector_store %arg18[%parallel_loop3A_865, %parallel_loop3A_866], %parallel_loop3A_861 {strides = array<i32>} : memref<32x128xf32, #tpu.memory_space<vmem>>, vector<16xf32>,
        %parallel_loop3A_868 = arith.constant 15 : i32
        %parallel_loop3A_869 = vector.broadcast %parallel_loop3A_868 : i32 to vector<16xi32>
        %parallel_loop3A_870 = arith.addi %parallel_loop3A_713, %parallel_loop3A_869 : vector<16xi32>
        %parallel_loop3A_871 = tpu.vector_load_idx %arg16[%parallel_loop3A_717, %parallel_loop3A_870] : memref<128x128xf32, #tpu.memory_space<vmem>>[vector<16xi32>, vector<16xi32>], vector<16xf32>,
        %parallel_loop3A_872 = arith.constant 16 : i32
        %parallel_loop3A_873 = arith.muli %parallel_loop3A_872, %parallel_loop3A_709 : i32
        %parallel_loop3A_874 = arith.constant 15 : i32
        %parallel_loop3A_875 = arith.index_cast %parallel_loop3A_874 : i32 to index
        %parallel_loop3A_876 = arith.index_cast %parallel_loop3A_873 : i32 to index
        %parallel_loop3A_877 = tpu.vector_load %arg18[%parallel_loop3A_875, %parallel_loop3A_876] {strides = array<i32>} : memref<32x128xf32, #tpu.memory_space<vmem>>, vector<16xf32>,
        tpu.vector_store %arg18[%parallel_loop3A_875, %parallel_loop3A_876], %parallel_loop3A_871 {strides = array<i32>} : memref<32x128xf32, #tpu.memory_space<vmem>>, vector<16xf32>,
        %parallel_loop3A_878 = arith.constant 16 : i32
        %parallel_loop3A_879 = vector.broadcast %parallel_loop3A_878 : i32 to vector<16xi32>
        %parallel_loop3A_880 = arith.addi %parallel_loop3A_713, %parallel_loop3A_879 : vector<16xi32>
        %parallel_loop3A_881 = tpu.vector_load_idx %arg16[%parallel_loop3A_717, %parallel_loop3A_880] : memref<128x128xf32, #tpu.memory_space<vmem>>[vector<16xi32>, vector<16xi32>], vector<16xf32>,
        %parallel_loop3A_882 = arith.constant 16 : i32
        %parallel_loop3A_883 = arith.muli %parallel_loop3A_882, %parallel_loop3A_709 : i32
        %parallel_loop3A_884 = arith.constant 16 : i32
        %parallel_loop3A_885 = arith.index_cast %parallel_loop3A_884 : i32 to index
        %parallel_loop3A_886 = arith.index_cast %parallel_loop3A_883 : i32 to index
        %parallel_loop3A_887 = tpu.vector_load %arg18[%parallel_loop3A_885, %parallel_loop3A_886] {strides = array<i32>} : memref<32x128xf32, #tpu.memory_space<vmem>>, vector<16xf32>,
        tpu.vector_store %arg18[%parallel_loop3A_885, %parallel_loop3A_886], %parallel_loop3A_881 {strides = array<i32>} : memref<32x128xf32, #tpu.memory_space<vmem>>, vector<16xf32>,
        %parallel_loop3A_888 = arith.constant 17 : i32
        %parallel_loop3A_889 = vector.broadcast %parallel_loop3A_888 : i32 to vector<16xi32>
        %parallel_loop3A_890 = arith.addi %parallel_loop3A_713, %parallel_loop3A_889 : vector<16xi32>
        %parallel_loop3A_891 = tpu.vector_load_idx %arg16[%parallel_loop3A_717, %parallel_loop3A_890] : memref<128x128xf32, #tpu.memory_space<vmem>>[vector<16xi32>, vector<16xi32>], vector<16xf32>,
        %parallel_loop3A_892 = arith.constant 16 : i32
        %parallel_loop3A_893 = arith.muli %parallel_loop3A_892, %parallel_loop3A_709 : i32
        %parallel_loop3A_894 = arith.constant 17 : i32
        %parallel_loop3A_895 = arith.index_cast %parallel_loop3A_894 : i32 to index
        %parallel_loop3A_896 = arith.index_cast %parallel_loop3A_893 : i32 to index
        %parallel_loop3A_897 = tpu.vector_load %arg18[%parallel_loop3A_895, %parallel_loop3A_896] {strides = array<i32>} : memref<32x128xf32, #tpu.memory_space<vmem>>, vector<16xf32>,
        tpu.vector_store %arg18[%parallel_loop3A_895, %parallel_loop3A_896], %parallel_loop3A_891 {strides = array<i32>} : memref<32x128xf32, #tpu.memory_space<vmem>>, vector<16xf32>,
        %parallel_loop3A_898 = arith.constant 18 : i32
        %parallel_loop3A_899 = vector.broadcast %parallel_loop3A_898 : i32 to vector<16xi32>
        %parallel_loop3A_900 = arith.addi %parallel_loop3A_713, %parallel_loop3A_899 : vector<16xi32>
        %parallel_loop3A_901 = tpu.vector_load_idx %arg16[%parallel_loop3A_717, %parallel_loop3A_900] : memref<128x128xf32, #tpu.memory_space<vmem>>[vector<16xi32>, vector<16xi32>], vector<16xf32>,
        %parallel_loop3A_902 = arith.constant 16 : i32
        %parallel_loop3A_903 = arith.muli %parallel_loop3A_902, %parallel_loop3A_709 : i32
        %parallel_loop3A_904 = arith.constant 18 : i32
        %parallel_loop3A_905 = arith.index_cast %parallel_loop3A_904 : i32 to index
        %parallel_loop3A_906 = arith.index_cast %parallel_loop3A_903 : i32 to index
        %parallel_loop3A_907 = tpu.vector_load %arg18[%parallel_loop3A_905, %parallel_loop3A_906] {strides = array<i32>} : memref<32x128xf32, #tpu.memory_space<vmem>>, vector<16xf32>,
        tpu.vector_store %arg18[%parallel_loop3A_905, %parallel_loop3A_906], %parallel_loop3A_901 {strides = array<i32>} : memref<32x128xf32, #tpu.memory_space<vmem>>, vector<16xf32>,
        %parallel_loop3A_908 = arith.constant 19 : i32
        %parallel_loop3A_909 = vector.broadcast %parallel_loop3A_908 : i32 to vector<16xi32>
        %parallel_loop3A_910 = arith.addi %parallel_loop3A_713, %parallel_loop3A_909 : vector<16xi32>
        %parallel_loop3A_911 = tpu.vector_load_idx %arg16[%parallel_loop3A_717, %parallel_loop3A_910] : memref<128x128xf32, #tpu.memory_space<vmem>>[vector<16xi32>, vector<16xi32>], vector<16xf32>,
        %parallel_loop3A_912 = arith.constant 16 : i32
        %parallel_loop3A_913 = arith.muli %parallel_loop3A_912, %parallel_loop3A_709 : i32
        %parallel_loop3A_914 = arith.constant 19 : i32
        %parallel_loop3A_915 = arith.index_cast %parallel_loop3A_914 : i32 to index
        %parallel_loop3A_916 = arith.index_cast %parallel_loop3A_913 : i32 to index
        %parallel_loop3A_917 = tpu.vector_load %arg18[%parallel_loop3A_915, %parallel_loop3A_916] {strides = array<i32>} : memref<32x128xf32, #tpu.memory_space<vmem>>, vector<16xf32>,
        tpu.vector_store %arg18[%parallel_loop3A_915, %parallel_loop3A_916], %parallel_loop3A_911 {strides = array<i32>} : memref<32x128xf32, #tpu.memory_space<vmem>>, vector<16xf32>,
        %parallel_loop3A_918 = arith.constant 20 : i32
        %parallel_loop3A_919 = vector.broadcast %parallel_loop3A_918 : i32 to vector<16xi32>
        %parallel_loop3A_920 = arith.addi %parallel_loop3A_713, %parallel_loop3A_919 : vector<16xi32>
        %parallel_loop3A_921 = tpu.vector_load_idx %arg16[%parallel_loop3A_717, %parallel_loop3A_920] : memref<128x128xf32, #tpu.memory_space<vmem>>[vector<16xi32>, vector<16xi32>], vector<16xf32>,
        %parallel_loop3A_922 = arith.constant 16 : i32
        %parallel_loop3A_923 = arith.muli %parallel_loop3A_922, %parallel_loop3A_709 : i32
        %parallel_loop3A_924 = arith.constant 20 : i32
        %parallel_loop3A_925 = arith.index_cast %parallel_loop3A_924 : i32 to index
        %parallel_loop3A_926 = arith.index_cast %parallel_loop3A_923 : i32 to index
        %parallel_loop3A_927 = tpu.vector_load %arg18[%parallel_loop3A_925, %parallel_loop3A_926] {strides = array<i32>} : memref<32x128xf32, #tpu.memory_space<vmem>>, vector<16xf32>,
        tpu.vector_store %arg18[%parallel_loop3A_925, %parallel_loop3A_926], %parallel_loop3A_921 {strides = array<i32>} : memref<32x128xf32, #tpu.memory_space<vmem>>, vector<16xf32>,
        %parallel_loop3A_928 = arith.constant 21 : i32
        %parallel_loop3A_929 = vector.broadcast %parallel_loop3A_928 : i32 to vector<16xi32>
        %parallel_loop3A_930 = arith.addi %parallel_loop3A_713, %parallel_loop3A_929 : vector<16xi32>
        %parallel_loop3A_931 = tpu.vector_load_idx %arg16[%parallel_loop3A_717, %parallel_loop3A_930] : memref<128x128xf32, #tpu.memory_space<vmem>>[vector<16xi32>, vector<16xi32>], vector<16xf32>,
        %parallel_loop3A_932 = arith.constant 16 : i32
        %parallel_loop3A_933 = arith.muli %parallel_loop3A_932, %parallel_loop3A_709 : i32
        %parallel_loop3A_934 = arith.constant 21 : i32
        %parallel_loop3A_935 = arith.index_cast %parallel_loop3A_934 : i32 to index
        %parallel_loop3A_936 = arith.index_cast %parallel_loop3A_933 : i32 to index
        %parallel_loop3A_937 = tpu.vector_load %arg18[%parallel_loop3A_935, %parallel_loop3A_936] {strides = array<i32>} : memref<32x128xf32, #tpu.memory_space<vmem>>, vector<16xf32>,
        tpu.vector_store %arg18[%parallel_loop3A_935, %parallel_loop3A_936], %parallel_loop3A_931 {strides = array<i32>} : memref<32x128xf32, #tpu.memory_space<vmem>>, vector<16xf32>,
        %parallel_loop3A_938 = arith.constant 22 : i32
        %parallel_loop3A_939 = vector.broadcast %parallel_loop3A_938 : i32 to vector<16xi32>
        %parallel_loop3A_940 = arith.addi %parallel_loop3A_713, %parallel_loop3A_939 : vector<16xi32>
        %parallel_loop3A_941 = tpu.vector_load_idx %arg16[%parallel_loop3A_717, %parallel_loop3A_940] : memref<128x128xf32, #tpu.memory_space<vmem>>[vector<16xi32>, vector<16xi32>], vector<16xf32>,
        %parallel_loop3A_942 = arith.constant 16 : i32
        %parallel_loop3A_943 = arith.muli %parallel_loop3A_942, %parallel_loop3A_709 : i32
        %parallel_loop3A_944 = arith.constant 22 : i32
        %parallel_loop3A_945 = arith.index_cast %parallel_loop3A_944 : i32 to index
        %parallel_loop3A_946 = arith.index_cast %parallel_loop3A_943 : i32 to index
        %parallel_loop3A_947 = tpu.vector_load %arg18[%parallel_loop3A_945, %parallel_loop3A_946] {strides = array<i32>} : memref<32x128xf32, #tpu.memory_space<vmem>>, vector<16xf32>,
        tpu.vector_store %arg18[%parallel_loop3A_945, %parallel_loop3A_946], %parallel_loop3A_941 {strides = array<i32>} : memref<32x128xf32, #tpu.memory_space<vmem>>, vector<16xf32>,
        %parallel_loop3A_948 = arith.constant 23 : i32
        %parallel_loop3A_949 = vector.broadcast %parallel_loop3A_948 : i32 to vector<16xi32>
        %parallel_loop3A_950 = arith.addi %parallel_loop3A_713, %parallel_loop3A_949 : vector<16xi32>
        %parallel_loop3A_951 = tpu.vector_load_idx %arg16[%parallel_loop3A_717, %parallel_loop3A_950] : memref<128x128xf32, #tpu.memory_space<vmem>>[vector<16xi32>, vector<16xi32>], vector<16xf32>,
        %parallel_loop3A_952 = arith.constant 16 : i32
        %parallel_loop3A_953 = arith.muli %parallel_loop3A_952, %parallel_loop3A_709 : i32
        %parallel_loop3A_954 = arith.constant 23 : i32
        %parallel_loop3A_955 = arith.index_cast %parallel_loop3A_954 : i32 to index
        %parallel_loop3A_956 = arith.index_cast %parallel_loop3A_953 : i32 to index
        %parallel_loop3A_957 = tpu.vector_load %arg18[%parallel_loop3A_955, %parallel_loop3A_956] {strides = array<i32>} : memref<32x128xf32, #tpu.memory_space<vmem>>, vector<16xf32>,
        tpu.vector_store %arg18[%parallel_loop3A_955, %parallel_loop3A_956], %parallel_loop3A_951 {strides = array<i32>} : memref<32x128xf32, #tpu.memory_space<vmem>>, vector<16xf32>,
        %parallel_loop3A_958 = arith.constant 24 : i32
        %parallel_loop3A_959 = vector.broadcast %parallel_loop3A_958 : i32 to vector<16xi32>
        %parallel_loop3A_960 = arith.addi %parallel_loop3A_713, %parallel_loop3A_959 : vector<16xi32>
        %parallel_loop3A_961 = tpu.vector_load_idx %arg16[%parallel_loop3A_717, %parallel_loop3A_960] : memref<128x128xf32, #tpu.memory_space<vmem>>[vector<16xi32>, vector<16xi32>], vector<16xf32>,
        %parallel_loop3A_962 = arith.constant 16 : i32
        %parallel_loop3A_963 = arith.muli %parallel_loop3A_962, %parallel_loop3A_709 : i32
        %parallel_loop3A_964 = arith.constant 24 : i32
        %parallel_loop3A_965 = arith.index_cast %parallel_loop3A_964 : i32 to index
        %parallel_loop3A_966 = arith.index_cast %parallel_loop3A_963 : i32 to index
        %parallel_loop3A_967 = tpu.vector_load %arg18[%parallel_loop3A_965, %parallel_loop3A_966] {strides = array<i32>} : memref<32x128xf32, #tpu.memory_space<vmem>>, vector<16xf32>,
        tpu.vector_store %arg18[%parallel_loop3A_965, %parallel_loop3A_966], %parallel_loop3A_961 {strides = array<i32>} : memref<32x128xf32, #tpu.memory_space<vmem>>, vector<16xf32>,
        %parallel_loop3A_968 = arith.constant 25 : i32
        %parallel_loop3A_969 = vector.broadcast %parallel_loop3A_968 : i32 to vector<16xi32>
        %parallel_loop3A_970 = arith.addi %parallel_loop3A_713, %parallel_loop3A_969 : vector<16xi32>
        %parallel_loop3A_971 = tpu.vector_load_idx %arg16[%parallel_loop3A_717, %parallel_loop3A_970] : memref<128x128xf32, #tpu.memory_space<vmem>>[vector<16xi32>, vector<16xi32>], vector<16xf32>,
        %parallel_loop3A_972 = arith.constant 16 : i32
        %parallel_loop3A_973 = arith.muli %parallel_loop3A_972, %parallel_loop3A_709 : i32
        %parallel_loop3A_974 = arith.constant 25 : i32
        %parallel_loop3A_975 = arith.index_cast %parallel_loop3A_974 : i32 to index
        %parallel_loop3A_976 = arith.index_cast %parallel_loop3A_973 : i32 to index
        %parallel_loop3A_977 = tpu.vector_load %arg18[%parallel_loop3A_975, %parallel_loop3A_976] {strides = array<i32>} : memref<32x128xf32, #tpu.memory_space<vmem>>, vector<16xf32>,
        tpu.vector_store %arg18[%parallel_loop3A_975, %parallel_loop3A_976], %parallel_loop3A_971 {strides = array<i32>} : memref<32x128xf32, #tpu.memory_space<vmem>>, vector<16xf32>,
        %parallel_loop3A_978 = arith.constant 26 : i32
        %parallel_loop3A_979 = vector.broadcast %parallel_loop3A_978 : i32 to vector<16xi32>
        %parallel_loop3A_980 = arith.addi %parallel_loop3A_713, %parallel_loop3A_979 : vector<16xi32>
        %parallel_loop3A_981 = tpu.vector_load_idx %arg16[%parallel_loop3A_717, %parallel_loop3A_980] : memref<128x128xf32, #tpu.memory_space<vmem>>[vector<16xi32>, vector<16xi32>], vector<16xf32>,
        %parallel_loop3A_982 = arith.constant 16 : i32
        %parallel_loop3A_983 = arith.muli %parallel_loop3A_982, %parallel_loop3A_709 : i32
        %parallel_loop3A_984 = arith.constant 26 : i32
        %parallel_loop3A_985 = arith.index_cast %parallel_loop3A_984 : i32 to index
        %parallel_loop3A_986 = arith.index_cast %parallel_loop3A_983 : i32 to index
        %parallel_loop3A_987 = tpu.vector_load %arg18[%parallel_loop3A_985, %parallel_loop3A_986] {strides = array<i32>} : memref<32x128xf32, #tpu.memory_space<vmem>>, vector<16xf32>,
        tpu.vector_store %arg18[%parallel_loop3A_985, %parallel_loop3A_986], %parallel_loop3A_981 {strides = array<i32>} : memref<32x128xf32, #tpu.memory_space<vmem>>, vector<16xf32>,
        %parallel_loop3A_988 = arith.constant 27 : i32
        %parallel_loop3A_989 = vector.broadcast %parallel_loop3A_988 : i32 to vector<16xi32>
        %parallel_loop3A_990 = arith.addi %parallel_loop3A_713, %parallel_loop3A_989 : vector<16xi32>
        %parallel_loop3A_991 = tpu.vector_load_idx %arg16[%parallel_loop3A_717, %parallel_loop3A_990] : memref<128x128xf32, #tpu.memory_space<vmem>>[vector<16xi32>, vector<16xi32>], vector<16xf32>,
        %parallel_loop3A_992 = arith.constant 16 : i32
        %parallel_loop3A_993 = arith.muli %parallel_loop3A_992, %parallel_loop3A_709 : i32
        %parallel_loop3A_994 = arith.constant 27 : i32
        %parallel_loop3A_995 = arith.index_cast %parallel_loop3A_994 : i32 to index
        %parallel_loop3A_996 = arith.index_cast %parallel_loop3A_993 : i32 to index
        %parallel_loop3A_997 = tpu.vector_load %arg18[%parallel_loop3A_995, %parallel_loop3A_996] {strides = array<i32>} : memref<32x128xf32, #tpu.memory_space<vmem>>, vector<16xf32>,
        tpu.vector_store %arg18[%parallel_loop3A_995, %parallel_loop3A_996], %parallel_loop3A_991 {strides = array<i32>} : memref<32x128xf32, #tpu.memory_space<vmem>>, vector<16xf32>,
        %parallel_loop3A_998 = arith.constant 28 : i32
        %parallel_loop3A_999 = vector.broadcast %parallel_loop3A_998 : i32 to vector<16xi32>
        %parallel_loop3A_1000 = arith.addi %parallel_loop3A_713, %parallel_loop3A_999 : vector<16xi32>
        %parallel_loop3A_1001 = tpu.vector_load_idx %arg16[%parallel_loop3A_717, %parallel_loop3A_1000] : memref<128x128xf32, #tpu.memory_space<vmem>>[vector<16xi32>, vector<16xi32>], vector<16xf32>,
        %parallel_loop3A_1002 = arith.constant 16 : i32
        %parallel_loop3A_1003 = arith.muli %parallel_loop3A_1002, %parallel_loop3A_709 : i32
        %parallel_loop3A_1004 = arith.constant 28 : i32
        %parallel_loop3A_1005 = arith.index_cast %parallel_loop3A_1004 : i32 to index
        %parallel_loop3A_1006 = arith.index_cast %parallel_loop3A_1003 : i32 to index
        %parallel_loop3A_1007 = tpu.vector_load %arg18[%parallel_loop3A_1005, %parallel_loop3A_1006] {strides = array<i32>} : memref<32x128xf32, #tpu.memory_space<vmem>>, vector<16xf32>,
        tpu.vector_store %arg18[%parallel_loop3A_1005, %parallel_loop3A_1006], %parallel_loop3A_1001 {strides = array<i32>} : memref<32x128xf32, #tpu.memory_space<vmem>>, vector<16xf32>,
        %parallel_loop3A_1008 = arith.constant 29 : i32
        %parallel_loop3A_1009 = vector.broadcast %parallel_loop3A_1008 : i32 to vector<16xi32>
        %parallel_loop3A_1010 = arith.addi %parallel_loop3A_713, %parallel_loop3A_1009 : vector<16xi32>
        %parallel_loop3A_1011 = tpu.vector_load_idx %arg16[%parallel_loop3A_717, %parallel_loop3A_1010] : memref<128x128xf32, #tpu.memory_space<vmem>>[vector<16xi32>, vector<16xi32>], vector<16xf32>,
        %parallel_loop3A_1012 = arith.constant 16 : i32
        %parallel_loop3A_1013 = arith.muli %parallel_loop3A_1012, %parallel_loop3A_709 : i32
        %parallel_loop3A_1014 = arith.constant 29 : i32
        %parallel_loop3A_1015 = arith.index_cast %parallel_loop3A_1014 : i32 to index
        %parallel_loop3A_1016 = arith.index_cast %parallel_loop3A_1013 : i32 to index
        %parallel_loop3A_1017 = tpu.vector_load %arg18[%parallel_loop3A_1015, %parallel_loop3A_1016] {strides = array<i32>} : memref<32x128xf32, #tpu.memory_space<vmem>>, vector<16xf32>,
        tpu.vector_store %arg18[%parallel_loop3A_1015, %parallel_loop3A_1016], %parallel_loop3A_1011 {strides = array<i32>} : memref<32x128xf32, #tpu.memory_space<vmem>>, vector<16xf32>,
        %parallel_loop3A_1018 = arith.constant 30 : i32
        %parallel_loop3A_1019 = vector.broadcast %parallel_loop3A_1018 : i32 to vector<16xi32>
        %parallel_loop3A_1020 = arith.addi %parallel_loop3A_713, %parallel_loop3A_1019 : vector<16xi32>
        %parallel_loop3A_1021 = tpu.vector_load_idx %arg16[%parallel_loop3A_717, %parallel_loop3A_1020] : memref<128x128xf32, #tpu.memory_space<vmem>>[vector<16xi32>, vector<16xi32>], vector<16xf32>,
        %parallel_loop3A_1022 = arith.constant 16 : i32
        %parallel_loop3A_1023 = arith.muli %parallel_loop3A_1022, %parallel_loop3A_709 : i32
        %parallel_loop3A_1024 = arith.constant 30 : i32
        %parallel_loop3A_1025 = arith.index_cast %parallel_loop3A_1024 : i32 to index
        %parallel_loop3A_1026 = arith.index_cast %parallel_loop3A_1023 : i32 to index
        %parallel_loop3A_1027 = tpu.vector_load %arg18[%parallel_loop3A_1025, %parallel_loop3A_1026] {strides = array<i32>} : memref<32x128xf32, #tpu.memory_space<vmem>>, vector<16xf32>,
        tpu.vector_store %arg18[%parallel_loop3A_1025, %parallel_loop3A_1026], %parallel_loop3A_1021 {strides = array<i32>} : memref<32x128xf32, #tpu.memory_space<vmem>>, vector<16xf32>,
        %parallel_loop3A_1028 = arith.constant 31 : i32
        %parallel_loop3A_1029 = vector.broadcast %parallel_loop3A_1028 : i32 to vector<16xi32>
        %parallel_loop3A_1030 = arith.addi %parallel_loop3A_713, %parallel_loop3A_1029 : vector<16xi32>
        %parallel_loop3A_1031 = tpu.vector_load_idx %arg16[%parallel_loop3A_717, %parallel_loop3A_1030] : memref<128x128xf32, #tpu.memory_space<vmem>>[vector<16xi32>, vector<16xi32>], vector<16xf32>,
        %parallel_loop3A_1032 = arith.constant 16 : i32
        %parallel_loop3A_1033 = arith.muli %parallel_loop3A_1032, %parallel_loop3A_709 : i32
        %parallel_loop3A_1034 = arith.constant 31 : i32
        %parallel_loop3A_1035 = arith.index_cast %parallel_loop3A_1034 : i32 to index
        %parallel_loop3A_1036 = arith.index_cast %parallel_loop3A_1033 : i32 to index
        %parallel_loop3A_1037 = tpu.vector_load %arg18[%parallel_loop3A_1035, %parallel_loop3A_1036] {strides = array<i32>} : memref<32x128xf32, #tpu.memory_space<vmem>>, vector<16xf32>,
        tpu.vector_store %arg18[%parallel_loop3A_1035, %parallel_loop3A_1036], %parallel_loop3A_1031 {strides = array<i32>} : memref<32x128xf32, #tpu.memory_space<vmem>>, vector<16xf32>,
      } {sc.loop_unroll_factor = 4 : i64, sc.parallel_access}
      %jit3A_674 = arith.constant 4 : i32
      %div3A_675 = arith.divsi %add3A_275, %jit3A_674 : i32
      %sign3A_676 = arith.constant 0 : i32
      %sign3A_677 = arith.cmpi sgt, %add3A_275, %sign3A_676 : i32
      %sign3A_678 = arith.extui %sign3A_677 : i1 to i32
      %sign3A_679 = arith.constant 0 : i32
      %sign3A_680 = arith.cmpi slt, %add3A_275, %sign3A_679 : i32
      %sign3A_681 = arith.extui %sign3A_680 : i1 to i32
      %sign3A_682 = arith.subi %sign3A_678, %sign3A_681 : i32
      %sign3A_683 = arith.constant 0 : i32
      %sign3A_684 = arith.cmpi sgt, %jit3A_674, %sign3A_683 : i32
      %sign3A_685 = arith.extui %sign3A_684 : i1 to i32
      %sign3A_686 = arith.constant 0 : i32
      %sign3A_687 = arith.cmpi slt, %jit3A_674, %sign3A_686 : i32
      %sign3A_688 = arith.extui %sign3A_687 : i1 to i32
      %sign3A_689 = arith.subi %sign3A_685, %sign3A_688 : i32
      %ne3A_690 = arith.cmpi ne, %sign3A_682, %sign3A_689 : i32
      %rem3A_691 = arith.remsi %add3A_275, %jit3A_674 : i32
      %ne3A_692 = arith.constant 0 : i32
      %ne3A_693 = arith.cmpi ne, %rem3A_691, %ne3A_692 : i32
      %and3A_694 = arith.andi %ne3A_690, %ne3A_693 : i1
      %sub3A_695 = arith.constant 1 : i32
      %sub3A_696 = arith.subi %div3A_675, %sub3A_695 : i32
      %select_n3A_697 = arith.select %and3A_694, %sub3A_696, %div3A_675 : i32
      %rem3A_698 = arith.constant 4 : i32
      %rem3A_699 = arith.remsi %add3A_275, %rem3A_698 : i32
      %mul3A_700 = arith.constant 128 : i32
      %mul3A_701 = arith.muli %rem3A_699, %mul3A_700 : i32
      %add3A_702 = arith.addi %mul3A_69, %mul3A_701 : i32
      %dma_start3A_703 = arith.constant 0 : i32
      %dma_start3A_704 = tpu.memref_slice %arg4[%select_n3A_697, %dma_start3A_703, %add3A_702] : memref<26x32x16384xf32, #tpu.memory_space<hbm>> -> memref<1x32x128xf32, #tpu.memory_space<hbm>>
      %dma_start3A_705 = tpu.memref_squeeze %dma_start3A_704 : memref<1x32x128xf32, #tpu.memory_space<hbm>> -> memref<32x128xf32, #tpu.memory_space<hbm>>
      %dma_start3A_706 = arith.constant 0 : i32
      %dma_start3A_707 = tpu.memref_slice %arg4[%select_n3A_697, %dma_start3A_706, %add3A_702] : memref<26x32x16384xf32, #tpu.memory_space<hbm>> -> memref<1x32x128xf32, #tpu.memory_space<hbm>>
      %dma_start3A_708 = tpu.memref_squeeze %dma_start3A_707 : memref<1x32x128xf32, #tpu.memory_space<hbm>> -> memref<32x128xf32, #tpu.memory_space<hbm>>
      tpu.enqueue_dma source(%arg18 : memref<32x128xf32, #tpu.memory_space<vmem>>) target(%dma_start3A_708 : memref<32x128xf32, #tpu.memory_space<hbm>>) target_semaphore(%arg28 : memref<!tpu.dma_semaphore, #tpu.memory_space<semaphore_mem>>)
    }
    %scan3A_253 = arith.constant 52 : i32
    %dma_wait3A_254 = arith.constant 262152 : i32
    %dma_wait3A_255 = arith.constant 0 : i32
    %dma_wait3A_256 = tpu.memref_slice %arg5[%dma_wait3A_254, %dma_wait3A_255] : memref<262216x128xf32, #tpu.memory_space<hbm>> -> memref<32x128xf32, #tpu.memory_space<hbm>>
    %dma_wait3A_257 = arith.constant 262152 : i32
    %dma_wait3A_258 = arith.constant 0 : i32
    %dma_wait3A_259 = tpu.memref_slice %arg5[%dma_wait3A_257, %dma_wait3A_258] : memref<262216x128xf32, #tpu.memory_space<hbm>> -> memref<32x128xf32, #tpu.memory_space<hbm>>
    tpu.wait_dma2 semaphore(%arg27 : memref<!tpu.dma_semaphore, #tpu.memory_space<semaphore_mem>>) src(%arg17 : memref<32x128xf32, #tpu.memory_space<vmem>>) dst(%dma_wait3A_259 : memref<32x128xf32, #tpu.memory_space<hbm>>)
    %dma_wait3A_260 = arith.constant 262152 : i32
    %dma_wait3A_261 = arith.constant 0 : i32
    %dma_wait3A_262 = tpu.memref_slice %arg5[%dma_wait3A_260, %dma_wait3A_261] : memref<262216x128xf32, #tpu.memory_space<hbm>> -> memref<32x128xf32, #tpu.memory_space<hbm>>
    %dma_wait3A_263 = arith.constant 262152 : i32
    %dma_wait3A_264 = arith.constant 0 : i32
    %dma_wait3A_265 = tpu.memref_slice %arg5[%dma_wait3A_263, %dma_wait3A_264] : memref<262216x128xf32, #tpu.memory_space<hbm>> -> memref<32x128xf32, #tpu.memory_space<hbm>>
    tpu.wait_dma2 semaphore(%arg28 : memref<!tpu.dma_semaphore, #tpu.memory_space<semaphore_mem>>) src(%arg18 : memref<32x128xf32, #tpu.memory_space<vmem>>) dst(%dma_wait3A_265 : memref<32x128xf32, #tpu.memory_space<hbm>>)
    %dma_wait3A_266 = arith.constant 0 : i32
    %dma_wait3A_267 = arith.constant 0 : i32
    %dma_wait3A_268 = tpu.memref_slice %arg5[%dma_wait3A_266, %dma_wait3A_267] : memref<262216x128xf32, #tpu.memory_space<hbm>> -> memref<262216x128xf32, #tpu.memory_space<hbm>>
    tpu.wait_indirect_dma semaphore(%arg25 : memref<!tpu.dma_semaphore, #tpu.memory_space<semaphore_mem>>) src(%dma_wait3A_268 : memref<262216x128xf32, #tpu.memory_space<hbm>>) dst(%arg15 : memref<128x128xf32, #tpu.memory_space<vmem>>)
    return
  }
}

</mosaic_0001>

<sc_bundles>
// kernel: kernel.3.cloned.1.call-start
scs
__scs_entry_jumppad:
0x0: {  	(pc) =	sbr.rel $0x88, $3  }
0x1: {  	(tag) =	ssettag $0x0;
	lr =	simm.s32 $0x1  }
0x2: {  	[smem:$0x3F9F] =	sst lr;
	_ =	strace $0xD0000000  }
0x3: {  	_ = 	snop  }
0x4: {  	_ = 	snop  }
0x5: {  	_ = 	snop  }
0x6: {  	_ = 	snop  }
0x7: {  	_ = 	snop  }
__scs_overlays_trampoline_lowered:
0x8: {  	[smem:$0x3FAE] =	sst s0  }
0x9: {  	[smem:$0x3FAF] =	sst s1  }
0xa: {  	[smem:$0x3FB0] =	sst s2  }
0xb: {  	[smem:$0x3FB1] =	sst s3  }
0xc: {  	[smem:$0x3FB2] =	sst s4  }
0xd: {  	[smem:$0x3FB3] =	sst s5  }
0xe: {  	[smem:$0x3FB4] =	sst s6  }
0xf: {  	[smem:$0x3FB5] =	sst s7  }
0x10: {  	[smem:$0x3FB6] =	sst s8  }
0x11: {  	[smem:$0x3FB7] =	sst s9;
	s0 =	simm.s32 @!p0 $0x0  }
0x12: {  	s1 =	sld [smem:$0x3F9D];
	s0 =	simm.s32 @p0 $0x1  }
0x13: {  	[smem:$0x3FB8] =	sst s0;
	s0 =	simm.s32 @!p1 $0x0  }
0x14: {  	s2 =	sld [smem:$0x3F9C];
	s0 =	simm.s32 @p1 $0x1  }
0x15: {  	[smem:$0x3FB9] =	sst s0;
	s0 =	simm.s32 @!p2 $0x0  }
0x16: {  	s3 =	sld [smem:$0x3FDB];
	s0 =	simm.s32 @p2 $0x1  }
0x17: {  	s4 =	simm.s32 $0x1BF5;
	[smem:$0x3FBB] =	sst s0  }
0x18: {  	s0 =	sld [smem:$0x3F9E];
	_ =	swait.ge [sflag:s4], $0x0  }
0x19: {  	s7 =	sld [smem:$0x3F9F]  }
0x1a: {  	s8 =	sadd.s32 $0xFFFFE003, lr  }
0x1b: {  	s9 =	sadd.s32 $0xFFFFFEF7, lr;
	s5 =	simm.s32 $0xFFFFFFFF;
	p2 =	slt.u32 s8, $0xFFFFF086  }
0x1c: {  	p1 =	slt.u32 s9, $0xF7A;
	s5 =	simm.s32 @!p2 $0x0  }
0x1d: {  	s5 =	simm.s32 @p1 $0x1;
	p0 =	seq.s32 s7, s2  }
0x1e: {  	s7 =	smul.u32 @!p0 $0xF7A, s2;
	p2 =	seq.s32 @!p0 s5, $0x0  }
0x1f: {  	s9 =	smul.u32 $0xF7A, s1;
	s8 =	simm.s32 @!p0 $0x1BF5;
	p2 =	por !p2, p0  }
0x20: {  	[sflag:s8] =	ssyncset.s32 @!p0 $0xFFFFF086;
	s6 =	sadd.s32 @!p0 s3, s7;
	s7 =	simm.s32 @!p0 $0x108  }
0x21: {  	s3 =	sadd.s32 s3, s9;
	s6 =	sadd.s32 @!p0 $0x88, s6;
	s7 =	simm.s32 @p2 $0x1082  }
0x22: {  	[simem:s7], [sflag:s8] =	dma.local @!p0 [hbm:s6], $0xF7A  }
0x23: {  	s9 =	sor.u32 $0xD0000000, s2;
	s6 =	simm.s32 $0x108;
	_ =	swait.ge @!p0 [sflag:s8], $0x0  }
0x24: {  	s3 =	sadd.s32 $0x88, s3;
	s6 =	simm.s32 @!p1 $0x1082;
	[sflag:s4] =	ssyncset.s32 $0xFFFFF086  }
0x25: {  	[simem:s6], [sflag:s4] =	dma.local [hbm:s3], $0xF7A  }
0x26: {  	[smem:$0x3F9F] =	sst s1;
	(tag) =	ssettag s2;
	_ =	strace s9  }
0x27: {  	s1 =	sld [smem:$0x3FAF]  }
0x28: {  	s2 =	sld [smem:$0x3FB0]  }
0x29: {  	s4 =	sld [smem:$0x3FB2]  }
0x2a: {  	p0 =	seq.s32 s5, $0x0;
	s5 =	sld [smem:$0x3FB3]  }
0x2b: {  	s6 =	sld [smem:$0x3FB4]  }
0x2c: {  	s7 =	sld [smem:$0x3FB5]  }
0x2d: {  	s3 =	simm.s32 $0x108;
	s8 =	sld [smem:$0x3FB6]  }
0x2e: {  	s3 =	simm.s32 @!p0 $0x1082;
	s9 =	sld [smem:$0x3FB7]  }
0x2f: {  	lr =	sadd.s32 s0, s3;
	s0 =	sld [smem:$0x3FAE]  }
0x30: {  	s3 =	sld [smem:$0x3FB1]  }
0x31: {  	[smem:$0x3FBA] =	sst s10  }
0x32: {  	s10 =	sld [smem:$0x3FB8];
	_ =	sdelay $0x3  }
0x33: {  	p0 =	seq.s32 s10, $0x1;
	s10 =	sld [smem:$0x3FBA];
	_ =	sdelay $0x3  }
0x34: {  	[smem:$0x3FBA] =	sst s10  }
0x35: {  	s10 =	sld [smem:$0x3FB9];
	_ =	sdelay $0x3  }
0x36: {  	p1 =	seq.s32 s10, $0x1;
	s10 =	sld [smem:$0x3FBA];
	_ =	sdelay $0x3  }
0x37: {  	[smem:$0x3FBA] =	sst s10  }
0x38: {  	s10 =	sld [smem:$0x3FBB]  }
0x39: {  	_ = 	snop;
	(pc) =	sbr.ind lr, $3  }
0x3a: {  	_ = 	snop  }
0x3b: {  	_ = 	snop  }
0x3c: {  	p2 =	seq.s32 s10, $0x1;
	s10 =	sld [smem:$0x3FBA]  }
0x3d: {  	_ =	shalt  }
0x3e: {  	_ =	shalt  }
0x3f: {  	_ =	shalt  }
0x40: {  	_ =	shalt  }
0x41: {  	_ =	shalt  }
0x42: {  	_ =	shalt  }
0x43: {  	_ =	shalt  }
0x44: {  	_ =	shalt  }
0x45: {  	_ =	shalt  }
0x46: {  	_ =	shalt  }
0x47: {  	_ =	shalt  }
0x48: {  	_ =	shalt  }
0x49: {  	_ =	shalt  }
0x4a: {  	_ =	shalt  }
0x4b: {  	_ =	shalt  }
0x4c: {  	_ =	shalt  }
0x4d: {  	_ =	shalt  }
0x4e: {  	_ =	shalt  }
0x4f: {  	_ =	shalt  }
0x50: {  	_ =	shalt  }
0x51: {  	_ =	shalt  }
0x52: {  	_ =	shalt  }
0x53: {  	_ =	shalt  }
0x54: {  	_ =	shalt  }
0x55: {  	_ =	shalt  }
0x56: {  	_ =	shalt  }
0x57: {  	_ =	shalt  }
0x58: {  	_ =	shalt  }
0x59: {  	_ =	shalt  }
0x5a: {  	_ =	shalt  }
0x5b: {  	_ =	shalt  }
0x5c: {  	_ =	shalt  }
0x5d: {  	_ =	shalt  }
0x5e: {  	_ =	shalt  }
0x5f: {  	_ =	shalt  }
0x60: {  	_ =	shalt  }
0x61: {  	_ =	shalt  }
0x62: {  	_ =	shalt  }
0x63: {  	_ =	shalt  }
0x64: {  	_ =	shalt  }
0x65: {  	_ =	shalt  }
0x66: {  	_ =	shalt  }
0x67: {  	_ =	shalt  }
0x68: {  	_ =	shalt  }
0x69: {  	_ =	shalt  }
0x6a: {  	_ =	shalt  }
0x6b: {  	_ =	shalt  }
0x6c: {  	_ =	shalt  }
0x6d: {  	_ =	shalt  }
0x6e: {  	_ =	shalt  }
0x6f: {  	_ =	shalt  }
0x70: {  	_ =	shalt  }
0x71: {  	_ =	shalt  }
0x72: {  	_ =	shalt  }
0x73: {  	_ =	shalt  }
0x74: {  	_ =	shalt  }
0x75: {  	_ =	shalt  }
0x76: {  	_ =	shalt  }
0x77: {  	_ =	shalt  }
0x78: {  	_ =	shalt  }
0x79: {  	_ =	shalt  }
0x7a: {  	_ =	shalt  }
0x7b: {  	_ =	shalt  }
0x7c: {  	_ =	shalt  }
0x7d: {  	_ =	shalt  }
0x7e: {  	_ =	shalt  }
0x7f: {  	_ =	shalt  }
0x80: {  	_ =	shalt  }
0x81: {  	_ =	shalt  }
0x82: {  	_ =	shalt  }
0x83: {  	_ =	shalt  }
0x84: {  	_ =	shalt  }
0x85: {  	_ =	shalt  }
0x86: {  	_ =	shalt  }
0x87: {  	_ =	shalt  }
.Lfunc_end0:
.L_simem_size_0:
called_computation_lowered:
.L_overlay_start_0:
0x88: {  	s2 =	sld [smem:$0x3FD9]  }
0x89: {  	s3 =	sld [smem:$0x3FFE];
	_ =	sdelay $0x1  }
0x8a: {  	s1 =	srdreg.scid  }
0x8b: {  	s0 =	sand.u32 $0x1, s1  }
0x8c: {  	s17 =	sshll.u32 s0, $0xA;
	s2 =	sadd.s32 s3, s2  }
0x8d: {  	s2 =	sadd.s32 s2, s17  }
0x8e: {  	[smem:$0x3FC6] =	sst s2  }
0x8f: {  	_ = 	snop  }
0x90: {  	s2 =	sld [smem:$0x3FC9]  }
0x91: {  	s18 =	sld [smem:$0x3FC8]  }
0x92: {  	s4 =	sld [smem:$0x3FD0];
	(tm) =	ssettm $0x1  }
0x93: {  	s5 =	sld [smem:$0x3FFB];
	_ =	sdelay $0x3  }
0x94: {  	_ =	strace s5  }
0x95: {  	s5 =	sld [smem:$0x3FFC];
	_ =	sdelay $0x3  }
0x96: {  	_ =	strace s5  }
0x97: {  	s5 =	sld [smem:$0x3FFD];
	_ =	sdelay $0x3  }
0x98: {  	_ =	strace s5  }
0x99: {  	_ =	strace $0x8FFFFFFF  }
0x9a: {  	s19 =	sld [smem:$0x3FDB];
	_ =	sdelay $0x1  }
0x9b: {  	s6 =	simm.s32 $_scs_section_size  }
0x9c: {  	s7 =	simm.s32 $_size__tile_overlayer_lowered;
	s8 =	simm.s32 $_tile_overlayer_lowered  }
0x9d: {  	s22 =	simm.s32 $0x1BFF;
	s21 =	sshll.u32 s8, $0x1;
	s5 =	sadd.s32 s6, s19  }
0x9e: {  	s9 =	simm.s32 $0x0;
	s20 =	sshll.u32 s7, $0x1;
	s7 =	sadd.s32 s21, s5  }
0x9f: {  	[timem:s9], [sflag:s22] =	dma.local [hbm:s7], s20  }
0xa0: {  	_ =	swait.ge [sflag:s22], s20  }
0xa1: {  	s6 =	ssub.s32 $0x0, s20;
	[sflag:s22] =	ssyncset.done $0x0  }
0xa2: {  	[sflag:s22] =	ssyncadd.s32 s6;
	_ =	sdelay $0x1  }
0xa3: {  	s23 =	simm.s32 $0x1B8B  }
0xa4: {  	_ =	swait.ge [sflag:s23], $0x1  }
0xa5: {  	[sflag:s23] =	ssyncset.done $0x0  }
0xa6: {  	s25 =	simm.s32 $0x1B8E;
	s24 =	sld [smem:$0x3FFE];
	[sflag:s23] =	ssyncadd.s32 $0xFFFFFFFF  }
0xa7: {  	s26 =	simm.s32 $execute0_lowered;
	[smem:$0x3FD2] =	sst s25  }
0xa8: {  	s7 =	sshll.u32 s26, $0x1;
	_ =	strace $0x80000046;
	[dreg:$0x1] =	wrdreg $0xFFFFFFFF  }
0xa9: {  	s28 =	simm.s32 $_size_execute0_lowered;
	s5 =	sadd.s32 s5, s7;
	[dreg:$0x0] =	wrdreg $0x0  }
0xaa: {  	s7 =	sshll.u32 s28, $0x1;
	[dreg:$0x2] =	wrdreg s5  }
0xab: {  	[dreg:$0x3] =	wrdreg s7  }
0xac: {  	[dreg:$0x4] =	wrdreg $0xC0  }
0xad: {  	_ =	task [dreg:s9], $0x5FFFF  }
0xae: {  	[dreg:$0x1] =	wrdreg $0xFFFFFFFF  }
0xaf: {  	[dreg:$0x0] =	wrdreg $0x60  }
0xb0: {  	[dreg:$0x2] =	wrdreg s2  }
0xb1: {  	[dreg:$0x3] =	wrdreg s18  }
0xb2: {  	[dreg:$0x4] =	wrdreg s4  }
0xb3: {  	[dreg:$0x5] =	wrdreg s24  }
0xb4: {  	[dreg:$0x6] =	wrdreg $0x9  }
0xb5: {  	_ =	task.clear_ibuf [dreg:s9], $0x7FFFF;
	_ =	strace $0x90000046  }
0xb6: {  	s29 =	simm.s32 $0x9;
	_ =	strace $0x80000048  }
0xb7: {  	_ =	swait.ge [sflag:s29], $0x1  }
0xb8: {  	[sflag:s29] =	ssyncadd.s32 $0xFFFFFFFF  }
0xb9: {  	_ =	strace $0x90000048  }
0xba: {  	_ =	sfence  }
0xbb: {  	s30 =	sld [smem:$0x0];
	_ =	sdelay $0x2  }
0xbc: {  	s31 =	sshll.u32 s1, $0xD;
	s1 =	sshrl.u32 s1, $0x2  }
0xbd: {  	s3 =	sand.u32 $0x4000, s31;
	s1 =	sadd.s32 s1, s30  }
0xbe: {  	s0 =	sor.u32 s3, s0;
	s1 =	sshll.u32 s1, $0x11  }
0xbf: {  	s0 =	sor.u32 s1, s0  }
0xc0: {  	s0 =	sadd.s32 $0x8F2B, s0  }
0xc1: {  	[sflag:s0] =	ssyncadd.remote.s32 $0x1  }
0xc2: {  	_ =	sfence.sel $0xFFFF  }
0xc3: {  	[dreg:$0x0] =	wrdreg $0xFFFFFFFF;
	(pc) =	sbr.abs _section_cstart, $3  }
0xc4: {  	[dreg:$0x1] =	wrdreg $0xFFFFFFFF  }
0xc5: {  	_ =	task.clear_ibuf [dreg:s9], $0x2FFFF;
	_ =	strace $0x9FFFFFFF  }
0xc6: {  	(tm) =	ssettm $0x7FFFFFFF  }
0xc7: {  	_ =	shalt  }
tec
execute0_lowered:
.L_overlay_start_1:
0x0: {  	(tag) =	ssettag $0x1  }
0x1: {  	s0 =	rddreg [dreg:$0x0]  }
0x2: {  	s10 =	rddreg [dreg:$0x1]  }
0x3: {  	s1 =	rddreg [dreg:$0x2]  }
0x4: {  	s3 =	rddreg [dreg:$0x3];
	s2 =	simm.s32 $0x0;
	s4 =	srdreg.scid  }
0x5: {  	s5 =	stileid.u32;
	[smem:$0x7FF] =	sst s2  }
0x6: {  	s4 =	sand.u32 $0x1, s4;
	s6 =	sshll.u32 s5, $0x1;
	s11 =	sadd.s32 $0x800, s3  }
0x7: {  	_ =	strace $0x80000047;
	s7 =	ssub.s32 $0x2, s4;
	s6 =	sor.u32 s4, s6  }
0x8: {  	[dreg:$0x5] =	wrdreg s11;
	s9 =	sshll.u32 s6, $0xF;
	s12 =	sshll.u32 s6, $0x7  }
0x9: {  	s6 =	sshll.u32 s6, $0x9;
	s18 =	sor.u32 $0x2, s12;
	[dreg:$0x6] =	wrdreg s12  }
0xa: {  	s4 =	sshll.u32 s4, $0x4;
	s0 =	sadd.s32 s0, s6;
	[dreg:$0x9] =	wrdreg s18  }
0xb: {  	s8 =	sshrl.u32 s7, $0x1;
	s9 =	sadd.s32 s10, s9;
	[dreg:$0xc] =	wrdreg s0  }
0xc: {  	s7 =	ssub.s32 s7, s8;
	s10 =	sadd.s32 $0x400880, s3;
	[dreg:$0x7] =	wrdreg s9  }
0xd: {  	s3 =	sadd.s32 $0x400800, s3;
	s8 =	sadd.s32 s1, s6;
	[dreg:$0x8] =	wrdreg s10  }
0xe: {  	s19 =	sxor.u32 $0x10, s4;
	s4 =	sadd.s32 s4, s3;
	[dreg:$0x18] =	wrdreg s8  }
0xf: {  	s20 =	sadd.s32 $0x10, s0;
	[dreg:$0xa] =	wrdreg s4  }
0x10: {  	s21 =	sadd.s32 $0x20, s0;
	[dreg:$0xd] =	wrdreg s20  }
0x11: {  	s22 =	sadd.s32 $0x30, s0;
	[dreg:$0xe] =	wrdreg s21  }
0x12: {  	s23 =	sadd.s32 $0x40, s0;
	[dreg:$0xf] =	wrdreg s22  }
0x13: {  	s24 =	sadd.s32 $0x50, s0;
	[dreg:$0x10] =	wrdreg s23  }
0x14: {  	s25 =	sadd.s32 $0x60, s0;
	[dreg:$0x11] =	wrdreg s24  }
0x15: {  	s26 =	sadd.s32 $0x70, s0;
	[dreg:$0x12] =	wrdreg s25  }
0x16: {  	s28 =	sadd.s32 $0x4000, s0;
	[dreg:$0x13] =	wrdreg s26  }
0x17: {  	s29 =	sadd.s32 $0x4010, s0;
	[dreg:$0x14] =	wrdreg s28  }
0x18: {  	s30 =	sadd.s32 $0x4020, s0;
	[dreg:$0x15] =	wrdreg s29  }
0x19: {  	s31 =	sadd.s32 $0x4030, s0;
	[dreg:$0x16] =	wrdreg s30  }
0x1a: {  	s13 =	sadd.s32 $0x4040, s0;
	[dreg:$0x17] =	wrdreg s31  }
0x1b: {  	s14 =	sadd.s32 $0x4050, s0;
	[dreg:$0x19] =	wrdreg s13  }
0x1c: {  	s15 =	smax.u32 s7, $0x1;
	[dreg:$0x1a] =	wrdreg s14  }
0x1d: {  	s16 =	sadd.s32 $0x4060, s0;
	[dreg:$0x1b] =	wrdreg s15  }
0x1e: {  	v0 =	vimm.s32 $0xF80;
	vm0 =	vcmask $0x300;
	s17 =	sadd.s32 $0x4070, s0;
	[dreg:$0x1c] =	wrdreg s16  }
0x1f: {  	vm1 =	vcmask $0x704;
	v1 =	vimm.s32 $0x2780;
	vm2 =	vcmask $0xB08;
	s18 =	sadd.s32 $0x8000, s0;
	[dreg:$0x1d] =	wrdreg s17  }
0x20: {  	vm4 =	vcmask $0xF0C;
	v0 =	vsel vm0, $0x0, v0;
	v1 =	vsel vm0, $0x1800, v1;
	s3 =	sadd.s32 s19, s3;
	s19 =	sadd.s32 $0x8010, s0;
	[dreg:$0x1e] =	wrdreg s18  }
0x21: {  	vm5 =	vcmask $0x1310;
	v0 =	vsel vm1, $0x80, v0;
	v1 =	vsel vm1, $0x1880, v1;
	[dreg:$0x1f] =	wrdreg s19  }
0x22: {  	vm6 =	vcmask $0x1714;
	v0 =	vsel vm2, $0x100, v0;
	v1 =	vsel vm2, $0x1900, v1;
	s20 =	sadd.s32 $0x8020, s0;
	[dreg:$0xb] =	wrdreg s3  }
0x23: {  	vm7 =	vcmask $0x1B18;
	v0 =	vsel vm4, $0x180, v0;
	v1 =	vsel vm4, $0x1980, v1;
	s21 =	sadd.s32 $0x8030, s0;
	[smem:$0x7F2] =	sst s20  }
0x24: {  	vm8 =	vcmask $0x1F1C;
	v0 =	vsel vm5, $0x200, v0;
	v1 =	vsel vm5, $0x1A00, v1;
	s22 =	sadd.s32 $0x8040, s0;
	[smem:$0x7F3] =	sst s21  }
0x25: {  	vm9 =	vcmask $0x2320;
	s23 =	sadd.s32 $0x8050, s0;
	v0 =	vsel vm6, $0x280, v0;
	v1 =	vsel vm6, $0x1A80, v1;
	[smem:$0x7F4] =	sst s22  }
0x26: {  	vm10 =	vcmask $0x2724;
	s24 =	sadd.s32 $0x8060, s0;
	[smem:$0x7F5] =	sst s23;
	v0 =	vsel vm7, $0x300, v0;
	v1 =	vsel vm7, $0x1B00, v1  }
0x27: {  	vm11 =	vcmask $0x2B28;
	s25 =	sadd.s32 $0x8070, s0;
	[smem:$0x7F6] =	sst s24;
	v0 =	vsel vm8, $0x380, v0;
	v1 =	vsel vm8, $0x1B80, v1  }
0x28: {  	vm12 =	vcmask $0x2F2C;
	s26 =	sadd.s32 $0xC000, s0;
	[smem:$0x7F7] =	sst s25;
	v0 =	vsel vm9, $0xC00, v0;
	v1 =	vsel vm9, $0x2400, v1  }
0x29: {  	vm13 =	vcmask $0x3330;
	s0 =	sadd.s32 $0xC010, s0;
	[smem:$0x7F8] =	sst s26;
	v0 =	vsel vm10, $0xC80, v0;
	v1 =	vsel vm10, $0x2480, v1  }
0x2a: {  	vm14 =	vcmask $0x3734;
	s28 =	sadd.s32 $0x100000, s9;
	[smem:$0x7F9] =	sst s0;
	v0 =	vsel vm11, $0xD00, v0;
	v1 =	vsel vm11, $0x2500, v1  }
0x2b: {  	vm15 =	vcmask $0x3B38;
	p0 =	sne.s32 s5, $0x0;
	s29 =	sadd.s32 $0x200000, s9;
	[smem:$0x7FA] =	sst s28;
	v0 =	vsel vm12, $0xD80, v0;
	v1 =	vsel vm12, $0x2580, v1  }
0x2c: {  	v3 =	vlaneseq.u32;
	s6 =	simm.s32 $0x11600;
	s30 =	sadd.s32 $0x300000, s9;
	[smem:$0x7FB] =	sst s29;
	v0 =	vsel vm13, $0xE00, v0;
	v1 =	vsel vm13, $0x2600, v1  }
0x2d: {  	v2 =	vimm.f32 $0.0e+00;
	s1 =	simm.s32 $0x0;
	s31 =	sor.u32 $0x1, s12;
	[smem:$0x7FC] =	sst s30;
	v0 =	vsel vm14, $0xE80, v0;
	v1 =	vsel vm14, $0x2680, v1  }
0x2e: {  	v3 =	vmul.u32 $0x80, v3;
	s17 =	simm.s32 $0xD600;
	[smem:$0x7FD] =	sst s31;
	s26 =	simm.s32 $0x3000;
	v0 =	vsel vm15, $0xF00, v0;
	v1 =	vsel vm15, $0x2700, v1  }
.LBB2_1:
0x2f: {  	s0 =	rddreg [dreg:$0x7]  }
0x30: {  	s22 =	sld [smem:$0x7FA]  }
0x31: {  	[tilespmem:s2], [sflag:$0x1] =	stream.linear.gather [hbm4b:s0+s2], $0x800, $0x38;
	[tilespmem:$0x17700] =	vst v63  }
0x32: {  	s23 =	simm.s32 $0xC00;
	s24 =	sld [smem:$0x7FB]  }
0x33: {  	[tilespmem:s23], [sflag:$0x1] =	stream.linear.gather [hbm4b:s22+s2], $0x800, $0x38;
	[tilespmem:$0x17700] =	vst v63  }
0x34: {  	s25 =	simm.s32 $0x1800;
	s28 =	sld [smem:$0x7FC]  }
0x35: {  	[tilespmem:s25], [sflag:$0x1] =	stream.linear.gather [hbm4b:s24+s2], $0x800, $0x38;
	[tilespmem:$0x17700] =	vst v63  }
0x36: {  	s29 =	simm.s32 $0x2400  }
0x37: {  	[tilespmem:s29], [sflag:$0x1] =	stream.linear.gather [hbm4b:s28+s2], $0x800, $0x38;
	[tilespmem:$0x17700] =	vst v63  }
0x38: {  	s30 =	simm.s32 $0x6000  }
0x39: {  	[hbm4b:s10+s2] =	stream.linear.scatter [tilespmem:s30], [sflag:$0x3], $0x2000, $0x38;
	[tilespmem:$0x17700] =	vst v63  }
0x3a: {  	[smem:$0x7F1] =	sst s1;
	s31 =	simm.s32 $0x8000;
	s20 =	simm.s32 $0x0  }
0x3b: {  	[hbm4b:s10+s2] =	stream.linear.scatter [tilespmem:s31], [sflag:$0x4], $0x2000, $0x38;
	[tilespmem:$0x17700] =	vst v63  }
.LBB2_2:
0x3c: {  	s0 =	sld [smem:$0x7FD]  }
0x3d: {  	s1 =	sshll.u32 s20, $0x1;
	s15 =	rddreg [dreg:$0x1];
	s16 =	simm.s32 $0x4  }
0x3e: {  	s18 =	simm.s32 $0x1C;
	s19 =	simm.s32 $0x8;
	s4 =	simm.s32 $0xC  }
0x3f: {  	s21 =	simm.s32 $0x10;
	s22 =	simm.s32 $0x14;
	s23 =	simm.s32 $0x0;
	v4 =	vmov s16  }
0x40: {  	s25 =	simm.s32 $0x18;
	s5 =	simm.s32 $0x9;
	s7 =	simm.s32 $0xD;
	v5 =	vmov s18;
	v6 =	vmov s19;
	v7 =	vmov s4  }
0x41: {  	s8 =	simm.s32 $0x11;
	s9 =	simm.s32 $0x15;
	v9 =	vmov s21;
	v10 =	vmov s23;
	v11 =	vmov s22;
	s0 =	sor.u32 s0, s1  }
0x42: {  	s10 =	simm.s32 $0x19;
	v12 =	vmov s25;
	v23 =	vmov s5;
	v24 =	vmov s7;
	[smem:$0x7F0] =	sst s0;
	s0 =	sshll.u32 s0, $0x8  }
0x43: {  	s3 =	simm.s32 $0x3C00;
	s11 =	simm.s32 $0x1E;
	v26 =	vmov s8;
	v28 =	vmov s9;
	v29 =	vmov s10;
	s0 =	sand.u32 $0x1FFFFF00, s0  }
0x44: {  	s28 =	simm.s32 $0x4800;
	s29 =	simm.s32 $0x5400;
	v38 =	vmov s11;
	v8 =	vshll.u32 v5, $0x3;
	v5 =	vand.u32 $0x7C, v5;
	s0 =	sadd.s32 s15, s0  }
0x45: {  	v14 =	vshll.u32 v4, $0x3;
	v15 =	vshll.u32 v6, $0x3;
	v16 =	vshll.u32 v7, $0x3;
	[tilespmem:s26], [sflag:$0x2] =	stream.linear.gather [hbm4b:s0+s2], $0x800, $0x38;
	[tilespmem:$0x17700] =	vst v63  }
0x46: {  	s30 =	simm.s32 $0x1;
	[smem:$0x7EF] =	sst s1;
	v17 =	vshll.u32 v9, $0x3;
	v18 =	vshll.u32 v11, $0x3;
	v19 =	vshll.u32 v12, $0x3;
	s1 =	sadd.s32 $0x100000, s0  }
0x47: {  	v4 =	vand.u32 $0x64, v4;
	v6 =	vand.u32 $0x68, v6;
	v7 =	vand.u32 $0x6C, v7;
	[tilespmem:s3], [sflag:$0x2] =	stream.linear.gather [hbm4b:s1+s2], $0x800, $0x38;
	[tilespmem:$0x17700] =	vst v63  }
0x48: {  	s4 =	simm.s32 $0x5;
	s16 =	simm.s32 $0x12;
	v9 =	vand.u32 $0x70, v9;
	v11 =	vand.u32 $0x74, v11;
	v12 =	vand.u32 $0x78, v12;
	s24 =	sadd.s32 $0x200000, s0  }
0x49: {  	v22 =	vmov s4;
	v30 =	vshll.u32 v24, $0x3;
	v31 =	vshll.u32 v26, $0x3;
	[tilespmem:s28], [sflag:$0x2] =	stream.linear.gather [hbm4b:s24+s2], $0x800, $0x38;
	[tilespmem:$0x17700] =	vst v63  }
0x4a: {  	s18 =	simm.s32 $0x1F;
	s19 =	simm.s32 $0x16;
	v32 =	vshll.u32 v28, $0x3;
	v33 =	vshll.u32 v29, $0x3;
	v39 =	vand.u32 $0x7E, v38;
	s0 =	sadd.s32 $0x300000, s0  }
0x4b: {  	v40 =	vand.u32 $0x75, v28;
	v44 =	vmov s16;
	v8 =	vand.u32 $0x400, v8;
	[tilespmem:s29], [sflag:$0x2] =	stream.linear.gather [hbm4b:s0+s2], $0x800, $0x38;
	[tilespmem:$0x17700] =	vst v63  }
0x4c: {  	v45 =	vmov s19;
	v46 =	vmov s18;
	v5 =	vor.u32 v5, v8;
	_ =	swait.ge [sflag:s30], $0x2000  }
0x4d: {  	v14 =	vand.u32 $0x400, v14;
	v15 =	vand.u32 $0x400, v15;
	v13 =	vadd.s32 v0, v5;
	[sflag:s30] =	ssyncset.done $0x0  }
0x4e: {  	s31 =	simm.s32 $0x3;
	v16 =	vand.u32 $0x400, v16;
	v18 =	vand.u32 $0x400, v18;
	v8 =	vshll.u32 v10, $0x3;
	[sflag:s30] =	ssyncadd.s32 $0xFFFFE000  }
0x4f: {  	v10 =	vand.u32 $0x60, v10;
	v4 =	vor.u32 v4, v14;
	v7 =	vor.u32 v7, v16;
	_ =	swait.ge [sflag:s31], $0x2000  }
0x50: {  	v11 =	vor.u32 v11, v18;
	v8 =	vand.u32 $0x400, v8;
	v18 =	vadd.s32 v0, v7;
	[sflag:s31] =	ssyncset.done $0x0  }
0x51: {  	s21 =	simm.s32 $0x1A;
	v6 =	vor.u32 v6, v15;
	v15 =	vadd.s32 v0, v4;
	v8 =	vor.u32 v10, v8;
	[sflag:s31] =	ssyncadd.s32 $0xFFFFE000  }
0x52: {  	v47 =	vmov s21;
	v17 =	vand.u32 $0x400, v17;
	v10 =	vld.idx.msk [tilespmem:v13+s2+$0x0], $0xffff;
	v13 =	vadd.s32 v0, v8  }
0x53: {  	v19 =	vand.u32 $0x400, v19;
	v27 =	vshll.u32 v22, $0x3;
	v16 =	vadd.s32 v0, v6  }
0x54: {  	v36 =	vand.u32 $0x7FFFFC00, v31;
	v9 =	vor.u32 v9, v17;
	v5 =	vadd.s32 v1, v5  }
0x55: {  	v37 =	vand.u32 $0x7FFFFC00, v32;
	v12 =	vor.u32 v12, v19;
	v19 =	vadd.s32 v0, v9;
	s1 =	simm.s32 $0x1D;
	v18 =	vld.idx.msk [tilespmem:v18+s2+$0x0], $0xffff  }
0x56: {  	v48 =	vshll.u32 v46, $0x3;
	v7 =	vadd.s32 v1, v7;
	v14 =	vmov s1;
	v15 =	vld.idx.msk [tilespmem:v15+s2+$0x0], $0xffff  }
0x57: {  	v49 =	vshll.u32 v45, $0x3;
	v20 =	vadd.s32 v0, v11;
	v17 =	vshll.u32 v14, $0x3;
	s24 =	simm.s32 $0x6200;
	v13 =	vld.idx.msk [tilespmem:v13+s2+$0x0], $0xffff  }
0x58: {  	v14 =	vand.u32 $0x7D, v14;
	v17 =	vand.u32 $0x7FFFFC00, v17;
	v16 =	vld.idx.msk [tilespmem:v16+s2+$0x0], $0xffff;
	[tilespmem:s24+$0x180] =	vst v10;
	v10 =	vadd.s32 v0, v12  }
0x59: {  	v50 =	vand.u32 $0x72, v44;
	s3 =	simm.s32 $0x1;
	v14 =	vor.u32 v14, v17;
	v8 =	vadd.s32 v1, v8;
	v5 =	vld.idx.msk [tilespmem:v5+s2+$0x0], $0xffff  }
0x5a: {  	v27 =	vand.u32 $0x7FFFFC00, v27;
	v21 =	vmov s3;
	v17 =	vadd.s32 v0, v14;
	v19 =	vld.idx.msk [tilespmem:v19+s2+$0x0], $0xffff;
	[tilespmem:s24+$0xFFFFFF80] =	vst v18  }
0x5b: {  	v4 =	vadd.s32 v1, v4;
	v6 =	vadd.s32 v1, v6;
	v25 =	vshll.u32 v21, $0x3;
	[tilespmem:s24+$0xFFFFFE80] =	vst v15;
	v7 =	vld.idx.msk [tilespmem:v7+s2+$0x0], $0xffff  }
0x5c: {  	v9 =	vadd.s32 v1, v9;
	v11 =	vadd.s32 v1, v11;
	v25 =	vand.u32 $0x400, v25;
	[tilespmem:s24+$0xFFFFFE00] =	vst v13;
	v13 =	vld.idx.msk [tilespmem:v20+s2+$0x0], $0xffff  }
0x5d: {  	v14 =	vadd.s32 v1, v14;
	v12 =	vadd.s32 v1, v12;
	v15 =	vand.u32 $0x61, v21;
	[tilespmem:s24+$0xFFFFFF00] =	vst v16;
	v10 =	vld.idx.msk [tilespmem:v10+s2+$0x0], $0xffff  }
0x5e: {  	v18 =	vand.u32 $0x6D, v24;
	v15 =	vor.u32 v15, v25;
	v20 =	vand.u32 $0x7FFFFC00, v30;
	[tilespmem:s24+$0x190] =	vst v5;
	v8 =	vld.idx.msk [tilespmem:v8+s2+$0x0], $0xffff  }
0x5f: {  	v16 =	vand.u32 $0x65, v22;
	[tilespmem:s24+$0x0] =	vst v19;
	v18 =	vor.u32 v18, v20;
	v20 =	vadd.s32 v0, v15;
	v17 =	vld.idx.msk [tilespmem:v17+s2+$0x0], $0xffff  }
0x60: {  	v21 =	vand.u32 $0x7FFFFC00, v33;
	v19 =	vand.u32 $0x79, v29;
	v4 =	vld.idx.msk [tilespmem:v4+s2+$0x0], $0xffff;
	v16 =	vor.u32 v16, v27;
	[tilespmem:s24+$0xFFFFFF90] =	vst v7  }
0x61: {  	v19 =	vor.u32 v19, v21;
	v9 =	vld.idx.msk [tilespmem:v9+s2+$0x0], $0xffff;
	v21 =	vadd.s32 v0, v16;
	v5 =	vshll.u32 v23, $0x3;
	[tilespmem:s24+$0x80] =	vst v13  }
0x62: {  	v22 =	vand.u32 $0x69, v23;
	v6 =	vld.idx.msk [tilespmem:v6+s2+$0x0], $0xffff;
	v42 =	vadd.s32 v0, v19;
	v5 =	vand.u32 $0x7FFFFC00, v5;
	[tilespmem:s24+$0x100] =	vst v10  }
0x63: {  	v23 =	vshll.u32 v38, $0x3;
	v5 =	vor.u32 v22, v5;
	v10 =	vadd.s32 v0, v18;
	v11 =	vld.idx.msk [tilespmem:v11+s2+$0x0], $0xffff;
	[tilespmem:s24+$0xFFFFFE10] =	vst v8  }
0x64: {  	v19 =	vadd.s32 v1, v19;
	v23 =	vand.u32 $0x7FFFFC00, v23;
	v22 =	vadd.s32 v0, v5;
	[tilespmem:s24+$0x1A0] =	vst v17;
	v7 =	vld.idx.msk [tilespmem:v20+s2+$0x0], $0xffff  }
0x65: {  	[tilespmem:s24+$0xFFFFFE90] =	vst v4;
	v23 =	vor.u32 v39, v23;
	v8 =	vadd.s32 v1, v15;
	v17 =	vand.u32 $0x71, v26;
	v14 =	vld.idx.msk [tilespmem:v14+s2+$0x0], $0xffff  }
0x66: {  	v32 =	vand.u32 $0x7FFFFC00, v48;
	[tilespmem:s24+$0x10] =	vst v9;
	v9 =	vld.idx.msk [tilespmem:v21+s2+$0x0], $0xffff;
	v24 =	vadd.s32 v0, v23;
	v13 =	vor.u32 v17, v36  }
0x67: {  	v30 =	vand.u32 $0x7F, v46;
	[tilespmem:s24+$0xFFFFFF10] =	vst v6;
	v12 =	vld.idx.msk [tilespmem:v12+s2+$0x0], $0xffff;
	v17 =	vor.u32 v40, v37;
	v41 =	vadd.s32 v0, v13  }
0x68: {  	v51 =	vand.u32 $0x76, v45;
	s15 =	simm.s32 $0xE;
	v30 =	vor.u32 v30, v32;
	v26 =	vadd.s32 v0, v17;
	v10 =	vld.idx.msk [tilespmem:v10+s2+$0x0], $0xffff;
	[tilespmem:s24+$0x90] =	vst v11  }
0x69: {  	s12 =	simm.s32 $0x2;
	s14 =	simm.s32 $0xA;
	v43 =	vmov s15;
	v32 =	vadd.s32 v0, v30;
	v5 =	vadd.s32 v1, v5;
	v11 =	vld.idx.msk [tilespmem:v22+s2+$0x0], $0xffff;
	[tilespmem:s24+$0xFFFFFE20] =	vst v7  }
0x6a: {  	v6 =	vadd.s32 v1, v23;
	v23 =	vmov s14;
	v15 =	vmov s12;
	[tilespmem:s24+$0x1B0] =	vst v14;
	v8 =	vld.idx.msk [tilespmem:v8+s2+$0x0], $0xffff  }
0x6b: {  	s13 =	simm.s32 $0x6;
	v20 =	vshll.u32 v15, $0x3;
	v15 =	vand.u32 $0x62, v15;
	v14 =	vadd.s32 v1, v16;
	v4 =	vld.idx.msk [tilespmem:v24+s2+$0x0], $0xffff  }
0x6c: {  	[tilespmem:s24+$0xFFFFFEA0] =	vst v9;
	v13 =	vadd.s32 v1, v13;
	v16 =	vadd.s32 v1, v18;
	v18 =	vmov s13;
	v25 =	vld.idx.msk [tilespmem:v41+s2+$0x0], $0xffff  }
0x6d: {  	v17 =	vadd.s32 v1, v17;
	v22 =	vshll.u32 v23, $0x3;
	[tilespmem:s24+$0x110] =	vst v12;
	v21 =	vshll.u32 v18, $0x3;
	v26 =	vld.idx.msk [tilespmem:v26+s2+$0x0], $0xffff  }
0x6e: {  	v12 =	vshll.u32 v44, $0x3;
	v9 =	vand.u32 $0x7FFFFC00, v21;
	v21 =	vand.u32 $0x7FFFFC00, v22;
	v22 =	vld.idx.msk [tilespmem:v42+s2+$0x0], $0xffff;
	[tilespmem:s24+$0xFFFFFF20] =	vst v11  }
0x6f: {  	v23 =	vand.u32 $0x6A, v23;
	v7 =	vand.u32 $0x400, v20;
	v20 =	vshll.u32 v47, $0x3;
	[tilespmem:s24+$0xFFFFFFA0] =	vst v10;
	v5 =	vld.idx.msk [tilespmem:v5+s2+$0x0], $0xffff  }
0x70: {  	v20 =	vand.u32 $0x7FFFFC00, v20;
	v18 =	vand.u32 $0x66, v18;
	v11 =	vand.u32 $0x7FFFFC00, v12;
	v10 =	vld.idx.msk [tilespmem:v14+s2+$0x0], $0xffff;
	[tilespmem:s24+$0x1C0] =	vst v4  }
0x71: {  	v12 =	vand.u32 $0x7FFFFC00, v49;
	v21 =	vor.u32 v23, v21;
	v11 =	vor.u32 v50, v11;
	[tilespmem:s24+$0x20] =	vst v25;
	v6 =	vld.idx.msk [tilespmem:v6+s2+$0x0], $0xffff  }
0x72: {  	v12 =	vor.u32 v51, v12;
	v52 =	vadd.s32 v0, v21;
	v4 =	vshll.u32 v43, $0x3;
	[tilespmem:s24+$0xA0] =	vst v26;
	v13 =	vld.idx.msk [tilespmem:v13+s2+$0x0], $0xffff  }
0x73: {  	s25 =	simm.s32 $0xB;
	v14 =	vand.u32 $0x6E, v43;
	[tilespmem:s24+$0xFFFFFE30] =	vst v8;
	v54 =	vadd.s32 v0, v11;
	v4 =	vand.u32 $0x7FFFFC00, v4;
	v17 =	vld.idx.msk [tilespmem:v17+s2+$0x0], $0xffff  }
0x74: {  	v8 =	vmov s25;
	v27 =	vadd.s32 v0, v12;
	[tilespmem:s24+$0x120] =	vst v22;
	v4 =	vor.u32 v14, v4;
	v14 =	vld.idx.msk [tilespmem:v16+s2+$0x0], $0xffff  }
0x75: {  	v11 =	vadd.s32 v1, v11;
	v57 =	vshll.u32 v8, $0x3;
	v8 =	vand.u32 $0x6B, v8;
	v19 =	vld.idx.msk [tilespmem:v19+s2+$0x0], $0xffff;
	[tilespmem:s24+$0xFFFFFF30] =	vst v5  }
0x76: {  	v53 =	vadd.s32 v0, v4;
	[tilespmem:s24+$0x1D0] =	vst v6;
	v6 =	vor.u32 v15, v7;
	v7 =	vor.u32 v18, v9  }
0x77: {  	s23 =	simm.s32 $0x7;
	v22 =	vadd.s32 v1, v30;
	v30 =	vand.u32 $0x7FFFFC00, v57;
	[tilespmem:s24+$0xFFFFFEB0] =	vst v10;
	v15 =	vld.idx.msk [tilespmem:v32+s2+$0x0], $0xffff;
	v10 =	vadd.s32 v0, v7  }
0x78: {  	v16 =	vmov s23;
	v30 =	vor.u32 v8, v30;
	v4 =	vadd.s32 v1, v4;
	v24 =	vld.idx.msk [tilespmem:v52+s2+$0x0], $0xffff;
	[tilespmem:s24+$0x30] =	vst v13  }
0x79: {  	s22 =	simm.s32 $0x3;
	s28 =	simm.s32 $0xF;
	v56 =	vshll.u32 v16, $0x3;
	v9 =	vand.u32 $0x7A, v47;
	[tilespmem:s24+$0xB0] =	vst v17;
	v23 =	vadd.s32 v0, v6;
	v26 =	vld.idx.msk [tilespmem:v54+s2+$0x0], $0xffff  }
0x7a: {  	v18 =	vmov s22;
	v9 =	vor.u32 v9, v20;
	v20 =	vmov s28;
	[tilespmem:s24+$0xFFFFFFB0] =	vst v14;
	v27 =	vld.idx.msk [tilespmem:v27+s2+$0x0], $0xffff  }
0x7b: {  	s30 =	simm.s32 $0x17;
	v6 =	vadd.s32 v1, v6;
	v5 =	vadd.s32 v1, v7;
	v7 =	vadd.s32 v1, v21;
	v25 =	vld.idx.msk [tilespmem:v53+s2+$0x0], $0xffff  }
0x7c: {  	v14 =	vmov s30;
	v13 =	vshll.u32 v18, $0x3;
	v55 =	vadd.s32 v0, v9;
	[tilespmem:s24+$0x1E0] =	vst v15;
	v10 =	vld.idx.msk [tilespmem:v10+s2+$0x0], $0xffff  }
0x7d: {  	[tilespmem:s24+$0x130] =	vst v19;
	v19 =	vand.u32 $0x7FFFFC00, v56;
	v18 =	vand.u32 $0x63, v18;
	v17 =	vshll.u32 v20, $0x3;
	v21 =	vld.idx.msk [tilespmem:v22+s2+$0x0], $0xffff  }
0x7e: {  	s31 =	simm.s32 $0x1B;
	v59 =	vshll.u32 v14, $0x3;
	v13 =	vand.u32 $0x400, v13;
	[tilespmem:s24+$0xFFFFFF40] =	vst v24;
	v22 =	vadd.s32 v1, v12;
	v12 =	vld.idx.msk [tilespmem:v23+s2+$0x0], $0xffff  }
0x7f: {  	s29 =	simm.s32 $0x13;
	v17 =	vand.u32 $0x7FFFFC00, v17;
	[tilespmem:s24+$0x40] =	vst v26;
	v23 =	vadd.s32 v1, v9;
	v9 =	vmov s31  }
0x80: {  	v61 =	vor.u32 v18, v13;
	v15 =	vmov s29;
	v24 =	vld.idx.msk [tilespmem:v7+s2+$0x0], $0xffff;
	[tilespmem:s24+$0xC0] =	vst v27;
	v60 =	vshll.u32 v9, $0x3  }
0x81: {  	v58 =	vshll.u32 v15, $0x3;
	v28 =	vld.idx.msk [tilespmem:v55+s2+$0x0], $0xffff;
	[tilespmem:s24+$0xFFFFFFC0] =	vst v25;
	v7 =	vand.u32 $0x7B, v9;
	v29 =	vand.u32 $0x7FFFFC00, v60  }
0x82: {  	v18 =	vld.idx.msk [tilespmem:v11+s2+$0x0], $0xffff;
	v31 =	vand.u32 $0x7FFFFC00, v58;
	v11 =	vor.u32 v7, v29;
	v7 =	vadd.s32 v1, v61;
	[tilespmem:s24+$0xFFFFFEC0] =	vst v10  }
0x83: {  	v10 =	vand.u32 $0x73, v15;
	v15 =	vadd.s32 v0, v30;
	[tilespmem:s24+$0xFFFFFE40] =	vst v12;
	v12 =	vand.u32 $0x67, v16;
	v5 =	vld.idx.msk [tilespmem:v5+s2+$0x0], $0xffff  }
0x84: {  	[tilespmem:s24+$0x1F0] =	vst v21;
	v21 =	vand.u32 $0x7FFFFC00, v59;
	v6 =	vld.idx.msk [tilespmem:v6+s2+$0x0], $0xffff;
	v62 =	vor.u32 v12, v19;
	v12 =	vand.u32 $0x77, v14  }
0x85: {  	v8 =	vadd.s32 v0, v11;
	v19 =	vld.idx.msk [tilespmem:v4+s2+$0x0], $0xffff;
	v12 =	vor.u32 v12, v21;
	v21 =	vadd.s32 v0, v61  }
0x86: {  	[tilespmem:s24+$0xFFFFFF50] =	vst v24;
	v16 =	vand.u32 $0x6F, v20;
	v13 =	vor.u32 v10, v31;
	v20 =	vadd.s32 v0, v62  }
0x87: {  	[tilespmem:s24+$0x140] =	vst v28;
	v63 =	vor.u32 v16, v17;
	v16 =	vld.idx.msk [tilespmem:v22+s2+$0x0], $0xffff;
	v9 =	vadd.s32 v0, v13  }
0x88: {  	v17 =	vld.idx.msk [tilespmem:v23+s2+$0x0], $0xffff;
	v14 =	vadd.s32 v0, v63;
	v4 =	vadd.s32 v1, v63;
	[tilespmem:s24+$0xFFFFFED0] =	vst v5  }
0x89: {  	s16 =	simm.s32 $0x0;
	s18 =	simm.s32 $0x3F;
	s25 =	simm.s32 $0x6200;
	v10 =	vadd.s32 v0, v12;
	v5 =	vadd.s32 v1, v30;
	[tilespmem:s24+$0xFFFFFE50] =	vst v6;
	v6 =	vadd.s32 v1, v62  }
.LBB2_3:
0x8a: {  	s0 =	sadd.s32 $0xFFFFFFE5, s18;
	s1 =	sadd.s32 $0xFFFFFFFD, s18;
	s16 =	sadd.s32 $0x8, s16;
	v21 =	vld.idx.msk [tilespmem:v21+s2+$0x0], $0xffff;
	[tilespmem:s24+$0xFFFFFFD0] =	vst v19;
	v13 =	vadd.s32 v1, v13;
	v12 =	vadd.s32 v1, v12  }
0x8b: {  	s3 =	sadd.s32 $0xFFFFFFED, s18;
	v11 =	vadd.s32 v1, v11;
	v19 =	vmov s0;
	s0 =	sadd.s32 $0xFFFFFFE9, s18;
	v22 =	vmov s1;
	p1 =	slt.u32 s16, $0x38;
	v20 =	vld.idx.msk [tilespmem:v20+s2+$0x0], $0xffff;
	[tilespmem:s24+$0x50] =	vst v18  }
0x8c: {  	s4 =	sadd.s32 $0xFFFFFFF9, s18;
	v23 =	vmov s3;
	s1 =	sadd.s32 $0xFFFFFFF5, s18;
	v18 =	vmov s0;
	s0 =	sadd.s32 $0xFFFFFFF1, s18;
	v24 =	vshll.u32 v22, $0x3;
	v15 =	vld.idx.msk [tilespmem:v15+s2+$0x0], $0xffff;
	[tilespmem:s24+$0xD0] =	vst v16  }
0x8d: {  	s28 =	sadd.s32 $0xFFFFFFE2, s18;
	s29 =	sadd.s32 $0xFFFFFFE6, s18;
	s3 =	sadd.s32 $0xFFFFFFE1, s18;
	v22 =	vand.u32 $0x7C, v22;
	v16 =	vmov s0;
	v24 =	vand.u32 $0x400, v24;
	v14 =	vld.idx.msk [tilespmem:v14+s2+$0x0], $0xffff;
	[tilespmem:s24+$0x150] =	vst v17  }
0x8e: {  	s13 =	sadd.s32 $0xFFFFFFEA, s18;
	s10 =	sadd.s32 $0xFFFFFFEE, s18;
	s22 =	sadd.s32 $0xFFFFFFF2, s18;
	v25 =	vmov s1;
	v17 =	vmov s3;
	v22 =	vor.u32 v22, v24;
	v9 =	vld.idx.msk [tilespmem:v9+s2+$0x0], $0xffff  }
0x8f: {  	s11 =	sadd.s32 $0xFFFFFFE3, s18;
	s21 =	sadd.s32 $0xFFFFFFFA, s18;
	v26 =	vmov s4;
	s3 =	sadd.s32 $0xFFFFFFF6, s18;
	v24 =	vshll.u32 v17, $0x3;
	v27 =	vadd.s32 v0, v22;
	v10 =	vld.idx.msk [tilespmem:v10+s2+$0x0], $0xffff  }
0x90: {  	s12 =	sadd.s32 $0xFFFFFFE7, s18;
	s31 =	sadd.s32 $0xFFFFFFEB, s18;
	s14 =	sadd.s32 $0xFFFFFFEF, s18;
	v28 =	vshll.u32 v19, $0x3;
	v30 =	vshll.u32 v23, $0x3;
	v29 =	vshll.u32 v18, $0x3;
	[tilespmem:s24+$0xFFFFFE60] =	vst v21;
	v8 =	vld.idx.msk [tilespmem:v8+s2+$0x0], $0xffff  }
0x91: {  	s8 =	sadd.s32 $0xFFFFFFF7, s18;
	s15 =	sadd.s32 $0xFFFFFFFB, s18;
	v32 =	vshll.u32 v26, $0x3;
	s0 =	sadd.s32 $0xFFFFFFF3, s18;
	v31 =	vshll.u32 v25, $0x3;
	v21 =	vshll.u32 v16, $0x3;
	v7 =	vld.idx.msk [tilespmem:v7+s2+$0x0], $0xffff;
	[tilespmem:s24+$0xFFFFFEE0] =	vst v20  }
0x92: {  	s30 =	sadd.s32 $0xFFFFFFE4, s18;
	s9 =	sadd.s32 $0xFFFFFFE8, s18;
	s19 =	sadd.s32 $0xFFFFFFEC, s18;
	v20 =	vand.u32 $0x400, v24;
	v24 =	vand.u32 $0x400, v28;
	v28 =	vand.u32 $0x400, v29;
	v6 =	vld.idx.msk [tilespmem:v6+s2+$0x0], $0xffff;
	[tilespmem:s24+$0xFFFFFF60] =	vst v15  }
0x93: {  	s7 =	sadd.s32 $0xFFFFFFF4, s18;
	s5 =	sadd.s32 $0xFFFFFFF8, s18;
	s4 =	sadd.s32 $0xFFFFFFF0, s18;
	v21 =	vand.u32 $0x400, v21;
	v29 =	vand.u32 $0x400, v31;
	v15 =	vand.u32 $0x400, v30;
	v5 =	vld.idx.msk [tilespmem:v5+s2+$0x0], $0xffff;
	[tilespmem:s24+$0xFFFFFFE0] =	vst v14  }
0x94: {  	s1 =	sadd.s32 $0xFFFFFFFC, s18;
	v14 =	vand.u32 $0x60, v17;
	v17 =	vand.u32 $0x64, v19;
	v19 =	vand.u32 $0x400, v32;
	v27 =	vld.idx.msk [tilespmem:v27+s2+$0x0], $0xffff;
	[tilespmem:s24+$0x60] =	vst v9  }
0x95: {  	v16 =	vand.u32 $0x70, v16;
	v9 =	vand.u32 $0x68, v18;
	v18 =	vand.u32 $0x6C, v23;
	v23 =	vld.idx.msk [tilespmem:v4+s2+$0x0], $0xffff;
	[tilespmem:s24+$0xE0] =	vst v10  }
0x96: {  	v22 =	vadd.s32 v1, v22;
	v4 =	vand.u32 $0x74, v25;
	v10 =	vand.u32 $0x78, v26;
	v13 =	vld.idx.msk [tilespmem:v13+s2+$0x0], $0xffff;
	[tilespmem:s24+$0x160] =	vst v8  }
0x97: {  	v9 =	vor.u32 v9, v28;
	v8 =	vor.u32 v14, v20;
	v14 =	vor.u32 v17, v24;
	v12 =	vld.idx.msk [tilespmem:v12+s2+$0x0], $0xffff  }
0x98: {  	s23 =	sadd.s32 $0xFFFFFFFE, s18;
	v16 =	vor.u32 v16, v21;
	v15 =	vor.u32 v18, v15;
	v17 =	vor.u32 v4, v29;
	v4 =	vld.idx.msk [tilespmem:v11+s2+$0x0], $0xffff  }
0x99: {  	v18 =	vmov s23;
	v10 =	vor.u32 v10, v19;
	s24 =	sadd.s32 $0x400, s24;
	v11 =	vadd.s32 v0, v8;
	[tilespmem:s25+$0xFFFFFE70] =	vst v7  }
0x9a: {  	v19 =	vadd.s32 v0, v9;
	v20 =	vshll.u32 v18, $0x3;
	v7 =	vadd.s32 v0, v14;
	[tilespmem:s24+$0x180] =	vst v27  }
0x9b: {  	v21 =	vadd.s32 v0, v15;
	v18 =	vand.u32 $0x7D, v18;
	v20 =	vand.u32 $0x7FFFFC00, v20;
	v22 =	vld.idx.msk [tilespmem:v22+s2+$0x0], $0xffff;
	[tilespmem:s25+$0xFFFFFEF0] =	vst v6  }
0x9c: {  	v24 =	vadd.s32 v0, v17;
	v18 =	vor.u32 v18, v20;
	v6 =	vadd.s32 v0, v16;
	[tilespmem:s25+$0xFFFFFF70] =	vst v5  }
0x9d: {  	v20 =	vadd.s32 v0, v18;
	v5 =	vadd.s32 v1, v8;
	v8 =	vadd.s32 v0, v10;
	[tilespmem:s25+$0xFFFFFFF0] =	vst v23  }
0x9e: {  	v9 =	vadd.s32 v1, v9;
	v15 =	vadd.s32 v1, v15;
	v14 =	vadd.s32 v1, v14;
	v11 =	vld.idx.msk [tilespmem:v11+s2+$0x0], $0xffff  }
0x9f: {  	v17 =	vadd.s32 v1, v17;
	v16 =	vadd.s32 v1, v16;
	v10 =	vadd.s32 v1, v10;
	v7 =	vld.idx.msk [tilespmem:v7+s2+$0x0], $0xffff  }
0xa0: {  	v25 =	vmov s29;
	v26 =	vmov s13;
	v23 =	vmov s28;
	v19 =	vld.idx.msk [tilespmem:v19+s2+$0x0], $0xffff  }
0xa1: {  	v28 =	vmov s10;
	v29 =	vmov s22;
	v27 =	vshll.u32 v23, $0x3;
	v21 =	vld.idx.msk [tilespmem:v21+s2+$0x0], $0xffff;
	[tilespmem:s24+$0x190] =	vst v22  }
0xa2: {  	v31 =	vmov s21;
	v30 =	vmov s3;
	v22 =	vshll.u32 v25, $0x3;
	v20 =	vld.idx.msk [tilespmem:v20+s2+$0x0], $0xffff;
	[tilespmem:s25+$0x70] =	vst v13  }
0xa3: {  	v32 =	vshll.u32 v28, $0x3;
	v33 =	vshll.u32 v29, $0x3;
	v13 =	vshll.u32 v26, $0x3;
	v6 =	vld.idx.msk [tilespmem:v6+s2+$0x0], $0xffff;
	[tilespmem:s25+$0xF0] =	vst v12  }
0xa4: {  	v18 =	vadd.s32 v1, v18;
	v12 =	vshll.u32 v30, $0x3;
	[tilespmem:s24+$0xFFFFFE00] =	vst v11;
	v11 =	vld.idx.msk [tilespmem:v24+s2+$0x0], $0xffff;
	v24 =	vshll.u32 v31, $0x3  }
0xa5: {  	v27 =	vand.u32 $0x400, v27;
	v13 =	vand.u32 $0x7FFFFC00, v13;
	[tilespmem:s24+$0xFFFFFE80] =	vst v7;
	v7 =	vand.u32 $0x7FFFFC00, v22;
	v8 =	vld.idx.msk [tilespmem:v8+s2+$0x0], $0xffff  }
0xa6: {  	s3 =	sadd.s32 $0xFFFFFFFF, s18;
	v12 =	vand.u32 $0x7FFFFC00, v12;
	v22 =	vand.u32 $0x7FFFFC00, v33;
	v5 =	vld.idx.msk [tilespmem:v5+s2+$0x0], $0xffff;
	[tilespmem:s24+$0xFFFFFF00] =	vst v19;
	v19 =	vand.u32 $0x7FFFFC00, v32  }
0xa7: {  	v23 =	vand.u32 $0x61, v23;
	v14 =	vld.idx.msk [tilespmem:v14+s2+$0x0], $0xffff;
	[tilespmem:s24+$0xFFFFFF80] =	vst v21;
	v21 =	vand.u32 $0x7FFFFC00, v24;
	v24 =	vmov s3  }
0xa8: {  	v25 =	vand.u32 $0x65, v25;
	v26 =	vand.u32 $0x69, v26;
	v9 =	vld.idx.msk [tilespmem:v9+s2+$0x0], $0xffff;
	[tilespmem:s24+$0x1A0] =	vst v20;
	v20 =	vshll.u32 v24, $0x3  }
0xa9: {  	v28 =	vand.u32 $0x6D, v28;
	[tilespmem:s24+$0x0] =	vst v6;
	v6 =	vld.idx.msk [tilespmem:v18+s2+$0x0], $0xffff;
	v18 =	vand.u32 $0x7E, v24;
	v20 =	vand.u32 $0x7FFFFC00, v20  }
0xaa: {  	v24 =	vand.u32 $0x71, v29;
	v15 =	vld.idx.msk [tilespmem:v15+s2+$0x0], $0xffff;
	[tilespmem:s24+$0x80] =	vst v11;
	v11 =	vand.u32 $0x75, v30;
	v18 =	vor.u32 v18, v20  }
0xab: {  	v20 =	vor.u32 v23, v27;
	v16 =	vld.idx.msk [tilespmem:v16+s2+$0x0], $0xffff;
	[tilespmem:s24+$0x100] =	vst v8;
	v8 =	vand.u32 $0x79, v31;
	v23 =	vadd.s32 v0, v18  }
0xac: {  	v13 =	vor.u32 v26, v13;
	v7 =	vor.u32 v25, v7;
	v19 =	vor.u32 v28, v19;
	v17 =	vld.idx.msk [tilespmem:v17+s2+$0x0], $0xffff  }
0xad: {  	v22 =	vor.u32 v24, v22;
	v11 =	vor.u32 v11, v12;
	v8 =	vor.u32 v8, v21;
	v10 =	vld.idx.msk [tilespmem:v10+s2+$0x0], $0xffff  }
0xae: {  	v12 =	vadd.s32 v0, v7;
	v21 =	vadd.s32 v0, v13;
	[tilespmem:s24+$0xFFFFFE10] =	vst v5;
	v5 =	vadd.s32 v0, v20  }
0xaf: {  	v24 =	vadd.s32 v0, v19;
	v25 =	vadd.s32 v0, v22;
	v26 =	vadd.s32 v0, v11;
	[tilespmem:s24+$0x1B0] =	vst v6  }
0xb0: {  	v6 =	vadd.s32 v1, v20;
	v20 =	vmov s11;
	[tilespmem:s24+$0xFFFFFE90] =	vst v14;
	v14 =	vadd.s32 v0, v8;
	v23 =	vld.idx.msk [tilespmem:v23+s2+$0x0], $0xffff  }
0xb1: {  	v7 =	vadd.s32 v1, v7;
	[tilespmem:s24+$0xFFFFFF10] =	vst v9;
	v9 =	vadd.s32 v1, v13;
	v13 =	vadd.s32 v1, v19  }
0xb2: {  	v18 =	vadd.s32 v1, v18;
	v11 =	vadd.s32 v1, v11;
	[tilespmem:s24+$0xFFFFFF90] =	vst v15;
	v15 =	vadd.s32 v1, v22  }
0xb3: {  	v8 =	vadd.s32 v1, v8;
	v19 =	vmov s12;
	v22 =	vmov s31;
	v5 =	vld.idx.msk [tilespmem:v5+s2+$0x0], $0xffff;
	[tilespmem:s24+$0x10] =	vst v16  }
0xb4: {  	v28 =	vmov s0;
	v27 =	vmov s14;
	v16 =	vshll.u32 v20, $0x3;
	v12 =	vld.idx.msk [tilespmem:v12+s2+$0x0], $0xffff;
	[tilespmem:s24+$0x90] =	vst v17  }
0xb5: {  	v29 =	vmov s8;
	v17 =	vshll.u32 v19, $0x3;
	v21 =	vld.idx.msk [tilespmem:v21+s2+$0x0], $0xffff;
	[tilespmem:s24+$0x110] =	vst v10;
	v10 =	vmov s18  }
0xb6: {  	v31 =	vmov s15;
	v30 =	vshll.u32 v22, $0x3;
	v24 =	vld.idx.msk [tilespmem:v24+s2+$0x0], $0xffff;
	[tilespmem:s24+$0x1C0] =	vst v23;
	v23 =	vshll.u32 v10, $0x3  }
0xb7: {  	v32 =	vshll.u32 v27, $0x3;
	v10 =	vand.u32 $0x7F, v10;
	v18 =	vld.idx.msk [tilespmem:v18+s2+$0x0], $0xffff;
	v23 =	vand.u32 $0x7FFFFC00, v23;
	[tilespmem:s25+$0x170] =	vst v4;
	s25 =	smov.u32 s24  }
0xb8: {  	v33 =	vshll.u32 v29, $0x3;
	v4 =	vld.idx.msk [tilespmem:v25+s2+$0x0], $0xffff;
	v25 =	vshll.u32 v28, $0x3;
	v10 =	vor.u32 v10, v23  }
0xb9: {  	v23 =	vshll.u32 v31, $0x3;
	[tilespmem:s24+$0xFFFFFE20] =	vst v5;
	v5 =	vand.u32 $0x400, v16;
	v16 =	vld.idx.msk [tilespmem:v26+s2+$0x0], $0xffff;
	v26 =	vadd.s32 v0, v10  }
0xba: {  	[tilespmem:s24+$0xFFFFFEA0] =	vst v12;
	v12 =	vand.u32 $0x7FFFFC00, v17;
	v17 =	vand.u32 $0x7FFFFC00, v30;
	v30 =	vand.u32 $0x7FFFFC00, v32;
	v14 =	vld.idx.msk [tilespmem:v14+s2+$0x0], $0xffff  }
0xbb: {  	v23 =	vand.u32 $0x7FFFFC00, v23;
	v6 =	vld.idx.msk [tilespmem:v6+s2+$0x0], $0xffff;
	[tilespmem:s24+$0xFFFFFF20] =	vst v21;
	v21 =	vand.u32 $0x7FFFFC00, v25;
	v25 =	vand.u32 $0x7FFFFC00, v33  }
0xbc: {  	v20 =	vand.u32 $0x62, v20;
	v22 =	vand.u32 $0x6A, v22;
	v19 =	vand.u32 $0x66, v19;
	v7 =	vld.idx.msk [tilespmem:v7+s2+$0x0], $0xffff;
	[tilespmem:s24+$0xFFFFFFA0] =	vst v24  }
0xbd: {  	v24 =	vand.u32 $0x6E, v27;
	v27 =	vand.u32 $0x72, v28;
	v28 =	vand.u32 $0x76, v29;
	v9 =	vld.idx.msk [tilespmem:v9+s2+$0x0], $0xffff;
	[tilespmem:s24+$0x1D0] =	vst v18  }
0xbe: {  	v5 =	vor.u32 v20, v5;
	v12 =	vor.u32 v19, v12;
	[tilespmem:s24+$0x20] =	vst v4;
	v4 =	vand.u32 $0x7A, v31;
	v18 =	vld.idx.msk [tilespmem:v26+s2+$0x0], $0xffff  }
0xbf: {  	v19 =	vmov s30;
	v17 =	vor.u32 v22, v17;
	v20 =	vor.u32 v24, v30;
	v13 =	vld.idx.msk [tilespmem:v13+s2+$0x0], $0xffff;
	[tilespmem:s24+$0xA0] =	vst v16  }
0xc0: {  	v10 =	vadd.s32 v1, v10;
	v21 =	vor.u32 v27, v21;
	v16 =	vmov s9;
	v15 =	vld.idx.msk [tilespmem:v15+s2+$0x0], $0xffff;
	[tilespmem:s24+$0x120] =	vst v14  }
0xc1: {  	v4 =	vor.u32 v4, v23;
	v14 =	vor.u32 v28, v25;
	[tilespmem:s24+$0xFFFFFE30] =	vst v6;
	v6 =	vmov s19;
	v11 =	vld.idx.msk [tilespmem:v11+s2+$0x0], $0xffff  }
0xc2: {  	v22 =	vadd.s32 v0, v5;
	v23 =	vmov s4;
	[tilespmem:s24+$0xFFFFFEB0] =	vst v7;
	v7 =	vadd.s32 v0, v12;
	v8 =	vld.idx.msk [tilespmem:v8+s2+$0x0], $0xffff  }
0xc3: {  	v24 =	vadd.s32 v0, v20;
	v25 =	vadd.s32 v0, v21;
	[tilespmem:s24+$0xFFFFFF30] =	vst v9;
	v9 =	vadd.s32 v0, v17  }
0xc4: {  	v5 =	vadd.s32 v1, v5;
	v27 =	vadd.s32 v0, v4;
	v26 =	vadd.s32 v0, v14;
	[tilespmem:s24+$0x1E0] =	vst v18  }
0xc5: {  	v12 =	vadd.s32 v1, v12;
	v17 =	vadd.s32 v1, v17;
	[tilespmem:s24+$0xFFFFFFB0] =	vst v13;
	v13 =	vmov s7;
	v10 =	vld.idx.msk [tilespmem:v10+s2+$0x0], $0xffff  }
0xc6: {  	v14 =	vadd.s32 v1, v14;
	v18 =	vadd.s32 v1, v20;
	[tilespmem:s24+$0x30] =	vst v15;
	v15 =	vadd.s32 v1, v21  }
0xc7: {  	v4 =	vadd.s32 v1, v4;
	v21 =	vmov s1;
	v20 =	vld.idx.msk [tilespmem:v22+s2+$0x0], $0xffff;
	[tilespmem:s24+$0xB0] =	vst v11;
	v11 =	vmov s5  }
0xc8: {  	v28 =	vshll.u32 v16, $0x3;
	v29 =	vshll.u32 v6, $0x3;
	v22 =	vshll.u32 v19, $0x3;
	v7 =	vld.idx.msk [tilespmem:v7+s2+$0x0], $0xffff;
	[tilespmem:s24+$0x130] =	vst v8  }
0xc9: {  	v30 =	vshll.u32 v13, $0x3;
	v31 =	vshll.u32 v11, $0x3;
	v8 =	vld.idx.msk [tilespmem:v9+s2+$0x0], $0xffff;
	v9 =	vshll.u32 v23, $0x3  }
0xca: {  	v28 =	vand.u32 $0x7FFFFC00, v28;
	v32 =	vshll.u32 v21, $0x3;
	v22 =	vand.u32 $0x400, v22;
	v24 =	vld.idx.msk [tilespmem:v24+s2+$0x0], $0xffff  }
0xcb: {  	v29 =	vand.u32 $0x7FFFFC00, v29;
	v30 =	vand.u32 $0x7FFFFC00, v30;
	v9 =	vand.u32 $0x7FFFFC00, v9;
	v25 =	vld.idx.msk [tilespmem:v25+s2+$0x0], $0xffff;
	[tilespmem:s24+$0x1F0] =	vst v10  }
0xcc: {  	v32 =	vand.u32 $0x7FFFFC00, v32;
	v31 =	vand.u32 $0x7FFFFC00, v31;
	v10 =	vand.u32 $0x63, v19;
	v26 =	vld.idx.msk [tilespmem:v26+s2+$0x0], $0xffff  }
0xcd: {  	v16 =	vand.u32 $0x67, v16;
	v6 =	vand.u32 $0x6B, v6;
	v19 =	vand.u32 $0x6F, v23;
	[tilespmem:s24+$0xFFFFFE40] =	vst v20;
	v23 =	vld.idx.msk [tilespmem:v27+s2+$0x0], $0xffff  }
0xce: {  	v11 =	vand.u32 $0x77, v11;
	v20 =	vand.u32 $0x7B, v21;
	v5 =	vld.idx.msk [tilespmem:v5+s2+$0x0], $0xffff;
	[tilespmem:s24+$0xFFFFFEC0] =	vst v7;
	v7 =	vand.u32 $0x73, v13  }
0xcf: {  	v10 =	vor.u32 v10, v22;
	v27 =	vor.u32 v16, v28;
	v22 =	vld.idx.msk [tilespmem:v12+s2+$0x0], $0xffff;
	[tilespmem:s24+$0xFFFFFF40] =	vst v8  }
0xd0: {  	v29 =	vor.u32 v6, v29;
	v28 =	vld.idx.msk [tilespmem:v17+s2+$0x0], $0xffff;
	[tilespmem:s24+$0xFFFFFFC0] =	vst v24;
	v24 =	vor.u32 v19, v9  }
0xd1: {  	v13 =	vor.u32 v7, v30;
	v12 =	vor.u32 v11, v31;
	v19 =	vld.idx.msk [tilespmem:v18+s2+$0x0], $0xffff;
	[tilespmem:s24+$0x40] =	vst v25  }
.Ltmp0:
0xd2: {  	v21 =	vadd.s32 v0, v10;
	v11 =	vor.u32 v20, v32;
	v18 =	vld.idx.msk [tilespmem:v15+s2+$0x0], $0xffff;
	[tilespmem:s24+$0xC0] =	vst v26;
	(pc) =	sbr.rel @p1 .LBB2_3-.Ltmp0, $4  }
0xd3: {  	v20 =	vadd.s32 v0, v27;
	v15 =	vadd.s32 v0, v29;
	v16 =	vld.idx.msk [tilespmem:v14+s2+$0x0], $0xffff;
	[tilespmem:s24+$0x140] =	vst v23  }
0xd4: {  	v9 =	vadd.s32 v0, v13;
	v14 =	vadd.s32 v0, v24;
	[tilespmem:s24+$0xFFFFFE50] =	vst v5;
	v17 =	vld.idx.msk [tilespmem:v4+s2+$0x0], $0xffff  }
0xd5: {  	v7 =	vadd.s32 v1, v10;
	v10 =	vadd.s32 v0, v12;
	v8 =	vadd.s32 v0, v11;
	[tilespmem:s24+$0xFFFFFED0] =	vst v22  }
0xd6: {  	s18 =	sadd.s32 $0x20, s18;
	v6 =	vadd.s32 v1, v27;
	v5 =	vadd.s32 v1, v29;
	v4 =	vadd.s32 v1, v24;
	[tilespmem:s24+$0xFFFFFF50] =	vst v28  }
0xd7: {  	_ =	sdelay $0x3  }
0xd8: {  	v21 =	vld.idx.msk [tilespmem:v21+s2+$0x0], $0xffff  }
0xd9: {  	[tilespmem:s24+$0xFFFFFFD0] =	vst v19;
	v19 =	vld.idx.msk [tilespmem:v20+s2+$0x0], $0xffff  }
0xda: {  	[tilespmem:s24+$0x50] =	vst v18;
	v15 =	vld.idx.msk [tilespmem:v15+s2+$0x0], $0xffff  }
0xdb: {  	[tilespmem:s24+$0xD0] =	vst v16;
	v14 =	vld.idx.msk [tilespmem:v14+s2+$0x0], $0xffff  }
0xdc: {  	v9 =	vld.idx.msk [tilespmem:v9+s2+$0x0], $0xffff;
	[tilespmem:s24+$0x150] =	vst v17  }
0xdd: {  	v10 =	vld.idx.msk [tilespmem:v10+s2+$0x0], $0xffff;
	[tilespmem:s24+$0xFFFFFE60] =	vst v21  }
0xde: {  	v13 =	vadd.s32 v1, v13;
	v8 =	vld.idx.msk [tilespmem:v8+s2+$0x0], $0xffff;
	[tilespmem:s24+$0xFFFFFEE0] =	vst v19  }
0xdf: {  	[tilespmem:s24+$0xFFFFFF60] =	vst v15;
	v7 =	vld.idx.msk [tilespmem:v7+s2+$0x0], $0xffff  }
0xe0: {  	v6 =	vld.idx.msk [tilespmem:v6+s2+$0x0], $0xffff;
	[tilespmem:s24+$0xFFFFFFE0] =	vst v14  }
0xe1: {  	v12 =	vadd.s32 v1, v12;
	v5 =	vld.idx.msk [tilespmem:v5+s2+$0x0], $0xffff;
	[tilespmem:s24+$0x60] =	vst v9  }
0xe2: {  	v11 =	vadd.s32 v1, v11;
	v4 =	vld.idx.msk [tilespmem:v4+s2+$0x0], $0xffff;
	[tilespmem:s24+$0xE0] =	vst v10  }
0xe3: {  	v9 =	vld.idx.msk [tilespmem:v13+s2+$0x0], $0xffff;
	[tilespmem:s24+$0x160] =	vst v8  }
0xe4: {  	[tilespmem:s25+$0xFFFFFE70] =	vst v7  }
0xe5: {  	[tilespmem:s25+$0xFFFFFEF0] =	vst v6  }
0xe6: {  	v8 =	vld.idx.msk [tilespmem:v12+s2+$0x0], $0xffff;
	[tilespmem:s25+$0xFFFFFF70] =	vst v5  }
0xe7: {  	v7 =	vld.idx.msk [tilespmem:v11+s2+$0x0], $0xffff;
	[tilespmem:s25+$0xFFFFFFF0] =	vst v4  }
0xe8: {  	s14 =	rddreg [dreg:$0x1];
	[tilespmem:s25+$0x70] =	vst v9  }
0xe9: {  	s12 =	simm.s32 $0x6000;
	s15 =	simm.s32 $0xC00;
	s1 =	sld [smem:$0x7EF]  }
0xea: {  	s16 =	simm.s32 $0x4;
	s18 =	simm.s32 $0x1C;
	s5 =	simm.s32 $0x9  }
0xeb: {  	s7 =	simm.s32 $0xD;
	s8 =	simm.s32 $0x11;
	s0 =	rddreg [dreg:$0x6];
	[tilespmem:s25+$0xF0] =	vst v8  }
0xec: {  	s9 =	simm.s32 $0x15;
	s10 =	simm.s32 $0x19;
	s0 =	sadd.s32 s0, s1;
	[tilespmem:s25+$0x170] =	vst v7  }
0xed: {  	s11 =	simm.s32 $0x1E;
	v23 =	vmov s5;
	s0 =	sshll.u32 s0, $0xA;
	s3 =	rddreg [dreg:$0x5]  }
0xee: {  	v24 =	vmov s7;
	v26 =	vmov s8;
	v28 =	vmov s9;
	s1 =	smin.u32 s1, $0x7D;
	s13 =	rddreg [dreg:$0x9];
	s0 =	sadd.s32 s3, s0  }
0xef: {  	v29 =	vmov s10;
	v38 =	vmov s11;
	v30 =	vshll.u32 v24, $0x3;
	[hbm4b:s0+s2] =	stream.linear.scatter [tilespmem:s12], [sflag:$0x3], $0x2000, $0x38;
	[tilespmem:$0x17700] =	vst v63  }
0xf0: {  	s19 =	simm.s32 $0x8;
	s4 =	simm.s32 $0xC;
	v31 =	vshll.u32 v26, $0x3;
	v32 =	vshll.u32 v28, $0x3;
	v33 =	vshll.u32 v29, $0x3;
	s0 =	sadd.s32 s1, s13  }
0xf1: {  	s21 =	simm.s32 $0x10;
	s23 =	simm.s32 $0x0;
	v39 =	vand.u32 $0x7E, v38;
	v40 =	vand.u32 $0x75, v28;
	v36 =	vand.u32 $0x7FFFFC00, v31;
	s0 =	sshll.u32 s0, $0x8  }
0xf2: {  	s22 =	simm.s32 $0x14;
	s28 =	simm.s32 $0x1800;
	v37 =	vand.u32 $0x7FFFFC00, v32;
	v10 =	vmov s23;
	v5 =	vmov s18;
	s0 =	sadd.s32 s14, s0  }
0xf3: {  	v6 =	vmov s19;
	v11 =	vmov s22;
	v4 =	vmov s16;
	[tilespmem:s2], [sflag:$0x1] =	stream.linear.gather [hbm4b:s0+s2], $0x800, $0x38;
	[tilespmem:$0x17700] =	vst v63  }
0xf4: {  	s18 =	simm.s32 $0x1F;
	s19 =	simm.s32 $0x16;
	v9 =	vmov s21;
	v15 =	vshll.u32 v6, $0x3;
	v18 =	vshll.u32 v11, $0x3;
	s1 =	sadd.s32 $0x100000, s0  }
0xf5: {  	v6 =	vand.u32 $0x68, v6;
	v11 =	vand.u32 $0x74, v11;
	v45 =	vmov s19;
	[tilespmem:s15], [sflag:$0x1] =	stream.linear.gather [hbm4b:s1+s2], $0x800, $0x38;
	[tilespmem:$0x17700] =	vst v63  }
0xf6: {  	s29 =	simm.s32 $0x2400;
	s30 =	simm.s32 $0x2;
	v46 =	vmov s18;
	v8 =	vshll.u32 v5, $0x3;
	v5 =	vand.u32 $0x7C, v5;
	s24 =	sadd.s32 $0x200000, s0  }
0xf7: {  	v14 =	vshll.u32 v4, $0x3;
	v17 =	vshll.u32 v9, $0x3;
	v15 =	vand.u32 $0x400, v15;
	[tilespmem:s28], [sflag:$0x1] =	stream.linear.gather [hbm4b:s24+s2], $0x800, $0x38;
	[tilespmem:$0x17700] =	vst v63  }
0xf8: {  	s16 =	simm.s32 $0x12;
	s21 =	simm.s32 $0x1A;
	v18 =	vand.u32 $0x400, v18;
	v4 =	vand.u32 $0x64, v4;
	v9 =	vand.u32 $0x70, v9;
	s0 =	sadd.s32 $0x300000, s0  }
0xf9: {  	v44 =	vmov s16;
	v47 =	vmov s21;
	v8 =	vand.u32 $0x400, v8;
	[tilespmem:s29], [sflag:$0x1] =	stream.linear.gather [hbm4b:s0+s2], $0x800, $0x38;
	[tilespmem:$0x17700] =	vst v63  }
0xfa: {  	v48 =	vshll.u32 v46, $0x3;
	v5 =	vor.u32 v5, v8;
	v7 =	vmov s4;
	_ =	swait.ge [sflag:s30], $0x2000  }
0xfb: {  	v14 =	vand.u32 $0x400, v14;
	v13 =	vadd.s32 v0, v5;
	v16 =	vshll.u32 v7, $0x3;
	[sflag:s30] =	ssyncset.done $0x0  }
0xfc: {  	s31 =	simm.s32 $0x4;
	v11 =	vor.u32 v11, v18;
	v7 =	vand.u32 $0x6C, v7;
	v16 =	vand.u32 $0x400, v16;
	[sflag:s30] =	ssyncadd.s32 $0xFFFFE000  }
0xfd: {  	v8 =	vshll.u32 v10, $0x3;
	v10 =	vand.u32 $0x60, v10;
	v7 =	vor.u32 v7, v16;
	_ =	swait.ge [sflag:s31], $0x2000  }
0xfe: {  	v4 =	vor.u32 v4, v14;
	v8 =	vand.u32 $0x400, v8;
	v18 =	vadd.s32 v0, v7;
	[sflag:s31] =	ssyncset.done $0x0  }
0xff: {  	v6 =	vor.u32 v6, v15;
	s25 =	simm.s32 $0x18;
	v15 =	vadd.s32 v0, v4;
	v8 =	vor.u32 v10, v8;
	[sflag:s31] =	ssyncadd.s32 $0xFFFFE000  }
0x100: {  	v17 =	vand.u32 $0x400, v17;
	v12 =	vmov s25;
	v10 =	vld.idx.msk [tilespmem:v13+s26+$0x0], $0xffff;
	v13 =	vadd.s32 v0, v8  }
0x101: {  	v9 =	vor.u32 v9, v17;
	v19 =	vshll.u32 v12, $0x3;
	v16 =	vadd.s32 v0, v6  }
0x102: {  	v5 =	vadd.s32 v1, v5;
	v12 =	vand.u32 $0x78, v12;
	v19 =	vand.u32 $0x400, v19  }
0x103: {  	v49 =	vshll.u32 v45, $0x3;
	v12 =	vor.u32 v12, v19;
	v19 =	vadd.s32 v0, v9;
	s1 =	simm.s32 $0x1D;
	v18 =	vld.idx.msk [tilespmem:v18+s26+$0x0], $0xffff  }
0x104: {  	v51 =	vand.u32 $0x76, v45;
	v7 =	vadd.s32 v1, v7;
	v14 =	vmov s1;
	v15 =	vld.idx.msk [tilespmem:v15+s26+$0x0], $0xffff  }
0x105: {  	s23 =	simm.s32 $0x8200;
	v20 =	vadd.s32 v0, v11;
	v11 =	vadd.s32 v1, v11;
	v17 =	vshll.u32 v14, $0x3;
	v13 =	vld.idx.msk [tilespmem:v13+s26+$0x0], $0xffff  }
0x106: {  	v14 =	vand.u32 $0x7D, v14;
	v17 =	vand.u32 $0x7FFFFC00, v17;
	v16 =	vld.idx.msk [tilespmem:v16+s26+$0x0], $0xffff;
	[tilespmem:s23+$0x180] =	vst v10;
	v10 =	vadd.s32 v0, v12  }
0x107: {  	s4 =	simm.s32 $0x5;
	v4 =	vadd.s32 v1, v4;
	s3 =	simm.s32 $0x1;
	v14 =	vor.u32 v14, v17;
	v8 =	vadd.s32 v1, v8;
	v5 =	vld.idx.msk [tilespmem:v5+s26+$0x0], $0xffff  }
0x108: {  	v22 =	vmov s4;
	v21 =	vmov s3;
	v17 =	vadd.s32 v0, v14;
	v19 =	vld.idx.msk [tilespmem:v19+s26+$0x0], $0xffff;
	[tilespmem:s23+$0xFFFFFF80] =	vst v18  }
0x109: {  	v27 =	vshll.u32 v22, $0x3;
	v6 =	vadd.s32 v1, v6;
	v25 =	vshll.u32 v21, $0x3;
	[tilespmem:s23+$0xFFFFFE80] =	vst v15;
	v7 =	vld.idx.msk [tilespmem:v7+s26+$0x0], $0xffff  }
0x10a: {  	v27 =	vand.u32 $0x7FFFFC00, v27;
	v9 =	vadd.s32 v1, v9;
	v25 =	vand.u32 $0x400, v25;
	[tilespmem:s23+$0xFFFFFE00] =	vst v13;
	v13 =	vld.idx.msk [tilespmem:v20+s26+$0x0], $0xffff  }
0x10b: {  	v14 =	vadd.s32 v1, v14;
	v12 =	vadd.s32 v1, v12;
	v15 =	vand.u32 $0x61, v21;
	[tilespmem:s23+$0xFFFFFF00] =	vst v16;
	v10 =	vld.idx.msk [tilespmem:v10+s26+$0x0], $0xffff  }
0x10c: {  	v18 =	vand.u32 $0x6D, v24;
	v15 =	vor.u32 v15, v25;
	v20 =	vand.u32 $0x7FFFFC00, v30;
	[tilespmem:s23+$0x190] =	vst v5;
	v8 =	vld.idx.msk [tilespmem:v8+s26+$0x0], $0xffff  }
0x10d: {  	v16 =	vand.u32 $0x65, v22;
	[tilespmem:s23+$0x0] =	vst v19;
	v18 =	vor.u32 v18, v20;
	v20 =	vadd.s32 v0, v15;
	v17 =	vld.idx.msk [tilespmem:v17+s26+$0x0], $0xffff  }
0x10e: {  	v21 =	vand.u32 $0x7FFFFC00, v33;
	v19 =	vand.u32 $0x79, v29;
	v4 =	vld.idx.msk [tilespmem:v4+s26+$0x0], $0xffff;
	v16 =	vor.u32 v16, v27;
	[tilespmem:s23+$0xFFFFFF90] =	vst v7  }
0x10f: {  	v19 =	vor.u32 v19, v21;
	v9 =	vld.idx.msk [tilespmem:v9+s26+$0x0], $0xffff;
	v21 =	vadd.s32 v0, v16;
	v5 =	vshll.u32 v23, $0x3;
	[tilespmem:s23+$0x80] =	vst v13  }
0x110: {  	v22 =	vand.u32 $0x69, v23;
	v6 =	vld.idx.msk [tilespmem:v6+s26+$0x0], $0xffff;
	v42 =	vadd.s32 v0, v19;
	v5 =	vand.u32 $0x7FFFFC00, v5;
	[tilespmem:s23+$0x100] =	vst v10  }
0x111: {  	v23 =	vshll.u32 v38, $0x3;
	v5 =	vor.u32 v22, v5;
	v10 =	vadd.s32 v0, v18;
	v11 =	vld.idx.msk [tilespmem:v11+s26+$0x0], $0xffff;
	[tilespmem:s23+$0xFFFFFE10] =	vst v8  }
0x112: {  	v19 =	vadd.s32 v1, v19;
	v23 =	vand.u32 $0x7FFFFC00, v23;
	v22 =	vadd.s32 v0, v5;
	[tilespmem:s23+$0x1A0] =	vst v17;
	v7 =	vld.idx.msk [tilespmem:v20+s26+$0x0], $0xffff  }
0x113: {  	[tilespmem:s23+$0xFFFFFE90] =	vst v4;
	v23 =	vor.u32 v39, v23;
	v8 =	vadd.s32 v1, v15;
	v17 =	vand.u32 $0x71, v26;
	v14 =	vld.idx.msk [tilespmem:v14+s26+$0x0], $0xffff  }
0x114: {  	v32 =	vand.u32 $0x7FFFFC00, v48;
	[tilespmem:s23+$0x10] =	vst v9;
	v9 =	vld.idx.msk [tilespmem:v21+s26+$0x0], $0xffff;
	v24 =	vadd.s32 v0, v23;
	v13 =	vor.u32 v17, v36  }
0x115: {  	v30 =	vand.u32 $0x7F, v46;
	[tilespmem:s23+$0xFFFFFF10] =	vst v6;
	v12 =	vld.idx.msk [tilespmem:v12+s26+$0x0], $0xffff;
	v17 =	vor.u32 v40, v37;
	v41 =	vadd.s32 v0, v13  }
0x116: {  	v50 =	vand.u32 $0x72, v44;
	s15 =	simm.s32 $0xE;
	v30 =	vor.u32 v30, v32;
	v26 =	vadd.s32 v0, v17;
	v10 =	vld.idx.msk [tilespmem:v10+s26+$0x0], $0xffff;
	[tilespmem:s23+$0x90] =	vst v11  }
0x117: {  	s12 =	simm.s32 $0x2;
	s14 =	simm.s32 $0xA;
	v43 =	vmov s15;
	v32 =	vadd.s32 v0, v30;
	v5 =	vadd.s32 v1, v5;
	v11 =	vld.idx.msk [tilespmem:v22+s26+$0x0], $0xffff;
	[tilespmem:s23+$0xFFFFFE20] =	vst v7  }
0x118: {  	v6 =	vadd.s32 v1, v23;
	v23 =	vmov s14;
	v15 =	vmov s12;
	[tilespmem:s23+$0x1B0] =	vst v14;
	v8 =	vld.idx.msk [tilespmem:v8+s26+$0x0], $0xffff  }
0x119: {  	s13 =	simm.s32 $0x6;
	v20 =	vshll.u32 v15, $0x3;
	v15 =	vand.u32 $0x62, v15;
	v14 =	vadd.s32 v1, v16;
	v4 =	vld.idx.msk [tilespmem:v24+s26+$0x0], $0xffff  }
0x11a: {  	[tilespmem:s23+$0xFFFFFEA0] =	vst v9;
	v13 =	vadd.s32 v1, v13;
	v16 =	vadd.s32 v1, v18;
	v18 =	vmov s13;
	v25 =	vld.idx.msk [tilespmem:v41+s26+$0x0], $0xffff  }
0x11b: {  	v17 =	vadd.s32 v1, v17;
	v22 =	vshll.u32 v23, $0x3;
	[tilespmem:s23+$0x110] =	vst v12;
	v21 =	vshll.u32 v18, $0x3;
	v26 =	vld.idx.msk [tilespmem:v26+s26+$0x0], $0xffff  }
0x11c: {  	v12 =	vshll.u32 v44, $0x3;
	v9 =	vand.u32 $0x7FFFFC00, v21;
	v21 =	vand.u32 $0x7FFFFC00, v22;
	v22 =	vld.idx.msk [tilespmem:v42+s26+$0x0], $0xffff;
	[tilespmem:s23+$0xFFFFFF20] =	vst v11  }
0x11d: {  	v23 =	vand.u32 $0x6A, v23;
	v7 =	vand.u32 $0x400, v20;
	v20 =	vshll.u32 v47, $0x3;
	[tilespmem:s23+$0xFFFFFFA0] =	vst v10;
	v5 =	vld.idx.msk [tilespmem:v5+s26+$0x0], $0xffff  }
0x11e: {  	v20 =	vand.u32 $0x7FFFFC00, v20;
	v18 =	vand.u32 $0x66, v18;
	v11 =	vand.u32 $0x7FFFFC00, v12;
	v10 =	vld.idx.msk [tilespmem:v14+s26+$0x0], $0xffff;
	[tilespmem:s23+$0x1C0] =	vst v4  }
0x11f: {  	v12 =	vand.u32 $0x7FFFFC00, v49;
	v21 =	vor.u32 v23, v21;
	v11 =	vor.u32 v50, v11;
	[tilespmem:s23+$0x20] =	vst v25;
	v6 =	vld.idx.msk [tilespmem:v6+s26+$0x0], $0xffff  }
0x120: {  	v12 =	vor.u32 v51, v12;
	v52 =	vadd.s32 v0, v21;
	v4 =	vshll.u32 v43, $0x3;
	[tilespmem:s23+$0xA0] =	vst v26;
	v13 =	vld.idx.msk [tilespmem:v13+s26+$0x0], $0xffff  }
0x121: {  	s25 =	simm.s32 $0xB;
	v14 =	vand.u32 $0x6E, v43;
	[tilespmem:s23+$0xFFFFFE30] =	vst v8;
	v54 =	vadd.s32 v0, v11;
	v4 =	vand.u32 $0x7FFFFC00, v4;
	v17 =	vld.idx.msk [tilespmem:v17+s26+$0x0], $0xffff  }
0x122: {  	v8 =	vmov s25;
	v27 =	vadd.s32 v0, v12;
	[tilespmem:s23+$0x120] =	vst v22;
	v4 =	vor.u32 v14, v4;
	v14 =	vld.idx.msk [tilespmem:v16+s26+$0x0], $0xffff  }
0x123: {  	v11 =	vadd.s32 v1, v11;
	v57 =	vshll.u32 v8, $0x3;
	v8 =	vand.u32 $0x6B, v8;
	v19 =	vld.idx.msk [tilespmem:v19+s26+$0x0], $0xffff;
	[tilespmem:s23+$0xFFFFFF30] =	vst v5  }
0x124: {  	v53 =	vadd.s32 v0, v4;
	[tilespmem:s23+$0x1D0] =	vst v6;
	v6 =	vor.u32 v15, v7;
	v7 =	vor.u32 v18, v9  }
0x125: {  	s24 =	simm.s32 $0x7;
	v22 =	vadd.s32 v1, v30;
	v30 =	vand.u32 $0x7FFFFC00, v57;
	[tilespmem:s23+$0xFFFFFEB0] =	vst v10;
	v15 =	vld.idx.msk [tilespmem:v32+s26+$0x0], $0xffff;
	v10 =	vadd.s32 v0, v7  }
0x126: {  	v16 =	vmov s24;
	v30 =	vor.u32 v8, v30;
	v4 =	vadd.s32 v1, v4;
	v24 =	vld.idx.msk [tilespmem:v52+s26+$0x0], $0xffff;
	[tilespmem:s23+$0x30] =	vst v13  }
0x127: {  	s22 =	simm.s32 $0x3;
	s28 =	simm.s32 $0xF;
	v56 =	vshll.u32 v16, $0x3;
	v9 =	vand.u32 $0x7A, v47;
	[tilespmem:s23+$0xB0] =	vst v17;
	v23 =	vadd.s32 v0, v6;
	v26 =	vld.idx.msk [tilespmem:v54+s26+$0x0], $0xffff  }
0x128: {  	v18 =	vmov s22;
	v9 =	vor.u32 v9, v20;
	v20 =	vmov s28;
	[tilespmem:s23+$0xFFFFFFB0] =	vst v14;
	v27 =	vld.idx.msk [tilespmem:v27+s26+$0x0], $0xffff  }
0x129: {  	s30 =	simm.s32 $0x17;
	v6 =	vadd.s32 v1, v6;
	v5 =	vadd.s32 v1, v7;
	v7 =	vadd.s32 v1, v21;
	v25 =	vld.idx.msk [tilespmem:v53+s26+$0x0], $0xffff  }
0x12a: {  	v14 =	vmov s30;
	v13 =	vshll.u32 v18, $0x3;
	v55 =	vadd.s32 v0, v9;
	[tilespmem:s23+$0x1E0] =	vst v15;
	v10 =	vld.idx.msk [tilespmem:v10+s26+$0x0], $0xffff  }
0x12b: {  	[tilespmem:s23+$0x130] =	vst v19;
	v19 =	vand.u32 $0x7FFFFC00, v56;
	v18 =	vand.u32 $0x63, v18;
	v17 =	vshll.u32 v20, $0x3;
	v21 =	vld.idx.msk [tilespmem:v22+s26+$0x0], $0xffff  }
0x12c: {  	s31 =	simm.s32 $0x1B;
	v59 =	vshll.u32 v14, $0x3;
	v13 =	vand.u32 $0x400, v13;
	[tilespmem:s23+$0xFFFFFF40] =	vst v24;
	v22 =	vadd.s32 v1, v12;
	v12 =	vld.idx.msk [tilespmem:v23+s26+$0x0], $0xffff  }
0x12d: {  	s29 =	simm.s32 $0x13;
	v17 =	vand.u32 $0x7FFFFC00, v17;
	[tilespmem:s23+$0x40] =	vst v26;
	v23 =	vadd.s32 v1, v9;
	v9 =	vmov s31  }
0x12e: {  	v61 =	vor.u32 v18, v13;
	v15 =	vmov s29;
	v24 =	vld.idx.msk [tilespmem:v7+s26+$0x0], $0xffff;
	[tilespmem:s23+$0xC0] =	vst v27;
	v60 =	vshll.u32 v9, $0x3  }
0x12f: {  	v58 =	vshll.u32 v15, $0x3;
	v28 =	vld.idx.msk [tilespmem:v55+s26+$0x0], $0xffff;
	[tilespmem:s23+$0xFFFFFFC0] =	vst v25;
	v7 =	vand.u32 $0x7B, v9;
	v29 =	vand.u32 $0x7FFFFC00, v60  }
0x130: {  	v18 =	vld.idx.msk [tilespmem:v11+s26+$0x0], $0xffff;
	v31 =	vand.u32 $0x7FFFFC00, v58;
	v11 =	vor.u32 v7, v29;
	v7 =	vadd.s32 v1, v61;
	[tilespmem:s23+$0xFFFFFEC0] =	vst v10  }
0x131: {  	v10 =	vand.u32 $0x73, v15;
	v15 =	vadd.s32 v0, v30;
	[tilespmem:s23+$0xFFFFFE40] =	vst v12;
	v12 =	vand.u32 $0x67, v16;
	v5 =	vld.idx.msk [tilespmem:v5+s26+$0x0], $0xffff  }
0x132: {  	[tilespmem:s23+$0x1F0] =	vst v21;
	v21 =	vand.u32 $0x7FFFFC00, v59;
	v6 =	vld.idx.msk [tilespmem:v6+s26+$0x0], $0xffff;
	v62 =	vor.u32 v12, v19;
	v12 =	vand.u32 $0x77, v14  }
0x133: {  	v8 =	vadd.s32 v0, v11;
	v19 =	vld.idx.msk [tilespmem:v4+s26+$0x0], $0xffff;
	v12 =	vor.u32 v12, v21;
	v21 =	vadd.s32 v0, v61  }
0x134: {  	[tilespmem:s23+$0xFFFFFF50] =	vst v24;
	v16 =	vand.u32 $0x6F, v20;
	v13 =	vor.u32 v10, v31;
	v20 =	vadd.s32 v0, v62  }
0x135: {  	[tilespmem:s23+$0x140] =	vst v28;
	v63 =	vor.u32 v16, v17;
	v16 =	vld.idx.msk [tilespmem:v22+s26+$0x0], $0xffff;
	v9 =	vadd.s32 v0, v13  }
0x136: {  	v17 =	vld.idx.msk [tilespmem:v23+s26+$0x0], $0xffff;
	v14 =	vadd.s32 v0, v63;
	v4 =	vadd.s32 v1, v63;
	[tilespmem:s23+$0xFFFFFED0] =	vst v5  }
0x137: {  	s18 =	simm.s32 $0x3F;
	s16 =	simm.s32 $0x0;
	s24 =	simm.s32 $0x8200;
	v10 =	vadd.s32 v0, v12;
	v5 =	vadd.s32 v1, v30;
	[tilespmem:s23+$0xFFFFFE50] =	vst v6;
	v6 =	vadd.s32 v1, v62  }
.LBB2_5:
0x138: {  	s0 =	sadd.s32 $0xFFFFFFE5, s18;
	s1 =	sadd.s32 $0xFFFFFFFD, s18;
	s16 =	sadd.s32 $0x8, s16;
	v21 =	vld.idx.msk [tilespmem:v21+s26+$0x0], $0xffff;
	[tilespmem:s23+$0xFFFFFFD0] =	vst v19;
	v13 =	vadd.s32 v1, v13;
	v12 =	vadd.s32 v1, v12  }
0x139: {  	s3 =	sadd.s32 $0xFFFFFFED, s18;
	v11 =	vadd.s32 v1, v11;
	v19 =	vmov s0;
	s0 =	sadd.s32 $0xFFFFFFE9, s18;
	v22 =	vmov s1;
	p1 =	slt.u32 s16, $0x38;
	v20 =	vld.idx.msk [tilespmem:v20+s26+$0x0], $0xffff;
	[tilespmem:s23+$0x50] =	vst v18  }
0x13a: {  	s4 =	sadd.s32 $0xFFFFFFF9, s18;
	v23 =	vmov s3;
	s1 =	sadd.s32 $0xFFFFFFF5, s18;
	v18 =	vmov s0;
	s0 =	sadd.s32 $0xFFFFFFF1, s18;
	v24 =	vshll.u32 v22, $0x3;
	v15 =	vld.idx.msk [tilespmem:v15+s26+$0x0], $0xffff;
	[tilespmem:s23+$0xD0] =	vst v16  }
0x13b: {  	s28 =	sadd.s32 $0xFFFFFFE2, s18;
	s29 =	sadd.s32 $0xFFFFFFE6, s18;
	s3 =	sadd.s32 $0xFFFFFFE1, s18;
	v22 =	vand.u32 $0x7C, v22;
	v16 =	vmov s0;
	v24 =	vand.u32 $0x400, v24;
	v14 =	vld.idx.msk [tilespmem:v14+s26+$0x0], $0xffff;
	[tilespmem:s23+$0x150] =	vst v17  }
0x13c: {  	s10 =	sadd.s32 $0xFFFFFFEE, s18;
	s22 =	sadd.s32 $0xFFFFFFF2, s18;
	v25 =	vmov s1;
	v17 =	vmov s3;
	s3 =	sadd.s32 $0xFFFFFFEA, s18;
	v22 =	vor.u32 v22, v24;
	v9 =	vld.idx.msk [tilespmem:v9+s26+$0x0], $0xffff  }
0x13d: {  	s11 =	sadd.s32 $0xFFFFFFE3, s18;
	s13 =	sadd.s32 $0xFFFFFFF6, s18;
	s21 =	sadd.s32 $0xFFFFFFFA, s18;
	v26 =	vmov s4;
	v24 =	vshll.u32 v17, $0x3;
	v27 =	vadd.s32 v0, v22;
	v10 =	vld.idx.msk [tilespmem:v10+s26+$0x0], $0xffff  }
0x13e: {  	s12 =	sadd.s32 $0xFFFFFFE7, s18;
	s14 =	sadd.s32 $0xFFFFFFEF, s18;
	v28 =	vshll.u32 v19, $0x3;
	v30 =	vshll.u32 v23, $0x3;
	v29 =	vshll.u32 v18, $0x3;
	s0 =	sadd.s32 $0xFFFFFFEB, s18;
	[tilespmem:s23+$0xFFFFFE60] =	vst v21;
	v8 =	vld.idx.msk [tilespmem:v8+s26+$0x0], $0xffff  }
0x13f: {  	s30 =	sadd.s32 $0xFFFFFFF3, s18;
	s8 =	sadd.s32 $0xFFFFFFF7, s18;
	s15 =	sadd.s32 $0xFFFFFFFB, s18;
	v32 =	vshll.u32 v26, $0x3;
	v31 =	vshll.u32 v25, $0x3;
	v21 =	vshll.u32 v16, $0x3;
	v7 =	vld.idx.msk [tilespmem:v7+s26+$0x0], $0xffff;
	[tilespmem:s23+$0xFFFFFEE0] =	vst v20  }
0x140: {  	s25 =	sadd.s32 $0xFFFFFFE4, s18;
	s9 =	sadd.s32 $0xFFFFFFE8, s18;
	s19 =	sadd.s32 $0xFFFFFFEC, s18;
	v20 =	vand.u32 $0x400, v24;
	v24 =	vand.u32 $0x400, v28;
	v28 =	vand.u32 $0x400, v29;
	v6 =	vld.idx.msk [tilespmem:v6+s26+$0x0], $0xffff;
	[tilespmem:s23+$0xFFFFFF60] =	vst v15  }
0x141: {  	s7 =	sadd.s32 $0xFFFFFFF4, s18;
	s5 =	sadd.s32 $0xFFFFFFF8, s18;
	s4 =	sadd.s32 $0xFFFFFFF0, s18;
	v21 =	vand.u32 $0x400, v21;
	v29 =	vand.u32 $0x400, v31;
	v15 =	vand.u32 $0x400, v30;
	v5 =	vld.idx.msk [tilespmem:v5+s26+$0x0], $0xffff;
	[tilespmem:s23+$0xFFFFFFE0] =	vst v14  }
0x142: {  	s1 =	sadd.s32 $0xFFFFFFFC, s18;
	v14 =	vand.u32 $0x60, v17;
	v17 =	vand.u32 $0x64, v19;
	v19 =	vand.u32 $0x400, v32;
	v27 =	vld.idx.msk [tilespmem:v27+s26+$0x0], $0xffff;
	[tilespmem:s23+$0x60] =	vst v9  }
0x143: {  	v16 =	vand.u32 $0x70, v16;
	v9 =	vand.u32 $0x68, v18;
	v18 =	vand.u32 $0x6C, v23;
	v23 =	vld.idx.msk [tilespmem:v4+s26+$0x0], $0xffff;
	[tilespmem:s23+$0xE0] =	vst v10  }
0x144: {  	v22 =	vadd.s32 v1, v22;
	v4 =	vand.u32 $0x74, v25;
	v10 =	vand.u32 $0x78, v26;
	v13 =	vld.idx.msk [tilespmem:v13+s26+$0x0], $0xffff;
	[tilespmem:s23+$0x160] =	vst v8  }
0x145: {  	v9 =	vor.u32 v9, v28;
	v8 =	vor.u32 v14, v20;
	v14 =	vor.u32 v17, v24;
	v12 =	vld.idx.msk [tilespmem:v12+s26+$0x0], $0xffff  }
0x146: {  	s31 =	sadd.s32 $0xFFFFFFFE, s18;
	v16 =	vor.u32 v16, v21;
	v15 =	vor.u32 v18, v15;
	v17 =	vor.u32 v4, v29;
	v4 =	vld.idx.msk [tilespmem:v11+s26+$0x0], $0xffff  }
0x147: {  	v18 =	vmov s31;
	v10 =	vor.u32 v10, v19;
	s23 =	sadd.s32 $0x400, s23;
	v11 =	vadd.s32 v0, v8;
	[tilespmem:s24+$0xFFFFFE70] =	vst v7  }
0x148: {  	v19 =	vadd.s32 v0, v9;
	v20 =	vshll.u32 v18, $0x3;
	v7 =	vadd.s32 v0, v14;
	[tilespmem:s23+$0x180] =	vst v27  }
0x149: {  	v21 =	vadd.s32 v0, v15;
	v18 =	vand.u32 $0x7D, v18;
	v20 =	vand.u32 $0x7FFFFC00, v20;
	v22 =	vld.idx.msk [tilespmem:v22+s26+$0x0], $0xffff;
	[tilespmem:s24+$0xFFFFFEF0] =	vst v6  }
0x14a: {  	v24 =	vadd.s32 v0, v17;
	v18 =	vor.u32 v18, v20;
	v6 =	vadd.s32 v0, v16;
	[tilespmem:s24+$0xFFFFFF70] =	vst v5  }
0x14b: {  	v20 =	vadd.s32 v0, v18;
	v5 =	vadd.s32 v1, v8;
	v8 =	vadd.s32 v0, v10;
	[tilespmem:s24+$0xFFFFFFF0] =	vst v23  }
0x14c: {  	v9 =	vadd.s32 v1, v9;
	v15 =	vadd.s32 v1, v15;
	v14 =	vadd.s32 v1, v14;
	v11 =	vld.idx.msk [tilespmem:v11+s26+$0x0], $0xffff  }
0x14d: {  	v17 =	vadd.s32 v1, v17;
	v16 =	vadd.s32 v1, v16;
	v10 =	vadd.s32 v1, v10;
	v7 =	vld.idx.msk [tilespmem:v7+s26+$0x0], $0xffff  }
0x14e: {  	v25 =	vmov s29;
	v26 =	vmov s3;
	v23 =	vmov s28;
	v19 =	vld.idx.msk [tilespmem:v19+s26+$0x0], $0xffff  }
0x14f: {  	v28 =	vmov s10;
	v29 =	vmov s22;
	v27 =	vshll.u32 v23, $0x3;
	v21 =	vld.idx.msk [tilespmem:v21+s26+$0x0], $0xffff;
	[tilespmem:s23+$0x190] =	vst v22  }
0x150: {  	v31 =	vmov s21;
	v30 =	vmov s13;
	v22 =	vshll.u32 v25, $0x3;
	v20 =	vld.idx.msk [tilespmem:v20+s26+$0x0], $0xffff;
	[tilespmem:s24+$0x70] =	vst v13  }
0x151: {  	v32 =	vshll.u32 v28, $0x3;
	v33 =	vshll.u32 v29, $0x3;
	v13 =	vshll.u32 v26, $0x3;
	v6 =	vld.idx.msk [tilespmem:v6+s26+$0x0], $0xffff;
	[tilespmem:s24+$0xF0] =	vst v12  }
0x152: {  	v18 =	vadd.s32 v1, v18;
	v12 =	vshll.u32 v30, $0x3;
	[tilespmem:s23+$0xFFFFFE00] =	vst v11;
	v11 =	vld.idx.msk [tilespmem:v24+s26+$0x0], $0xffff;
	v24 =	vshll.u32 v31, $0x3  }
0x153: {  	v27 =	vand.u32 $0x400, v27;
	v13 =	vand.u32 $0x7FFFFC00, v13;
	[tilespmem:s23+$0xFFFFFE80] =	vst v7;
	v7 =	vand.u32 $0x7FFFFC00, v22;
	v8 =	vld.idx.msk [tilespmem:v8+s26+$0x0], $0xffff  }
0x154: {  	s3 =	sadd.s32 $0xFFFFFFFF, s18;
	v12 =	vand.u32 $0x7FFFFC00, v12;
	v22 =	vand.u32 $0x7FFFFC00, v33;
	v5 =	vld.idx.msk [tilespmem:v5+s26+$0x0], $0xffff;
	[tilespmem:s23+$0xFFFFFF00] =	vst v19;
	v19 =	vand.u32 $0x7FFFFC00, v32  }
0x155: {  	v23 =	vand.u32 $0x61, v23;
	v14 =	vld.idx.msk [tilespmem:v14+s26+$0x0], $0xffff;
	[tilespmem:s23+$0xFFFFFF80] =	vst v21;
	v21 =	vand.u32 $0x7FFFFC00, v24;
	v24 =	vmov s3  }
0x156: {  	v25 =	vand.u32 $0x65, v25;
	v26 =	vand.u32 $0x69, v26;
	v9 =	vld.idx.msk [tilespmem:v9+s26+$0x0], $0xffff;
	[tilespmem:s23+$0x1A0] =	vst v20;
	v20 =	vshll.u32 v24, $0x3  }
0x157: {  	v28 =	vand.u32 $0x6D, v28;
	[tilespmem:s23+$0x0] =	vst v6;
	v6 =	vld.idx.msk [tilespmem:v18+s26+$0x0], $0xffff;
	v18 =	vand.u32 $0x7E, v24;
	v20 =	vand.u32 $0x7FFFFC00, v20  }
0x158: {  	v24 =	vand.u32 $0x71, v29;
	v15 =	vld.idx.msk [tilespmem:v15+s26+$0x0], $0xffff;
	[tilespmem:s23+$0x80] =	vst v11;
	v11 =	vand.u32 $0x75, v30;
	v18 =	vor.u32 v18, v20  }
0x159: {  	v20 =	vor.u32 v23, v27;
	v16 =	vld.idx.msk [tilespmem:v16+s26+$0x0], $0xffff;
	[tilespmem:s23+$0x100] =	vst v8;
	v8 =	vand.u32 $0x79, v31;
	v23 =	vadd.s32 v0, v18  }
0x15a: {  	v13 =	vor.u32 v26, v13;
	v7 =	vor.u32 v25, v7;
	v19 =	vor.u32 v28, v19;
	v17 =	vld.idx.msk [tilespmem:v17+s26+$0x0], $0xffff  }
0x15b: {  	v22 =	vor.u32 v24, v22;
	v11 =	vor.u32 v11, v12;
	v8 =	vor.u32 v8, v21;
	v10 =	vld.idx.msk [tilespmem:v10+s26+$0x0], $0xffff  }
0x15c: {  	v12 =	vadd.s32 v0, v7;
	v21 =	vadd.s32 v0, v13;
	[tilespmem:s23+$0xFFFFFE10] =	vst v5;
	v5 =	vadd.s32 v0, v20  }
0x15d: {  	v24 =	vadd.s32 v0, v19;
	v25 =	vadd.s32 v0, v22;
	v26 =	vadd.s32 v0, v11;
	[tilespmem:s23+$0x1B0] =	vst v6  }
0x15e: {  	v6 =	vadd.s32 v1, v20;
	v20 =	vmov s11;
	[tilespmem:s23+$0xFFFFFE90] =	vst v14;
	v14 =	vadd.s32 v0, v8;
	v23 =	vld.idx.msk [tilespmem:v23+s26+$0x0], $0xffff  }
0x15f: {  	v7 =	vadd.s32 v1, v7;
	[tilespmem:s23+$0xFFFFFF10] =	vst v9;
	v9 =	vadd.s32 v1, v13;
	v13 =	vadd.s32 v1, v19  }
0x160: {  	v18 =	vadd.s32 v1, v18;
	v11 =	vadd.s32 v1, v11;
	[tilespmem:s23+$0xFFFFFF90] =	vst v15;
	v15 =	vadd.s32 v1, v22  }
0x161: {  	v8 =	vadd.s32 v1, v8;
	v19 =	vmov s12;
	v22 =	vmov s0;
	v5 =	vld.idx.msk [tilespmem:v5+s26+$0x0], $0xffff;
	[tilespmem:s23+$0x10] =	vst v16  }
0x162: {  	v28 =	vmov s30;
	v27 =	vmov s14;
	v16 =	vshll.u32 v20, $0x3;
	v12 =	vld.idx.msk [tilespmem:v12+s26+$0x0], $0xffff;
	[tilespmem:s23+$0x90] =	vst v17  }
0x163: {  	v29 =	vmov s8;
	v17 =	vshll.u32 v19, $0x3;
	v21 =	vld.idx.msk [tilespmem:v21+s26+$0x0], $0xffff;
	[tilespmem:s23+$0x110] =	vst v10;
	v10 =	vmov s18  }
0x164: {  	v31 =	vmov s15;
	v30 =	vshll.u32 v22, $0x3;
	v24 =	vld.idx.msk [tilespmem:v24+s26+$0x0], $0xffff;
	[tilespmem:s23+$0x1C0] =	vst v23;
	v23 =	vshll.u32 v10, $0x3  }
0x165: {  	v32 =	vshll.u32 v27, $0x3;
	v10 =	vand.u32 $0x7F, v10;
	v18 =	vld.idx.msk [tilespmem:v18+s26+$0x0], $0xffff;
	v23 =	vand.u32 $0x7FFFFC00, v23;
	[tilespmem:s24+$0x170] =	vst v4;
	s24 =	smov.u32 s23  }
0x166: {  	v33 =	vshll.u32 v29, $0x3;
	v4 =	vld.idx.msk [tilespmem:v25+s26+$0x0], $0xffff;
	v25 =	vshll.u32 v28, $0x3;
	v10 =	vor.u32 v10, v23  }
0x167: {  	v23 =	vshll.u32 v31, $0x3;
	[tilespmem:s23+$0xFFFFFE20] =	vst v5;
	v5 =	vand.u32 $0x400, v16;
	v16 =	vld.idx.msk [tilespmem:v26+s26+$0x0], $0xffff;
	v26 =	vadd.s32 v0, v10  }
0x168: {  	[tilespmem:s23+$0xFFFFFEA0] =	vst v12;
	v12 =	vand.u32 $0x7FFFFC00, v17;
	v17 =	vand.u32 $0x7FFFFC00, v30;
	v30 =	vand.u32 $0x7FFFFC00, v32;
	v14 =	vld.idx.msk [tilespmem:v14+s26+$0x0], $0xffff  }
0x169: {  	v23 =	vand.u32 $0x7FFFFC00, v23;
	v6 =	vld.idx.msk [tilespmem:v6+s26+$0x0], $0xffff;
	[tilespmem:s23+$0xFFFFFF20] =	vst v21;
	v21 =	vand.u32 $0x7FFFFC00, v25;
	v25 =	vand.u32 $0x7FFFFC00, v33  }
0x16a: {  	v20 =	vand.u32 $0x62, v20;
	v22 =	vand.u32 $0x6A, v22;
	v19 =	vand.u32 $0x66, v19;
	v7 =	vld.idx.msk [tilespmem:v7+s26+$0x0], $0xffff;
	[tilespmem:s23+$0xFFFFFFA0] =	vst v24  }
0x16b: {  	v24 =	vand.u32 $0x6E, v27;
	v27 =	vand.u32 $0x72, v28;
	v28 =	vand.u32 $0x76, v29;
	v9 =	vld.idx.msk [tilespmem:v9+s26+$0x0], $0xffff;
	[tilespmem:s23+$0x1D0] =	vst v18  }
0x16c: {  	v5 =	vor.u32 v20, v5;
	v12 =	vor.u32 v19, v12;
	[tilespmem:s23+$0x20] =	vst v4;
	v4 =	vand.u32 $0x7A, v31;
	v18 =	vld.idx.msk [tilespmem:v26+s26+$0x0], $0xffff  }
0x16d: {  	v19 =	vmov s25;
	v17 =	vor.u32 v22, v17;
	v20 =	vor.u32 v24, v30;
	v13 =	vld.idx.msk [tilespmem:v13+s26+$0x0], $0xffff;
	[tilespmem:s23+$0xA0] =	vst v16  }
0x16e: {  	v10 =	vadd.s32 v1, v10;
	v21 =	vor.u32 v27, v21;
	v16 =	vmov s9;
	v15 =	vld.idx.msk [tilespmem:v15+s26+$0x0], $0xffff;
	[tilespmem:s23+$0x120] =	vst v14  }
0x16f: {  	v4 =	vor.u32 v4, v23;
	v14 =	vor.u32 v28, v25;
	[tilespmem:s23+$0xFFFFFE30] =	vst v6;
	v6 =	vmov s19;
	v11 =	vld.idx.msk [tilespmem:v11+s26+$0x0], $0xffff  }
0x170: {  	v22 =	vadd.s32 v0, v5;
	v23 =	vmov s4;
	[tilespmem:s23+$0xFFFFFEB0] =	vst v7;
	v7 =	vadd.s32 v0, v12;
	v8 =	vld.idx.msk [tilespmem:v8+s26+$0x0], $0xffff  }
0x171: {  	v24 =	vadd.s32 v0, v20;
	v25 =	vadd.s32 v0, v21;
	[tilespmem:s23+$0xFFFFFF30] =	vst v9;
	v9 =	vadd.s32 v0, v17  }
0x172: {  	v5 =	vadd.s32 v1, v5;
	v27 =	vadd.s32 v0, v4;
	v26 =	vadd.s32 v0, v14;
	[tilespmem:s23+$0x1E0] =	vst v18  }
0x173: {  	v12 =	vadd.s32 v1, v12;
	v17 =	vadd.s32 v1, v17;
	[tilespmem:s23+$0xFFFFFFB0] =	vst v13;
	v13 =	vmov s7;
	v10 =	vld.idx.msk [tilespmem:v10+s26+$0x0], $0xffff  }
0x174: {  	v14 =	vadd.s32 v1, v14;
	v18 =	vadd.s32 v1, v20;
	[tilespmem:s23+$0x30] =	vst v15;
	v15 =	vadd.s32 v1, v21  }
0x175: {  	v4 =	vadd.s32 v1, v4;
	v21 =	vmov s1;
	v20 =	vld.idx.msk [tilespmem:v22+s26+$0x0], $0xffff;
	[tilespmem:s23+$0xB0] =	vst v11;
	v11 =	vmov s5  }
0x176: {  	v28 =	vshll.u32 v16, $0x3;
	v29 =	vshll.u32 v6, $0x3;
	v22 =	vshll.u32 v19, $0x3;
	v7 =	vld.idx.msk [tilespmem:v7+s26+$0x0], $0xffff;
	[tilespmem:s23+$0x130] =	vst v8  }
0x177: {  	v30 =	vshll.u32 v13, $0x3;
	v31 =	vshll.u32 v11, $0x3;
	v8 =	vld.idx.msk [tilespmem:v9+s26+$0x0], $0xffff;
	v9 =	vshll.u32 v23, $0x3  }
0x178: {  	v28 =	vand.u32 $0x7FFFFC00, v28;
	v32 =	vshll.u32 v21, $0x3;
	v22 =	vand.u32 $0x400, v22;
	v24 =	vld.idx.msk [tilespmem:v24+s26+$0x0], $0xffff  }
0x179: {  	v29 =	vand.u32 $0x7FFFFC00, v29;
	v30 =	vand.u32 $0x7FFFFC00, v30;
	v9 =	vand.u32 $0x7FFFFC00, v9;
	v25 =	vld.idx.msk [tilespmem:v25+s26+$0x0], $0xffff;
	[tilespmem:s23+$0x1F0] =	vst v10  }
0x17a: {  	v32 =	vand.u32 $0x7FFFFC00, v32;
	v31 =	vand.u32 $0x7FFFFC00, v31;
	v10 =	vand.u32 $0x63, v19;
	v26 =	vld.idx.msk [tilespmem:v26+s26+$0x0], $0xffff  }
0x17b: {  	v16 =	vand.u32 $0x67, v16;
	v6 =	vand.u32 $0x6B, v6;
	v19 =	vand.u32 $0x6F, v23;
	[tilespmem:s23+$0xFFFFFE40] =	vst v20;
	v23 =	vld.idx.msk [tilespmem:v27+s26+$0x0], $0xffff  }
0x17c: {  	v11 =	vand.u32 $0x77, v11;
	v20 =	vand.u32 $0x7B, v21;
	v5 =	vld.idx.msk [tilespmem:v5+s26+$0x0], $0xffff;
	[tilespmem:s23+$0xFFFFFEC0] =	vst v7;
	v7 =	vand.u32 $0x73, v13  }
0x17d: {  	v10 =	vor.u32 v10, v22;
	v27 =	vor.u32 v16, v28;
	v22 =	vld.idx.msk [tilespmem:v12+s26+$0x0], $0xffff;
	[tilespmem:s23+$0xFFFFFF40] =	vst v8  }
0x17e: {  	v29 =	vor.u32 v6, v29;
	v28 =	vld.idx.msk [tilespmem:v17+s26+$0x0], $0xffff;
	[tilespmem:s23+$0xFFFFFFC0] =	vst v24;
	v24 =	vor.u32 v19, v9  }
0x17f: {  	v13 =	vor.u32 v7, v30;
	v12 =	vor.u32 v11, v31;
	v19 =	vld.idx.msk [tilespmem:v18+s26+$0x0], $0xffff;
	[tilespmem:s23+$0x40] =	vst v25  }
.Ltmp1:
0x180: {  	v21 =	vadd.s32 v0, v10;
	v11 =	vor.u32 v20, v32;
	v18 =	vld.idx.msk [tilespmem:v15+s26+$0x0], $0xffff;
	[tilespmem:s23+$0xC0] =	vst v26;
	(pc) =	sbr.rel @p1 .LBB2_5-.Ltmp1, $4  }
0x181: {  	v20 =	vadd.s32 v0, v27;
	v15 =	vadd.s32 v0, v29;
	v16 =	vld.idx.msk [tilespmem:v14+s26+$0x0], $0xffff;
	[tilespmem:s23+$0x140] =	vst v23  }
0x182: {  	v9 =	vadd.s32 v0, v13;
	v14 =	vadd.s32 v0, v24;
	[tilespmem:s23+$0xFFFFFE50] =	vst v5;
	v17 =	vld.idx.msk [tilespmem:v4+s26+$0x0], $0xffff  }
0x183: {  	v7 =	vadd.s32 v1, v10;
	v10 =	vadd.s32 v0, v12;
	v8 =	vadd.s32 v0, v11;
	[tilespmem:s23+$0xFFFFFED0] =	vst v22  }
0x184: {  	s18 =	sadd.s32 $0x20, s18;
	v6 =	vadd.s32 v1, v27;
	v5 =	vadd.s32 v1, v29;
	v4 =	vadd.s32 v1, v24;
	[tilespmem:s23+$0xFFFFFF50] =	vst v28  }
0x185: {  	_ =	sdelay $0x3  }
0x186: {  	v21 =	vld.idx.msk [tilespmem:v21+s26+$0x0], $0xffff  }
0x187: {  	[tilespmem:s23+$0xFFFFFFD0] =	vst v19;
	v61 =	vld.idx.msk [tilespmem:v20+s26+$0x0], $0xffff  }
0x188: {  	[tilespmem:s23+$0x50] =	vst v18;
	v15 =	vld.idx.msk [tilespmem:v15+s26+$0x0], $0xffff  }
0x189: {  	[tilespmem:s23+$0xD0] =	vst v16;
	v14 =	vld.idx.msk [tilespmem:v14+s26+$0x0], $0xffff  }
0x18a: {  	v9 =	vld.idx.msk [tilespmem:v9+s26+$0x0], $0xffff;
	[tilespmem:s23+$0x150] =	vst v17  }
0x18b: {  	v10 =	vld.idx.msk [tilespmem:v10+s26+$0x0], $0xffff;
	[tilespmem:s23+$0xFFFFFE60] =	vst v21  }
0x18c: {  	v13 =	vadd.s32 v1, v13;
	v8 =	vld.idx.msk [tilespmem:v8+s26+$0x0], $0xffff;
	[tilespmem:s23+$0xFFFFFEE0] =	vst v61  }
0x18d: {  	[tilespmem:s23+$0xFFFFFF60] =	vst v15;
	v7 =	vld.idx.msk [tilespmem:v7+s26+$0x0], $0xffff  }
0x18e: {  	v6 =	vld.idx.msk [tilespmem:v6+s26+$0x0], $0xffff;
	[tilespmem:s23+$0xFFFFFFE0] =	vst v14  }
0x18f: {  	v12 =	vadd.s32 v1, v12;
	v5 =	vld.idx.msk [tilespmem:v5+s26+$0x0], $0xffff;
	[tilespmem:s23+$0x60] =	vst v9  }
0x190: {  	v11 =	vadd.s32 v1, v11;
	v4 =	vld.idx.msk [tilespmem:v4+s26+$0x0], $0xffff;
	[tilespmem:s23+$0xE0] =	vst v10  }
0x191: {  	v9 =	vld.idx.msk [tilespmem:v13+s26+$0x0], $0xffff;
	[tilespmem:s23+$0x160] =	vst v8  }
0x192: {  	[tilespmem:s24+$0xFFFFFE70] =	vst v7  }
0x193: {  	[tilespmem:s24+$0xFFFFFEF0] =	vst v6  }
0x194: {  	v62 =	vld.idx.msk [tilespmem:v12+s26+$0x0], $0xffff;
	[tilespmem:s24+$0xFFFFFF70] =	vst v5  }
0x195: {  	v63 =	vld.idx.msk [tilespmem:v11+s26+$0x0], $0xffff;
	[tilespmem:s24+$0xFFFFFFF0] =	vst v4  }
0x196: {  	[tilespmem:s24+$0x70] =	vst v9  }
0x197: {  	s20 =	sadd.s32 $0x1, s20;
	s0 =	sld [smem:$0x7F0]  }
0x198: {  	p1 =	sne.s32 s20, $0x40  }
.Ltmp2:
0x199: {  	[tilespmem:s24+$0xF0] =	vst v62;
	(pc) =	sbr.rel @p1 .LBB2_2-.Ltmp2, $4  }
0x19a: {  	[tilespmem:s24+$0x170] =	vst v63;
	s0 =	sshll.u32 s0, $0xA  }
0x19b: {  	s11 =	rddreg [dreg:$0x5];
	s0 =	sand.u32 $0x1FFFFC00, s0  }
0x19c: {  	s1 =	simm.s32 $0x8000;
	s0 =	sadd.s32 s11, s0  }
0x19d: {  	[hbm4b:s0+s2] =	stream.linear.scatter [tilespmem:s1], [sflag:$0x4], $0x2000, $0x38;
	[tilespmem:$0x17700] =	vst v63  }
0x19e: {  	s0 =	simm.s32 $0x3  }
0x19f: {  	_ =	swait.ge [sflag:s0], $0x2000  }
0x1a0: {  	[sflag:s0] =	ssyncset.done $0x0  }
0x1a1: {  	s30 =	simm.s32 $0x4;
	[sflag:s0] =	ssyncadd.s32 $0xFFFFE000  }
0x1a2: {  	_ =	swait.ge [sflag:s30], $0x2000  }
0x1a3: {  	[sflag:s30] =	ssyncset.done $0x0  }
0x1a4: {  	s31 =	simm.s32 $0x1;
	[sflag:s30] =	ssyncadd.s32 $0xFFFFE000  }
0x1a5: {  	_ =	swait.ge [sflag:s31], $0x2000  }
0x1a6: {  	[sflag:s31] =	ssyncset.done $0x0  }
0x1a7: {  	[sflag:s31] =	ssyncadd.s32 $0xFFFFE000  }
0x1a8: {  	v4 =	vimm.f32 @!p0 $1.234567800e+07;
	[bflag:$0x0] =	sbarrier.arrive $0xFFFF  }
0x1a9: {  	[tilespmem:$0x17600] =	vst @!p0 v4  }
0x1aa: {  	[tilespmem:$0x17610] =	vst @!p0 v4  }
0x1ab: {  	[tilespmem:$0x17620] =	vst @!p0 v4  }
0x1ac: {  	[tilespmem:$0x17630] =	vst @!p0 v4  }
0x1ad: {  	[tilespmem:$0x17640] =	vst @!p0 v4  }
0x1ae: {  	[tilespmem:$0x17650] =	vst @!p0 v4  }
0x1af: {  	[tilespmem:$0x17660] =	vst @!p0 v4  }
0x1b0: {  	s1 =	simm.s32 @!p0 $0x17600;
	s0 =	simm.s32 @!p0 $0x0;
	[tilespmem:$0x17670] =	vst @!p0 v4;
	s3 =	rddreg [dreg:$0xa]  }
0x1b1: {  	[hbm4b:s3+s0] =	stream.linear.scatter @!p0 [tilespmem:s1], [sflag:$0x9], $0x80, $0x38;
	[tilespmem:$0x17700] =	vst v63  }
0x1b2: {  	s0 =	simm.s32 @!p0 $0x9  }
0x1b3: {  	_ =	swait.ge @!p0 [sflag:s0], $0x80  }
0x1b4: {  	s4 =	simm.s32 $0x9;
	[sflag:s0] =	ssyncset.done @!p0 $0x0  }
0x1b5: {  	s1 =	simm.s32 $0x17680;
	s3 =	rddreg [dreg:$0xb];
	[sflag:s0] =	ssyncadd.s32 @!p0 $0xFFFFFF80  }
.LBB2_8:
0x1b6: {  	[tilespmem:s1], [sflag:$0x9] =	stream.linear.gather [hbm4b:s3+s2], $0x80, $0x38;
	[tilespmem:$0x17700] =	vst v63  }
0x1b7: {  	_ =	swait.ge [sflag:s4], $0x80  }
0x1b8: {  	[sflag:s4] =	ssyncset.done $0x0  }
0x1b9: {  	[sflag:s4] =	ssyncadd.s32 $0xFFFFFF80  }
0x1ba: {  	v4 =	vld [tilespmem:$0x17680];
	_ =	sdelay $0x4  }
0x1bb: {  	vm0 =	veq.f32 v4, $1.234567800e+07  }
0x1bc: {  	v4 =	vsel vm0, $0x3F800000, v2  }
0x1bd: {  	(xrf0) =	vmin.scan.msk.f32 $0xffff, v4;
	_ =	sdelay $0x5  }
0x1be: {  	v4, _, _ =	vpop (xrf0)  }
0x1bf: {  	(v2sf) =	vpush v4, $0xF;
	_ =	sdelay $0xe  }
0x1c0: {  	s0 =	spop (v2sf)  }
0x1c1: {  	p1 =	sgt.f32 s0, $0.0e+00  }
.Ltmp3:
0x1c2: {  	_ = 	snop;
	(pc) =	sbr.rel @!p1 .LBB2_8-.Ltmp3, $1  }
0x1c3: {  	_ =	sdelay $0x3  }
0x1c4: {  	[bflag:$0x0] =	sbarrier.arrive $0xFFFF;
	v4 =	vimm.f32 @!p0 $0.0e+00  }
0x1c5: {  	[tilespmem:$0x17600] =	vst @!p0 v4  }
0x1c6: {  	[tilespmem:$0x17610] =	vst @!p0 v4  }
0x1c7: {  	[tilespmem:$0x17620] =	vst @!p0 v4  }
0x1c8: {  	[tilespmem:$0x17630] =	vst @!p0 v4  }
0x1c9: {  	[tilespmem:$0x17640] =	vst @!p0 v4  }
0x1ca: {  	[tilespmem:$0x17650] =	vst @!p0 v4  }
0x1cb: {  	[tilespmem:$0x17660] =	vst @!p0 v4  }
0x1cc: {  	s0 =	simm.s32 @!p0 $0x0;
	s1 =	simm.s32 @!p0 $0x17600;
	[tilespmem:$0x17670] =	vst @!p0 v4  }
0x1cd: {  	[hbm4b:s3+s0] =	stream.linear.scatter @!p0 [tilespmem:s1], [sflag:$0x9], $0x80, $0x38;
	[tilespmem:$0x17700] =	vst v63  }
0x1ce: {  	s0 =	simm.s32 @!p0 $0x9  }
0x1cf: {  	_ =	swait.ge @!p0 [sflag:s0], $0x80  }
0x1d0: {  	s5 =	simm.s32 $0x80;
	s7 =	simm.s32 $0x400;
	[sflag:s0] =	ssyncset.done @!p0 $0x0  }
0x1d1: {  	s23 =	simm.s32 $0xA000;
	s22 =	rddreg [dreg:$0xc];
	[sflag:s0] =	ssyncadd.s32 @!p0 $0xFFFFFF80  }
0x1d2: {  	[tilespmem:s23], [sflag:$0x9] =	stream.strided.gather [hbm4b:s22+s5], $0x200, s7, s5, $0x38;
	[tilespmem:$0x17700] =	vst v63  }
0x1d3: {  	_ =	swait.ge [sflag:s4], $0x200  }
0x1d4: {  	[sflag:s4] =	ssyncset.done $0x0  }
0x1d5: {  	s25 =	simm.s32 $0xA200;
	s24 =	rddreg [dreg:$0xd];
	[sflag:s4] =	ssyncadd.s32 $0xFFFFFE00  }
0x1d6: {  	[tilespmem:s25], [sflag:$0x9] =	stream.strided.gather [hbm4b:s24+s5], $0x200, s7, s5, $0x38;
	[tilespmem:$0x17700] =	vst v63  }
0x1d7: {  	_ =	swait.ge [sflag:s4], $0x200  }
0x1d8: {  	[sflag:s4] =	ssyncset.done $0x0  }
0x1d9: {  	s29 =	simm.s32 $0xA400;
	s28 =	rddreg [dreg:$0xe];
	[sflag:s4] =	ssyncadd.s32 $0xFFFFFE00  }
0x1da: {  	[tilespmem:s29], [sflag:$0x9] =	stream.strided.gather [hbm4b:s28+s5], $0x200, s7, s5, $0x38;
	[tilespmem:$0x17700] =	vst v63  }
0x1db: {  	_ =	swait.ge [sflag:s4], $0x200  }
0x1dc: {  	[sflag:s4] =	ssyncset.done $0x0  }
0x1dd: {  	s31 =	simm.s32 $0xA600;
	s30 =	rddreg [dreg:$0xf];
	[sflag:s4] =	ssyncadd.s32 $0xFFFFFE00  }
0x1de: {  	[tilespmem:s31], [sflag:$0x9] =	stream.strided.gather [hbm4b:s30+s5], $0x200, s7, s5, $0x38;
	[tilespmem:$0x17700] =	vst v63  }
0x1df: {  	_ =	swait.ge [sflag:s4], $0x200  }
0x1e0: {  	[sflag:s4] =	ssyncset.done $0x0  }
0x1e1: {  	s3 =	simm.s32 $0xA800;
	s1 =	rddreg [dreg:$0x10];
	[sflag:s4] =	ssyncadd.s32 $0xFFFFFE00  }
0x1e2: {  	[tilespmem:s3], [sflag:$0x9] =	stream.strided.gather [hbm4b:s1+s5], $0x200, s7, s5, $0x38;
	[tilespmem:$0x17700] =	vst v63  }
0x1e3: {  	_ =	swait.ge [sflag:s4], $0x200  }
0x1e4: {  	[sflag:s4] =	ssyncset.done $0x0  }
0x1e5: {  	s9 =	simm.s32 $0xAA00;
	s8 =	rddreg [dreg:$0x11];
	[sflag:s4] =	ssyncadd.s32 $0xFFFFFE00  }
0x1e6: {  	[tilespmem:s9], [sflag:$0x9] =	stream.strided.gather [hbm4b:s8+s5], $0x200, s7, s5, $0x38;
	[tilespmem:$0x17700] =	vst v63  }
0x1e7: {  	_ =	swait.ge [sflag:s4], $0x200  }
0x1e8: {  	[sflag:s4] =	ssyncset.done $0x0  }
0x1e9: {  	s12 =	simm.s32 $0xAC00;
	s10 =	rddreg [dreg:$0x12];
	[sflag:s4] =	ssyncadd.s32 $0xFFFFFE00  }
0x1ea: {  	[tilespmem:s12], [sflag:$0x9] =	stream.strided.gather [hbm4b:s10+s5], $0x200, s7, s5, $0x38;
	[tilespmem:$0x17700] =	vst v63  }
0x1eb: {  	_ =	swait.ge [sflag:s4], $0x200  }
0x1ec: {  	[sflag:s4] =	ssyncset.done $0x0  }
0x1ed: {  	s14 =	simm.s32 $0xAE00;
	s13 =	rddreg [dreg:$0x13];
	[sflag:s4] =	ssyncadd.s32 $0xFFFFFE00  }
0x1ee: {  	[tilespmem:s14], [sflag:$0x9] =	stream.strided.gather [hbm4b:s13+s5], $0x200, s7, s5, $0x38;
	[tilespmem:$0x17700] =	vst v63  }
0x1ef: {  	_ =	swait.ge [sflag:s4], $0x200  }
0x1f0: {  	[sflag:s4] =	ssyncset.done $0x0  }
0x1f1: {  	s16 =	simm.s32 $0xB000;
	s15 =	rddreg [dreg:$0x14];
	[sflag:s4] =	ssyncadd.s32 $0xFFFFFE00  }
0x1f2: {  	[tilespmem:s16], [sflag:$0x9] =	stream.strided.gather [hbm4b:s15+s5], $0x200, s7, s5, $0x38;
	[tilespmem:$0x17700] =	vst v63  }
0x1f3: {  	_ =	swait.ge [sflag:s4], $0x200  }
0x1f4: {  	[sflag:s4] =	ssyncset.done $0x0  }
0x1f5: {  	s19 =	simm.s32 $0xB200;
	s18 =	rddreg [dreg:$0x15];
	[sflag:s4] =	ssyncadd.s32 $0xFFFFFE00  }
0x1f6: {  	[tilespmem:s19], [sflag:$0x9] =	stream.strided.gather [hbm4b:s18+s5], $0x200, s7, s5, $0x38;
	[tilespmem:$0x17700] =	vst v63  }
0x1f7: {  	_ =	swait.ge [sflag:s4], $0x200  }
0x1f8: {  	[sflag:s4] =	ssyncset.done $0x0  }
0x1f9: {  	s21 =	simm.s32 $0xB400;
	s20 =	rddreg [dreg:$0x16];
	[sflag:s4] =	ssyncadd.s32 $0xFFFFFE00  }
0x1fa: {  	[tilespmem:s21], [sflag:$0x9] =	stream.strided.gather [hbm4b:s20+s5], $0x200, s7, s5, $0x38;
	[tilespmem:$0x17700] =	vst v63  }
0x1fb: {  	_ =	swait.ge [sflag:s4], $0x200  }
0x1fc: {  	[sflag:s4] =	ssyncset.done $0x0  }
0x1fd: {  	s23 =	simm.s32 $0xB600;
	s22 =	rddreg [dreg:$0x17];
	[sflag:s4] =	ssyncadd.s32 $0xFFFFFE00  }
0x1fe: {  	[tilespmem:s23], [sflag:$0x9] =	stream.strided.gather [hbm4b:s22+s5], $0x200, s7, s5, $0x38;
	[tilespmem:$0x17700] =	vst v63  }
0x1ff: {  	_ =	swait.ge [sflag:s4], $0x200  }
0x200: {  	[sflag:s4] =	ssyncset.done $0x0  }
0x201: {  	s25 =	simm.s32 $0xB800;
	s24 =	rddreg [dreg:$0x19];
	[sflag:s4] =	ssyncadd.s32 $0xFFFFFE00  }
0x202: {  	[tilespmem:s25], [sflag:$0x9] =	stream.strided.gather [hbm4b:s24+s5], $0x200, s7, s5, $0x38;
	[tilespmem:$0x17700] =	vst v63  }
0x203: {  	_ =	swait.ge [sflag:s4], $0x200  }
0x204: {  	[sflag:s4] =	ssyncset.done $0x0  }
0x205: {  	s29 =	simm.s32 $0xBA00;
	s28 =	rddreg [dreg:$0x1a];
	[sflag:s4] =	ssyncadd.s32 $0xFFFFFE00  }
0x206: {  	[tilespmem:s29], [sflag:$0x9] =	stream.strided.gather [hbm4b:s28+s5], $0x200, s7, s5, $0x38;
	[tilespmem:$0x17700] =	vst v63  }
0x207: {  	_ =	swait.ge [sflag:s4], $0x200  }
0x208: {  	[sflag:s4] =	ssyncset.done $0x0  }
0x209: {  	s31 =	simm.s32 $0xBC00;
	s30 =	rddreg [dreg:$0x1c];
	[sflag:s4] =	ssyncadd.s32 $0xFFFFFE00  }
0x20a: {  	[tilespmem:s31], [sflag:$0x9] =	stream.strided.gather [hbm4b:s30+s5], $0x200, s7, s5, $0x38;
	[tilespmem:$0x17700] =	vst v63  }
0x20b: {  	_ =	swait.ge [sflag:s4], $0x200  }
0x20c: {  	[sflag:s4] =	ssyncset.done $0x0  }
0x20d: {  	s3 =	simm.s32 $0xBE00;
	s1 =	rddreg [dreg:$0x1d];
	[sflag:s4] =	ssyncadd.s32 $0xFFFFFE00  }
0x20e: {  	[tilespmem:s3], [sflag:$0x9] =	stream.strided.gather [hbm4b:s1+s5], $0x200, s7, s5, $0x38;
	[tilespmem:$0x17700] =	vst v63  }
0x20f: {  	_ =	swait.ge [sflag:s4], $0x200  }
0x210: {  	[sflag:s4] =	ssyncset.done $0x0  }
0x211: {  	s9 =	simm.s32 $0xC000;
	s8 =	rddreg [dreg:$0x1e];
	[sflag:s4] =	ssyncadd.s32 $0xFFFFFE00  }
0x212: {  	[tilespmem:s9], [sflag:$0x9] =	stream.strided.gather [hbm4b:s8+s5], $0x200, s7, s5, $0x38;
	[tilespmem:$0x17700] =	vst v63  }
0x213: {  	_ =	swait.ge [sflag:s4], $0x200  }
0x214: {  	[sflag:s4] =	ssyncset.done $0x0  }
0x215: {  	s12 =	simm.s32 $0xC200;
	s10 =	rddreg [dreg:$0x1f];
	[sflag:s4] =	ssyncadd.s32 $0xFFFFFE00  }
0x216: {  	[tilespmem:s12], [sflag:$0x9] =	stream.strided.gather [hbm4b:s10+s5], $0x200, s7, s5, $0x38;
	[tilespmem:$0x17700] =	vst v63  }
0x217: {  	_ =	swait.ge [sflag:s4], $0x200  }
0x218: {  	s13 =	sld [smem:$0x7F2]  }
0x219: {  	[sflag:s4] =	ssyncset.done $0x0  }
0x21a: {  	s14 =	simm.s32 $0xC400;
	[sflag:s4] =	ssyncadd.s32 $0xFFFFFE00  }
0x21b: {  	[tilespmem:s14], [sflag:$0x9] =	stream.strided.gather [hbm4b:s13+s5], $0x200, s7, s5, $0x38;
	[tilespmem:$0x17700] =	vst v63  }
0x21c: {  	_ =	swait.ge [sflag:s4], $0x200  }
0x21d: {  	s15 =	sld [smem:$0x7F3]  }
0x21e: {  	[sflag:s4] =	ssyncset.done $0x0  }
0x21f: {  	s16 =	simm.s32 $0xC600;
	[sflag:s4] =	ssyncadd.s32 $0xFFFFFE00  }
0x220: {  	[tilespmem:s16], [sflag:$0x9] =	stream.strided.gather [hbm4b:s15+s5], $0x200, s7, s5, $0x38;
	[tilespmem:$0x17700] =	vst v63  }
0x221: {  	_ =	swait.ge [sflag:s4], $0x200  }
0x222: {  	s18 =	sld [smem:$0x7F4]  }
0x223: {  	[sflag:s4] =	ssyncset.done $0x0  }
0x224: {  	s19 =	simm.s32 $0xC800;
	[sflag:s4] =	ssyncadd.s32 $0xFFFFFE00  }
0x225: {  	[tilespmem:s19], [sflag:$0x9] =	stream.strided.gather [hbm4b:s18+s5], $0x200, s7, s5, $0x38;
	[tilespmem:$0x17700] =	vst v63  }
0x226: {  	_ =	swait.ge [sflag:s4], $0x200  }
0x227: {  	s20 =	sld [smem:$0x7F5]  }
0x228: {  	[sflag:s4] =	ssyncset.done $0x0  }
0x229: {  	s21 =	simm.s32 $0xCA00;
	[sflag:s4] =	ssyncadd.s32 $0xFFFFFE00  }
0x22a: {  	[tilespmem:s21], [sflag:$0x9] =	stream.strided.gather [hbm4b:s20+s5], $0x200, s7, s5, $0x38;
	[tilespmem:$0x17700] =	vst v63  }
0x22b: {  	_ =	swait.ge [sflag:s4], $0x200  }
0x22c: {  	s22 =	sld [smem:$0x7F6]  }
0x22d: {  	[sflag:s4] =	ssyncset.done $0x0  }
0x22e: {  	s23 =	simm.s32 $0xCC00;
	[sflag:s4] =	ssyncadd.s32 $0xFFFFFE00  }
0x22f: {  	[tilespmem:s23], [sflag:$0x9] =	stream.strided.gather [hbm4b:s22+s5], $0x200, s7, s5, $0x38;
	[tilespmem:$0x17700] =	vst v63  }
0x230: {  	_ =	swait.ge [sflag:s4], $0x200  }
0x231: {  	s24 =	sld [smem:$0x7F7]  }
0x232: {  	[sflag:s4] =	ssyncset.done $0x0  }
0x233: {  	s25 =	simm.s32 $0xCE00;
	[sflag:s4] =	ssyncadd.s32 $0xFFFFFE00  }
0x234: {  	[tilespmem:s25], [sflag:$0x9] =	stream.strided.gather [hbm4b:s24+s5], $0x200, s7, s5, $0x38;
	[tilespmem:$0x17700] =	vst v63  }
0x235: {  	_ =	swait.ge [sflag:s4], $0x200  }
0x236: {  	s28 =	sld [smem:$0x7F8]  }
0x237: {  	[sflag:s4] =	ssyncset.done $0x0  }
0x238: {  	s29 =	simm.s32 $0xD000;
	[sflag:s4] =	ssyncadd.s32 $0xFFFFFE00  }
0x239: {  	[tilespmem:s29], [sflag:$0x9] =	stream.strided.gather [hbm4b:s28+s5], $0x200, s7, s5, $0x38;
	[tilespmem:$0x17700] =	vst v63  }
0x23a: {  	_ =	swait.ge [sflag:s4], $0x200  }
0x23b: {  	s30 =	sld [smem:$0x7F9]  }
0x23c: {  	[sflag:s4] =	ssyncset.done $0x0  }
0x23d: {  	s31 =	simm.s32 $0xD200;
	[sflag:s4] =	ssyncadd.s32 $0xFFFFFE00  }
0x23e: {  	[tilespmem:s31], [sflag:$0x9] =	stream.strided.gather [hbm4b:s30+s5], $0x200, s7, s5, $0x38;
	[tilespmem:$0x17700] =	vst v63  }
0x23f: {  	_ =	swait.ge [sflag:s4], $0x200  }
0x240: {  	[sflag:s4] =	ssyncset.done $0x0  }
0x241: {  	[sflag:s4] =	ssyncadd.s32 $0xFFFFFE00  }
0x242: {  	v4 =	vld [tilespmem:$0xA000];
	_ =	sdelay $0x1  }
0x243: {  	v5 =	vld [tilespmem:$0xA010];
	_ =	sdelay $0x1  }
0x244: {  	v6 =	vld [tilespmem:$0xA020]  }
0x245: {  	v7 =	vshrl.u32 v4, $0x2;
	v4 =	vshll.u32 v4, $0x5  }
0x246: {  	v60 =	vld [tilespmem:$0xA030];
	[tilespmem:$0xD400] =	vst v7;
	v4 =	vand.u32 $0x60, v4  }
0x247: {  	[tilespmem:$0xD500] =	vst v4;
	v4 =	vshrl.u32 v5, $0x2;
	v5 =	vshll.u32 v5, $0x5  }
0x248: {  	[tilespmem:$0xD410] =	vst v4;
	v4 =	vand.u32 $0x60, v5;
	v5 =	vld [tilespmem:$0xA040]  }
0x249: {  	[tilespmem:$0xD510] =	vst v4;
	v4 =	vshrl.u32 v6, $0x2;
	v6 =	vshll.u32 v6, $0x5  }
0x24a: {  	v61 =	vld [tilespmem:$0xA050];
	[tilespmem:$0xD420] =	vst v4;
	v4 =	vand.u32 $0x60, v6  }
0x24b: {  	v7 =	vshll.u32 v60, $0x5;
	[tilespmem:$0xD520] =	vst v4;
	v4 =	vshrl.u32 v60, $0x2  }
0x24c: {  	v62 =	vld [tilespmem:$0xA060];
	[tilespmem:$0xD430] =	vst v4;
	v4 =	vand.u32 $0x60, v7  }
0x24d: {  	[tilespmem:$0xD530] =	vst v4;
	v4 =	vshrl.u32 v5, $0x2;
	v5 =	vshll.u32 v5, $0x5  }
0x24e: {  	[tilespmem:$0xD440] =	vst v4;
	v4 =	vand.u32 $0x60, v5;
	v5 =	vld [tilespmem:$0xA070]  }
0x24f: {  	v6 =	vshll.u32 v61, $0x5;
	[tilespmem:$0xD540] =	vst v4;
	v4 =	vshrl.u32 v61, $0x2  }
0x250: {  	[tilespmem:$0xD450] =	vst v4;
	v4 =	vand.u32 $0x60, v6  }
0x251: {  	v63 =	vshll.u32 v62, $0x5;
	[tilespmem:$0xD550] =	vst v4;
	v4 =	vshrl.u32 v62, $0x2  }
0x252: {  	[tilespmem:$0xD460] =	vst v4;
	v4 =	vand.u32 $0x60, v63  }
0x253: {  	[tilespmem:$0xD560] =	vst v4;
	v4 =	vshrl.u32 v5, $0x2;
	v5 =	vshll.u32 v5, $0x5  }
0x254: {  	s8 =	simm.s32 $0xD400;
	s9 =	simm.s32 $0x15600;
	s12 =	simm.s32 $0x16600;
	[tilespmem:$0xD470] =	vst v4;
	v4 =	vand.u32 $0x60, v5  }
0x255: {  	s13 =	simm.s32 $0xD480;
	s14 =	simm.s32 $0x5;
	s15 =	simm.s32 $0x7;
	[tilespmem:$0xD570] =	vst v4  }
0x256: {  	[tilespmem:s17], [sflag:$0x5] =	stream.indirect.gather [hbm4b:s11+s5], $0x80, s8, s5, $0xb8;
	[tilespmem:$0x17700] =	vst v63  }
0x257: {  	s16 =	simm.s32 $0x20000;
	s20 =	simm.s32 $0x0;
	s10 =	rddreg [dreg:$0x8]  }
0x258: {  	[hbm4b:s10+s20] =	stream.linear.scatter [tilespmem:s9], [sflag:$0x7], $0x1000, $0x38;
	[tilespmem:$0x17700] =	vst v63  }
0x259: {  	s18 =	simm.s32 $0x6;
	s19 =	simm.s32 $0x8;
	s4 =	rddreg [dreg:$0x18]  }
0x25a: {  	[hbm4b:s10+s20] =	stream.linear.scatter [tilespmem:s12], [sflag:$0x8], $0x1000, $0x38;
	[tilespmem:$0x17700] =	vst v63  }
.LBB2_10:
0x25b: {  	s0 =	sshll.u32 s20, $0x8  }
0x25c: {  	s24 =	sand.u32 $0x100, s0  }
0x25d: {  	s0 =	sand.u32 $0x3FFFFE00, s0;
	s21 =	sor.u32 $0x80, s24  }
0x25e: {  	s0 =	sor.u32 s21, s0  }
0x25f: {  	v4 =	vld [tilespmem:s0+$0xA000];
	_ =	sdelay $0x4  }
0x260: {  	v5 =	vshrl.u32 v4, $0x2;
	v4 =	vshll.u32 v4, $0x5  }
0x261: {  	[tilespmem:$0xD480] =	vst v5;
	v4 =	vand.u32 $0x60, v4  }
0x262: {  	[tilespmem:$0xD580] =	vst v4  }
0x263: {  	v4 =	vld [tilespmem:s0+$0xA010];
	_ =	sdelay $0x4  }
0x264: {  	v5 =	vshrl.u32 v4, $0x2;
	v4 =	vshll.u32 v4, $0x5  }
0x265: {  	[tilespmem:$0xD490] =	vst v5;
	v4 =	vand.u32 $0x60, v4  }
0x266: {  	[tilespmem:$0xD590] =	vst v4  }
0x267: {  	v4 =	vld [tilespmem:s0+$0xA020];
	_ =	sdelay $0x4  }
0x268: {  	v5 =	vshrl.u32 v4, $0x2;
	v4 =	vshll.u32 v4, $0x5  }
0x269: {  	[tilespmem:$0xD4A0] =	vst v5;
	v4 =	vand.u32 $0x60, v4  }
0x26a: {  	[tilespmem:$0xD5A0] =	vst v4  }
0x26b: {  	v4 =	vld [tilespmem:s0+$0xA030];
	_ =	sdelay $0x4  }
0x26c: {  	v5 =	vshrl.u32 v4, $0x2;
	v4 =	vshll.u32 v4, $0x5  }
0x26d: {  	[tilespmem:$0xD4B0] =	vst v5;
	v4 =	vand.u32 $0x60, v4  }
0x26e: {  	[tilespmem:$0xD5B0] =	vst v4  }
0x26f: {  	v4 =	vld [tilespmem:s0+$0xA040];
	_ =	sdelay $0x4  }
0x270: {  	v5 =	vshrl.u32 v4, $0x2;
	v4 =	vshll.u32 v4, $0x5  }
0x271: {  	[tilespmem:$0xD4C0] =	vst v5;
	v4 =	vand.u32 $0x60, v4  }
0x272: {  	[tilespmem:$0xD5C0] =	vst v4  }
0x273: {  	v4 =	vld [tilespmem:s0+$0xA050];
	_ =	sdelay $0x4  }
0x274: {  	v5 =	vshrl.u32 v4, $0x2;
	v4 =	vshll.u32 v4, $0x5  }
0x275: {  	[tilespmem:$0xD4D0] =	vst v5;
	v4 =	vand.u32 $0x60, v4  }
0x276: {  	[tilespmem:$0xD5D0] =	vst v4  }
0x277: {  	v4 =	vld [tilespmem:s0+$0xA060];
	_ =	sdelay $0x4  }
0x278: {  	v5 =	vshrl.u32 v4, $0x2;
	v4 =	vshll.u32 v4, $0x5  }
0x279: {  	[tilespmem:$0xD4E0] =	vst v5;
	v4 =	vand.u32 $0x60, v4  }
0x27a: {  	[tilespmem:$0xD5E0] =	vst v4  }
0x27b: {  	v4 =	vld [tilespmem:s0+$0xA070];
	_ =	sdelay $0x4  }
0x27c: {  	v5 =	vshrl.u32 v4, $0x2;
	v4 =	vshll.u32 v4, $0x5  }
0x27d: {  	[tilespmem:$0xD4F0] =	vst v5;
	v4 =	vand.u32 $0x60, v4  }
0x27e: {  	[tilespmem:$0xD5F0] =	vst v4  }
0x27f: {  	[tilespmem:s6], [sflag:$0x6] =	stream.indirect.gather [hbm4b:s11+s5], $0x80, s13, s5, $0xb8;
	[tilespmem:$0x17700] =	vst v63  }
0x280: {  	_ =	swait.ge [sflag:s14], $0x4000  }
0x281: {  	[sflag:s14] =	ssyncset.done $0x0  }
0x282: {  	[sflag:s14] =	ssyncadd.s32 $0xFFFFC000  }
0x283: {  	_ =	swait.ge [sflag:s15], $0x1000  }
0x284: {  	s23 =	sshrl.u32 s20, $0x1;
	[sflag:s15] =	ssyncset.done $0x0  }
0x285: {  	p1 =	por $0x1, $0x1;
	s25 =	simm.s32 $0x0;
	[sflag:s15] =	ssyncadd.s32 $0xFFFFF000  }
.LBB2_11:
0x286: {  	v5 =	vld [tilespmem:s25+$0xD500];
	_ =	sdelay $0x2  }
0x287: {  	v4 =	vmov s25  }
0x288: {  	s30 =	sor.u32 $0x20, s25;
	v4 =	vshll.u32 v4, $0x7  }
0x289: {  	v46 =	vmov s30;
	v4 =	vor.u32 v3, v4;
	v6 =	vand.u32 $0xFFFFFF80, v5  }
0x28a: {  	v7 =	vand.u32 $0x7F, v5;
	v8 =	vadd.s32 $0x1, v5;
	v63 =	vadd.s32 $0x2, v5  }
0x28b: {  	v14 =	vadd.s32 $0x3, v5;
	v10 =	vadd.s32 $0x4, v5;
	v19 =	vadd.s32 $0x5, v5  }
0x28c: {  	v22 =	vadd.s32 $0x6, v5;
	v26 =	vadd.s32 $0x7, v5;
	v29 =	vadd.s32 $0x8, v5  }
0x28d: {  	v31 =	vadd.s32 $0x9, v5;
	v33 =	vadd.s32 $0xA, v5;
	v37 =	vadd.s32 $0xB, v5  }
0x28e: {  	v39 =	vadd.s32 $0xC, v5;
	v43 =	vadd.s32 $0xD, v5;
	v58 =	vadd.s32 $0xE, v5  }
0x28f: {  	v6 =	vadd.s32 v4, v6;
	v61 =	vand.u32 $0xFFFFFF80, v8;
	v62 =	vand.u32 $0x7F, v8  }
0x290: {  	v12 =	vand.u32 $0xFFFFFF80, v63;
	v8 =	vand.u32 $0x7F, v63;
	v9 =	vand.u32 $0xFFFFFF80, v14  }
0x291: {  	v16 =	vand.u32 $0xFFFFFF80, v10;
	v18 =	vand.u32 $0x7F, v10;
	v21 =	vand.u32 $0xFFFFFF80, v19  }
0x292: {  	v25 =	vand.u32 $0xFFFFFF80, v22;
	v27 =	vand.u32 $0xFFFFFF80, v26;
	v28 =	vand.u32 $0x7F, v26  }
0x293: {  	v30 =	vand.u32 $0xFFFFFF80, v29;
	v32 =	vand.u32 $0xFFFFFF80, v31;
	v34 =	vand.u32 $0xFFFFFF80, v33  }
0x294: {  	v35 =	vand.u32 $0x7F, v33;
	v38 =	vand.u32 $0xFFFFFF80, v37;
	v41 =	vand.u32 $0xFFFFFF80, v39  }
0x295: {  	v13 =	vor.u32 v7, v6;
	v6 =	vadd.s32 v4, v61;
	v7 =	vand.u32 $0x7F, v14  }
0x296: {  	v9 =	vadd.s32 v4, v9;
	v15 =	vor.u32 v62, v6;
	v6 =	vadd.s32 v4, v12  }
0x297: {  	v17 =	vor.u32 v7, v9;
	v24 =	vor.u32 v8, v6;
	v6 =	vadd.s32 v4, v16  }
0x298: {  	v8 =	vand.u32 $0x7F, v19;
	v23 =	vor.u32 v18, v6;
	v6 =	vadd.s32 v4, v21  }
0x299: {  	v7 =	vand.u32 $0x7F, v22;
	v18 =	vor.u32 v8, v6;
	v6 =	vadd.s32 v4, v27  }
0x29a: {  	v8 =	vand.u32 $0x7F, v29;
	v22 =	vor.u32 v28, v6;
	v6 =	vadd.s32 v4, v30  }
0x29b: {  	v26 =	vand.u32 $0xFFFFFF80, v43;
	v36 =	vadd.s32 v4, v34;
	v21 =	vor.u32 v8, v6;
	v6 =	vld [tilespmem:s25+$0xD510]  }
0x29c: {  	v40 =	vadd.s32 v4, v38;
	v11 =	vadd.s32 v4, v41;
	v9 =	vadd.s32 v4, v25  }
0x29d: {  	s0 =	sor.u32 $0x10, s25;
	v20 =	vor.u32 v7, v9;
	v7 =	vand.u32 $0x7F, v31;
	v9 =	vadd.s32 v4, v32  }
0x29e: {  	v25 =	vmov s0;
	v19 =	vor.u32 v7, v9;
	v7 =	vld [tilespmem:s25+$0xD520];
	v8 =	vand.u32 $0x7F, v39  }
0x29f: {  	v42 =	vshll.u32 v25, $0x7;
	v9 =	vand.u32 $0x7F, v37;
	v12 =	vor.u32 v8, v11;
	v8 =	vld [tilespmem:s25+$0xD530]  }
0x2a0: {  	s31 =	sor.u32 $0x30, s25;
	v14 =	vor.u32 v9, v40;
	v9 =	vor.u32 v3, v42;
	v44 =	vand.u32 $0xFFFFFF80, v6  }
0x2a1: {  	v30 =	vmov s31;
	v45 =	vand.u32 $0x7F, v6;
	v10 =	vadd.s32 v9, v44  }
0x2a2: {  	v47 =	vshll.u32 v30, $0x7;
	v27 =	vor.u32 v45, v10;
	v10 =	vshll.u32 v46, $0x7  }
0x2a3: {  	v29 =	vand.u32 $0xFFFFFF80, v7;
	v31 =	vand.u32 $0x7F, v7;
	v11 =	vor.u32 v3, v10  }
0x2a4: {  	v48 =	vand.u32 $0xFFFFFF80, v8;
	v10 =	vor.u32 v3, v47;
	v29 =	vadd.s32 v11, v29  }
0x2a5: {  	v49 =	vand.u32 $0x7F, v8;
	v30 =	vadd.s32 v10, v48;
	v29 =	vor.u32 v31, v29  }
0x2a6: {  	v26 =	vadd.s32 v4, v26;
	v25 =	vand.u32 $0x7F, v43;
	v30 =	vor.u32 v49, v30  }
0x2a7: {  	v51 =	vld.idx.msk [tilespmem:v13+s17+$0x0], $0xffff;
	v13 =	vor.u32 v25, v26;
	v53 =	vadd.s32 $0x1, v7;
	v28 =	vadd.s32 $0x1, v6  }
0x2a8: {  	v55 =	vand.u32 $0xFFFFFF80, v53;
	v26 =	vand.u32 $0x7F, v53;
	v32 =	vand.u32 $0xFFFFFF80, v28  }
0x2a9: {  	v28 =	vand.u32 $0x7F, v28;
	v33 =	vadd.s32 $0x1, v8;
	v50 =	vadd.s32 v9, v32;
	v27 =	vld.idx.msk [tilespmem:v27+s17+$0x0], $0xffff  }
0x2aa: {  	v34 =	vand.u32 $0xFFFFFF80, v33;
	v52 =	vor.u32 v28, v50;
	v31 =	vadd.s32 v11, v55;
	v29 =	vld.idx.msk [tilespmem:v29+s17+$0x0], $0xffff  }
0x2ab: {  	v56 =	vand.u32 $0x7F, v33;
	v57 =	vadd.s32 v10, v34;
	v26 =	vor.u32 v26, v31;
	v30 =	vld.idx.msk [tilespmem:v30+s17+$0x0], $0xffff  }
0x2ac: {  	v62 =	vand.u32 $0xFFFFFF80, v58;
	v61 =	vadd.s32 $0x2, v7;
	v31 =	vor.u32 v56, v57  }
0x2ad: {  	v16 =	vor.u32 v35, v36;
	v63 =	vand.u32 $0xFFFFFF80, v61;
	[tilespmem:s25+$0x15600] =	vst v51;
	v54 =	vadd.s32 $0x2, v6  }
0x2ae: {  	v36 =	vand.u32 $0x7F, v61;
	v15 =	vld.idx.msk [tilespmem:v15+s17+$0x0], $0xffff;
	v39 =	vadd.s32 $0x3, v6;
	v59 =	vand.u32 $0xFFFFFF80, v54;
	[tilespmem:s25+$0x15610] =	vst v27  }
0x2af: {  	v37 =	vadd.s32 $0x2, v8;
	v60 =	vadd.s32 v9, v59;
	v28 =	vand.u32 $0x7F, v54;
	v25 =	vld.idx.msk [tilespmem:v52+s17+$0x0], $0xffff;
	[tilespmem:s25+$0x15620] =	vst v29  }
0x2b0: {  	v38 =	vand.u32 $0xFFFFFF80, v37;
	v28 =	vor.u32 v28, v60;
	v32 =	vadd.s32 v11, v63;
	[tilespmem:s25+$0x15630] =	vst v30;
	v26 =	vld.idx.msk [tilespmem:v26+s17+$0x0], $0xffff  }
0x2b1: {  	v33 =	vand.u32 $0x7F, v37;
	v29 =	vor.u32 v36, v32;
	v30 =	vadd.s32 v10, v38;
	v31 =	vld.idx.msk [tilespmem:v31+s17+$0x0], $0xffff  }
0x2b2: {  	v43 =	vadd.s32 $0xF, v5;
	v40 =	vand.u32 $0xFFFFFF80, v39;
	v30 =	vor.u32 v33, v30  }
0x2b3: {  	v41 =	vand.u32 $0x7F, v39;
	v42 =	vadd.s32 v9, v40;
	v45 =	vadd.s32 $0x3, v7;
	[tilespmem:s25+$0x15680] =	vst v15  }
0x2b4: {  	v44 =	vor.u32 v41, v42;
	v47 =	vand.u32 $0xFFFFFF80, v45;
	v48 =	vadd.s32 $0x3, v8;
	v24 =	vld.idx.msk [tilespmem:v24+s17+$0x0], $0xffff;
	[tilespmem:s25+$0x15690] =	vst v25  }
0x2b5: {  	v34 =	vand.u32 $0x7F, v58;
	v49 =	vand.u32 $0xFFFFFF80, v48;
	v27 =	vadd.s32 v4, v62;
	v28 =	vld.idx.msk [tilespmem:v28+s17+$0x0], $0xffff;
	[tilespmem:s25+$0x156A0] =	vst v26  }
0x2b6: {  	v15 =	vor.u32 v34, v27;
	v27 =	vand.u32 $0x7F, v45;
	v26 =	vadd.s32 v11, v47;
	[tilespmem:s25+$0x156B0] =	vst v31;
	v29 =	vld.idx.msk [tilespmem:v29+s17+$0x0], $0xffff  }
0x2b7: {  	v51 =	vand.u32 $0x7F, v48;
	v31 =	vadd.s32 v10, v49;
	v26 =	vor.u32 v27, v26;
	v50 =	vld.idx.msk [tilespmem:v30+s17+$0x0], $0xffff  }
0x2b8: {  	v39 =	vadd.s32 $0x5, v7;
	v46 =	vadd.s32 $0x4, v6;
	v30 =	vor.u32 v51, v31  }
0x2b9: {  	v40 =	vadd.s32 $0x10, v5;
	v53 =	vand.u32 $0xFFFFFF80, v46;
	v54 =	vand.u32 $0x7F, v46;
	[tilespmem:s25+$0x15700] =	vst v24  }
0x2ba: {  	v60 =	vadd.s32 $0x4, v8;
	v63 =	vadd.s32 $0x5, v6;
	v55 =	vadd.s32 $0x4, v7;
	v56 =	vld.idx.msk [tilespmem:v17+s17+$0x0], $0xffff;
	[tilespmem:s25+$0x15710] =	vst v28  }
0x2bb: {  	v58 =	vand.u32 $0xFFFFFF80, v55;
	v59 =	vand.u32 $0x7F, v55;
	v31 =	vadd.s32 v9, v53;
	v25 =	vld.idx.msk [tilespmem:v44+s17+$0x0], $0xffff;
	[tilespmem:s25+$0x15720] =	vst v29  }
0x2bc: {  	v62 =	vand.u32 $0xFFFFFF80, v60;
	v24 =	vor.u32 v54, v31;
	v31 =	vadd.s32 v11, v58;
	[tilespmem:s25+$0x15730] =	vst v50;
	v26 =	vld.idx.msk [tilespmem:v26+s17+$0x0], $0xffff  }
0x2bd: {  	v32 =	vand.u32 $0x7F, v60;
	v27 =	vadd.s32 v10, v62;
	v29 =	vor.u32 v59, v31;
	v30 =	vld.idx.msk [tilespmem:v30+s17+$0x0], $0xffff  }
0x2be: {  	v42 =	vand.u32 $0xFFFFFF80, v39;
	v37 =	vand.u32 $0x7F, v63;
	v27 =	vor.u32 v32, v27  }
0x2bf: {  	v57 =	vand.u32 $0x7F, v43;
	v55 =	vadd.s32 $0x6, v8;
	v52 =	vand.u32 $0xFFFFFF80, v43;
	[tilespmem:s25+$0x15780] =	vst v56  }
0x2c0: {  	v43 =	vand.u32 $0x7F, v39;
	v45 =	vand.u32 $0xFFFFFF80, v40;
	v36 =	vand.u32 $0xFFFFFF80, v63;
	v23 =	vld.idx.msk [tilespmem:v23+s17+$0x0], $0xffff;
	[tilespmem:s25+$0x15790] =	vst v25  }
0x2c1: {  	v34 =	vadd.s32 $0xA, v7;
	v38 =	vadd.s32 v9, v36;
	v44 =	vadd.s32 $0x5, v8;
	v24 =	vld.idx.msk [tilespmem:v24+s17+$0x0], $0xffff;
	[tilespmem:s25+$0x157A0] =	vst v26  }
0x2c2: {  	v41 =	vor.u32 v37, v38;
	v28 =	vadd.s32 v11, v42;
	v46 =	vand.u32 $0xFFFFFF80, v44;
	[tilespmem:s25+$0x157B0] =	vst v30;
	v29 =	vld.idx.msk [tilespmem:v29+s17+$0x0], $0xffff  }
0x2c3: {  	v31 =	vand.u32 $0x7F, v44;
	v26 =	vor.u32 v43, v28;
	v28 =	vadd.s32 v10, v46;
	v27 =	vld.idx.msk [tilespmem:v27+s17+$0x0], $0xffff  }
0x2c4: {  	v61 =	vadd.s32 v4, v52;
	v52 =	vadd.s32 $0x6, v7;
	v28 =	vor.u32 v31, v28  }
0x2c5: {  	v17 =	vor.u32 v57, v61;
	v57 =	vand.u32 $0x7F, v55;
	v47 =	vadd.s32 $0x6, v6;
	[tilespmem:s25+$0x15800] =	vst v23  }
0x2c6: {  	v60 =	vadd.s32 $0x7, v7;
	v56 =	vand.u32 $0xFFFFFF80, v55;
	v48 =	vand.u32 $0xFFFFFF80, v47;
	v50 =	vld.idx.msk [tilespmem:v18+s17+$0x0], $0xffff;
	[tilespmem:s25+$0x15810] =	vst v24  }
0x2c7: {  	v54 =	vand.u32 $0xFFFFFF80, v52;
	v30 =	vand.u32 $0x7F, v47;
	v31 =	vadd.s32 v9, v48;
	v25 =	vld.idx.msk [tilespmem:v41+s17+$0x0], $0xffff;
	[tilespmem:s25+$0x15820] =	vst v29  }
0x2c8: {  	v51 =	vor.u32 v30, v31;
	v24 =	vand.u32 $0x7F, v52;
	v29 =	vadd.s32 v11, v54;
	[tilespmem:s25+$0x15830] =	vst v27;
	v26 =	vld.idx.msk [tilespmem:v26+s17+$0x0], $0xffff  }
0x2c9: {  	v33 =	vand.u32 $0x7F, v40;
	v27 =	vadd.s32 v10, v56;
	v24 =	vor.u32 v24, v29;
	v28 =	vld.idx.msk [tilespmem:v28+s17+$0x0], $0xffff  }
0x2ca: {  	v63 =	vand.u32 $0x7F, v60;
	v36 =	vadd.s32 $0x7, v8;
	v27 =	vor.u32 v57, v27  }
0x2cb: {  	v37 =	vand.u32 $0xFFFFFF80, v36;
	v38 =	vadd.s32 $0x8, v6;
	v53 =	vadd.s32 $0x7, v6;
	[tilespmem:s25+$0x15880] =	vst v50  }
0x2cc: {  	v39 =	vand.u32 $0xFFFFFF80, v38;
	v40 =	vand.u32 $0x7F, v38;
	v59 =	vand.u32 $0xFFFFFF80, v53;
	v20 =	vld.idx.msk [tilespmem:v20+s17+$0x0], $0xffff;
	[tilespmem:s25+$0x15890] =	vst v25  }
0x2cd: {  	v62 =	vand.u32 $0xFFFFFF80, v60;
	v30 =	vand.u32 $0x7F, v53;
	v29 =	vadd.s32 v9, v59;
	v23 =	vld.idx.msk [tilespmem:v51+s17+$0x0], $0xffff;
	[tilespmem:s25+$0x158A0] =	vst v26  }
0x2ce: {  	v58 =	vadd.s32 $0x11, v5;
	v29 =	vor.u32 v30, v29;
	v30 =	vadd.s32 v11, v62;
	[tilespmem:s25+$0x158B0] =	vst v28;
	v24 =	vld.idx.msk [tilespmem:v24+s17+$0x0], $0xffff  }
0x2cf: {  	v32 =	vand.u32 $0x7F, v36;
	v26 =	vor.u32 v63, v30;
	v28 =	vadd.s32 v10, v37;
	v27 =	vld.idx.msk [tilespmem:v27+s17+$0x0], $0xffff  }
0x2d0: {  	v49 =	vadd.s32 v4, v45;
	v61 =	vand.u32 $0xFFFFFF80, v58;
	v28 =	vor.u32 v32, v28  }
0x2d1: {  	v18 =	vor.u32 v33, v49;
	v44 =	vadd.s32 $0x8, v7;
	v47 =	vadd.s32 $0x8, v8;
	[tilespmem:s25+$0x15900] =	vst v20  }
0x2d2: {  	v46 =	vand.u32 $0xFFFFFF80, v44;
	v48 =	vand.u32 $0xFFFFFF80, v47;
	v41 =	vadd.s32 v9, v39;
	v22 =	vld.idx.msk [tilespmem:v22+s17+$0x0], $0xffff;
	[tilespmem:s25+$0x15910] =	vst v23  }
0x2d3: {  	v31 =	vand.u32 $0x7F, v58;
	v43 =	vor.u32 v40, v41;
	v25 =	vadd.s32 v4, v61;
	v29 =	vld.idx.msk [tilespmem:v29+s17+$0x0], $0xffff;
	[tilespmem:s25+$0x15920] =	vst v24  }
0x2d4: {  	v20 =	vor.u32 v31, v25;
	v25 =	vand.u32 $0x7F, v44;
	v24 =	vadd.s32 v11, v46;
	[tilespmem:s25+$0x15930] =	vst v27;
	v26 =	vld.idx.msk [tilespmem:v26+s17+$0x0], $0xffff  }
0x2d5: {  	v50 =	vand.u32 $0x7F, v47;
	v27 =	vadd.s32 v10, v48;
	v24 =	vor.u32 v25, v24;
	v49 =	vld.idx.msk [tilespmem:v28+s17+$0x0], $0xffff  }
0x2d6: {  	v35 =	vadd.s32 $0x13, v5;
	v38 =	vand.u32 $0x7F, v34;
	v27 =	vor.u32 v50, v27  }
0x2d7: {  	v45 =	vadd.s32 $0x9, v6;
	v42 =	vadd.s32 $0x12, v5;
	v54 =	vadd.s32 $0x9, v7;
	[tilespmem:s25+$0x15980] =	vst v22  }
0x2d8: {  	v53 =	vand.u32 $0x7F, v45;
	v52 =	vand.u32 $0xFFFFFF80, v45;
	v57 =	vand.u32 $0xFFFFFF80, v54;
	v55 =	vld.idx.msk [tilespmem:v21+s17+$0x0], $0xffff;
	[tilespmem:s25+$0x15990] =	vst v29  }
0x2d9: {  	v58 =	vand.u32 $0x7F, v54;
	v59 =	vadd.s32 $0x9, v8;
	v28 =	vadd.s32 v9, v52;
	v23 =	vld.idx.msk [tilespmem:v43+s17+$0x0], $0xffff;
	[tilespmem:s25+$0x159A0] =	vst v26  }
0x2da: {  	v61 =	vand.u32 $0xFFFFFF80, v59;
	v22 =	vor.u32 v53, v28;
	v28 =	vadd.s32 v11, v57;
	[tilespmem:s25+$0x159B0] =	vst v49;
	v24 =	vld.idx.msk [tilespmem:v24+s17+$0x0], $0xffff  }
0x2db: {  	v30 =	vand.u32 $0x7F, v59;
	v25 =	vadd.s32 v10, v61;
	v26 =	vor.u32 v58, v28;
	v27 =	vld.idx.msk [tilespmem:v27+s17+$0x0], $0xffff  }
0x2dc: {  	v47 =	vadd.s32 $0xB, v7;
	v39 =	vadd.s32 $0xA, v8;
	v25 =	vor.u32 v30, v25  }
0x2dd: {  	v40 =	vand.u32 $0xFFFFFF80, v35;
	v41 =	vand.u32 $0xFFFFFF80, v39;
	v62 =	vadd.s32 $0xA, v6;
	[tilespmem:s25+$0x15A00] =	vst v55  }
0x2de: {  	v56 =	vand.u32 $0x7F, v42;
	v54 =	vadd.s32 $0x14, v5;
	v63 =	vand.u32 $0xFFFFFF80, v62;
	v19 =	vld.idx.msk [tilespmem:v19+s17+$0x0], $0xffff;
	[tilespmem:s25+$0x15A10] =	vst v23  }
0x2df: {  	v37 =	vand.u32 $0xFFFFFF80, v34;
	v33 =	vadd.s32 v9, v63;
	v28 =	vand.u32 $0x7F, v62;
	v22 =	vld.idx.msk [tilespmem:v22+s17+$0x0], $0xffff;
	[tilespmem:s25+$0x15A20] =	vst v24  }
0x2e0: {  	v51 =	vand.u32 $0xFFFFFF80, v42;
	v36 =	vor.u32 v28, v33;
	v28 =	vadd.s32 v11, v37;
	[tilespmem:s25+$0x15A30] =	vst v27;
	v26 =	vld.idx.msk [tilespmem:v26+s17+$0x0], $0xffff  }
0x2e1: {  	v29 =	vand.u32 $0x7F, v39;
	v24 =	vor.u32 v38, v28;
	v27 =	vadd.s32 v10, v41;
	v25 =	vld.idx.msk [tilespmem:v25+s17+$0x0], $0xffff  }
0x2e2: {  	v42 =	vadd.s32 $0xB, v6;
	v31 =	vand.u32 $0x7F, v35;
	v27 =	vor.u32 v29, v27  }
0x2e3: {  	v44 =	vadd.s32 v4, v40;
	v35 =	vadd.s32 $0x15, v5;
	v50 =	vadd.s32 $0xB, v8;
	[tilespmem:s25+$0x15A80] =	vst v19  }
0x2e4: {  	v60 =	vadd.s32 v4, v51;
	v51 =	vand.u32 $0xFFFFFF80, v50;
	v43 =	vand.u32 $0xFFFFFF80, v42;
	v45 =	vld.idx.msk [tilespmem:v16+s17+$0x0], $0xffff;
	[tilespmem:s25+$0x15A90] =	vst v22  }
0x2e5: {  	v49 =	vand.u32 $0xFFFFFF80, v47;
	v28 =	vand.u32 $0x7F, v42;
	v29 =	vadd.s32 v9, v43;
	v23 =	vld.idx.msk [tilespmem:v36+s17+$0x0], $0xffff;
	[tilespmem:s25+$0x15AA0] =	vst v26  }
0x2e6: {  	v46 =	vor.u32 v28, v29;
	v22 =	vand.u32 $0x7F, v47;
	v26 =	vadd.s32 v11, v49;
	[tilespmem:s25+$0x15AB0] =	vst v25;
	v24 =	vld.idx.msk [tilespmem:v24+s17+$0x0], $0xffff  }
0x2e7: {  	v53 =	vand.u32 $0x7F, v50;
	v25 =	vadd.s32 v10, v51;
	v22 =	vor.u32 v22, v26;
	v52 =	vld.idx.msk [tilespmem:v27+s17+$0x0], $0xffff  }
0x2e8: {  	v40 =	vadd.s32 $0xD, v8;
	v21 =	vor.u32 v56, v60;
	v25 =	vor.u32 v53, v25  }
0x2e9: {  	v56 =	vadd.s32 $0xC, v7;
	v60 =	vadd.s32 $0xC, v8;
	v48 =	vadd.s32 $0xC, v6;
	[tilespmem:s25+$0x15B00] =	vst v45  }
0x2ea: {  	v59 =	vand.u32 $0x7F, v56;
	v55 =	vand.u32 $0xFFFFFF80, v48;
	v61 =	vand.u32 $0xFFFFFF80, v60;
	v14 =	vld.idx.msk [tilespmem:v14+s17+$0x0], $0xffff;
	[tilespmem:s25+$0x15B10] =	vst v23  }
0x2eb: {  	v58 =	vand.u32 $0xFFFFFF80, v56;
	v28 =	vand.u32 $0x7F, v48;
	v27 =	vadd.s32 v9, v55;
	v19 =	vld.idx.msk [tilespmem:v46+s17+$0x0], $0xffff;
	[tilespmem:s25+$0x15B20] =	vst v24  }
0x2ec: {  	v57 =	vand.u32 $0xFFFFFF80, v54;
	v27 =	vor.u32 v28, v27;
	v28 =	vadd.s32 v11, v58;
	[tilespmem:s25+$0x15B30] =	vst v52;
	v22 =	vld.idx.msk [tilespmem:v22+s17+$0x0], $0xffff  }
0x2ed: {  	v30 =	vand.u32 $0x7F, v60;
	v26 =	vadd.s32 v10, v61;
	v24 =	vor.u32 v59, v28;
	v25 =	vld.idx.msk [tilespmem:v25+s17+$0x0], $0xffff  }
0x2ee: {  	v60 =	vadd.s32 $0x16, v5;
	v62 =	vadd.s32 $0xD, v6;
	v26 =	vor.u32 v30, v26  }
0x2ef: {  	v63 =	vand.u32 $0xFFFFFF80, v62;
	v33 =	vand.u32 $0x7F, v62;
	v37 =	vadd.s32 $0xD, v7;
	[tilespmem:s25+$0x15B80] =	vst v14  }
0x2f0: {  	v34 =	vadd.s32 v9, v63;
	v39 =	vand.u32 $0xFFFFFF80, v37;
	v41 =	vand.u32 $0xFFFFFF80, v40;
	v12 =	vld.idx.msk [tilespmem:v12+s17+$0x0], $0xffff;
	[tilespmem:s25+$0x15B90] =	vst v19  }
0x2f1: {  	v29 =	vand.u32 $0x7F, v54;
	v36 =	vor.u32 v33, v34;
	v23 =	vadd.s32 v4, v57;
	v27 =	vld.idx.msk [tilespmem:v27+s17+$0x0], $0xffff;
	[tilespmem:s25+$0x15BA0] =	vst v22  }
0x2f2: {  	v14 =	vor.u32 v29, v23;
	v23 =	vand.u32 $0x7F, v37;
	v22 =	vadd.s32 v11, v39;
	[tilespmem:s25+$0x15BB0] =	vst v25;
	v24 =	vld.idx.msk [tilespmem:v24+s17+$0x0], $0xffff  }
0x2f3: {  	v43 =	vand.u32 $0x7F, v40;
	v25 =	vadd.s32 v10, v41;
	v22 =	vor.u32 v23, v22;
	v42 =	vld.idx.msk [tilespmem:v26+s17+$0x0], $0xffff  }
0x2f4: {  	v16 =	vor.u32 v31, v44;
	v38 =	vadd.s32 $0xE, v6;
	v25 =	vor.u32 v43, v25  }
0x2f5: {  	v44 =	vand.u32 $0xFFFFFF80, v35;
	v45 =	vand.u32 $0xFFFFFF80, v38;
	v47 =	vadd.s32 $0xE, v7;
	[tilespmem:s25+$0x15C00] =	vst v12  }
0x2f6: {  	v48 =	vand.u32 $0x7F, v35;
	v50 =	vand.u32 $0x7F, v47;
	v49 =	vand.u32 $0xFFFFFF80, v47;
	v13 =	vld.idx.msk [tilespmem:v13+s17+$0x0], $0xffff;
	[tilespmem:s25+$0x15C10] =	vst v27  }
0x2f7: {  	v51 =	vadd.s32 $0xE, v8;
	v46 =	vand.u32 $0x7F, v38;
	v26 =	vadd.s32 v9, v45;
	v19 =	vld.idx.msk [tilespmem:v36+s17+$0x0], $0xffff;
	[tilespmem:s25+$0x15C20] =	vst v24  }
0x2f8: {  	v53 =	vand.u32 $0xFFFFFF80, v51;
	v12 =	vadd.s32 v11, v49;
	v26 =	vor.u32 v46, v26;
	[tilespmem:s25+$0x15C30] =	vst v42;
	v22 =	vld.idx.msk [tilespmem:v22+s17+$0x0], $0xffff  }
0x2f9: {  	v55 =	vadd.s32 v10, v53;
	v28 =	vand.u32 $0x7F, v51;
	v24 =	vor.u32 v50, v12;
	v25 =	vld.idx.msk [tilespmem:v25+s17+$0x0], $0xffff  }
0x2fa: {  	v54 =	vadd.s32 $0xF, v6;
	v33 =	vadd.s32 $0xF, v8;
	v28 =	vor.u32 v28, v55  }
0x2fb: {  	v56 =	vand.u32 $0xFFFFFF80, v54;
	v34 =	vand.u32 $0xFFFFFF80, v60;
	v35 =	vand.u32 $0xFFFFFF80, v33;
	[tilespmem:s25+$0x15C80] =	vst v13  }
0x2fc: {  	v58 =	vadd.s32 v9, v56;
	v57 =	vand.u32 $0x7F, v54;
	v59 =	vadd.s32 $0xF, v7;
	v15 =	vld.idx.msk [tilespmem:v15+s17+$0x0], $0xffff;
	[tilespmem:s25+$0x15C90] =	vst v19  }
0x2fd: {  	v53 =	vadd.s32 $0x11, v7;
	v61 =	vor.u32 v57, v58;
	v62 =	vand.u32 $0xFFFFFF80, v59;
	v63 =	vld.idx.msk [tilespmem:v26+s17+$0x0], $0xffff;
	[tilespmem:s25+$0x15CA0] =	vst v22  }
0x2fe: {  	v29 =	vand.u32 $0x7F, v60;
	v32 =	vand.u32 $0x7F, v59;
	v13 =	vadd.s32 v11, v62;
	[tilespmem:s25+$0x15CB0] =	vst v25;
	v24 =	vld.idx.msk [tilespmem:v24+s17+$0x0], $0xffff  }
0x2ff: {  	v26 =	vand.u32 $0x7F, v33;
	v22 =	vor.u32 v32, v13;
	v13 =	vadd.s32 v10, v35;
	v28 =	vld.idx.msk [tilespmem:v28+s17+$0x0], $0xffff  }
0x300: {  	v38 =	vadd.s32 v4, v34;
	v52 =	vadd.s32 v4, v44;
	v26 =	vor.u32 v26, v13  }
0x301: {  	v44 =	vadd.s32 $0x10, v8;
	v41 =	vadd.s32 $0x10, v7;
	v36 =	vadd.s32 $0x10, v6;
	[tilespmem:s25+$0x15D00] =	vst v15  }
0x302: {  	v47 =	vand.u32 $0x7F, v44;
	v43 =	vand.u32 $0xFFFFFF80, v41;
	v37 =	vand.u32 $0xFFFFFF80, v36;
	v17 =	vld.idx.msk [tilespmem:v17+s17+$0x0], $0xffff;
	[tilespmem:s25+$0x15D10] =	vst v63  }
0x303: {  	v23 =	vand.u32 $0x7F, v41;
	v39 =	vadd.s32 v9, v37;
	v25 =	vand.u32 $0x7F, v36;
	v19 =	vld.idx.msk [tilespmem:v61+s17+$0x0], $0xffff;
	[tilespmem:s25+$0x15D20] =	vst v24  }
0x304: {  	v45 =	vand.u32 $0xFFFFFF80, v44;
	v40 =	vor.u32 v25, v39;
	v24 =	vadd.s32 v11, v43;
	[tilespmem:s25+$0x15D30] =	vst v28;
	v22 =	vld.idx.msk [tilespmem:v22+s17+$0x0], $0xffff  }
0x305: {  	v12 =	vor.u32 v48, v52;
	v48 =	vadd.s32 v10, v45;
	v23 =	vor.u32 v23, v24;
	v46 =	vld.idx.msk [tilespmem:v26+s17+$0x0], $0xffff  }
0x306: {  	v57 =	vand.u32 $0x7F, v53;
	v49 =	vadd.s32 $0x17, v5;
	v26 =	vor.u32 v47, v48  }
0x307: {  	v34 =	vadd.s32 $0x12, v7;
	v54 =	vand.u32 $0xFFFFFF80, v49;
	v42 =	vadd.s32 $0x11, v6;
	[tilespmem:s25+$0x15D80] =	vst v17  }
0x308: {  	v60 =	vand.u32 $0x7F, v49;
	v55 =	vand.u32 $0xFFFFFF80, v53;
	v50 =	vand.u32 $0xFFFFFF80, v42;
	v18 =	vld.idx.msk [tilespmem:v18+s17+$0x0], $0xffff;
	[tilespmem:s25+$0x15D90] =	vst v19  }
0x309: {  	v59 =	vadd.s32 $0x11, v8;
	v51 =	vand.u32 $0x7F, v42;
	v52 =	vadd.s32 v9, v50;
	v56 =	vld.idx.msk [tilespmem:v40+s17+$0x0], $0xffff;
	[tilespmem:s25+$0x15DA0] =	vst v22  }
0x30a: {  	v58 =	vadd.s32 v11, v55;
	v17 =	vor.u32 v51, v52;
	v61 =	vand.u32 $0xFFFFFF80, v59;
	[tilespmem:s25+$0x15DB0] =	vst v46;
	v23 =	vld.idx.msk [tilespmem:v23+s17+$0x0], $0xffff  }
0x30b: {  	v25 =	vand.u32 $0x7F, v59;
	v15 =	vadd.s32 v10, v61;
	v22 =	vor.u32 v57, v58;
	v26 =	vld.idx.msk [tilespmem:v26+s17+$0x0], $0xffff  }
0x30c: {  	v55 =	vadd.s32 $0x14, v7;
	v62 =	vadd.s32 $0x12, v6;
	v25 =	vor.u32 v25, v15  }
0x30d: {  	v31 =	vand.u32 $0x7F, v62;
	v37 =	vadd.s32 $0x12, v8;
	v63 =	vand.u32 $0xFFFFFF80, v62;
	[tilespmem:s25+$0x15E00] =	vst v18  }
0x30e: {  	v36 =	vand.u32 $0xFFFFFF80, v34;
	v13 =	vor.u32 v29, v38;
	v32 =	vadd.s32 v9, v63;
	v20 =	vld.idx.msk [tilespmem:v20+s17+$0x0], $0xffff;
	[tilespmem:s25+$0x15E10] =	vst v56  }
0x30f: {  	v38 =	vand.u32 $0xFFFFFF80, v37;
	v18 =	vor.u32 v31, v32;
	v19 =	vadd.s32 v4, v54;
	v17 =	vld.idx.msk [tilespmem:v17+s17+$0x0], $0xffff;
	[tilespmem:s25+$0x15E20] =	vst v23  }
0x310: {  	v15 =	vor.u32 v60, v19;
	v19 =	vand.u32 $0x7F, v34;
	v23 =	vadd.s32 v11, v36;
	[tilespmem:s25+$0x15E30] =	vst v26;
	v22 =	vld.idx.msk [tilespmem:v22+s17+$0x0], $0xffff  }
0x311: {  	v40 =	vand.u32 $0x7F, v37;
	v26 =	vadd.s32 v10, v38;
	v19 =	vor.u32 v19, v23;
	v39 =	vld.idx.msk [tilespmem:v25+s17+$0x0], $0xffff  }
0x312: {  	v44 =	vadd.s32 $0x13, v7;
	v33 =	vadd.s32 $0x18, v5;
	v25 =	vor.u32 v40, v26  }
0x313: {  	v41 =	vand.u32 $0xFFFFFF80, v33;
	v45 =	vand.u32 $0x7F, v33;
	v35 =	vadd.s32 $0x13, v6;
	[tilespmem:s25+$0x15E80] =	vst v20  }
0x314: {  	v42 =	vand.u32 $0xFFFFFF80, v35;
	v43 =	vand.u32 $0x7F, v35;
	v47 =	vand.u32 $0x7F, v44;
	v21 =	vld.idx.msk [tilespmem:v21+s17+$0x0], $0xffff;
	[tilespmem:s25+$0x15E90] =	vst v17  }
0x315: {  	v48 =	vadd.s32 $0x13, v8;
	v46 =	vand.u32 $0xFFFFFF80, v44;
	v26 =	vadd.s32 v9, v42;
	v18 =	vld.idx.msk [tilespmem:v18+s17+$0x0], $0xffff;
	[tilespmem:s25+$0x15EA0] =	vst v22  }
0x316: {  	v50 =	vand.u32 $0xFFFFFF80, v48;
	v24 =	vadd.s32 v11, v46;
	v20 =	vor.u32 v43, v26;
	[tilespmem:s25+$0x15EB0] =	vst v39;
	v19 =	vld.idx.msk [tilespmem:v19+s17+$0x0], $0xffff  }
0x317: {  	v23 =	vadd.s32 v10, v50;
	v26 =	vand.u32 $0x7F, v48;
	v22 =	vor.u32 v47, v24;
	v25 =	vld.idx.msk [tilespmem:v25+s17+$0x0], $0xffff  }
0x318: {  	v51 =	vadd.s32 $0x14, v6;
	v49 =	vadd.s32 v4, v41;
	v23 =	vor.u32 v26, v23  }
0x319: {  	v52 =	vand.u32 $0xFFFFFF80, v51;
	v53 =	vand.u32 $0x7F, v51;
	v63 =	vadd.s32 $0x15, v6;
	[tilespmem:s25+$0x15F00] =	vst v21  }
0x31a: {  	v59 =	vand.u32 $0x7F, v55;
	v30 =	vand.u32 $0xFFFFFF80, v63;
	v35 =	vadd.s32 $0x16, v6;
	v16 =	vld.idx.msk [tilespmem:v16+s17+$0x0], $0xffff;
	[tilespmem:s25+$0x15F10] =	vst v18  }
0x31b: {  	v54 =	vadd.s32 v9, v52;
	v60 =	vadd.s32 $0x14, v8;
	v58 =	vand.u32 $0xFFFFFF80, v55;
	v20 =	vld.idx.msk [tilespmem:v20+s17+$0x0], $0xffff;
	[tilespmem:s25+$0x15F20] =	vst v19  }
0x31c: {  	v62 =	vand.u32 $0xFFFFFF80, v60;
	v57 =	vor.u32 v53, v54;
	v21 =	vadd.s32 v11, v58;
	[tilespmem:s25+$0x15F30] =	vst v25;
	v22 =	vld.idx.msk [tilespmem:v22+s17+$0x0], $0xffff  }
0x31d: {  	v24 =	vand.u32 $0x7F, v60;
	v19 =	vor.u32 v59, v21;
	v21 =	vadd.s32 v10, v62;
	v23 =	vld.idx.msk [tilespmem:v23+s17+$0x0], $0xffff  }
0x31e: {  	v28 =	vadd.s32 $0x18, v7;
	v41 =	vand.u32 $0xFFFFFF80, v35;
	v21 =	vor.u32 v24, v21  }
0x31f: {  	v52 =	vadd.s32 $0x1B, v5;
	v34 =	vadd.s32 $0x15, v7;
	v37 =	vadd.s32 $0x15, v8;
	[tilespmem:s25+$0x15F80] =	vst v16  }
0x320: {  	v29 =	vand.u32 $0x7F, v52;
	v54 =	vadd.s32 $0x17, v7;
	v36 =	vand.u32 $0xFFFFFF80, v34;
	v32 =	vld.idx.msk [tilespmem:v14+s17+$0x0], $0xffff;
	[tilespmem:s25+$0x15F90] =	vst v20  }
0x321: {  	v38 =	vand.u32 $0xFFFFFF80, v37;
	v25 =	vand.u32 $0x7F, v63;
	v24 =	vadd.s32 v9, v30;
	v18 =	vld.idx.msk [tilespmem:v57+s17+$0x0], $0xffff;
	[tilespmem:s25+$0x15FA0] =	vst v22  }
0x322: {  	v33 =	vor.u32 v25, v24;
	v20 =	vand.u32 $0x7F, v34;
	v22 =	vadd.s32 v11, v36;
	[tilespmem:s25+$0x15FB0] =	vst v23;
	v19 =	vld.idx.msk [tilespmem:v19+s17+$0x0], $0xffff  }
0x323: {  	v39 =	vand.u32 $0x7F, v37;
	v23 =	vadd.s32 v10, v38;
	v20 =	vor.u32 v20, v22;
	v21 =	vld.idx.msk [tilespmem:v21+s17+$0x0], $0xffff  }
0x324: {  	v46 =	vadd.s32 $0x16, v8;
	v56 =	vadd.s32 $0x19, v5;
	v22 =	vor.u32 v39, v23  }
0x325: {  	v61 =	vand.u32 $0xFFFFFF80, v56;
	v27 =	vand.u32 $0x7F, v56;
	v42 =	vadd.s32 $0x16, v7;
	[tilespmem:s25+$0x16000] =	vst v32  }
0x326: {  	v44 =	vand.u32 $0xFFFFFF80, v42;
	v48 =	vadd.s32 $0x17, v6;
	v17 =	vor.u32 v45, v49;
	v12 =	vld.idx.msk [tilespmem:v12+s17+$0x0], $0xffff;
	[tilespmem:s25+$0x16010] =	vst v18  }
0x327: {  	v45 =	vand.u32 $0x7F, v42;
	v24 =	vand.u32 $0x7F, v35;
	v23 =	vadd.s32 v9, v41;
	v16 =	vld.idx.msk [tilespmem:v33+s17+$0x0], $0xffff;
	[tilespmem:s25+$0x16020] =	vst v19  }
0x328: {  	v47 =	vand.u32 $0xFFFFFF80, v46;
	v23 =	vor.u32 v24, v23;
	v24 =	vadd.s32 v11, v44;
	[tilespmem:s25+$0x16030] =	vst v21;
	v20 =	vld.idx.msk [tilespmem:v20+s17+$0x0], $0xffff  }
0x329: {  	v26 =	vand.u32 $0x7F, v46;
	v19 =	vor.u32 v45, v24;
	v21 =	vadd.s32 v10, v47;
	v22 =	vld.idx.msk [tilespmem:v22+s17+$0x0], $0xffff  }
0x32a: {  	v56 =	vand.u32 $0xFFFFFF80, v54;
	v49 =	vand.u32 $0xFFFFFF80, v48;
	v21 =	vor.u32 v26, v21  }
0x32b: {  	v40 =	vadd.s32 $0x1A, v5;
	v50 =	vand.u32 $0x7F, v48;
	v51 =	vadd.s32 v9, v49;
	[tilespmem:s25+$0x16080] =	vst v12  }
0x32c: {  	v43 =	vand.u32 $0xFFFFFF80, v40;
	v53 =	vor.u32 v50, v51;
	v57 =	vadd.s32 $0x17, v8;
	v13 =	vld.idx.msk [tilespmem:v13+s17+$0x0], $0xffff;
	[tilespmem:s25+$0x16090] =	vst v16  }
0x32d: {  	v25 =	vand.u32 $0x7F, v40;
	v58 =	vand.u32 $0xFFFFFF80, v57;
	v18 =	vadd.s32 v4, v43;
	v23 =	vld.idx.msk [tilespmem:v23+s17+$0x0], $0xffff;
	[tilespmem:s25+$0x160A0] =	vst v20  }
0x32e: {  	v12 =	vor.u32 v25, v18;
	v18 =	vand.u32 $0x7F, v54;
	v20 =	vadd.s32 v11, v56;
	[tilespmem:s25+$0x160B0] =	vst v22;
	v19 =	vld.idx.msk [tilespmem:v19+s17+$0x0], $0xffff  }
0x32f: {  	v60 =	vand.u32 $0x7F, v57;
	v22 =	vadd.s32 v10, v58;
	v18 =	vor.u32 v18, v20;
	v59 =	vld.idx.msk [tilespmem:v21+s17+$0x0], $0xffff  }
0x330: {  	v55 =	vadd.s32 $0x18, v6;
	v31 =	vadd.s32 v4, v61;
	v21 =	vor.u32 v60, v22  }
0x331: {  	v61 =	vand.u32 $0xFFFFFF80, v52;
	v50 =	vadd.s32 $0x1A, v7;
	v14 =	vor.u32 v27, v31;
	[tilespmem:s25+$0x16100] =	vst v13  }
0x332: {  	v31 =	vand.u32 $0x7F, v28;
	v32 =	vadd.s32 $0x18, v8;
	v62 =	vand.u32 $0xFFFFFF80, v55;
	v15 =	vld.idx.msk [tilespmem:v15+s17+$0x0], $0xffff;
	[tilespmem:s25+$0x16110] =	vst v23  }
0x333: {  	v63 =	vand.u32 $0x7F, v55;
	v30 =	vand.u32 $0xFFFFFF80, v28;
	v22 =	vadd.s32 v9, v62;
	v16 =	vld.idx.msk [tilespmem:v53+s17+$0x0], $0xffff;
	[tilespmem:s25+$0x16120] =	vst v19  }
0x334: {  	v34 =	vand.u32 $0xFFFFFF80, v32;
	v13 =	vor.u32 v63, v22;
	v22 =	vadd.s32 v11, v30;
	[tilespmem:s25+$0x16130] =	vst v59;
	v18 =	vld.idx.msk [tilespmem:v18+s17+$0x0], $0xffff  }
0x335: {  	v24 =	vand.u32 $0x7F, v32;
	v20 =	vadd.s32 v10, v34;
	v19 =	vor.u32 v31, v22;
	v21 =	vld.idx.msk [tilespmem:v21+s17+$0x0], $0xffff  }
0x336: {  	v51 =	vadd.s32 $0x1B, v6;
	v35 =	vadd.s32 $0x19, v6;
	v20 =	vor.u32 v24, v20  }
0x337: {  	v46 =	vadd.s32 $0x1A, v6;
	v52 =	vand.u32 $0xFFFFFF80, v50;
	v36 =	vand.u32 $0xFFFFFF80, v35;
	[tilespmem:s25+$0x16180] =	vst v15  }
0x338: {  	v37 =	vand.u32 $0x7F, v35;
	v38 =	vadd.s32 v9, v36;
	v39 =	vadd.s32 $0x19, v7;
	v17 =	vld.idx.msk [tilespmem:v17+s17+$0x0], $0xffff;
	[tilespmem:s25+$0x16190] =	vst v16  }
0x339: {  	v41 =	vand.u32 $0xFFFFFF80, v39;
	v42 =	vand.u32 $0x7F, v39;
	v43 =	vadd.s32 $0x19, v8;
	v13 =	vld.idx.msk [tilespmem:v13+s17+$0x0], $0xffff;
	[tilespmem:s25+$0x161A0] =	vst v18  }
0x33a: {  	v45 =	vand.u32 $0xFFFFFF80, v43;
	v15 =	vor.u32 v37, v38;
	v16 =	vadd.s32 v11, v41;
	[tilespmem:s25+$0x161B0] =	vst v21;
	v19 =	vld.idx.msk [tilespmem:v19+s17+$0x0], $0xffff  }
0x33b: {  	v22 =	vand.u32 $0x7F, v43;
	v16 =	vor.u32 v42, v16;
	v18 =	vadd.s32 v10, v45;
	v20 =	vld.idx.msk [tilespmem:v20+s17+$0x0], $0xffff  }
0x33c: {  	v28 =	vadd.s32 $0x1C, v6;
	v40 =	vadd.s32 $0x1C, v5;
	v18 =	vor.u32 v22, v18  }
0x33d: {  	v57 =	vand.u32 $0xFFFFFF80, v51;
	v35 =	vadd.s32 $0x1C, v8;
	v36 =	vadd.s32 $0x1E, v5;
	[tilespmem:s25+$0x16200] =	vst v17  }
0x33e: {  	v44 =	vand.u32 $0xFFFFFF80, v40;
	v47 =	vand.u32 $0xFFFFFF80, v46;
	v53 =	vadd.s32 $0x1A, v8;
	v14 =	vld.idx.msk [tilespmem:v14+s17+$0x0], $0xffff;
	[tilespmem:s25+$0x16210] =	vst v13  }
0x33f: {  	v54 =	vand.u32 $0xFFFFFF80, v53;
	v21 =	vand.u32 $0x7F, v46;
	v22 =	vadd.s32 v9, v47;
	v15 =	vld.idx.msk [tilespmem:v15+s17+$0x0], $0xffff;
	[tilespmem:s25+$0x16220] =	vst v19  }
0x340: {  	v49 =	vor.u32 v21, v22;
	v21 =	vand.u32 $0x7F, v50;
	v19 =	vadd.s32 v11, v52;
	[tilespmem:s25+$0x16230] =	vst v20;
	v16 =	vld.idx.msk [tilespmem:v16+s17+$0x0], $0xffff  }
0x341: {  	v55 =	vand.u32 $0x7F, v53;
	v20 =	vadd.s32 v10, v54;
	v19 =	vor.u32 v21, v19;
	v18 =	vld.idx.msk [tilespmem:v18+s17+$0x0], $0xffff  }
0x342: {  	v39 =	vadd.s32 $0x1D, v6;
	v48 =	vadd.s32 v4, v44;
	v20 =	vor.u32 v55, v20  }
0x343: {  	v33 =	vadd.s32 v4, v61;
	v25 =	vand.u32 $0x7F, v40;
	v58 =	vand.u32 $0x7F, v51;
	[tilespmem:s25+$0x16280] =	vst v14  }
0x344: {  	v63 =	vadd.s32 $0x1B, v8;
	v23 =	vor.u32 v29, v33;
	v59 =	vadd.s32 $0x1B, v7;
	v12 =	vld.idx.msk [tilespmem:v12+s17+$0x0], $0xffff;
	[tilespmem:s25+$0x16290] =	vst v15  }
0x345: {  	v27 =	vand.u32 $0xFFFFFF80, v63;
	v61 =	vand.u32 $0xFFFFFF80, v59;
	v21 =	vadd.s32 v9, v57;
	v13 =	vld.idx.msk [tilespmem:v49+s17+$0x0], $0xffff;
	[tilespmem:s25+$0x162A0] =	vst v16  }
0x346: {  	v62 =	vand.u32 $0x7F, v59;
	v14 =	vor.u32 v58, v21;
	v21 =	vadd.s32 v11, v61;
	[tilespmem:s25+$0x162B0] =	vst v18;
	v19 =	vld.idx.msk [tilespmem:v19+s17+$0x0], $0xffff  }
0x347: {  	v22 =	vand.u32 $0x7F, v63;
	v16 =	vor.u32 v62, v21;
	v18 =	vadd.s32 v10, v27;
	v20 =	vld.idx.msk [tilespmem:v20+s17+$0x0], $0xffff  }
0x348: {  	v40 =	vand.u32 $0xFFFFFF80, v39;
	v32 =	vadd.s32 $0x1C, v7;
	v18 =	vor.u32 v22, v18  }
0x349: {  	v37 =	vand.u32 $0xFFFFFF80, v35;
	v38 =	vand.u32 $0xFFFFFF80, v36;
	v56 =	vadd.s32 $0x1D, v5;
	[tilespmem:s25+$0x16300] =	vst v12  }
0x34a: {  	v5 =	vadd.s32 $0x1F, v5;
	v30 =	vand.u32 $0x7F, v28;
	v29 =	vand.u32 $0xFFFFFF80, v28;
	v23 =	vld.idx.msk [tilespmem:v23+s17+$0x0], $0xffff;
	[tilespmem:s25+$0x16310] =	vst v13  }
0x34b: {  	v33 =	vand.u32 $0xFFFFFF80, v32;
	v17 =	vor.u32 v25, v48;
	v31 =	vadd.s32 v9, v29;
	v14 =	vld.idx.msk [tilespmem:v14+s17+$0x0], $0xffff;
	[tilespmem:s25+$0x16320] =	vst v19  }
0x34c: {  	v34 =	vand.u32 $0x7F, v32;
	v12 =	vor.u32 v30, v31;
	v13 =	vadd.s32 v11, v33;
	[tilespmem:s25+$0x16330] =	vst v20;
	v16 =	vld.idx.msk [tilespmem:v16+s17+$0x0], $0xffff  }
0x34d: {  	v21 =	vand.u32 $0x7F, v35;
	v13 =	vor.u32 v34, v13;
	v19 =	vadd.s32 v10, v37;
	v18 =	vld.idx.msk [tilespmem:v18+s17+$0x0], $0xffff  }
0x34e: {  	v60 =	vand.u32 $0xFFFFFF80, v56;
	v43 =	vadd.s32 $0x1D, v7;
	v19 =	vor.u32 v21, v19  }
0x34f: {  	v24 =	vand.u32 $0x7F, v56;
	v48 =	vadd.s32 $0x1E, v6;
	v44 =	vand.u32 $0xFFFFFF80, v43;
	[tilespmem:s25+$0x16380] =	vst v23  }
0x350: {  	v41 =	vand.u32 $0x7F, v39;
	v45 =	vadd.s32 $0x1D, v8;
	v15 =	vadd.s32 v4, v60;
	v17 =	vld.idx.msk [tilespmem:v17+s17+$0x0], $0xffff;
	[tilespmem:s25+$0x16390] =	vst v14  }
0x351: {  	v42 =	vadd.s32 v9, v40;
	v46 =	vand.u32 $0xFFFFFF80, v45;
	v15 =	vor.u32 v24, v15;
	v12 =	vld.idx.msk [tilespmem:v12+s17+$0x0], $0xffff;
	[tilespmem:s25+$0x163A0] =	vst v16  }
0x352: {  	v23 =	vand.u32 $0x7F, v43;
	v14 =	vor.u32 v41, v42;
	v16 =	vadd.s32 v11, v44;
	[tilespmem:s25+$0x163B0] =	vst v18;
	v13 =	vld.idx.msk [tilespmem:v13+s17+$0x0], $0xffff  }
0x353: {  	v21 =	vand.u32 $0x7F, v45;
	v18 =	vadd.s32 v10, v46;
	v16 =	vor.u32 v23, v16;
	v19 =	vld.idx.msk [tilespmem:v19+s17+$0x0], $0xffff  }
0x354: {  	v6 =	vadd.s32 $0x1F, v6;
	v51 =	vand.u32 $0x7F, v48;
	v18 =	vor.u32 v21, v18  }
0x355: {  	v50 =	vand.u32 $0xFFFFFF80, v48;
	v52 =	vadd.s32 $0x1E, v7;
	v54 =	vadd.s32 $0x1E, v8;
	[tilespmem:s25+$0x16400] =	vst v17  }
0x356: {  	v53 =	vand.u32 $0xFFFFFF80, v52;
	v22 =	vand.u32 $0x7F, v36;
	v20 =	vadd.s32 v4, v38;
	v15 =	vld.idx.msk [tilespmem:v15+s17+$0x0], $0xffff;
	[tilespmem:s25+$0x16410] =	vst v12  }
0x357: {  	v55 =	vand.u32 $0xFFFFFF80, v54;
	v49 =	vor.u32 v22, v20;
	v20 =	vadd.s32 v9, v50;
	v14 =	vld.idx.msk [tilespmem:v14+s17+$0x0], $0xffff;
	[tilespmem:s25+$0x16420] =	vst v13  }
0x358: {  	v21 =	vand.u32 $0x7F, v52;
	v12 =	vor.u32 v51, v20;
	v13 =	vadd.s32 v11, v53;
	[tilespmem:s25+$0x16430] =	vst v19;
	v16 =	vld.idx.msk [tilespmem:v16+s17+$0x0], $0xffff  }
0x359: {  	v20 =	vand.u32 $0x7F, v54;
	v19 =	vadd.s32 v10, v55;
	v13 =	vor.u32 v21, v13;
	v18 =	vld.idx.msk [tilespmem:v18+s17+$0x0], $0xffff  }
0x35a: {  	v47 =	vand.u32 $0xFFFFFF80, v5;
	v5 =	vand.u32 $0x7F, v5;
	v19 =	vor.u32 v20, v19  }
0x35b: {  	v7 =	vadd.s32 $0x1F, v7;
	v8 =	vadd.s32 $0x1F, v8;
	v4 =	vadd.s32 v4, v47;
	[tilespmem:s25+$0x16480] =	vst v15  }
0x35c: {  	v58 =	vand.u32 $0xFFFFFF80, v7;
	v4 =	vor.u32 v5, v4;
	v5 =	vand.u32 $0xFFFFFF80, v6;
	v56 =	vld.idx.msk [tilespmem:v49+s17+$0x0], $0xffff;
	[tilespmem:s25+$0x16490] =	vst v14  }
0x35d: {  	v7 =	vand.u32 $0x7F, v7;
	v6 =	vand.u32 $0x7F, v6;
	v5 =	vadd.s32 v9, v5;
	v57 =	vld.idx.msk [tilespmem:v12+s17+$0x0], $0xffff;
	[tilespmem:s25+$0x164A0] =	vst v16  }
0x35e: {  	v60 =	vand.u32 $0xFFFFFF80, v8;
	v5 =	vor.u32 v6, v5;
	v11 =	vadd.s32 v11, v58;
	[tilespmem:s25+$0x164B0] =	vst v18;
	v59 =	vld.idx.msk [tilespmem:v13+s17+$0x0], $0xffff  }
0x35f: {  	v8 =	vand.u32 $0x7F, v8;
	v10 =	vadd.s32 v10, v60;
	v7 =	vor.u32 v7, v11;
	v61 =	vld.idx.msk [tilespmem:v19+s17+$0x0], $0xffff  }
0x360: {  	v8 =	vor.u32 v8, v10  }
0x361: {  	[tilespmem:s25+$0x16500] =	vst v56  }
0x362: {  	v4 =	vld.idx.msk [tilespmem:v4+s17+$0x0], $0xffff;
	[tilespmem:s25+$0x16510] =	vst v57  }
0x363: {  	v5 =	vld.idx.msk [tilespmem:v5+s17+$0x0], $0xffff;
	[tilespmem:s25+$0x16520] =	vst v59  }
0x364: {  	[tilespmem:s25+$0x16530] =	vst v61;
	v62 =	vld.idx.msk [tilespmem:v7+s17+$0x0], $0xffff  }
0x365: {  	p2 =	por p1, p1;
	v63 =	vld.idx.msk [tilespmem:v8+s17+$0x0], $0xffff  }
.Ltmp4:
0x366: {  	_ = 	snop;
	(pc) =	sbr.rel @p2 .LBB2_11-.Ltmp4, $4  }
0x367: {  	[tilespmem:s25+$0x16580] =	vst v4  }
0x368: {  	[tilespmem:s25+$0x16590] =	vst v5  }
0x369: {  	[tilespmem:s25+$0x165A0] =	vst v62  }
0x36a: {  	p1 =	por $0x0, $0x0;
	[tilespmem:s25+$0x165B0] =	vst v63;
	s25 =	simm.s32 $0x40  }
0x36b: {  	s0 =	sshll.u32 s20, $0xF  }
0x36c: {  	s1 =	sshll.u32 s20, $0x1;
	s0 =	sand.u32 $0x1F0000, s0  }
0x36d: {  	s1 =	smin.u32 s1, $0x65;
	s0 =	sor.u32 s0, s24  }
0x36e: {  	s31 =	sshll.u32 s1, $0x7;
	s0 =	sadd.s32 s0, s4  }
0x36f: {  	[hbm4b:s0+s7] =	stream.strided.scatter [tilespmem:s9], [sflag:$0x7], $0x1000, s16, s7, $0x38;
	[tilespmem:$0x17700] =	vst v63  }
0x370: {  	v4 =	vld [tilespmem:s31+$0xA100];
	_ =	sdelay $0x4  }
0x371: {  	v5 =	vshrl.u32 v4, $0x2;
	v4 =	vshll.u32 v4, $0x5  }
0x372: {  	[tilespmem:$0xD400] =	vst v5;
	v4 =	vand.u32 $0x60, v4  }
0x373: {  	[tilespmem:$0xD500] =	vst v4  }
0x374: {  	v4 =	vld [tilespmem:s31+$0xA110];
	_ =	sdelay $0x4  }
0x375: {  	v5 =	vshrl.u32 v4, $0x2;
	v4 =	vshll.u32 v4, $0x5  }
0x376: {  	[tilespmem:$0xD410] =	vst v5;
	v4 =	vand.u32 $0x60, v4  }
0x377: {  	[tilespmem:$0xD510] =	vst v4  }
0x378: {  	v4 =	vld [tilespmem:s31+$0xA120];
	_ =	sdelay $0x4  }
0x379: {  	v5 =	vshrl.u32 v4, $0x2;
	v4 =	vshll.u32 v4, $0x5  }
0x37a: {  	[tilespmem:$0xD420] =	vst v5;
	v4 =	vand.u32 $0x60, v4  }
0x37b: {  	[tilespmem:$0xD520] =	vst v4  }
0x37c: {  	v4 =	vld [tilespmem:s31+$0xA130];
	_ =	sdelay $0x4  }
0x37d: {  	v5 =	vshrl.u32 v4, $0x2;
	v4 =	vshll.u32 v4, $0x5  }
0x37e: {  	[tilespmem:$0xD430] =	vst v5;
	v4 =	vand.u32 $0x60, v4  }
0x37f: {  	[tilespmem:$0xD530] =	vst v4  }
0x380: {  	v4 =	vld [tilespmem:s31+$0xA140];
	_ =	sdelay $0x4  }
0x381: {  	v5 =	vshrl.u32 v4, $0x2;
	v4 =	vshll.u32 v4, $0x5  }
0x382: {  	[tilespmem:$0xD440] =	vst v5;
	v4 =	vand.u32 $0x60, v4  }
0x383: {  	[tilespmem:$0xD540] =	vst v4  }
0x384: {  	v4 =	vld [tilespmem:s31+$0xA150];
	_ =	sdelay $0x4  }
0x385: {  	v5 =	vshrl.u32 v4, $0x2;
	v4 =	vshll.u32 v4, $0x5  }
0x386: {  	[tilespmem:$0xD450] =	vst v5;
	v4 =	vand.u32 $0x60, v4  }
0x387: {  	[tilespmem:$0xD550] =	vst v4  }
0x388: {  	v4 =	vld [tilespmem:s31+$0xA160];
	_ =	sdelay $0x4  }
0x389: {  	v5 =	vshrl.u32 v4, $0x2;
	v4 =	vshll.u32 v4, $0x5  }
0x38a: {  	[tilespmem:$0xD460] =	vst v5;
	v4 =	vand.u32 $0x60, v4  }
0x38b: {  	[tilespmem:$0xD560] =	vst v4  }
0x38c: {  	v4 =	vld [tilespmem:s31+$0xA170];
	_ =	sdelay $0x4  }
0x38d: {  	v5 =	vshrl.u32 v4, $0x2;
	v4 =	vshll.u32 v4, $0x5  }
0x38e: {  	[tilespmem:$0xD470] =	vst v5;
	v4 =	vand.u32 $0x60, v4  }
0x38f: {  	[tilespmem:$0xD570] =	vst v4  }
0x390: {  	[tilespmem:s17], [sflag:$0x5] =	stream.indirect.gather [hbm4b:s11+s5], $0x80, s8, s5, $0xb8;
	[tilespmem:$0x17700] =	vst v63  }
0x391: {  	_ =	swait.ge [sflag:s18], $0x4000  }
0x392: {  	[sflag:s18] =	ssyncset.done $0x0  }
0x393: {  	[sflag:s18] =	ssyncadd.s32 $0xFFFFC000  }
0x394: {  	_ =	swait.ge [sflag:s19], $0x1000  }
0x395: {  	[sflag:s19] =	ssyncset.done $0x0  }
0x396: {  	p1 =	por $0x1, $0x1;
	s24 =	simm.s32 $0x0;
	[sflag:s19] =	ssyncadd.s32 $0xFFFFF000  }
.LBB2_13:
0x397: {  	v5 =	vld [tilespmem:s24+$0xD580];
	_ =	sdelay $0x2  }
0x398: {  	v4 =	vmov s24  }
0x399: {  	s30 =	sor.u32 $0x20, s24;
	v4 =	vshll.u32 v4, $0x7  }
0x39a: {  	v46 =	vmov s30;
	v4 =	vor.u32 v3, v4;
	v6 =	vand.u32 $0xFFFFFF80, v5  }
0x39b: {  	v7 =	vand.u32 $0x7F, v5;
	v8 =	vadd.s32 $0x1, v5;
	v63 =	vadd.s32 $0x2, v5  }
0x39c: {  	v14 =	vadd.s32 $0x3, v5;
	v10 =	vadd.s32 $0x4, v5;
	v19 =	vadd.s32 $0x5, v5  }
0x39d: {  	v22 =	vadd.s32 $0x6, v5;
	v26 =	vadd.s32 $0x7, v5;
	v29 =	vadd.s32 $0x8, v5  }
0x39e: {  	v31 =	vadd.s32 $0x9, v5;
	v33 =	vadd.s32 $0xA, v5;
	v37 =	vadd.s32 $0xB, v5  }
0x39f: {  	v39 =	vadd.s32 $0xC, v5;
	v43 =	vadd.s32 $0xD, v5;
	v58 =	vadd.s32 $0xE, v5  }
0x3a0: {  	v6 =	vadd.s32 v4, v6;
	v61 =	vand.u32 $0xFFFFFF80, v8;
	v62 =	vand.u32 $0x7F, v8  }
0x3a1: {  	v12 =	vand.u32 $0xFFFFFF80, v63;
	v8 =	vand.u32 $0x7F, v63;
	v9 =	vand.u32 $0xFFFFFF80, v14  }
0x3a2: {  	v16 =	vand.u32 $0xFFFFFF80, v10;
	v18 =	vand.u32 $0x7F, v10;
	v21 =	vand.u32 $0xFFFFFF80, v19  }
0x3a3: {  	v25 =	vand.u32 $0xFFFFFF80, v22;
	v27 =	vand.u32 $0xFFFFFF80, v26;
	v28 =	vand.u32 $0x7F, v26  }
0x3a4: {  	v30 =	vand.u32 $0xFFFFFF80, v29;
	v32 =	vand.u32 $0xFFFFFF80, v31;
	v34 =	vand.u32 $0xFFFFFF80, v33  }
0x3a5: {  	v35 =	vand.u32 $0x7F, v33;
	v38 =	vand.u32 $0xFFFFFF80, v37;
	v41 =	vand.u32 $0xFFFFFF80, v39  }
0x3a6: {  	v13 =	vor.u32 v7, v6;
	v6 =	vadd.s32 v4, v61;
	v7 =	vand.u32 $0x7F, v14  }
0x3a7: {  	v9 =	vadd.s32 v4, v9;
	v15 =	vor.u32 v62, v6;
	v6 =	vadd.s32 v4, v12  }
0x3a8: {  	v17 =	vor.u32 v7, v9;
	v24 =	vor.u32 v8, v6;
	v6 =	vadd.s32 v4, v16  }
0x3a9: {  	v8 =	vand.u32 $0x7F, v19;
	v23 =	vor.u32 v18, v6;
	v6 =	vadd.s32 v4, v21  }
0x3aa: {  	v7 =	vand.u32 $0x7F, v22;
	v18 =	vor.u32 v8, v6;
	v6 =	vadd.s32 v4, v27  }
0x3ab: {  	v8 =	vand.u32 $0x7F, v29;
	v22 =	vor.u32 v28, v6;
	v6 =	vadd.s32 v4, v30  }
0x3ac: {  	v26 =	vand.u32 $0xFFFFFF80, v43;
	v36 =	vadd.s32 v4, v34;
	v21 =	vor.u32 v8, v6;
	v6 =	vld [tilespmem:s24+$0xD590]  }
0x3ad: {  	v40 =	vadd.s32 v4, v38;
	v11 =	vadd.s32 v4, v41;
	v9 =	vadd.s32 v4, v25  }
0x3ae: {  	s0 =	sor.u32 $0x10, s24;
	v20 =	vor.u32 v7, v9;
	v7 =	vand.u32 $0x7F, v31;
	v9 =	vadd.s32 v4, v32  }
0x3af: {  	v25 =	vmov s0;
	v19 =	vor.u32 v7, v9;
	v7 =	vld [tilespmem:s24+$0xD5A0];
	v8 =	vand.u32 $0x7F, v39  }
0x3b0: {  	v42 =	vshll.u32 v25, $0x7;
	v9 =	vand.u32 $0x7F, v37;
	v12 =	vor.u32 v8, v11;
	v8 =	vld [tilespmem:s24+$0xD5B0]  }
0x3b1: {  	s31 =	sor.u32 $0x30, s24;
	v14 =	vor.u32 v9, v40;
	v9 =	vor.u32 v3, v42;
	v44 =	vand.u32 $0xFFFFFF80, v6  }
0x3b2: {  	v30 =	vmov s31;
	v45 =	vand.u32 $0x7F, v6;
	v10 =	vadd.s32 v9, v44  }
0x3b3: {  	v47 =	vshll.u32 v30, $0x7;
	v27 =	vor.u32 v45, v10;
	v10 =	vshll.u32 v46, $0x7  }
0x3b4: {  	v29 =	vand.u32 $0xFFFFFF80, v7;
	v31 =	vand.u32 $0x7F, v7;
	v11 =	vor.u32 v3, v10  }
0x3b5: {  	v48 =	vand.u32 $0xFFFFFF80, v8;
	v10 =	vor.u32 v3, v47;
	v29 =	vadd.s32 v11, v29  }
0x3b6: {  	v49 =	vand.u32 $0x7F, v8;
	v30 =	vadd.s32 v10, v48;
	v29 =	vor.u32 v31, v29  }
0x3b7: {  	v26 =	vadd.s32 v4, v26;
	v25 =	vand.u32 $0x7F, v43;
	v30 =	vor.u32 v49, v30  }
0x3b8: {  	v51 =	vld.idx.msk [tilespmem:v13+s6+$0x0], $0xffff;
	v13 =	vor.u32 v25, v26;
	v53 =	vadd.s32 $0x1, v7;
	v28 =	vadd.s32 $0x1, v6  }
0x3b9: {  	v55 =	vand.u32 $0xFFFFFF80, v53;
	v26 =	vand.u32 $0x7F, v53;
	v32 =	vand.u32 $0xFFFFFF80, v28  }
0x3ba: {  	v28 =	vand.u32 $0x7F, v28;
	v33 =	vadd.s32 $0x1, v8;
	v50 =	vadd.s32 v9, v32;
	v27 =	vld.idx.msk [tilespmem:v27+s6+$0x0], $0xffff  }
0x3bb: {  	v34 =	vand.u32 $0xFFFFFF80, v33;
	v52 =	vor.u32 v28, v50;
	v31 =	vadd.s32 v11, v55;
	v29 =	vld.idx.msk [tilespmem:v29+s6+$0x0], $0xffff  }
0x3bc: {  	v56 =	vand.u32 $0x7F, v33;
	v57 =	vadd.s32 v10, v34;
	v26 =	vor.u32 v26, v31;
	v30 =	vld.idx.msk [tilespmem:v30+s6+$0x0], $0xffff  }
0x3bd: {  	v62 =	vand.u32 $0xFFFFFF80, v58;
	v61 =	vadd.s32 $0x2, v7;
	v31 =	vor.u32 v56, v57  }
0x3be: {  	v16 =	vor.u32 v35, v36;
	v63 =	vand.u32 $0xFFFFFF80, v61;
	[tilespmem:s24+$0x16600] =	vst v51;
	v54 =	vadd.s32 $0x2, v6  }
0x3bf: {  	v36 =	vand.u32 $0x7F, v61;
	v15 =	vld.idx.msk [tilespmem:v15+s6+$0x0], $0xffff;
	v39 =	vadd.s32 $0x3, v6;
	v59 =	vand.u32 $0xFFFFFF80, v54;
	[tilespmem:s24+$0x16610] =	vst v27  }
0x3c0: {  	v37 =	vadd.s32 $0x2, v8;
	v60 =	vadd.s32 v9, v59;
	v28 =	vand.u32 $0x7F, v54;
	v25 =	vld.idx.msk [tilespmem:v52+s6+$0x0], $0xffff;
	[tilespmem:s24+$0x16620] =	vst v29  }
0x3c1: {  	v38 =	vand.u32 $0xFFFFFF80, v37;
	v28 =	vor.u32 v28, v60;
	v32 =	vadd.s32 v11, v63;
	[tilespmem:s24+$0x16630] =	vst v30;
	v26 =	vld.idx.msk [tilespmem:v26+s6+$0x0], $0xffff  }
0x3c2: {  	v33 =	vand.u32 $0x7F, v37;
	v29 =	vor.u32 v36, v32;
	v30 =	vadd.s32 v10, v38;
	v31 =	vld.idx.msk [tilespmem:v31+s6+$0x0], $0xffff  }
0x3c3: {  	v43 =	vadd.s32 $0xF, v5;
	v40 =	vand.u32 $0xFFFFFF80, v39;
	v30 =	vor.u32 v33, v30  }
0x3c4: {  	v41 =	vand.u32 $0x7F, v39;
	v42 =	vadd.s32 v9, v40;
	v45 =	vadd.s32 $0x3, v7;
	[tilespmem:s24+$0x16680] =	vst v15  }
0x3c5: {  	v44 =	vor.u32 v41, v42;
	v47 =	vand.u32 $0xFFFFFF80, v45;
	v48 =	vadd.s32 $0x3, v8;
	v24 =	vld.idx.msk [tilespmem:v24+s6+$0x0], $0xffff;
	[tilespmem:s24+$0x16690] =	vst v25  }
0x3c6: {  	v34 =	vand.u32 $0x7F, v58;
	v49 =	vand.u32 $0xFFFFFF80, v48;
	v27 =	vadd.s32 v4, v62;
	v28 =	vld.idx.msk [tilespmem:v28+s6+$0x0], $0xffff;
	[tilespmem:s24+$0x166A0] =	vst v26  }
0x3c7: {  	v15 =	vor.u32 v34, v27;
	v27 =	vand.u32 $0x7F, v45;
	v26 =	vadd.s32 v11, v47;
	[tilespmem:s24+$0x166B0] =	vst v31;
	v29 =	vld.idx.msk [tilespmem:v29+s6+$0x0], $0xffff  }
0x3c8: {  	v51 =	vand.u32 $0x7F, v48;
	v31 =	vadd.s32 v10, v49;
	v26 =	vor.u32 v27, v26;
	v50 =	vld.idx.msk [tilespmem:v30+s6+$0x0], $0xffff  }
0x3c9: {  	v39 =	vadd.s32 $0x5, v7;
	v46 =	vadd.s32 $0x4, v6;
	v30 =	vor.u32 v51, v31  }
0x3ca: {  	v40 =	vadd.s32 $0x10, v5;
	v53 =	vand.u32 $0xFFFFFF80, v46;
	v54 =	vand.u32 $0x7F, v46;
	[tilespmem:s24+$0x16700] =	vst v24  }
0x3cb: {  	v60 =	vadd.s32 $0x4, v8;
	v63 =	vadd.s32 $0x5, v6;
	v55 =	vadd.s32 $0x4, v7;
	v56 =	vld.idx.msk [tilespmem:v17+s6+$0x0], $0xffff;
	[tilespmem:s24+$0x16710] =	vst v28  }
0x3cc: {  	v58 =	vand.u32 $0xFFFFFF80, v55;
	v59 =	vand.u32 $0x7F, v55;
	v31 =	vadd.s32 v9, v53;
	v25 =	vld.idx.msk [tilespmem:v44+s6+$0x0], $0xffff;
	[tilespmem:s24+$0x16720] =	vst v29  }
0x3cd: {  	v62 =	vand.u32 $0xFFFFFF80, v60;
	v24 =	vor.u32 v54, v31;
	v31 =	vadd.s32 v11, v58;
	[tilespmem:s24+$0x16730] =	vst v50;
	v26 =	vld.idx.msk [tilespmem:v26+s6+$0x0], $0xffff  }
0x3ce: {  	v32 =	vand.u32 $0x7F, v60;
	v27 =	vadd.s32 v10, v62;
	v29 =	vor.u32 v59, v31;
	v30 =	vld.idx.msk [tilespmem:v30+s6+$0x0], $0xffff  }
0x3cf: {  	v42 =	vand.u32 $0xFFFFFF80, v39;
	v37 =	vand.u32 $0x7F, v63;
	v27 =	vor.u32 v32, v27  }
0x3d0: {  	v57 =	vand.u32 $0x7F, v43;
	v55 =	vadd.s32 $0x6, v8;
	v52 =	vand.u32 $0xFFFFFF80, v43;
	[tilespmem:s24+$0x16780] =	vst v56  }
0x3d1: {  	v43 =	vand.u32 $0x7F, v39;
	v45 =	vand.u32 $0xFFFFFF80, v40;
	v36 =	vand.u32 $0xFFFFFF80, v63;
	v23 =	vld.idx.msk [tilespmem:v23+s6+$0x0], $0xffff;
	[tilespmem:s24+$0x16790] =	vst v25  }
0x3d2: {  	v34 =	vadd.s32 $0xA, v7;
	v38 =	vadd.s32 v9, v36;
	v44 =	vadd.s32 $0x5, v8;
	v24 =	vld.idx.msk [tilespmem:v24+s6+$0x0], $0xffff;
	[tilespmem:s24+$0x167A0] =	vst v26  }
0x3d3: {  	v41 =	vor.u32 v37, v38;
	v28 =	vadd.s32 v11, v42;
	v46 =	vand.u32 $0xFFFFFF80, v44;
	[tilespmem:s24+$0x167B0] =	vst v30;
	v29 =	vld.idx.msk [tilespmem:v29+s6+$0x0], $0xffff  }
0x3d4: {  	v31 =	vand.u32 $0x7F, v44;
	v26 =	vor.u32 v43, v28;
	v28 =	vadd.s32 v10, v46;
	v27 =	vld.idx.msk [tilespmem:v27+s6+$0x0], $0xffff  }
0x3d5: {  	v61 =	vadd.s32 v4, v52;
	v52 =	vadd.s32 $0x6, v7;
	v28 =	vor.u32 v31, v28  }
0x3d6: {  	v17 =	vor.u32 v57, v61;
	v57 =	vand.u32 $0x7F, v55;
	v47 =	vadd.s32 $0x6, v6;
	[tilespmem:s24+$0x16800] =	vst v23  }
0x3d7: {  	v60 =	vadd.s32 $0x7, v7;
	v56 =	vand.u32 $0xFFFFFF80, v55;
	v48 =	vand.u32 $0xFFFFFF80, v47;
	v50 =	vld.idx.msk [tilespmem:v18+s6+$0x0], $0xffff;
	[tilespmem:s24+$0x16810] =	vst v24  }
0x3d8: {  	v54 =	vand.u32 $0xFFFFFF80, v52;
	v30 =	vand.u32 $0x7F, v47;
	v31 =	vadd.s32 v9, v48;
	v25 =	vld.idx.msk [tilespmem:v41+s6+$0x0], $0xffff;
	[tilespmem:s24+$0x16820] =	vst v29  }
0x3d9: {  	v51 =	vor.u32 v30, v31;
	v24 =	vand.u32 $0x7F, v52;
	v29 =	vadd.s32 v11, v54;
	[tilespmem:s24+$0x16830] =	vst v27;
	v26 =	vld.idx.msk [tilespmem:v26+s6+$0x0], $0xffff  }
0x3da: {  	v33 =	vand.u32 $0x7F, v40;
	v27 =	vadd.s32 v10, v56;
	v24 =	vor.u32 v24, v29;
	v28 =	vld.idx.msk [tilespmem:v28+s6+$0x0], $0xffff  }
0x3db: {  	v63 =	vand.u32 $0x7F, v60;
	v36 =	vadd.s32 $0x7, v8;
	v27 =	vor.u32 v57, v27  }
0x3dc: {  	v37 =	vand.u32 $0xFFFFFF80, v36;
	v38 =	vadd.s32 $0x8, v6;
	v53 =	vadd.s32 $0x7, v6;
	[tilespmem:s24+$0x16880] =	vst v50  }
0x3dd: {  	v39 =	vand.u32 $0xFFFFFF80, v38;
	v40 =	vand.u32 $0x7F, v38;
	v59 =	vand.u32 $0xFFFFFF80, v53;
	v20 =	vld.idx.msk [tilespmem:v20+s6+$0x0], $0xffff;
	[tilespmem:s24+$0x16890] =	vst v25  }
0x3de: {  	v62 =	vand.u32 $0xFFFFFF80, v60;
	v30 =	vand.u32 $0x7F, v53;
	v29 =	vadd.s32 v9, v59;
	v23 =	vld.idx.msk [tilespmem:v51+s6+$0x0], $0xffff;
	[tilespmem:s24+$0x168A0] =	vst v26  }
0x3df: {  	v58 =	vadd.s32 $0x11, v5;
	v29 =	vor.u32 v30, v29;
	v30 =	vadd.s32 v11, v62;
	[tilespmem:s24+$0x168B0] =	vst v28;
	v24 =	vld.idx.msk [tilespmem:v24+s6+$0x0], $0xffff  }
0x3e0: {  	v32 =	vand.u32 $0x7F, v36;
	v26 =	vor.u32 v63, v30;
	v28 =	vadd.s32 v10, v37;
	v27 =	vld.idx.msk [tilespmem:v27+s6+$0x0], $0xffff  }
0x3e1: {  	v49 =	vadd.s32 v4, v45;
	v61 =	vand.u32 $0xFFFFFF80, v58;
	v28 =	vor.u32 v32, v28  }
0x3e2: {  	v18 =	vor.u32 v33, v49;
	v44 =	vadd.s32 $0x8, v7;
	v47 =	vadd.s32 $0x8, v8;
	[tilespmem:s24+$0x16900] =	vst v20  }
0x3e3: {  	v46 =	vand.u32 $0xFFFFFF80, v44;
	v48 =	vand.u32 $0xFFFFFF80, v47;
	v41 =	vadd.s32 v9, v39;
	v22 =	vld.idx.msk [tilespmem:v22+s6+$0x0], $0xffff;
	[tilespmem:s24+$0x16910] =	vst v23  }
0x3e4: {  	v31 =	vand.u32 $0x7F, v58;
	v43 =	vor.u32 v40, v41;
	v25 =	vadd.s32 v4, v61;
	v29 =	vld.idx.msk [tilespmem:v29+s6+$0x0], $0xffff;
	[tilespmem:s24+$0x16920] =	vst v24  }
0x3e5: {  	v20 =	vor.u32 v31, v25;
	v25 =	vand.u32 $0x7F, v44;
	v24 =	vadd.s32 v11, v46;
	[tilespmem:s24+$0x16930] =	vst v27;
	v26 =	vld.idx.msk [tilespmem:v26+s6+$0x0], $0xffff  }
0x3e6: {  	v50 =	vand.u32 $0x7F, v47;
	v27 =	vadd.s32 v10, v48;
	v24 =	vor.u32 v25, v24;
	v49 =	vld.idx.msk [tilespmem:v28+s6+$0x0], $0xffff  }
0x3e7: {  	v35 =	vadd.s32 $0x13, v5;
	v38 =	vand.u32 $0x7F, v34;
	v27 =	vor.u32 v50, v27  }
0x3e8: {  	v45 =	vadd.s32 $0x9, v6;
	v42 =	vadd.s32 $0x12, v5;
	v54 =	vadd.s32 $0x9, v7;
	[tilespmem:s24+$0x16980] =	vst v22  }
0x3e9: {  	v53 =	vand.u32 $0x7F, v45;
	v52 =	vand.u32 $0xFFFFFF80, v45;
	v57 =	vand.u32 $0xFFFFFF80, v54;
	v55 =	vld.idx.msk [tilespmem:v21+s6+$0x0], $0xffff;
	[tilespmem:s24+$0x16990] =	vst v29  }
0x3ea: {  	v58 =	vand.u32 $0x7F, v54;
	v59 =	vadd.s32 $0x9, v8;
	v28 =	vadd.s32 v9, v52;
	v23 =	vld.idx.msk [tilespmem:v43+s6+$0x0], $0xffff;
	[tilespmem:s24+$0x169A0] =	vst v26  }
0x3eb: {  	v61 =	vand.u32 $0xFFFFFF80, v59;
	v22 =	vor.u32 v53, v28;
	v28 =	vadd.s32 v11, v57;
	[tilespmem:s24+$0x169B0] =	vst v49;
	v24 =	vld.idx.msk [tilespmem:v24+s6+$0x0], $0xffff  }
0x3ec: {  	v30 =	vand.u32 $0x7F, v59;
	v25 =	vadd.s32 v10, v61;
	v26 =	vor.u32 v58, v28;
	v27 =	vld.idx.msk [tilespmem:v27+s6+$0x0], $0xffff  }
0x3ed: {  	v47 =	vadd.s32 $0xB, v7;
	v39 =	vadd.s32 $0xA, v8;
	v25 =	vor.u32 v30, v25  }
0x3ee: {  	v40 =	vand.u32 $0xFFFFFF80, v35;
	v41 =	vand.u32 $0xFFFFFF80, v39;
	v62 =	vadd.s32 $0xA, v6;
	[tilespmem:s24+$0x16A00] =	vst v55  }
0x3ef: {  	v56 =	vand.u32 $0x7F, v42;
	v54 =	vadd.s32 $0x14, v5;
	v63 =	vand.u32 $0xFFFFFF80, v62;
	v19 =	vld.idx.msk [tilespmem:v19+s6+$0x0], $0xffff;
	[tilespmem:s24+$0x16A10] =	vst v23  }
0x3f0: {  	v37 =	vand.u32 $0xFFFFFF80, v34;
	v33 =	vadd.s32 v9, v63;
	v28 =	vand.u32 $0x7F, v62;
	v22 =	vld.idx.msk [tilespmem:v22+s6+$0x0], $0xffff;
	[tilespmem:s24+$0x16A20] =	vst v24  }
0x3f1: {  	v51 =	vand.u32 $0xFFFFFF80, v42;
	v36 =	vor.u32 v28, v33;
	v28 =	vadd.s32 v11, v37;
	[tilespmem:s24+$0x16A30] =	vst v27;
	v26 =	vld.idx.msk [tilespmem:v26+s6+$0x0], $0xffff  }
0x3f2: {  	v29 =	vand.u32 $0x7F, v39;
	v24 =	vor.u32 v38, v28;
	v27 =	vadd.s32 v10, v41;
	v25 =	vld.idx.msk [tilespmem:v25+s6+$0x0], $0xffff  }
0x3f3: {  	v42 =	vadd.s32 $0xB, v6;
	v31 =	vand.u32 $0x7F, v35;
	v27 =	vor.u32 v29, v27  }
0x3f4: {  	v44 =	vadd.s32 v4, v40;
	v35 =	vadd.s32 $0x15, v5;
	v50 =	vadd.s32 $0xB, v8;
	[tilespmem:s24+$0x16A80] =	vst v19  }
0x3f5: {  	v60 =	vadd.s32 v4, v51;
	v51 =	vand.u32 $0xFFFFFF80, v50;
	v43 =	vand.u32 $0xFFFFFF80, v42;
	v45 =	vld.idx.msk [tilespmem:v16+s6+$0x0], $0xffff;
	[tilespmem:s24+$0x16A90] =	vst v22  }
0x3f6: {  	v49 =	vand.u32 $0xFFFFFF80, v47;
	v28 =	vand.u32 $0x7F, v42;
	v29 =	vadd.s32 v9, v43;
	v23 =	vld.idx.msk [tilespmem:v36+s6+$0x0], $0xffff;
	[tilespmem:s24+$0x16AA0] =	vst v26  }
0x3f7: {  	v46 =	vor.u32 v28, v29;
	v22 =	vand.u32 $0x7F, v47;
	v26 =	vadd.s32 v11, v49;
	[tilespmem:s24+$0x16AB0] =	vst v25;
	v24 =	vld.idx.msk [tilespmem:v24+s6+$0x0], $0xffff  }
0x3f8: {  	v53 =	vand.u32 $0x7F, v50;
	v25 =	vadd.s32 v10, v51;
	v22 =	vor.u32 v22, v26;
	v52 =	vld.idx.msk [tilespmem:v27+s6+$0x0], $0xffff  }
0x3f9: {  	v40 =	vadd.s32 $0xD, v8;
	v21 =	vor.u32 v56, v60;
	v25 =	vor.u32 v53, v25  }
0x3fa: {  	v56 =	vadd.s32 $0xC, v7;
	v60 =	vadd.s32 $0xC, v8;
	v48 =	vadd.s32 $0xC, v6;
	[tilespmem:s24+$0x16B00] =	vst v45  }
0x3fb: {  	v59 =	vand.u32 $0x7F, v56;
	v55 =	vand.u32 $0xFFFFFF80, v48;
	v61 =	vand.u32 $0xFFFFFF80, v60;
	v14 =	vld.idx.msk [tilespmem:v14+s6+$0x0], $0xffff;
	[tilespmem:s24+$0x16B10] =	vst v23  }
0x3fc: {  	v58 =	vand.u32 $0xFFFFFF80, v56;
	v28 =	vand.u32 $0x7F, v48;
	v27 =	vadd.s32 v9, v55;
	v19 =	vld.idx.msk [tilespmem:v46+s6+$0x0], $0xffff;
	[tilespmem:s24+$0x16B20] =	vst v24  }
0x3fd: {  	v57 =	vand.u32 $0xFFFFFF80, v54;
	v27 =	vor.u32 v28, v27;
	v28 =	vadd.s32 v11, v58;
	[tilespmem:s24+$0x16B30] =	vst v52;
	v22 =	vld.idx.msk [tilespmem:v22+s6+$0x0], $0xffff  }
0x3fe: {  	v30 =	vand.u32 $0x7F, v60;
	v26 =	vadd.s32 v10, v61;
	v24 =	vor.u32 v59, v28;
	v25 =	vld.idx.msk [tilespmem:v25+s6+$0x0], $0xffff  }
0x3ff: {  	v60 =	vadd.s32 $0x16, v5;
	v62 =	vadd.s32 $0xD, v6;
	v26 =	vor.u32 v30, v26  }
0x400: {  	v63 =	vand.u32 $0xFFFFFF80, v62;
	v33 =	vand.u32 $0x7F, v62;
	v37 =	vadd.s32 $0xD, v7;
	[tilespmem:s24+$0x16B80] =	vst v14  }
0x401: {  	v34 =	vadd.s32 v9, v63;
	v39 =	vand.u32 $0xFFFFFF80, v37;
	v41 =	vand.u32 $0xFFFFFF80, v40;
	v12 =	vld.idx.msk [tilespmem:v12+s6+$0x0], $0xffff;
	[tilespmem:s24+$0x16B90] =	vst v19  }
0x402: {  	v29 =	vand.u32 $0x7F, v54;
	v36 =	vor.u32 v33, v34;
	v23 =	vadd.s32 v4, v57;
	v27 =	vld.idx.msk [tilespmem:v27+s6+$0x0], $0xffff;
	[tilespmem:s24+$0x16BA0] =	vst v22  }
0x403: {  	v14 =	vor.u32 v29, v23;
	v23 =	vand.u32 $0x7F, v37;
	v22 =	vadd.s32 v11, v39;
	[tilespmem:s24+$0x16BB0] =	vst v25;
	v24 =	vld.idx.msk [tilespmem:v24+s6+$0x0], $0xffff  }
0x404: {  	v43 =	vand.u32 $0x7F, v40;
	v25 =	vadd.s32 v10, v41;
	v22 =	vor.u32 v23, v22;
	v42 =	vld.idx.msk [tilespmem:v26+s6+$0x0], $0xffff  }
0x405: {  	v16 =	vor.u32 v31, v44;
	v38 =	vadd.s32 $0xE, v6;
	v25 =	vor.u32 v43, v25  }
0x406: {  	v44 =	vand.u32 $0xFFFFFF80, v35;
	v45 =	vand.u32 $0xFFFFFF80, v38;
	v47 =	vadd.s32 $0xE, v7;
	[tilespmem:s24+$0x16C00] =	vst v12  }
0x407: {  	v48 =	vand.u32 $0x7F, v35;
	v50 =	vand.u32 $0x7F, v47;
	v49 =	vand.u32 $0xFFFFFF80, v47;
	v13 =	vld.idx.msk [tilespmem:v13+s6+$0x0], $0xffff;
	[tilespmem:s24+$0x16C10] =	vst v27  }
0x408: {  	v51 =	vadd.s32 $0xE, v8;
	v46 =	vand.u32 $0x7F, v38;
	v26 =	vadd.s32 v9, v45;
	v19 =	vld.idx.msk [tilespmem:v36+s6+$0x0], $0xffff;
	[tilespmem:s24+$0x16C20] =	vst v24  }
0x409: {  	v53 =	vand.u32 $0xFFFFFF80, v51;
	v12 =	vadd.s32 v11, v49;
	v26 =	vor.u32 v46, v26;
	[tilespmem:s24+$0x16C30] =	vst v42;
	v22 =	vld.idx.msk [tilespmem:v22+s6+$0x0], $0xffff  }
0x40a: {  	v55 =	vadd.s32 v10, v53;
	v28 =	vand.u32 $0x7F, v51;
	v24 =	vor.u32 v50, v12;
	v25 =	vld.idx.msk [tilespmem:v25+s6+$0x0], $0xffff  }
0x40b: {  	v54 =	vadd.s32 $0xF, v6;
	v33 =	vadd.s32 $0xF, v8;
	v28 =	vor.u32 v28, v55  }
0x40c: {  	v56 =	vand.u32 $0xFFFFFF80, v54;
	v34 =	vand.u32 $0xFFFFFF80, v60;
	v35 =	vand.u32 $0xFFFFFF80, v33;
	[tilespmem:s24+$0x16C80] =	vst v13  }
0x40d: {  	v58 =	vadd.s32 v9, v56;
	v57 =	vand.u32 $0x7F, v54;
	v59 =	vadd.s32 $0xF, v7;
	v15 =	vld.idx.msk [tilespmem:v15+s6+$0x0], $0xffff;
	[tilespmem:s24+$0x16C90] =	vst v19  }
0x40e: {  	v53 =	vadd.s32 $0x11, v7;
	v61 =	vor.u32 v57, v58;
	v62 =	vand.u32 $0xFFFFFF80, v59;
	v63 =	vld.idx.msk [tilespmem:v26+s6+$0x0], $0xffff;
	[tilespmem:s24+$0x16CA0] =	vst v22  }
0x40f: {  	v29 =	vand.u32 $0x7F, v60;
	v32 =	vand.u32 $0x7F, v59;
	v13 =	vadd.s32 v11, v62;
	[tilespmem:s24+$0x16CB0] =	vst v25;
	v24 =	vld.idx.msk [tilespmem:v24+s6+$0x0], $0xffff  }
0x410: {  	v26 =	vand.u32 $0x7F, v33;
	v22 =	vor.u32 v32, v13;
	v13 =	vadd.s32 v10, v35;
	v28 =	vld.idx.msk [tilespmem:v28+s6+$0x0], $0xffff  }
0x411: {  	v38 =	vadd.s32 v4, v34;
	v52 =	vadd.s32 v4, v44;
	v26 =	vor.u32 v26, v13  }
0x412: {  	v44 =	vadd.s32 $0x10, v8;
	v41 =	vadd.s32 $0x10, v7;
	v36 =	vadd.s32 $0x10, v6;
	[tilespmem:s24+$0x16D00] =	vst v15  }
0x413: {  	v47 =	vand.u32 $0x7F, v44;
	v43 =	vand.u32 $0xFFFFFF80, v41;
	v37 =	vand.u32 $0xFFFFFF80, v36;
	v17 =	vld.idx.msk [tilespmem:v17+s6+$0x0], $0xffff;
	[tilespmem:s24+$0x16D10] =	vst v63  }
0x414: {  	v23 =	vand.u32 $0x7F, v41;
	v39 =	vadd.s32 v9, v37;
	v25 =	vand.u32 $0x7F, v36;
	v19 =	vld.idx.msk [tilespmem:v61+s6+$0x0], $0xffff;
	[tilespmem:s24+$0x16D20] =	vst v24  }
0x415: {  	v45 =	vand.u32 $0xFFFFFF80, v44;
	v40 =	vor.u32 v25, v39;
	v24 =	vadd.s32 v11, v43;
	[tilespmem:s24+$0x16D30] =	vst v28;
	v22 =	vld.idx.msk [tilespmem:v22+s6+$0x0], $0xffff  }
0x416: {  	v12 =	vor.u32 v48, v52;
	v48 =	vadd.s32 v10, v45;
	v23 =	vor.u32 v23, v24;
	v46 =	vld.idx.msk [tilespmem:v26+s6+$0x0], $0xffff  }
0x417: {  	v57 =	vand.u32 $0x7F, v53;
	v49 =	vadd.s32 $0x17, v5;
	v26 =	vor.u32 v47, v48  }
0x418: {  	v34 =	vadd.s32 $0x12, v7;
	v54 =	vand.u32 $0xFFFFFF80, v49;
	v42 =	vadd.s32 $0x11, v6;
	[tilespmem:s24+$0x16D80] =	vst v17  }
0x419: {  	v60 =	vand.u32 $0x7F, v49;
	v55 =	vand.u32 $0xFFFFFF80, v53;
	v50 =	vand.u32 $0xFFFFFF80, v42;
	v18 =	vld.idx.msk [tilespmem:v18+s6+$0x0], $0xffff;
	[tilespmem:s24+$0x16D90] =	vst v19  }
0x41a: {  	v59 =	vadd.s32 $0x11, v8;
	v51 =	vand.u32 $0x7F, v42;
	v52 =	vadd.s32 v9, v50;
	v56 =	vld.idx.msk [tilespmem:v40+s6+$0x0], $0xffff;
	[tilespmem:s24+$0x16DA0] =	vst v22  }
0x41b: {  	v58 =	vadd.s32 v11, v55;
	v17 =	vor.u32 v51, v52;
	v61 =	vand.u32 $0xFFFFFF80, v59;
	[tilespmem:s24+$0x16DB0] =	vst v46;
	v23 =	vld.idx.msk [tilespmem:v23+s6+$0x0], $0xffff  }
0x41c: {  	v25 =	vand.u32 $0x7F, v59;
	v15 =	vadd.s32 v10, v61;
	v22 =	vor.u32 v57, v58;
	v26 =	vld.idx.msk [tilespmem:v26+s6+$0x0], $0xffff  }
0x41d: {  	v55 =	vadd.s32 $0x14, v7;
	v62 =	vadd.s32 $0x12, v6;
	v25 =	vor.u32 v25, v15  }
0x41e: {  	v31 =	vand.u32 $0x7F, v62;
	v37 =	vadd.s32 $0x12, v8;
	v63 =	vand.u32 $0xFFFFFF80, v62;
	[tilespmem:s24+$0x16E00] =	vst v18  }
0x41f: {  	v36 =	vand.u32 $0xFFFFFF80, v34;
	v13 =	vor.u32 v29, v38;
	v32 =	vadd.s32 v9, v63;
	v20 =	vld.idx.msk [tilespmem:v20+s6+$0x0], $0xffff;
	[tilespmem:s24+$0x16E10] =	vst v56  }
0x420: {  	v38 =	vand.u32 $0xFFFFFF80, v37;
	v18 =	vor.u32 v31, v32;
	v19 =	vadd.s32 v4, v54;
	v17 =	vld.idx.msk [tilespmem:v17+s6+$0x0], $0xffff;
	[tilespmem:s24+$0x16E20] =	vst v23  }
0x421: {  	v15 =	vor.u32 v60, v19;
	v19 =	vand.u32 $0x7F, v34;
	v23 =	vadd.s32 v11, v36;
	[tilespmem:s24+$0x16E30] =	vst v26;
	v22 =	vld.idx.msk [tilespmem:v22+s6+$0x0], $0xffff  }
0x422: {  	v40 =	vand.u32 $0x7F, v37;
	v26 =	vadd.s32 v10, v38;
	v19 =	vor.u32 v19, v23;
	v39 =	vld.idx.msk [tilespmem:v25+s6+$0x0], $0xffff  }
0x423: {  	v44 =	vadd.s32 $0x13, v7;
	v33 =	vadd.s32 $0x18, v5;
	v25 =	vor.u32 v40, v26  }
0x424: {  	v41 =	vand.u32 $0xFFFFFF80, v33;
	v45 =	vand.u32 $0x7F, v33;
	v35 =	vadd.s32 $0x13, v6;
	[tilespmem:s24+$0x16E80] =	vst v20  }
0x425: {  	v42 =	vand.u32 $0xFFFFFF80, v35;
	v43 =	vand.u32 $0x7F, v35;
	v47 =	vand.u32 $0x7F, v44;
	v21 =	vld.idx.msk [tilespmem:v21+s6+$0x0], $0xffff;
	[tilespmem:s24+$0x16E90] =	vst v17  }
0x426: {  	v48 =	vadd.s32 $0x13, v8;
	v46 =	vand.u32 $0xFFFFFF80, v44;
	v26 =	vadd.s32 v9, v42;
	v18 =	vld.idx.msk [tilespmem:v18+s6+$0x0], $0xffff;
	[tilespmem:s24+$0x16EA0] =	vst v22  }
0x427: {  	v50 =	vand.u32 $0xFFFFFF80, v48;
	v24 =	vadd.s32 v11, v46;
	v20 =	vor.u32 v43, v26;
	[tilespmem:s24+$0x16EB0] =	vst v39;
	v19 =	vld.idx.msk [tilespmem:v19+s6+$0x0], $0xffff  }
0x428: {  	v23 =	vadd.s32 v10, v50;
	v26 =	vand.u32 $0x7F, v48;
	v22 =	vor.u32 v47, v24;
	v25 =	vld.idx.msk [tilespmem:v25+s6+$0x0], $0xffff  }
0x429: {  	v51 =	vadd.s32 $0x14, v6;
	v49 =	vadd.s32 v4, v41;
	v23 =	vor.u32 v26, v23  }
0x42a: {  	v52 =	vand.u32 $0xFFFFFF80, v51;
	v53 =	vand.u32 $0x7F, v51;
	v63 =	vadd.s32 $0x15, v6;
	[tilespmem:s24+$0x16F00] =	vst v21  }
0x42b: {  	v59 =	vand.u32 $0x7F, v55;
	v30 =	vand.u32 $0xFFFFFF80, v63;
	v35 =	vadd.s32 $0x16, v6;
	v16 =	vld.idx.msk [tilespmem:v16+s6+$0x0], $0xffff;
	[tilespmem:s24+$0x16F10] =	vst v18  }
0x42c: {  	v54 =	vadd.s32 v9, v52;
	v60 =	vadd.s32 $0x14, v8;
	v58 =	vand.u32 $0xFFFFFF80, v55;
	v20 =	vld.idx.msk [tilespmem:v20+s6+$0x0], $0xffff;
	[tilespmem:s24+$0x16F20] =	vst v19  }
0x42d: {  	v62 =	vand.u32 $0xFFFFFF80, v60;
	v57 =	vor.u32 v53, v54;
	v21 =	vadd.s32 v11, v58;
	[tilespmem:s24+$0x16F30] =	vst v25;
	v22 =	vld.idx.msk [tilespmem:v22+s6+$0x0], $0xffff  }
0x42e: {  	v24 =	vand.u32 $0x7F, v60;
	v19 =	vor.u32 v59, v21;
	v21 =	vadd.s32 v10, v62;
	v23 =	vld.idx.msk [tilespmem:v23+s6+$0x0], $0xffff  }
0x42f: {  	v28 =	vadd.s32 $0x18, v7;
	v41 =	vand.u32 $0xFFFFFF80, v35;
	v21 =	vor.u32 v24, v21  }
0x430: {  	v52 =	vadd.s32 $0x1B, v5;
	v34 =	vadd.s32 $0x15, v7;
	v37 =	vadd.s32 $0x15, v8;
	[tilespmem:s24+$0x16F80] =	vst v16  }
0x431: {  	v29 =	vand.u32 $0x7F, v52;
	v54 =	vadd.s32 $0x17, v7;
	v36 =	vand.u32 $0xFFFFFF80, v34;
	v32 =	vld.idx.msk [tilespmem:v14+s6+$0x0], $0xffff;
	[tilespmem:s24+$0x16F90] =	vst v20  }
0x432: {  	v38 =	vand.u32 $0xFFFFFF80, v37;
	v25 =	vand.u32 $0x7F, v63;
	v24 =	vadd.s32 v9, v30;
	v18 =	vld.idx.msk [tilespmem:v57+s6+$0x0], $0xffff;
	[tilespmem:s24+$0x16FA0] =	vst v22  }
0x433: {  	v33 =	vor.u32 v25, v24;
	v20 =	vand.u32 $0x7F, v34;
	v22 =	vadd.s32 v11, v36;
	[tilespmem:s24+$0x16FB0] =	vst v23;
	v19 =	vld.idx.msk [tilespmem:v19+s6+$0x0], $0xffff  }
0x434: {  	v39 =	vand.u32 $0x7F, v37;
	v23 =	vadd.s32 v10, v38;
	v20 =	vor.u32 v20, v22;
	v21 =	vld.idx.msk [tilespmem:v21+s6+$0x0], $0xffff  }
0x435: {  	v46 =	vadd.s32 $0x16, v8;
	v56 =	vadd.s32 $0x19, v5;
	v22 =	vor.u32 v39, v23  }
0x436: {  	v61 =	vand.u32 $0xFFFFFF80, v56;
	v27 =	vand.u32 $0x7F, v56;
	v42 =	vadd.s32 $0x16, v7;
	[tilespmem:s24+$0x17000] =	vst v32  }
0x437: {  	v44 =	vand.u32 $0xFFFFFF80, v42;
	v48 =	vadd.s32 $0x17, v6;
	v17 =	vor.u32 v45, v49;
	v12 =	vld.idx.msk [tilespmem:v12+s6+$0x0], $0xffff;
	[tilespmem:s24+$0x17010] =	vst v18  }
0x438: {  	v45 =	vand.u32 $0x7F, v42;
	v24 =	vand.u32 $0x7F, v35;
	v23 =	vadd.s32 v9, v41;
	v16 =	vld.idx.msk [tilespmem:v33+s6+$0x0], $0xffff;
	[tilespmem:s24+$0x17020] =	vst v19  }
0x439: {  	v47 =	vand.u32 $0xFFFFFF80, v46;
	v23 =	vor.u32 v24, v23;
	v24 =	vadd.s32 v11, v44;
	[tilespmem:s24+$0x17030] =	vst v21;
	v20 =	vld.idx.msk [tilespmem:v20+s6+$0x0], $0xffff  }
0x43a: {  	v26 =	vand.u32 $0x7F, v46;
	v19 =	vor.u32 v45, v24;
	v21 =	vadd.s32 v10, v47;
	v22 =	vld.idx.msk [tilespmem:v22+s6+$0x0], $0xffff  }
0x43b: {  	v56 =	vand.u32 $0xFFFFFF80, v54;
	v49 =	vand.u32 $0xFFFFFF80, v48;
	v21 =	vor.u32 v26, v21  }
0x43c: {  	v40 =	vadd.s32 $0x1A, v5;
	v50 =	vand.u32 $0x7F, v48;
	v51 =	vadd.s32 v9, v49;
	[tilespmem:s24+$0x17080] =	vst v12  }
0x43d: {  	v43 =	vand.u32 $0xFFFFFF80, v40;
	v53 =	vor.u32 v50, v51;
	v57 =	vadd.s32 $0x17, v8;
	v13 =	vld.idx.msk [tilespmem:v13+s6+$0x0], $0xffff;
	[tilespmem:s24+$0x17090] =	vst v16  }
0x43e: {  	v25 =	vand.u32 $0x7F, v40;
	v58 =	vand.u32 $0xFFFFFF80, v57;
	v18 =	vadd.s32 v4, v43;
	v23 =	vld.idx.msk [tilespmem:v23+s6+$0x0], $0xffff;
	[tilespmem:s24+$0x170A0] =	vst v20  }
0x43f: {  	v12 =	vor.u32 v25, v18;
	v18 =	vand.u32 $0x7F, v54;
	v20 =	vadd.s32 v11, v56;
	[tilespmem:s24+$0x170B0] =	vst v22;
	v19 =	vld.idx.msk [tilespmem:v19+s6+$0x0], $0xffff  }
0x440: {  	v60 =	vand.u32 $0x7F, v57;
	v22 =	vadd.s32 v10, v58;
	v18 =	vor.u32 v18, v20;
	v59 =	vld.idx.msk [tilespmem:v21+s6+$0x0], $0xffff  }
0x441: {  	v55 =	vadd.s32 $0x18, v6;
	v31 =	vadd.s32 v4, v61;
	v21 =	vor.u32 v60, v22  }
0x442: {  	v61 =	vand.u32 $0xFFFFFF80, v52;
	v50 =	vadd.s32 $0x1A, v7;
	v14 =	vor.u32 v27, v31;
	[tilespmem:s24+$0x17100] =	vst v13  }
0x443: {  	v31 =	vand.u32 $0x7F, v28;
	v32 =	vadd.s32 $0x18, v8;
	v62 =	vand.u32 $0xFFFFFF80, v55;
	v15 =	vld.idx.msk [tilespmem:v15+s6+$0x0], $0xffff;
	[tilespmem:s24+$0x17110] =	vst v23  }
0x444: {  	v63 =	vand.u32 $0x7F, v55;
	v30 =	vand.u32 $0xFFFFFF80, v28;
	v22 =	vadd.s32 v9, v62;
	v16 =	vld.idx.msk [tilespmem:v53+s6+$0x0], $0xffff;
	[tilespmem:s24+$0x17120] =	vst v19  }
0x445: {  	v34 =	vand.u32 $0xFFFFFF80, v32;
	v13 =	vor.u32 v63, v22;
	v22 =	vadd.s32 v11, v30;
	[tilespmem:s24+$0x17130] =	vst v59;
	v18 =	vld.idx.msk [tilespmem:v18+s6+$0x0], $0xffff  }
0x446: {  	v24 =	vand.u32 $0x7F, v32;
	v20 =	vadd.s32 v10, v34;
	v19 =	vor.u32 v31, v22;
	v21 =	vld.idx.msk [tilespmem:v21+s6+$0x0], $0xffff  }
0x447: {  	v51 =	vadd.s32 $0x1B, v6;
	v35 =	vadd.s32 $0x19, v6;
	v20 =	vor.u32 v24, v20  }
0x448: {  	v46 =	vadd.s32 $0x1A, v6;
	v52 =	vand.u32 $0xFFFFFF80, v50;
	v36 =	vand.u32 $0xFFFFFF80, v35;
	[tilespmem:s24+$0x17180] =	vst v15  }
0x449: {  	v37 =	vand.u32 $0x7F, v35;
	v38 =	vadd.s32 v9, v36;
	v39 =	vadd.s32 $0x19, v7;
	v17 =	vld.idx.msk [tilespmem:v17+s6+$0x0], $0xffff;
	[tilespmem:s24+$0x17190] =	vst v16  }
0x44a: {  	v41 =	vand.u32 $0xFFFFFF80, v39;
	v42 =	vand.u32 $0x7F, v39;
	v43 =	vadd.s32 $0x19, v8;
	v13 =	vld.idx.msk [tilespmem:v13+s6+$0x0], $0xffff;
	[tilespmem:s24+$0x171A0] =	vst v18  }
0x44b: {  	v45 =	vand.u32 $0xFFFFFF80, v43;
	v15 =	vor.u32 v37, v38;
	v16 =	vadd.s32 v11, v41;
	[tilespmem:s24+$0x171B0] =	vst v21;
	v19 =	vld.idx.msk [tilespmem:v19+s6+$0x0], $0xffff  }
0x44c: {  	v22 =	vand.u32 $0x7F, v43;
	v16 =	vor.u32 v42, v16;
	v18 =	vadd.s32 v10, v45;
	v20 =	vld.idx.msk [tilespmem:v20+s6+$0x0], $0xffff  }
0x44d: {  	v28 =	vadd.s32 $0x1C, v6;
	v40 =	vadd.s32 $0x1C, v5;
	v18 =	vor.u32 v22, v18  }
0x44e: {  	v57 =	vand.u32 $0xFFFFFF80, v51;
	v35 =	vadd.s32 $0x1C, v8;
	v36 =	vadd.s32 $0x1E, v5;
	[tilespmem:s24+$0x17200] =	vst v17  }
0x44f: {  	v44 =	vand.u32 $0xFFFFFF80, v40;
	v47 =	vand.u32 $0xFFFFFF80, v46;
	v53 =	vadd.s32 $0x1A, v8;
	v14 =	vld.idx.msk [tilespmem:v14+s6+$0x0], $0xffff;
	[tilespmem:s24+$0x17210] =	vst v13  }
0x450: {  	v54 =	vand.u32 $0xFFFFFF80, v53;
	v21 =	vand.u32 $0x7F, v46;
	v22 =	vadd.s32 v9, v47;
	v15 =	vld.idx.msk [tilespmem:v15+s6+$0x0], $0xffff;
	[tilespmem:s24+$0x17220] =	vst v19  }
0x451: {  	v49 =	vor.u32 v21, v22;
	v21 =	vand.u32 $0x7F, v50;
	v19 =	vadd.s32 v11, v52;
	[tilespmem:s24+$0x17230] =	vst v20;
	v16 =	vld.idx.msk [tilespmem:v16+s6+$0x0], $0xffff  }
0x452: {  	v55 =	vand.u32 $0x7F, v53;
	v20 =	vadd.s32 v10, v54;
	v19 =	vor.u32 v21, v19;
	v18 =	vld.idx.msk [tilespmem:v18+s6+$0x0], $0xffff  }
0x453: {  	v39 =	vadd.s32 $0x1D, v6;
	v48 =	vadd.s32 v4, v44;
	v20 =	vor.u32 v55, v20  }
0x454: {  	v33 =	vadd.s32 v4, v61;
	v25 =	vand.u32 $0x7F, v40;
	v58 =	vand.u32 $0x7F, v51;
	[tilespmem:s24+$0x17280] =	vst v14  }
0x455: {  	v63 =	vadd.s32 $0x1B, v8;
	v23 =	vor.u32 v29, v33;
	v59 =	vadd.s32 $0x1B, v7;
	v12 =	vld.idx.msk [tilespmem:v12+s6+$0x0], $0xffff;
	[tilespmem:s24+$0x17290] =	vst v15  }
0x456: {  	v27 =	vand.u32 $0xFFFFFF80, v63;
	v61 =	vand.u32 $0xFFFFFF80, v59;
	v21 =	vadd.s32 v9, v57;
	v13 =	vld.idx.msk [tilespmem:v49+s6+$0x0], $0xffff;
	[tilespmem:s24+$0x172A0] =	vst v16  }
0x457: {  	v62 =	vand.u32 $0x7F, v59;
	v14 =	vor.u32 v58, v21;
	v21 =	vadd.s32 v11, v61;
	[tilespmem:s24+$0x172B0] =	vst v18;
	v19 =	vld.idx.msk [tilespmem:v19+s6+$0x0], $0xffff  }
0x458: {  	v22 =	vand.u32 $0x7F, v63;
	v16 =	vor.u32 v62, v21;
	v18 =	vadd.s32 v10, v27;
	v20 =	vld.idx.msk [tilespmem:v20+s6+$0x0], $0xffff  }
0x459: {  	v40 =	vand.u32 $0xFFFFFF80, v39;
	v32 =	vadd.s32 $0x1C, v7;
	v18 =	vor.u32 v22, v18  }
0x45a: {  	v37 =	vand.u32 $0xFFFFFF80, v35;
	v38 =	vand.u32 $0xFFFFFF80, v36;
	v56 =	vadd.s32 $0x1D, v5;
	[tilespmem:s24+$0x17300] =	vst v12  }
0x45b: {  	v5 =	vadd.s32 $0x1F, v5;
	v30 =	vand.u32 $0x7F, v28;
	v29 =	vand.u32 $0xFFFFFF80, v28;
	v23 =	vld.idx.msk [tilespmem:v23+s6+$0x0], $0xffff;
	[tilespmem:s24+$0x17310] =	vst v13  }
0x45c: {  	v33 =	vand.u32 $0xFFFFFF80, v32;
	v17 =	vor.u32 v25, v48;
	v31 =	vadd.s32 v9, v29;
	v14 =	vld.idx.msk [tilespmem:v14+s6+$0x0], $0xffff;
	[tilespmem:s24+$0x17320] =	vst v19  }
0x45d: {  	v34 =	vand.u32 $0x7F, v32;
	v12 =	vor.u32 v30, v31;
	v13 =	vadd.s32 v11, v33;
	[tilespmem:s24+$0x17330] =	vst v20;
	v16 =	vld.idx.msk [tilespmem:v16+s6+$0x0], $0xffff  }
0x45e: {  	v21 =	vand.u32 $0x7F, v35;
	v13 =	vor.u32 v34, v13;
	v19 =	vadd.s32 v10, v37;
	v18 =	vld.idx.msk [tilespmem:v18+s6+$0x0], $0xffff  }
0x45f: {  	v60 =	vand.u32 $0xFFFFFF80, v56;
	v43 =	vadd.s32 $0x1D, v7;
	v19 =	vor.u32 v21, v19  }
0x460: {  	v24 =	vand.u32 $0x7F, v56;
	v48 =	vadd.s32 $0x1E, v6;
	v44 =	vand.u32 $0xFFFFFF80, v43;
	[tilespmem:s24+$0x17380] =	vst v23  }
0x461: {  	v41 =	vand.u32 $0x7F, v39;
	v45 =	vadd.s32 $0x1D, v8;
	v15 =	vadd.s32 v4, v60;
	v17 =	vld.idx.msk [tilespmem:v17+s6+$0x0], $0xffff;
	[tilespmem:s24+$0x17390] =	vst v14  }
0x462: {  	v42 =	vadd.s32 v9, v40;
	v46 =	vand.u32 $0xFFFFFF80, v45;
	v15 =	vor.u32 v24, v15;
	v12 =	vld.idx.msk [tilespmem:v12+s6+$0x0], $0xffff;
	[tilespmem:s24+$0x173A0] =	vst v16  }
0x463: {  	v23 =	vand.u32 $0x7F, v43;
	v14 =	vor.u32 v41, v42;
	v16 =	vadd.s32 v11, v44;
	[tilespmem:s24+$0x173B0] =	vst v18;
	v13 =	vld.idx.msk [tilespmem:v13+s6+$0x0], $0xffff  }
0x464: {  	v21 =	vand.u32 $0x7F, v45;
	v18 =	vadd.s32 v10, v46;
	v16 =	vor.u32 v23, v16;
	v19 =	vld.idx.msk [tilespmem:v19+s6+$0x0], $0xffff  }
0x465: {  	v6 =	vadd.s32 $0x1F, v6;
	v51 =	vand.u32 $0x7F, v48;
	v18 =	vor.u32 v21, v18  }
0x466: {  	v50 =	vand.u32 $0xFFFFFF80, v48;
	v52 =	vadd.s32 $0x1E, v7;
	v54 =	vadd.s32 $0x1E, v8;
	[tilespmem:s24+$0x17400] =	vst v17  }
0x467: {  	v53 =	vand.u32 $0xFFFFFF80, v52;
	v22 =	vand.u32 $0x7F, v36;
	v20 =	vadd.s32 v4, v38;
	v15 =	vld.idx.msk [tilespmem:v15+s6+$0x0], $0xffff;
	[tilespmem:s24+$0x17410] =	vst v12  }
0x468: {  	v55 =	vand.u32 $0xFFFFFF80, v54;
	v49 =	vor.u32 v22, v20;
	v20 =	vadd.s32 v9, v50;
	v14 =	vld.idx.msk [tilespmem:v14+s6+$0x0], $0xffff;
	[tilespmem:s24+$0x17420] =	vst v13  }
0x469: {  	v21 =	vand.u32 $0x7F, v52;
	v12 =	vor.u32 v51, v20;
	v13 =	vadd.s32 v11, v53;
	[tilespmem:s24+$0x17430] =	vst v19;
	v16 =	vld.idx.msk [tilespmem:v16+s6+$0x0], $0xffff  }
0x46a: {  	v20 =	vand.u32 $0x7F, v54;
	v19 =	vadd.s32 v10, v55;
	v13 =	vor.u32 v21, v13;
	v18 =	vld.idx.msk [tilespmem:v18+s6+$0x0], $0xffff  }
0x46b: {  	v47 =	vand.u32 $0xFFFFFF80, v5;
	v5 =	vand.u32 $0x7F, v5;
	v19 =	vor.u32 v20, v19  }
0x46c: {  	v7 =	vadd.s32 $0x1F, v7;
	v8 =	vadd.s32 $0x1F, v8;
	v4 =	vadd.s32 v4, v47;
	[tilespmem:s24+$0x17480] =	vst v15  }
0x46d: {  	v58 =	vand.u32 $0xFFFFFF80, v7;
	v4 =	vor.u32 v5, v4;
	v5 =	vand.u32 $0xFFFFFF80, v6;
	v56 =	vld.idx.msk [tilespmem:v49+s6+$0x0], $0xffff;
	[tilespmem:s24+$0x17490] =	vst v14  }
0x46e: {  	v7 =	vand.u32 $0x7F, v7;
	v6 =	vand.u32 $0x7F, v6;
	v5 =	vadd.s32 v9, v5;
	v57 =	vld.idx.msk [tilespmem:v12+s6+$0x0], $0xffff;
	[tilespmem:s24+$0x174A0] =	vst v16  }
0x46f: {  	v60 =	vand.u32 $0xFFFFFF80, v8;
	v5 =	vor.u32 v6, v5;
	v11 =	vadd.s32 v11, v58;
	[tilespmem:s24+$0x174B0] =	vst v18;
	v59 =	vld.idx.msk [tilespmem:v13+s6+$0x0], $0xffff  }
0x470: {  	v8 =	vand.u32 $0x7F, v8;
	v10 =	vadd.s32 v10, v60;
	v7 =	vor.u32 v7, v11;
	v61 =	vld.idx.msk [tilespmem:v19+s6+$0x0], $0xffff  }
0x471: {  	v8 =	vor.u32 v8, v10  }
0x472: {  	[tilespmem:s24+$0x17500] =	vst v56  }
0x473: {  	v4 =	vld.idx.msk [tilespmem:v4+s6+$0x0], $0xffff;
	[tilespmem:s24+$0x17510] =	vst v57  }
0x474: {  	v5 =	vld.idx.msk [tilespmem:v5+s6+$0x0], $0xffff;
	[tilespmem:s24+$0x17520] =	vst v59  }
0x475: {  	[tilespmem:s24+$0x17530] =	vst v61;
	v62 =	vld.idx.msk [tilespmem:v7+s6+$0x0], $0xffff  }
0x476: {  	p2 =	por p1, p1;
	v63 =	vld.idx.msk [tilespmem:v8+s6+$0x0], $0xffff  }
.Ltmp5:
0x477: {  	_ = 	snop;
	(pc) =	sbr.rel @p2 .LBB2_13-.Ltmp5, $4  }
0x478: {  	[tilespmem:s24+$0x17580] =	vst v4  }
0x479: {  	[tilespmem:s24+$0x17590] =	vst v5  }
0x47a: {  	[tilespmem:s24+$0x175A0] =	vst v62  }
0x47b: {  	p1 =	por $0x0, $0x0;
	[tilespmem:s24+$0x175B0] =	vst v63;
	s24 =	simm.s32 $0x40  }
0x47c: {  	s20 =	sadd.s32 $0x1, s20  }
0x47d: {  	p1 =	sne.s32 s20, $0x34  }
.Ltmp6:
0x47e: {  	_ = 	snop;
	(pc) =	sbr.rel @p1 .LBB2_10-.Ltmp6, $4  }
0x47f: {  	s0 =	sshll.u32 s23, $0x10  }
0x480: {  	s0 =	sadd.s32 s0, s4  }
0x481: {  	s0 =	sadd.s32 s21, s0  }
0x482: {  	[hbm4b:s0+s7] =	stream.strided.scatter [tilespmem:s12], [sflag:$0x8], $0x1000, s16, s7, $0x38;
	[tilespmem:$0x17700] =	vst v63  }
0x483: {  	_ =	swait.ge [sflag:s15], $0x1000  }
0x484: {  	[sflag:s15] =	ssyncset.done $0x0  }
0x485: {  	[sflag:s15] =	ssyncadd.s32 $0xFFFFF000  }
0x486: {  	_ =	swait.ge [sflag:s19], $0x1000  }
0x487: {  	[sflag:s19] =	ssyncset.done $0x0  }
0x488: {  	[sflag:s19] =	ssyncadd.s32 $0xFFFFF000  }
0x489: {  	_ =	swait.ge [sflag:s14], $0x4000  }
0x48a: {  	s1 =	sld [smem:$0x7F1];
	_ =	sdelay $0x2  }
0x48b: {  	s0 =	rddreg [dreg:$0x1b];
	s1 =	sadd.s32 $0x1, s1  }
0x48c: {  	p1 =	sne.s32 s1, s0  }
.Ltmp7:
0x48d: {  	_ = 	snop;
	(pc) =	sbr.rel @p1 .LBB2_1-.Ltmp7, $3  }
0x48e: {  	_ =	sdelay $0x1  }
0x48f: {  	[sflag:s14] =	ssyncset.done $0x0  }
0x490: {  	[sflag:s14] =	ssyncadd.s32 $0xFFFFC000  }
0x491: {  	_ =	sfence.sel $0x180000  }
0x492: {  	[bflag:$0x0] =	sbarrier.arrive $0xFFFF  }
0x493: {  	_ =	strace $0x90000047  }
0x494: {  	[bflag:$0x2] =	sbarrier.arrive $0xFFFF  }
0x495: {  	s0 =	rddreg [dreg:$0x4]  }
0x496: {  	s0 =	sadd.s32 @!p0 $0x100000, s0  }
0x497: {  	[sflag:s0] =	ssyncadd.tile.s32 @!p0 $0x1;
	_ =	shalt  }
.Lfunc_end2:
_tile_overlayer_lowered:
.L_overlay_start_2:
0x498: {  	(tag) =	ssettag $0x2  }
0x499: {  	s0 =	rddreg [dreg:$0x0];
	s2 =	stileid.u32  }
0x49a: {  	s1 =	rddreg [dreg:$0x1];
	p0 =	sne.s32 s2, $0x0  }
0x49b: {  	s3 =	rddreg [dreg:$0x2];
	[bflag:$0x3] =	sbarrier.arrive $0xFFFF;
	s2 =	simm.s32 @!p0 $0x1C09  }
0x49c: {  	[timem:s3], [sflag:s2] =	dma.local @!p0 [hbm:s0], s1  }
0x49d: {  	s0 =	simm.s32 @!p0 $0x9  }
0x49e: {  	_ =	swait.ge @!p0 [sflag:s0], s1  }
0x49f: {  	s1 =	ssub.s32 @!p0 $0x0, s1;
	[sflag:s0] =	ssyncset.done @!p0 $0x0  }
0x4a0: {  	[sflag:s0] =	ssyncadd.s32 @!p0 s1  }
0x4a1: {  	[bflag:$0x3] =	sbarrier.arrive $0xFFFF  }
0x4a2: {  	_ =	shalt  }

</sc_bundles>
